<compile_context>
chip_gen: v7x
topology: tpu7x:2x2x1
jax: 0.10.2.dev20260603
libtpu: 0.0.44.dev20260713+nightly
codegen_flags: <defaults>
</compile_context>

<pallas_src>
import jax
import jax.numpy as jnp
from jax import lax
from jax.experimental import pallas as pl
from jax.experimental.pallas import tpu as pltpu
from jax.experimental.pallas import tpu_sc as plsc

N = 10000
E = 320000
D = 128
ED = 16
OUT = 128
BN_EPS = 1e-5

NC = 2
NS = 16
NW = NC * NS
EPT = E // NW
K = 80
U = 8
NCHUNK = EPT // K
RPT = 624
RREM = N - NS * RPT


def _sc_body(row_h, col_h, w_h, attr_h, x_h, zx_h, po_h, pe_h,
             acc, colv, colv2, rowv, wv, attrv, xg, xg2, pay, gsem, gsem2):
  c = lax.axis_index("c")
  s = lax.axis_index("s")
  r0 = s * RPT
  base = (c * NS + s) * EPT
  lane = lax.iota(jnp.int32, 16)

  def zero_acc():
    pltpu.sync_copy(zx_h.at[pl.ds(r0, RPT), :], acc.at[pl.ds(r0, RPT), :])

    @pl.when(s == 0)
    def _zrem():
      pltpu.sync_copy(zx_h.at[pl.ds(NS * RPT, RREM), :],
                      acc.at[pl.ds(NS * RPT, RREM), :])

  def drain_acc(out_h):
    pltpu.sync_copy(acc.at[pl.ds(r0, RPT), :], out_h.at[c, pl.ds(r0, RPT), :])

    @pl.when(s == 0)
    def _drem():
      pltpu.sync_copy(acc.at[pl.ds(NS * RPT, RREM), :],
                      out_h.at[c, pl.ds(NS * RPT, RREM), :])

  zero_acc()
  plsc.subcore_barrier()

  def prefetch(i, xgb, colb, sem):
    off = base + i * K
    pltpu.sync_copy(col_h.at[pl.ds(off, K)], colb)
    return pltpu.async_copy(x_h.at[colb], xgb, sem)

  def work_a(i, xgb):
    off = base + i * K
    pltpu.sync_copy(row_h.at[pl.ds(off, K)], rowv)
    pltpu.sync_copy(w_h.at[pl.ds(off, K)], wv)

    def group(g, cc):
      for u in range(U):
        e = g * U + u
        wspl = plsc.load_gather(wv, [jnp.full((16,), e, jnp.int32)])
        for j in range(8):
          xgb[e, pl.ds(j * 16, 16)] = xgb[e, pl.ds(j * 16, 16)] * wspl
      return cc

    lax.fori_loop(0, K // U, group, 0)
    pltpu.sync_copy(xgb, acc.at[rowv], add=True)

  def wait_gather(xgb, colb, sem):
    pltpu.make_async_copy(x_h.at[colb], xgb, sem).wait()

  prefetch(0, xg, colv, gsem)

  def chunk_pair(p, carry):
    i = 2 * p
    prefetch(i + 1, xg2, colv2, gsem2)
    wait_gather(xg, colv, gsem)
    work_a(i, xg)
    prefetch(i + 2, xg, colv, gsem)
    wait_gather(xg2, colv2, gsem2)
    work_a(i + 1, xg2)
    return carry

  lax.fori_loop(0, NCHUNK // 2, chunk_pair, 0)
  wait_gather(xg, colv, gsem)
  work_a(NCHUNK - 1, xg)
  plsc.subcore_barrier()
  drain_acc(po_h)
  plsc.subcore_barrier()

  zero_acc()
  z16 = jnp.zeros((16,), jnp.float32)

  def zpay(e, cc):
    for j in range(2, 8):
      pay[e, pl.ds(j * 16, 16)] = z16
    return cc

  lax.fori_loop(0, K, zpay, 0)
  plsc.subcore_barrier()

  def chunk_b(i, carry):
    off = base + i * K
    pltpu.sync_copy(row_h.at[pl.ds(off, K)], rowv)
    pltpu.sync_copy(w_h.at[pl.ds(off, K)], wv)
    pltpu.sync_copy(attr_h.at[pl.ds(off, K), :], attrv)

    def group(g, cc):
      for u in range(U):
        e = g * U + u
        wspl = plsc.load_gather(wv, [jnp.full((16,), e, jnp.int32)])
        pay[e, pl.ds(0, 16)] = attrv[e, :] * wspl
        pay[e, pl.ds(16, 16)] = jnp.where(lane == 0, wspl, 0.0)
      return cc

    lax.fori_loop(0, K // U, group, 0)
    pltpu.sync_copy(pay, acc.at[rowv], add=True)
    return carry

  lax.fori_loop(0, NCHUNK, chunk_b, 0)
  plsc.subcore_barrier()
  drain_acc(pe_h)


_sc_agg = pl.kernel(
    _sc_body,
    out_type=(
        jax.ShapeDtypeStruct((NC, N, D), jnp.float32),
        jax.ShapeDtypeStruct((NC, N, D), jnp.float32),
    ),
    mesh=plsc.VectorSubcoreMesh(core_axis_name="c", subcore_axis_name="s"),
    compiler_params=pltpu.CompilerParams(needs_layout_passes=False),
    scratch_types=[
        pltpu.VMEM_SHARED((N, D), jnp.float32),
        pltpu.VMEM((K,), jnp.int32),
        pltpu.VMEM((K,), jnp.int32),
        pltpu.VMEM((K,), jnp.int32),
        pltpu.VMEM((K,), jnp.float32),
        pltpu.VMEM((K, ED), jnp.float32),
        pltpu.VMEM((K, D), jnp.float32),
        pltpu.VMEM((K, D), jnp.float32),
        pltpu.VMEM((K, D), jnp.float32),
        pltpu.SemaphoreType.DMA,
        pltpu.SemaphoreType.DMA,
    ],
)


def _mlp_body(x_ref, po_ref, pe_ref, w1a_ref, w1b_ref, w1c_ref,
              b1_ref, g_ref, b_ref, w2_ref, b2_ref, out_ref):
  xo = po_ref[0] + po_ref[1]
  ed = pe_ref[0] + pe_ref[1]
  ae = ed[:, :ED]
  deg = ed[:, ED:ED + 1]
  xs = deg * x_ref[...]
  h = (jnp.dot(xs, w1a_ref[...], preferred_element_type=jnp.float32)
       + jnp.dot(xo, w1b_ref[...], preferred_element_type=jnp.float32)
       + jnp.dot(ae, w1c_ref[...], preferred_element_type=jnp.float32)
       + b1_ref[...])
  h = jnp.maximum(h, 0.0)
  mean = jnp.mean(h, axis=0, keepdims=True)
  hc = h - mean
  var = jnp.mean(hc * hc, axis=0, keepdims=True)
  hn = hc * lax.rsqrt(var + BN_EPS) * g_ref[...] + b_ref[...]
  out_ref[...] = (jnp.dot(hn, w2_ref[...], preferred_element_type=jnp.float32)
                  + b2_ref[...])


_mlp = pl.pallas_call(
    _mlp_body,
    out_shape=jax.ShapeDtypeStruct((N, OUT), jnp.float32),
)


def kernel(x, edge_index, edge_weight, edge_attr, W1, b1, gamma, beta, W2, b2):
  row = edge_index[0]
  col = edge_index[1]
  zx = jnp.zeros((N, D), jnp.float32)
  po, pe = _sc_agg(row, col, edge_weight, edge_attr, x, zx)
  w1a, w1b, w1c = W1[:D], W1[D:2 * D], W1[2 * D:]
  return _mlp(x, po, pe, w1a, w1b, w1c,
              b1.reshape(1, OUT), gamma.reshape(1, OUT), beta.reshape(1, OUT),
              W2, b2.reshape(1, OUT))

# --- scband reference (transcript-rebuilt; emitter-appended) ---
"""Pipeline reference for scband-ginconv-88244398064422 (READ-ONLY COPY).

The authoritative reference and input builder live on the scoring server;
editing this copy changes nothing except your own understanding.
"""

import jax, jax.numpy as jnp
import numpy as np

N = 10000
E = 320000
D = 128
ED = 16
OUT = 128
EPS_GIN = 0.0
BN_EPS = 1e-5


def setup_inputs(seed: int = 0) -> dict:
    key = jax.random.key(seed)
    ks = jax.random.split(key, 8)
    x = jax.random.normal(ks[0], (N, D), dtype=jnp.float32)
    edge_index = jax.random.randint(ks[1], (2, E), 0, N, dtype=jnp.int32)
    edge_weight = jax.random.uniform(ks[2], (E,), dtype=jnp.float32)
    edge_attr = jax.random.normal(ks[3], (E, ED), dtype=jnp.float32)
    W1 = jax.random.normal(ks[4], (2 * D + ED, OUT), dtype=jnp.float32) * 0.05
    b1 = jnp.zeros((OUT,), dtype=jnp.float32)
    gamma = jnp.ones((OUT,), dtype=jnp.float32)
    beta = jnp.zeros((OUT,), dtype=jnp.float32)
    W2 = jax.random.normal(ks[5], (OUT, OUT), dtype=jnp.float32) * 0.05
    b2 = jnp.zeros((OUT,), dtype=jnp.float32)
    return {
        "x": x,
        "edge_index": edge_index,
        "edge_weight": edge_weight,
        "edge_attr": edge_attr,
        "W1": W1,
        "b1": b1,
        "gamma": gamma,
        "beta": beta,
        "W2": W2,
        "b2": b2,
    }


def reference(x, edge_index, edge_weight, edge_attr, W1, b1, gamma, beta, W2, b2):
    row = edge_index[0]
    col = edge_index[1]
    # deg = graph @ ones  (row-sum of sparse adjacency values)
    deg = jax.ops.segment_sum(edge_weight, row, num_segments=N)[:, None]
    x_src = deg * (1.0 + EPS_GIN) * x
    # x_obj = graph @ x  (weighted scatter-add of neighbor features)
    x_obj = jax.ops.segment_sum(edge_weight[:, None] * x[col], row, num_segments=N)
    # edge feature aggregation: scatter_add(norm * edge_attr, row)
    x_e = jax.ops.segment_sum(edge_weight[:, None] * edge_attr, row, num_segments=N)
    out = jnp.concatenate([x_src, x_obj, x_e], axis=1)
    # MLP: Linear -> ReLU -> BatchNorm1d (training-mode batch stats) -> Linear
    h = out @ W1 + b1
    h = jax.nn.relu(h)
    mean = jnp.mean(h, axis=0)
    var = jnp.var(h, axis=0)
    h = (h - mean) / jnp.sqrt(var + BN_EPS) * gamma + beta
    return h @ W2 + b2

if __name__ == "__main__":
    import jax
    _d = setup_inputs()
    print(jax.jit(kernel)(*tuple(_d.values())))

</pallas_src>

<mosaic_0001>
#map = affine_map<(d0, d1) -> (0)>
#map1 = affine_map<(d0, d1) -> (0, 0)>
#map2 = affine_map<(d0, d1) -> (0, 0, 0)>
module attributes {stable_mosaic.version = 14 : i64} {
  func.func @_sc_body(%arg0: i32, %arg1: i32, %arg2: memref<320000xi32, #tpu.memory_space<hbm>>, %arg3: memref<320000xi32, #tpu.memory_space<hbm>>, %arg4: memref<320000xf32, #tpu.memory_space<hbm>>, %arg5: memref<320000x16xf32, #tpu.memory_space<hbm>>, %arg6: memref<10000x128xf32, #tpu.memory_space<hbm>>, %arg7: memref<10000x128xf32, #tpu.memory_space<hbm>>, %arg8: memref<2x10000x128xf32, #tpu.memory_space<hbm>>, %arg9: memref<2x10000x128xf32, #tpu.memory_space<hbm>>, %arg10: memref<10000x128xf32, #tpu.memory_space<vmem_shared>>, %arg11: memref<80xi32, #tpu.memory_space<vmem>>, %arg12: memref<80xi32, #tpu.memory_space<vmem>>, %arg13: memref<80xi32, #tpu.memory_space<vmem>>, %arg14: memref<80xf32, #tpu.memory_space<vmem>>, %arg15: memref<80x16xf32, #tpu.memory_space<vmem>>, %arg16: memref<80x128xf32, #tpu.memory_space<vmem>>, %arg17: memref<80x128xf32, #tpu.memory_space<vmem>>, %arg18: memref<80x128xf32, #tpu.memory_space<vmem>>, %arg19: memref<!tpu.dma_semaphore, #tpu.memory_space<semaphore_mem>>, %arg20: memref<!tpu.dma_semaphore, #tpu.memory_space<semaphore_mem>>) attributes {dimension_semantics = [#tpu.dimension_semantics<core_parallel>, #tpu.dimension_semantics<subcore_parallel>], iteration_bounds = array<i64: 2, 16>, scalar_prefetch = 0 : i64, scratch_operands = 11 : i64, tpu.core_type = #tpu.core_type<sc_vector_subcore>, window_params = [{transform_indices = #map}, {transform_indices = #map}, {transform_indices = #map}, {transform_indices = #map1}, {transform_indices = #map1}, {transform_indices = #map1}, {transform_indices = #map2}, {transform_indices = #map2}]} {
    %mul3A = arith.constant 624 : i32
    %mul3A_0 = arith.muli %arg1, %mul3A : i32
    %mul3A_1 = arith.constant 16 : i32
    %mul3A_2 = arith.muli %arg0, %mul3A_1 : i32
    %add3A = arith.addi %mul3A_2, %arg1 : i32
    %mul3A_3 = arith.constant 10000 : i32
    %mul3A_4 = arith.muli %add3A, %mul3A_3 : i32
    %iota3A = tpu.iota {dimensions = array<i32: 0>} : vector<16xi32>
    "tpu.region"() ({
      %run_scoped3A = tpu.sem_alloc : memref<!tpu.dma_semaphore, #tpu.memory_space<semaphore_mem>>
      %dma_start3A_58 = arith.constant 0 : i32
      %dma_start3A_59 = tpu.memref_slice %arg10[%mul3A_0, %dma_start3A_58] : memref<10000x128xf32, #tpu.memory_space<vmem_shared>> -> memref<624x128xf32, #tpu.memory_space<vmem_shared>>
      %dma_start3A_60 = arith.constant 0 : i32
      %dma_start3A_61 = tpu.memref_slice %arg7[%mul3A_0, %dma_start3A_60] : memref<10000x128xf32, #tpu.memory_space<hbm>> -> memref<624x128xf32, #tpu.memory_space<hbm>>
      tpu.enqueue_dma source(%dma_start3A_61 : memref<624x128xf32, #tpu.memory_space<hbm>>) target(%dma_start3A_59 : memref<624x128xf32, #tpu.memory_space<vmem_shared>>) target_semaphore(%run_scoped3A : memref<!tpu.dma_semaphore, #tpu.memory_space<semaphore_mem>>)
      %dma_wait3A_62 = arith.constant 0 : i32
      %dma_wait3A_63 = tpu.memref_slice %arg10[%mul3A_0, %dma_wait3A_62] : memref<10000x128xf32, #tpu.memory_space<vmem_shared>> -> memref<624x128xf32, #tpu.memory_space<vmem_shared>>
      %dma_wait3A_64 = arith.constant 0 : i32
      %dma_wait3A_65 = tpu.memref_slice %arg7[%mul3A_0, %dma_wait3A_64] : memref<10000x128xf32, #tpu.memory_space<hbm>> -> memref<624x128xf32, #tpu.memory_space<hbm>>
      tpu.wait_dma2 semaphore(%run_scoped3A : memref<!tpu.dma_semaphore, #tpu.memory_space<semaphore_mem>>) src(%dma_wait3A_65 : memref<624x128xf32, #tpu.memory_space<hbm>>) dst(%dma_wait3A_63 : memref<624x128xf32, #tpu.memory_space<vmem_shared>>)
      tpu.yield
    }) : () -> ()
    %eq3A = arith.constant 0 : i32
    %eq3A_5 = arith.cmpi eq, %arg1, %eq3A : i32
    %convert_element_type3A = arith.extui %eq3A_5 : i1 to i32
    %cond3A = arith.constant 0 : i32
    %cond3A_6 = arith.cmpi ne, %convert_element_type3A, %cond3A : i32
    scf.if %cond3A_6 {
      "tpu.region"() ({
        %run_scoped3A = tpu.sem_alloc : memref<!tpu.dma_semaphore, #tpu.memory_space<semaphore_mem>>
        %dma_start3A_58 = arith.constant 9984 : i32
        %dma_start3A_59 = arith.constant 0 : i32
        %dma_start3A_60 = tpu.memref_slice %arg10[%dma_start3A_58, %dma_start3A_59] : memref<10000x128xf32, #tpu.memory_space<vmem_shared>> -> memref<16x128xf32, #tpu.memory_space<vmem_shared>>
        %dma_start3A_61 = arith.constant 9984 : i32
        %dma_start3A_62 = arith.constant 0 : i32
        %dma_start3A_63 = tpu.memref_slice %arg7[%dma_start3A_61, %dma_start3A_62] : memref<10000x128xf32, #tpu.memory_space<hbm>> -> memref<16x128xf32, #tpu.memory_space<hbm>>
        tpu.enqueue_dma source(%dma_start3A_63 : memref<16x128xf32, #tpu.memory_space<hbm>>) target(%dma_start3A_60 : memref<16x128xf32, #tpu.memory_space<vmem_shared>>) target_semaphore(%run_scoped3A : memref<!tpu.dma_semaphore, #tpu.memory_space<semaphore_mem>>)
        %dma_wait3A_64 = arith.constant 9984 : i32
        %dma_wait3A_65 = arith.constant 0 : i32
        %dma_wait3A_66 = tpu.memref_slice %arg10[%dma_wait3A_64, %dma_wait3A_65] : memref<10000x128xf32, #tpu.memory_space<vmem_shared>> -> memref<16x128xf32, #tpu.memory_space<vmem_shared>>
        %dma_wait3A_67 = arith.constant 9984 : i32
        %dma_wait3A_68 = arith.constant 0 : i32
        %dma_wait3A_69 = tpu.memref_slice %arg7[%dma_wait3A_67, %dma_wait3A_68] : memref<10000x128xf32, #tpu.memory_space<hbm>> -> memref<16x128xf32, #tpu.memory_space<hbm>>
        tpu.wait_dma2 semaphore(%run_scoped3A : memref<!tpu.dma_semaphore, #tpu.memory_space<semaphore_mem>>) src(%dma_wait3A_69 : memref<16x128xf32, #tpu.memory_space<hbm>>) dst(%dma_wait3A_66 : memref<16x128xf32, #tpu.memory_space<vmem_shared>>)
        tpu.yield
      }) : () -> ()
    } else {
    }
    %barrier3A = arith.constant 0 : index
    tpu.barrier barrier_id(%barrier3A)
    %add3A_7 = arith.constant 0 : i32
    %add3A_8 = arith.addi %mul3A_4, %add3A_7 : i32
    "tpu.region"() ({
      %run_scoped3A = tpu.sem_alloc : memref<!tpu.dma_semaphore, #tpu.memory_space<semaphore_mem>>
      %dma_start3A_58 = tpu.memref_slice %arg3[%add3A_8] : memref<320000xi32, #tpu.memory_space<hbm>> -> memref<80xi32, #tpu.memory_space<hbm>>
      %dma_start3A_59 = tpu.memref_slice %arg3[%add3A_8] : memref<320000xi32, #tpu.memory_space<hbm>> -> memref<80xi32, #tpu.memory_space<hbm>>
      tpu.enqueue_dma source(%dma_start3A_59 : memref<80xi32, #tpu.memory_space<hbm>>) target(%arg11 : memref<80xi32, #tpu.memory_space<vmem>>) target_semaphore(%run_scoped3A : memref<!tpu.dma_semaphore, #tpu.memory_space<semaphore_mem>>)
      %dma_wait3A_60 = tpu.memref_slice %arg3[%add3A_8] : memref<320000xi32, #tpu.memory_space<hbm>> -> memref<80xi32, #tpu.memory_space<hbm>>
      %dma_wait3A_61 = tpu.memref_slice %arg3[%add3A_8] : memref<320000xi32, #tpu.memory_space<hbm>> -> memref<80xi32, #tpu.memory_space<hbm>>
      tpu.wait_dma2 semaphore(%run_scoped3A : memref<!tpu.dma_semaphore, #tpu.memory_space<semaphore_mem>>) src(%dma_wait3A_61 : memref<80xi32, #tpu.memory_space<hbm>>) dst(%arg11 : memref<80xi32, #tpu.memory_space<vmem>>)
      tpu.yield
    }) : () -> ()
    %dma_start3A = arith.constant 0 : i32
    %dma_start3A_9 = arith.constant 0 : i32
    %dma_start3A_10 = tpu.memref_slice %arg6[%dma_start3A, %dma_start3A_9] : memref<10000x128xf32, #tpu.memory_space<hbm>> -> memref<10000x128xf32, #tpu.memory_space<hbm>>
    tpu.enqueue_indirect_dma source(%dma_start3A_10 : memref<10000x128xf32, #tpu.memory_space<hbm>>) target(%arg16 : memref<80x128xf32, #tpu.memory_space<vmem>>) offsets(%arg11 : memref<80xi32, #tpu.memory_space<vmem>>) semaphore(%arg19 : memref<!tpu.dma_semaphore, #tpu.memory_space<semaphore_mem>>)
    %scan3A = arith.constant 0 : i32
    %scan3A_11 = arith.constant 0 : i32
    %scan3A_12 = arith.constant 62 : i32
    %scan3A_13 = arith.addi %scan3A_11, %scan3A_12 : i32
    %scan3A_14 = arith.constant 1 : i32
    scf.for %scan3A_58 = %scan3A_11 to %scan3A_13 step %scan3A_14  : i32 {
      %mul3A_59 = arith.constant 2 : i32
      %mul3A_60 = arith.muli %mul3A_59, %scan3A_58 : i32
      %add3A_61 = arith.constant 1 : i32
      %add3A_62 = arith.addi %mul3A_60, %add3A_61 : i32
      %mul3A_63 = arith.constant 80 : i32
      %mul3A_64 = arith.muli %add3A_62, %mul3A_63 : i32
      %add3A_65 = arith.addi %mul3A_4, %mul3A_64 : i32
      "tpu.region"() ({
        %run_scoped3A = tpu.sem_alloc : memref<!tpu.dma_semaphore, #tpu.memory_space<semaphore_mem>>
        %dma_start3A_103 = tpu.memref_slice %arg3[%add3A_65] : memref<320000xi32, #tpu.memory_space<hbm>> -> memref<80xi32, #tpu.memory_space<hbm>>
        %dma_start3A_104 = tpu.memref_slice %arg3[%add3A_65] : memref<320000xi32, #tpu.memory_space<hbm>> -> memref<80xi32, #tpu.memory_space<hbm>>
        tpu.enqueue_dma source(%dma_start3A_104 : memref<80xi32, #tpu.memory_space<hbm>>) target(%arg12 : memref<80xi32, #tpu.memory_space<vmem>>) target_semaphore(%run_scoped3A : memref<!tpu.dma_semaphore, #tpu.memory_space<semaphore_mem>>)
        %dma_wait3A_105 = tpu.memref_slice %arg3[%add3A_65] : memref<320000xi32, #tpu.memory_space<hbm>> -> memref<80xi32, #tpu.memory_space<hbm>>
        %dma_wait3A_106 = tpu.memref_slice %arg3[%add3A_65] : memref<320000xi32, #tpu.memory_space<hbm>> -> memref<80xi32, #tpu.memory_space<hbm>>
        tpu.wait_dma2 semaphore(%run_scoped3A : memref<!tpu.dma_semaphore, #tpu.memory_space<semaphore_mem>>) src(%dma_wait3A_106 : memref<80xi32, #tpu.memory_space<hbm>>) dst(%arg12 : memref<80xi32, #tpu.memory_space<vmem>>)
        tpu.yield
      }) : () -> ()
      %dma_start3A_66 = arith.constant 0 : i32
      %dma_start3A_67 = arith.constant 0 : i32
      %dma_start3A_68 = tpu.memref_slice %arg6[%dma_start3A_66, %dma_start3A_67] : memref<10000x128xf32, #tpu.memory_space<hbm>> -> memref<10000x128xf32, #tpu.memory_space<hbm>>
      tpu.enqueue_indirect_dma source(%dma_start3A_68 : memref<10000x128xf32, #tpu.memory_space<hbm>>) target(%arg17 : memref<80x128xf32, #tpu.memory_space<vmem>>) offsets(%arg12 : memref<80xi32, #tpu.memory_space<vmem>>) semaphore(%arg20 : memref<!tpu.dma_semaphore, #tpu.memory_space<semaphore_mem>>)
      %dma_wait3A_69 = arith.constant 0 : i32
      %dma_wait3A_70 = arith.constant 0 : i32
      %dma_wait3A_71 = tpu.memref_slice %arg6[%dma_wait3A_69, %dma_wait3A_70] : memref<10000x128xf32, #tpu.memory_space<hbm>> -> memref<10000x128xf32, #tpu.memory_space<hbm>>
      tpu.wait_indirect_dma semaphore(%arg19 : memref<!tpu.dma_semaphore, #tpu.memory_space<semaphore_mem>>) src(%dma_wait3A_71 : memref<10000x128xf32, #tpu.memory_space<hbm>>) dst(%arg16 : memref<80x128xf32, #tpu.memory_space<vmem>>)
      %mul3A_72 = arith.constant 80 : i32
      %mul3A_73 = arith.muli %mul3A_60, %mul3A_72 : i32
      %add3A_74 = arith.addi %mul3A_4, %mul3A_73 : i32
      "tpu.region"() ({
        %run_scoped3A = tpu.sem_alloc : memref<!tpu.dma_semaphore, #tpu.memory_space<semaphore_mem>>
        %dma_start3A_103 = tpu.memref_slice %arg2[%add3A_74] : memref<320000xi32, #tpu.memory_space<hbm>> -> memref<80xi32, #tpu.memory_space<hbm>>
        %dma_start3A_104 = tpu.memref_slice %arg2[%add3A_74] : memref<320000xi32, #tpu.memory_space<hbm>> -> memref<80xi32, #tpu.memory_space<hbm>>
        tpu.enqueue_dma source(%dma_start3A_104 : memref<80xi32, #tpu.memory_space<hbm>>) target(%arg13 : memref<80xi32, #tpu.memory_space<vmem>>) target_semaphore(%run_scoped3A : memref<!tpu.dma_semaphore, #tpu.memory_space<semaphore_mem>>)
        %dma_wait3A_105 = tpu.memref_slice %arg2[%add3A_74] : memref<320000xi32, #tpu.memory_space<hbm>> -> memref<80xi32, #tpu.memory_space<hbm>>
        %dma_wait3A_106 = tpu.memref_slice %arg2[%add3A_74] : memref<320000xi32, #tpu.memory_space<hbm>> -> memref<80xi32, #tpu.memory_space<hbm>>
        tpu.wait_dma2 semaphore(%run_scoped3A : memref<!tpu.dma_semaphore, #tpu.memory_space<semaphore_mem>>) src(%dma_wait3A_106 : memref<80xi32, #tpu.memory_space<hbm>>) dst(%arg13 : memref<80xi32, #tpu.memory_space<vmem>>)
        tpu.yield
      }) : () -> ()
      "tpu.region"() ({
        %run_scoped3A = tpu.sem_alloc : memref<!tpu.dma_semaphore, #tpu.memory_space<semaphore_mem>>
        %dma_start3A_103 = tpu.memref_slice %arg4[%add3A_74] : memref<320000xf32, #tpu.memory_space<hbm>> -> memref<80xf32, #tpu.memory_space<hbm>>
        %dma_start3A_104 = tpu.memref_slice %arg4[%add3A_74] : memref<320000xf32, #tpu.memory_space<hbm>> -> memref<80xf32, #tpu.memory_space<hbm>>
        tpu.enqueue_dma source(%dma_start3A_104 : memref<80xf32, #tpu.memory_space<hbm>>) target(%arg14 : memref<80xf32, #tpu.memory_space<vmem>>) target_semaphore(%run_scoped3A : memref<!tpu.dma_semaphore, #tpu.memory_space<semaphore_mem>>)
        %dma_wait3A_105 = tpu.memref_slice %arg4[%add3A_74] : memref<320000xf32, #tpu.memory_space<hbm>> -> memref<80xf32, #tpu.memory_space<hbm>>
        %dma_wait3A_106 = tpu.memref_slice %arg4[%add3A_74] : memref<320000xf32, #tpu.memory_space<hbm>> -> memref<80xf32, #tpu.memory_space<hbm>>
        tpu.wait_dma2 semaphore(%run_scoped3A : memref<!tpu.dma_semaphore, #tpu.memory_space<semaphore_mem>>) src(%dma_wait3A_106 : memref<80xf32, #tpu.memory_space<hbm>>) dst(%arg14 : memref<80xf32, #tpu.memory_space<vmem>>)
        tpu.yield
      }) : () -> ()
      %scan3A_75 = arith.constant 0 : i32
      %scan3A_76 = arith.constant 0 : i32
      %scan3A_77 = arith.constant 10 : i32
      %scan3A_78 = arith.addi %scan3A_76, %scan3A_77 : i32
      %scan3A_79 = arith.constant 1 : i32
      scf.for %scan3A_103 = %scan3A_76 to %scan3A_78 step %scan3A_79  : i32 {
        %mul3A_104 = arith.constant 8 : i32
        %mul3A_105 = arith.muli %scan3A_103, %mul3A_104 : i32
        %add3A_106 = arith.constant 0 : i32
        %add3A_107 = arith.addi %mul3A_105, %add3A_106 : i32
        %broadcast_in_dim3A_108 = vector.broadcast %add3A_107 : i32 to vector<16xi32>
        %gather3A = tpu.vector_load_idx %arg14[%broadcast_in_dim3A_108] : memref<80xf32, #tpu.memory_space<vmem>>[vector<16xi32>], vector<16xf32>,
        %get3A = arith.index_cast %add3A_107 : i32 to index
        %get3A_109 = arith.constant 0 : index
        %get3A_110 = tpu.vector_load %arg16[%get3A, %get3A_109] {strides = array<i32>} : memref<80x128xf32, #tpu.memory_space<vmem>>, vector<16xf32>,
        %mul3A_111 = arith.mulf %get3A_110, %gather3A : vector<16xf32>
        %swap3A = arith.index_cast %add3A_107 : i32 to index
        %swap3A_112 = arith.constant 0 : index
        %swap3A_113 = tpu.vector_load %arg16[%swap3A, %swap3A_112] {strides = array<i32>} : memref<80x128xf32, #tpu.memory_space<vmem>>, vector<16xf32>,
        tpu.vector_store %arg16[%swap3A, %swap3A_112], %mul3A_111 {strides = array<i32>} : memref<80x128xf32, #tpu.memory_space<vmem>>, vector<16xf32>,
        %get3A_114 = arith.index_cast %add3A_107 : i32 to index
        %get3A_115 = arith.constant 16 : index
        %get3A_116 = tpu.vector_load %arg16[%get3A_114, %get3A_115] {strides = array<i32>} : memref<80x128xf32, #tpu.memory_space<vmem>>, vector<16xf32>,
        %mul3A_117 = arith.mulf %get3A_116, %gather3A : vector<16xf32>
        %swap3A_118 = arith.index_cast %add3A_107 : i32 to index
        %swap3A_119 = arith.constant 16 : index
        %swap3A_120 = tpu.vector_load %arg16[%swap3A_118, %swap3A_119] {strides = array<i32>} : memref<80x128xf32, #tpu.memory_space<vmem>>, vector<16xf32>,
        tpu.vector_store %arg16[%swap3A_118, %swap3A_119], %mul3A_117 {strides = array<i32>} : memref<80x128xf32, #tpu.memory_space<vmem>>, vector<16xf32>,
        %get3A_121 = arith.index_cast %add3A_107 : i32 to index
        %get3A_122 = arith.constant 32 : index
        %get3A_123 = tpu.vector_load %arg16[%get3A_121, %get3A_122] {strides = array<i32>} : memref<80x128xf32, #tpu.memory_space<vmem>>, vector<16xf32>,
        %mul3A_124 = arith.mulf %get3A_123, %gather3A : vector<16xf32>
        %swap3A_125 = arith.index_cast %add3A_107 : i32 to index
        %swap3A_126 = arith.constant 32 : index
        %swap3A_127 = tpu.vector_load %arg16[%swap3A_125, %swap3A_126] {strides = array<i32>} : memref<80x128xf32, #tpu.memory_space<vmem>>, vector<16xf32>,
        tpu.vector_store %arg16[%swap3A_125, %swap3A_126], %mul3A_124 {strides = array<i32>} : memref<80x128xf32, #tpu.memory_space<vmem>>, vector<16xf32>,
        %get3A_128 = arith.index_cast %add3A_107 : i32 to index
        %get3A_129 = arith.constant 48 : index
        %get3A_130 = tpu.vector_load %arg16[%get3A_128, %get3A_129] {strides = array<i32>} : memref<80x128xf32, #tpu.memory_space<vmem>>, vector<16xf32>,
        %mul3A_131 = arith.mulf %get3A_130, %gather3A : vector<16xf32>
        %swap3A_132 = arith.index_cast %add3A_107 : i32 to index
        %swap3A_133 = arith.constant 48 : index
        %swap3A_134 = tpu.vector_load %arg16[%swap3A_132, %swap3A_133] {strides = array<i32>} : memref<80x128xf32, #tpu.memory_space<vmem>>, vector<16xf32>,
        tpu.vector_store %arg16[%swap3A_132, %swap3A_133], %mul3A_131 {strides = array<i32>} : memref<80x128xf32, #tpu.memory_space<vmem>>, vector<16xf32>,
        %get3A_135 = arith.index_cast %add3A_107 : i32 to index
        %get3A_136 = arith.constant 64 : index
        %get3A_137 = tpu.vector_load %arg16[%get3A_135, %get3A_136] {strides = array<i32>} : memref<80x128xf32, #tpu.memory_space<vmem>>, vector<16xf32>,
        %mul3A_138 = arith.mulf %get3A_137, %gather3A : vector<16xf32>
        %swap3A_139 = arith.index_cast %add3A_107 : i32 to index
        %swap3A_140 = arith.constant 64 : index
        %swap3A_141 = tpu.vector_load %arg16[%swap3A_139, %swap3A_140] {strides = array<i32>} : memref<80x128xf32, #tpu.memory_space<vmem>>, vector<16xf32>,
        tpu.vector_store %arg16[%swap3A_139, %swap3A_140], %mul3A_138 {strides = array<i32>} : memref<80x128xf32, #tpu.memory_space<vmem>>, vector<16xf32>,
        %get3A_142 = arith.index_cast %add3A_107 : i32 to index
        %get3A_143 = arith.constant 80 : index
        %get3A_144 = tpu.vector_load %arg16[%get3A_142, %get3A_143] {strides = array<i32>} : memref<80x128xf32, #tpu.memory_space<vmem>>, vector<16xf32>,
        %mul3A_145 = arith.mulf %get3A_144, %gather3A : vector<16xf32>
        %swap3A_146 = arith.index_cast %add3A_107 : i32 to index
        %swap3A_147 = arith.constant 80 : index
        %swap3A_148 = tpu.vector_load %arg16[%swap3A_146, %swap3A_147] {strides = array<i32>} : memref<80x128xf32, #tpu.memory_space<vmem>>, vector<16xf32>,
        tpu.vector_store %arg16[%swap3A_146, %swap3A_147], %mul3A_145 {strides = array<i32>} : memref<80x128xf32, #tpu.memory_space<vmem>>, vector<16xf32>,
        %get3A_149 = arith.index_cast %add3A_107 : i32 to index
        %get3A_150 = arith.constant 96 : index
        %get3A_151 = tpu.vector_load %arg16[%get3A_149, %get3A_150] {strides = array<i32>} : memref<80x128xf32, #tpu.memory_space<vmem>>, vector<16xf32>,
        %mul3A_152 = arith.mulf %get3A_151, %gather3A : vector<16xf32>
        %swap3A_153 = arith.index_cast %add3A_107 : i32 to index
        %swap3A_154 = arith.constant 96 : index
        %swap3A_155 = tpu.vector_load %arg16[%swap3A_153, %swap3A_154] {strides = array<i32>} : memref<80x128xf32, #tpu.memory_space<vmem>>, vector<16xf32>,
        tpu.vector_store %arg16[%swap3A_153, %swap3A_154], %mul3A_152 {strides = array<i32>} : memref<80x128xf32, #tpu.memory_space<vmem>>, vector<16xf32>,
        %get3A_156 = arith.index_cast %add3A_107 : i32 to index
        %get3A_157 = arith.constant 112 : index
        %get3A_158 = tpu.vector_load %arg16[%get3A_156, %get3A_157] {strides = array<i32>} : memref<80x128xf32, #tpu.memory_space<vmem>>, vector<16xf32>,
        %mul3A_159 = arith.mulf %get3A_158, %gather3A : vector<16xf32>
        %swap3A_160 = arith.index_cast %add3A_107 : i32 to index
        %swap3A_161 = arith.constant 112 : index
        %swap3A_162 = tpu.vector_load %arg16[%swap3A_160, %swap3A_161] {strides = array<i32>} : memref<80x128xf32, #tpu.memory_space<vmem>>, vector<16xf32>,
        tpu.vector_store %arg16[%swap3A_160, %swap3A_161], %mul3A_159 {strides = array<i32>} : memref<80x128xf32, #tpu.memory_space<vmem>>, vector<16xf32>,
        %mul3A_163 = arith.constant 8 : i32
        %mul3A_164 = arith.muli %scan3A_103, %mul3A_163 : i32
        %add3A_165 = arith.constant 1 : i32
        %add3A_166 = arith.addi %mul3A_164, %add3A_165 : i32
        %broadcast_in_dim3A_167 = vector.broadcast %add3A_166 : i32 to vector<16xi32>
        %gather3A_168 = tpu.vector_load_idx %arg14[%broadcast_in_dim3A_167] : memref<80xf32, #tpu.memory_space<vmem>>[vector<16xi32>], vector<16xf32>,
        %get3A_169 = arith.index_cast %add3A_166 : i32 to index
        %get3A_170 = arith.constant 0 : index
        %get3A_171 = tpu.vector_load %arg16[%get3A_169, %get3A_170] {strides = array<i32>} : memref<80x128xf32, #tpu.memory_space<vmem>>, vector<16xf32>,
        %mul3A_172 = arith.mulf %get3A_171, %gather3A_168 : vector<16xf32>
        %swap3A_173 = arith.index_cast %add3A_166 : i32 to index
        %swap3A_174 = arith.constant 0 : index
        %swap3A_175 = tpu.vector_load %arg16[%swap3A_173, %swap3A_174] {strides = array<i32>} : memref<80x128xf32, #tpu.memory_space<vmem>>, vector<16xf32>,
        tpu.vector_store %arg16[%swap3A_173, %swap3A_174], %mul3A_172 {strides = array<i32>} : memref<80x128xf32, #tpu.memory_space<vmem>>, vector<16xf32>,
        %get3A_176 = arith.index_cast %add3A_166 : i32 to index
        %get3A_177 = arith.constant 16 : index
        %get3A_178 = tpu.vector_load %arg16[%get3A_176, %get3A_177] {strides = array<i32>} : memref<80x128xf32, #tpu.memory_space<vmem>>, vector<16xf32>,
        %mul3A_179 = arith.mulf %get3A_178, %gather3A_168 : vector<16xf32>
        %swap3A_180 = arith.index_cast %add3A_166 : i32 to index
        %swap3A_181 = arith.constant 16 : index
        %swap3A_182 = tpu.vector_load %arg16[%swap3A_180, %swap3A_181] {strides = array<i32>} : memref<80x128xf32, #tpu.memory_space<vmem>>, vector<16xf32>,
        tpu.vector_store %arg16[%swap3A_180, %swap3A_181], %mul3A_179 {strides = array<i32>} : memref<80x128xf32, #tpu.memory_space<vmem>>, vector<16xf32>,
        %get3A_183 = arith.index_cast %add3A_166 : i32 to index
        %get3A_184 = arith.constant 32 : index
        %get3A_185 = tpu.vector_load %arg16[%get3A_183, %get3A_184] {strides = array<i32>} : memref<80x128xf32, #tpu.memory_space<vmem>>, vector<16xf32>,
        %mul3A_186 = arith.mulf %get3A_185, %gather3A_168 : vector<16xf32>
        %swap3A_187 = arith.index_cast %add3A_166 : i32 to index
        %swap3A_188 = arith.constant 32 : index
        %swap3A_189 = tpu.vector_load %arg16[%swap3A_187, %swap3A_188] {strides = array<i32>} : memref<80x128xf32, #tpu.memory_space<vmem>>, vector<16xf32>,
        tpu.vector_store %arg16[%swap3A_187, %swap3A_188], %mul3A_186 {strides = array<i32>} : memref<80x128xf32, #tpu.memory_space<vmem>>, vector<16xf32>,
        %get3A_190 = arith.index_cast %add3A_166 : i32 to index
        %get3A_191 = arith.constant 48 : index
        %get3A_192 = tpu.vector_load %arg16[%get3A_190, %get3A_191] {strides = array<i32>} : memref<80x128xf32, #tpu.memory_space<vmem>>, vector<16xf32>,
        %mul3A_193 = arith.mulf %get3A_192, %gather3A_168 : vector<16xf32>
        %swap3A_194 = arith.index_cast %add3A_166 : i32 to index
        %swap3A_195 = arith.constant 48 : index
        %swap3A_196 = tpu.vector_load %arg16[%swap3A_194, %swap3A_195] {strides = array<i32>} : memref<80x128xf32, #tpu.memory_space<vmem>>, vector<16xf32>,
        tpu.vector_store %arg16[%swap3A_194, %swap3A_195], %mul3A_193 {strides = array<i32>} : memref<80x128xf32, #tpu.memory_space<vmem>>, vector<16xf32>,
        %get3A_197 = arith.index_cast %add3A_166 : i32 to index
        %get3A_198 = arith.constant 64 : index
        %get3A_199 = tpu.vector_load %arg16[%get3A_197, %get3A_198] {strides = array<i32>} : memref<80x128xf32, #tpu.memory_space<vmem>>, vector<16xf32>,
        %mul3A_200 = arith.mulf %get3A_199, %gather3A_168 : vector<16xf32>
        %swap3A_201 = arith.index_cast %add3A_166 : i32 to index
        %swap3A_202 = arith.constant 64 : index
        %swap3A_203 = tpu.vector_load %arg16[%swap3A_201, %swap3A_202] {strides = array<i32>} : memref<80x128xf32, #tpu.memory_space<vmem>>, vector<16xf32>,
        tpu.vector_store %arg16[%swap3A_201, %swap3A_202], %mul3A_200 {strides = array<i32>} : memref<80x128xf32, #tpu.memory_space<vmem>>, vector<16xf32>,
        %get3A_204 = arith.index_cast %add3A_166 : i32 to index
        %get3A_205 = arith.constant 80 : index
        %get3A_206 = tpu.vector_load %arg16[%get3A_204, %get3A_205] {strides = array<i32>} : memref<80x128xf32, #tpu.memory_space<vmem>>, vector<16xf32>,
        %mul3A_207 = arith.mulf %get3A_206, %gather3A_168 : vector<16xf32>
        %swap3A_208 = arith.index_cast %add3A_166 : i32 to index
        %swap3A_209 = arith.constant 80 : index
        %swap3A_210 = tpu.vector_load %arg16[%swap3A_208, %swap3A_209] {strides = array<i32>} : memref<80x128xf32, #tpu.memory_space<vmem>>, vector<16xf32>,
        tpu.vector_store %arg16[%swap3A_208, %swap3A_209], %mul3A_207 {strides = array<i32>} : memref<80x128xf32, #tpu.memory_space<vmem>>, vector<16xf32>,
        %get3A_211 = arith.index_cast %add3A_166 : i32 to index
        %get3A_212 = arith.constant 96 : index
        %get3A_213 = tpu.vector_load %arg16[%get3A_211, %get3A_212] {strides = array<i32>} : memref<80x128xf32, #tpu.memory_space<vmem>>, vector<16xf32>,
        %mul3A_214 = arith.mulf %get3A_213, %gather3A_168 : vector<16xf32>
        %swap3A_215 = arith.index_cast %add3A_166 : i32 to index
        %swap3A_216 = arith.constant 96 : index
        %swap3A_217 = tpu.vector_load %arg16[%swap3A_215, %swap3A_216] {strides = array<i32>} : memref<80x128xf32, #tpu.memory_space<vmem>>, vector<16xf32>,
        tpu.vector_store %arg16[%swap3A_215, %swap3A_216], %mul3A_214 {strides = array<i32>} : memref<80x128xf32, #tpu.memory_space<vmem>>, vector<16xf32>,
        %get3A_218 = arith.index_cast %add3A_166 : i32 to index
        %get3A_219 = arith.constant 112 : index
        %get3A_220 = tpu.vector_load %arg16[%get3A_218, %get3A_219] {strides = array<i32>} : memref<80x128xf32, #tpu.memory_space<vmem>>, vector<16xf32>,
        %mul3A_221 = arith.mulf %get3A_220, %gather3A_168 : vector<16xf32>
        %swap3A_222 = arith.index_cast %add3A_166 : i32 to index
        %swap3A_223 = arith.constant 112 : index
        %swap3A_224 = tpu.vector_load %arg16[%swap3A_222, %swap3A_223] {strides = array<i32>} : memref<80x128xf32, #tpu.memory_space<vmem>>, vector<16xf32>,
        tpu.vector_store %arg16[%swap3A_222, %swap3A_223], %mul3A_221 {strides = array<i32>} : memref<80x128xf32, #tpu.memory_space<vmem>>, vector<16xf32>,
        %mul3A_225 = arith.constant 8 : i32
        %mul3A_226 = arith.muli %scan3A_103, %mul3A_225 : i32
        %add3A_227 = arith.constant 2 : i32
        %add3A_228 = arith.addi %mul3A_226, %add3A_227 : i32
        %broadcast_in_dim3A_229 = vector.broadcast %add3A_228 : i32 to vector<16xi32>
        %gather3A_230 = tpu.vector_load_idx %arg14[%broadcast_in_dim3A_229] : memref<80xf32, #tpu.memory_space<vmem>>[vector<16xi32>], vector<16xf32>,
        %get3A_231 = arith.index_cast %add3A_228 : i32 to index
        %get3A_232 = arith.constant 0 : index
        %get3A_233 = tpu.vector_load %arg16[%get3A_231, %get3A_232] {strides = array<i32>} : memref<80x128xf32, #tpu.memory_space<vmem>>, vector<16xf32>,
        %mul3A_234 = arith.mulf %get3A_233, %gather3A_230 : vector<16xf32>
        %swap3A_235 = arith.index_cast %add3A_228 : i32 to index
        %swap3A_236 = arith.constant 0 : index
        %swap3A_237 = tpu.vector_load %arg16[%swap3A_235, %swap3A_236] {strides = array<i32>} : memref<80x128xf32, #tpu.memory_space<vmem>>, vector<16xf32>,
        tpu.vector_store %arg16[%swap3A_235, %swap3A_236], %mul3A_234 {strides = array<i32>} : memref<80x128xf32, #tpu.memory_space<vmem>>, vector<16xf32>,
        %get3A_238 = arith.index_cast %add3A_228 : i32 to index
        %get3A_239 = arith.constant 16 : index
        %get3A_240 = tpu.vector_load %arg16[%get3A_238, %get3A_239] {strides = array<i32>} : memref<80x128xf32, #tpu.memory_space<vmem>>, vector<16xf32>,
        %mul3A_241 = arith.mulf %get3A_240, %gather3A_230 : vector<16xf32>
        %swap3A_242 = arith.index_cast %add3A_228 : i32 to index
        %swap3A_243 = arith.constant 16 : index
        %swap3A_244 = tpu.vector_load %arg16[%swap3A_242, %swap3A_243] {strides = array<i32>} : memref<80x128xf32, #tpu.memory_space<vmem>>, vector<16xf32>,
        tpu.vector_store %arg16[%swap3A_242, %swap3A_243], %mul3A_241 {strides = array<i32>} : memref<80x128xf32, #tpu.memory_space<vmem>>, vector<16xf32>,
        %get3A_245 = arith.index_cast %add3A_228 : i32 to index
        %get3A_246 = arith.constant 32 : index
        %get3A_247 = tpu.vector_load %arg16[%get3A_245, %get3A_246] {strides = array<i32>} : memref<80x128xf32, #tpu.memory_space<vmem>>, vector<16xf32>,
        %mul3A_248 = arith.mulf %get3A_247, %gather3A_230 : vector<16xf32>
        %swap3A_249 = arith.index_cast %add3A_228 : i32 to index
        %swap3A_250 = arith.constant 32 : index
        %swap3A_251 = tpu.vector_load %arg16[%swap3A_249, %swap3A_250] {strides = array<i32>} : memref<80x128xf32, #tpu.memory_space<vmem>>, vector<16xf32>,
        tpu.vector_store %arg16[%swap3A_249, %swap3A_250], %mul3A_248 {strides = array<i32>} : memref<80x128xf32, #tpu.memory_space<vmem>>, vector<16xf32>,
        %get3A_252 = arith.index_cast %add3A_228 : i32 to index
        %get3A_253 = arith.constant 48 : index
        %get3A_254 = tpu.vector_load %arg16[%get3A_252, %get3A_253] {strides = array<i32>} : memref<80x128xf32, #tpu.memory_space<vmem>>, vector<16xf32>,
        %mul3A_255 = arith.mulf %get3A_254, %gather3A_230 : vector<16xf32>
        %swap3A_256 = arith.index_cast %add3A_228 : i32 to index
        %swap3A_257 = arith.constant 48 : index
        %swap3A_258 = tpu.vector_load %arg16[%swap3A_256, %swap3A_257] {strides = array<i32>} : memref<80x128xf32, #tpu.memory_space<vmem>>, vector<16xf32>,
        tpu.vector_store %arg16[%swap3A_256, %swap3A_257], %mul3A_255 {strides = array<i32>} : memref<80x128xf32, #tpu.memory_space<vmem>>, vector<16xf32>,
        %get3A_259 = arith.index_cast %add3A_228 : i32 to index
        %get3A_260 = arith.constant 64 : index
        %get3A_261 = tpu.vector_load %arg16[%get3A_259, %get3A_260] {strides = array<i32>} : memref<80x128xf32, #tpu.memory_space<vmem>>, vector<16xf32>,
        %mul3A_262 = arith.mulf %get3A_261, %gather3A_230 : vector<16xf32>
        %swap3A_263 = arith.index_cast %add3A_228 : i32 to index
        %swap3A_264 = arith.constant 64 : index
        %swap3A_265 = tpu.vector_load %arg16[%swap3A_263, %swap3A_264] {strides = array<i32>} : memref<80x128xf32, #tpu.memory_space<vmem>>, vector<16xf32>,
        tpu.vector_store %arg16[%swap3A_263, %swap3A_264], %mul3A_262 {strides = array<i32>} : memref<80x128xf32, #tpu.memory_space<vmem>>, vector<16xf32>,
        %get3A_266 = arith.index_cast %add3A_228 : i32 to index
        %get3A_267 = arith.constant 80 : index
        %get3A_268 = tpu.vector_load %arg16[%get3A_266, %get3A_267] {strides = array<i32>} : memref<80x128xf32, #tpu.memory_space<vmem>>, vector<16xf32>,
        %mul3A_269 = arith.mulf %get3A_268, %gather3A_230 : vector<16xf32>
        %swap3A_270 = arith.index_cast %add3A_228 : i32 to index
        %swap3A_271 = arith.constant 80 : index
        %swap3A_272 = tpu.vector_load %arg16[%swap3A_270, %swap3A_271] {strides = array<i32>} : memref<80x128xf32, #tpu.memory_space<vmem>>, vector<16xf32>,
        tpu.vector_store %arg16[%swap3A_270, %swap3A_271], %mul3A_269 {strides = array<i32>} : memref<80x128xf32, #tpu.memory_space<vmem>>, vector<16xf32>,
        %get3A_273 = arith.index_cast %add3A_228 : i32 to index
        %get3A_274 = arith.constant 96 : index
        %get3A_275 = tpu.vector_load %arg16[%get3A_273, %get3A_274] {strides = array<i32>} : memref<80x128xf32, #tpu.memory_space<vmem>>, vector<16xf32>,
        %mul3A_276 = arith.mulf %get3A_275, %gather3A_230 : vector<16xf32>
        %swap3A_277 = arith.index_cast %add3A_228 : i32 to index
        %swap3A_278 = arith.constant 96 : index
        %swap3A_279 = tpu.vector_load %arg16[%swap3A_277, %swap3A_278] {strides = array<i32>} : memref<80x128xf32, #tpu.memory_space<vmem>>, vector<16xf32>,
        tpu.vector_store %arg16[%swap3A_277, %swap3A_278], %mul3A_276 {strides = array<i32>} : memref<80x128xf32, #tpu.memory_space<vmem>>, vector<16xf32>,
        %get3A_280 = arith.index_cast %add3A_228 : i32 to index
        %get3A_281 = arith.constant 112 : index
        %get3A_282 = tpu.vector_load %arg16[%get3A_280, %get3A_281] {strides = array<i32>} : memref<80x128xf32, #tpu.memory_space<vmem>>, vector<16xf32>,
        %mul3A_283 = arith.mulf %get3A_282, %gather3A_230 : vector<16xf32>
        %swap3A_284 = arith.index_cast %add3A_228 : i32 to index
        %swap3A_285 = arith.constant 112 : index
        %swap3A_286 = tpu.vector_load %arg16[%swap3A_284, %swap3A_285] {strides = array<i32>} : memref<80x128xf32, #tpu.memory_space<vmem>>, vector<16xf32>,
        tpu.vector_store %arg16[%swap3A_284, %swap3A_285], %mul3A_283 {strides = array<i32>} : memref<80x128xf32, #tpu.memory_space<vmem>>, vector<16xf32>,
        %mul3A_287 = arith.constant 8 : i32
        %mul3A_288 = arith.muli %scan3A_103, %mul3A_287 : i32
        %add3A_289 = arith.constant 3 : i32
        %add3A_290 = arith.addi %mul3A_288, %add3A_289 : i32
        %broadcast_in_dim3A_291 = vector.broadcast %add3A_290 : i32 to vector<16xi32>
        %gather3A_292 = tpu.vector_load_idx %arg14[%broadcast_in_dim3A_291] : memref<80xf32, #tpu.memory_space<vmem>>[vector<16xi32>], vector<16xf32>,
        %get3A_293 = arith.index_cast %add3A_290 : i32 to index
        %get3A_294 = arith.constant 0 : index
        %get3A_295 = tpu.vector_load %arg16[%get3A_293, %get3A_294] {strides = array<i32>} : memref<80x128xf32, #tpu.memory_space<vmem>>, vector<16xf32>,
        %mul3A_296 = arith.mulf %get3A_295, %gather3A_292 : vector<16xf32>
        %swap3A_297 = arith.index_cast %add3A_290 : i32 to index
        %swap3A_298 = arith.constant 0 : index
        %swap3A_299 = tpu.vector_load %arg16[%swap3A_297, %swap3A_298] {strides = array<i32>} : memref<80x128xf32, #tpu.memory_space<vmem>>, vector<16xf32>,
        tpu.vector_store %arg16[%swap3A_297, %swap3A_298], %mul3A_296 {strides = array<i32>} : memref<80x128xf32, #tpu.memory_space<vmem>>, vector<16xf32>,
        %get3A_300 = arith.index_cast %add3A_290 : i32 to index
        %get3A_301 = arith.constant 16 : index
        %get3A_302 = tpu.vector_load %arg16[%get3A_300, %get3A_301] {strides = array<i32>} : memref<80x128xf32, #tpu.memory_space<vmem>>, vector<16xf32>,
        %mul3A_303 = arith.mulf %get3A_302, %gather3A_292 : vector<16xf32>
        %swap3A_304 = arith.index_cast %add3A_290 : i32 to index
        %swap3A_305 = arith.constant 16 : index
        %swap3A_306 = tpu.vector_load %arg16[%swap3A_304, %swap3A_305] {strides = array<i32>} : memref<80x128xf32, #tpu.memory_space<vmem>>, vector<16xf32>,
        tpu.vector_store %arg16[%swap3A_304, %swap3A_305], %mul3A_303 {strides = array<i32>} : memref<80x128xf32, #tpu.memory_space<vmem>>, vector<16xf32>,
        %get3A_307 = arith.index_cast %add3A_290 : i32 to index
        %get3A_308 = arith.constant 32 : index
        %get3A_309 = tpu.vector_load %arg16[%get3A_307, %get3A_308] {strides = array<i32>} : memref<80x128xf32, #tpu.memory_space<vmem>>, vector<16xf32>,
        %mul3A_310 = arith.mulf %get3A_309, %gather3A_292 : vector<16xf32>
        %swap3A_311 = arith.index_cast %add3A_290 : i32 to index
        %swap3A_312 = arith.constant 32 : index
        %swap3A_313 = tpu.vector_load %arg16[%swap3A_311, %swap3A_312] {strides = array<i32>} : memref<80x128xf32, #tpu.memory_space<vmem>>, vector<16xf32>,
        tpu.vector_store %arg16[%swap3A_311, %swap3A_312], %mul3A_310 {strides = array<i32>} : memref<80x128xf32, #tpu.memory_space<vmem>>, vector<16xf32>,
        %get3A_314 = arith.index_cast %add3A_290 : i32 to index
        %get3A_315 = arith.constant 48 : index
        %get3A_316 = tpu.vector_load %arg16[%get3A_314, %get3A_315] {strides = array<i32>} : memref<80x128xf32, #tpu.memory_space<vmem>>, vector<16xf32>,
        %mul3A_317 = arith.mulf %get3A_316, %gather3A_292 : vector<16xf32>
        %swap3A_318 = arith.index_cast %add3A_290 : i32 to index
        %swap3A_319 = arith.constant 48 : index
        %swap3A_320 = tpu.vector_load %arg16[%swap3A_318, %swap3A_319] {strides = array<i32>} : memref<80x128xf32, #tpu.memory_space<vmem>>, vector<16xf32>,
        tpu.vector_store %arg16[%swap3A_318, %swap3A_319], %mul3A_317 {strides = array<i32>} : memref<80x128xf32, #tpu.memory_space<vmem>>, vector<16xf32>,
        %get3A_321 = arith.index_cast %add3A_290 : i32 to index
        %get3A_322 = arith.constant 64 : index
        %get3A_323 = tpu.vector_load %arg16[%get3A_321, %get3A_322] {strides = array<i32>} : memref<80x128xf32, #tpu.memory_space<vmem>>, vector<16xf32>,
        %mul3A_324 = arith.mulf %get3A_323, %gather3A_292 : vector<16xf32>
        %swap3A_325 = arith.index_cast %add3A_290 : i32 to index
        %swap3A_326 = arith.constant 64 : index
        %swap3A_327 = tpu.vector_load %arg16[%swap3A_325, %swap3A_326] {strides = array<i32>} : memref<80x128xf32, #tpu.memory_space<vmem>>, vector<16xf32>,
        tpu.vector_store %arg16[%swap3A_325, %swap3A_326], %mul3A_324 {strides = array<i32>} : memref<80x128xf32, #tpu.memory_space<vmem>>, vector<16xf32>,
        %get3A_328 = arith.index_cast %add3A_290 : i32 to index
        %get3A_329 = arith.constant 80 : index
        %get3A_330 = tpu.vector_load %arg16[%get3A_328, %get3A_329] {strides = array<i32>} : memref<80x128xf32, #tpu.memory_space<vmem>>, vector<16xf32>,
        %mul3A_331 = arith.mulf %get3A_330, %gather3A_292 : vector<16xf32>
        %swap3A_332 = arith.index_cast %add3A_290 : i32 to index
        %swap3A_333 = arith.constant 80 : index
        %swap3A_334 = tpu.vector_load %arg16[%swap3A_332, %swap3A_333] {strides = array<i32>} : memref<80x128xf32, #tpu.memory_space<vmem>>, vector<16xf32>,
        tpu.vector_store %arg16[%swap3A_332, %swap3A_333], %mul3A_331 {strides = array<i32>} : memref<80x128xf32, #tpu.memory_space<vmem>>, vector<16xf32>,
        %get3A_335 = arith.index_cast %add3A_290 : i32 to index
        %get3A_336 = arith.constant 96 : index
        %get3A_337 = tpu.vector_load %arg16[%get3A_335, %get3A_336] {strides = array<i32>} : memref<80x128xf32, #tpu.memory_space<vmem>>, vector<16xf32>,
        %mul3A_338 = arith.mulf %get3A_337, %gather3A_292 : vector<16xf32>
        %swap3A_339 = arith.index_cast %add3A_290 : i32 to index
        %swap3A_340 = arith.constant 96 : index
        %swap3A_341 = tpu.vector_load %arg16[%swap3A_339, %swap3A_340] {strides = array<i32>} : memref<80x128xf32, #tpu.memory_space<vmem>>, vector<16xf32>,
        tpu.vector_store %arg16[%swap3A_339, %swap3A_340], %mul3A_338 {strides = array<i32>} : memref<80x128xf32, #tpu.memory_space<vmem>>, vector<16xf32>,
        %get3A_342 = arith.index_cast %add3A_290 : i32 to index
        %get3A_343 = arith.constant 112 : index
        %get3A_344 = tpu.vector_load %arg16[%get3A_342, %get3A_343] {strides = array<i32>} : memref<80x128xf32, #tpu.memory_space<vmem>>, vector<16xf32>,
        %mul3A_345 = arith.mulf %get3A_344, %gather3A_292 : vector<16xf32>
        %swap3A_346 = arith.index_cast %add3A_290 : i32 to index
        %swap3A_347 = arith.constant 112 : index
        %swap3A_348 = tpu.vector_load %arg16[%swap3A_346, %swap3A_347] {strides = array<i32>} : memref<80x128xf32, #tpu.memory_space<vmem>>, vector<16xf32>,
        tpu.vector_store %arg16[%swap3A_346, %swap3A_347], %mul3A_345 {strides = array<i32>} : memref<80x128xf32, #tpu.memory_space<vmem>>, vector<16xf32>,
        %mul3A_349 = arith.constant 8 : i32
        %mul3A_350 = arith.muli %scan3A_103, %mul3A_349 : i32
        %add3A_351 = arith.constant 4 : i32
        %add3A_352 = arith.addi %mul3A_350, %add3A_351 : i32
        %broadcast_in_dim3A_353 = vector.broadcast %add3A_352 : i32 to vector<16xi32>
        %gather3A_354 = tpu.vector_load_idx %arg14[%broadcast_in_dim3A_353] : memref<80xf32, #tpu.memory_space<vmem>>[vector<16xi32>], vector<16xf32>,
        %get3A_355 = arith.index_cast %add3A_352 : i32 to index
        %get3A_356 = arith.constant 0 : index
        %get3A_357 = tpu.vector_load %arg16[%get3A_355, %get3A_356] {strides = array<i32>} : memref<80x128xf32, #tpu.memory_space<vmem>>, vector<16xf32>,
        %mul3A_358 = arith.mulf %get3A_357, %gather3A_354 : vector<16xf32>
        %swap3A_359 = arith.index_cast %add3A_352 : i32 to index
        %swap3A_360 = arith.constant 0 : index
        %swap3A_361 = tpu.vector_load %arg16[%swap3A_359, %swap3A_360] {strides = array<i32>} : memref<80x128xf32, #tpu.memory_space<vmem>>, vector<16xf32>,
        tpu.vector_store %arg16[%swap3A_359, %swap3A_360], %mul3A_358 {strides = array<i32>} : memref<80x128xf32, #tpu.memory_space<vmem>>, vector<16xf32>,
        %get3A_362 = arith.index_cast %add3A_352 : i32 to index
        %get3A_363 = arith.constant 16 : index
        %get3A_364 = tpu.vector_load %arg16[%get3A_362, %get3A_363] {strides = array<i32>} : memref<80x128xf32, #tpu.memory_space<vmem>>, vector<16xf32>,
        %mul3A_365 = arith.mulf %get3A_364, %gather3A_354 : vector<16xf32>
        %swap3A_366 = arith.index_cast %add3A_352 : i32 to index
        %swap3A_367 = arith.constant 16 : index
        %swap3A_368 = tpu.vector_load %arg16[%swap3A_366, %swap3A_367] {strides = array<i32>} : memref<80x128xf32, #tpu.memory_space<vmem>>, vector<16xf32>,
        tpu.vector_store %arg16[%swap3A_366, %swap3A_367], %mul3A_365 {strides = array<i32>} : memref<80x128xf32, #tpu.memory_space<vmem>>, vector<16xf32>,
        %get3A_369 = arith.index_cast %add3A_352 : i32 to index
        %get3A_370 = arith.constant 32 : index
        %get3A_371 = tpu.vector_load %arg16[%get3A_369, %get3A_370] {strides = array<i32>} : memref<80x128xf32, #tpu.memory_space<vmem>>, vector<16xf32>,
        %mul3A_372 = arith.mulf %get3A_371, %gather3A_354 : vector<16xf32>
        %swap3A_373 = arith.index_cast %add3A_352 : i32 to index
        %swap3A_374 = arith.constant 32 : index
        %swap3A_375 = tpu.vector_load %arg16[%swap3A_373, %swap3A_374] {strides = array<i32>} : memref<80x128xf32, #tpu.memory_space<vmem>>, vector<16xf32>,
        tpu.vector_store %arg16[%swap3A_373, %swap3A_374], %mul3A_372 {strides = array<i32>} : memref<80x128xf32, #tpu.memory_space<vmem>>, vector<16xf32>,
        %get3A_376 = arith.index_cast %add3A_352 : i32 to index
        %get3A_377 = arith.constant 48 : index
        %get3A_378 = tpu.vector_load %arg16[%get3A_376, %get3A_377] {strides = array<i32>} : memref<80x128xf32, #tpu.memory_space<vmem>>, vector<16xf32>,
        %mul3A_379 = arith.mulf %get3A_378, %gather3A_354 : vector<16xf32>
        %swap3A_380 = arith.index_cast %add3A_352 : i32 to index
        %swap3A_381 = arith.constant 48 : index
        %swap3A_382 = tpu.vector_load %arg16[%swap3A_380, %swap3A_381] {strides = array<i32>} : memref<80x128xf32, #tpu.memory_space<vmem>>, vector<16xf32>,
        tpu.vector_store %arg16[%swap3A_380, %swap3A_381], %mul3A_379 {strides = array<i32>} : memref<80x128xf32, #tpu.memory_space<vmem>>, vector<16xf32>,
        %get3A_383 = arith.index_cast %add3A_352 : i32 to index
        %get3A_384 = arith.constant 64 : index
        %get3A_385 = tpu.vector_load %arg16[%get3A_383, %get3A_384] {strides = array<i32>} : memref<80x128xf32, #tpu.memory_space<vmem>>, vector<16xf32>,
        %mul3A_386 = arith.mulf %get3A_385, %gather3A_354 : vector<16xf32>
        %swap3A_387 = arith.index_cast %add3A_352 : i32 to index
        %swap3A_388 = arith.constant 64 : index
        %swap3A_389 = tpu.vector_load %arg16[%swap3A_387, %swap3A_388] {strides = array<i32>} : memref<80x128xf32, #tpu.memory_space<vmem>>, vector<16xf32>,
        tpu.vector_store %arg16[%swap3A_387, %swap3A_388], %mul3A_386 {strides = array<i32>} : memref<80x128xf32, #tpu.memory_space<vmem>>, vector<16xf32>,
        %get3A_390 = arith.index_cast %add3A_352 : i32 to index
        %get3A_391 = arith.constant 80 : index
        %get3A_392 = tpu.vector_load %arg16[%get3A_390, %get3A_391] {strides = array<i32>} : memref<80x128xf32, #tpu.memory_space<vmem>>, vector<16xf32>,
        %mul3A_393 = arith.mulf %get3A_392, %gather3A_354 : vector<16xf32>
        %swap3A_394 = arith.index_cast %add3A_352 : i32 to index
        %swap3A_395 = arith.constant 80 : index
        %swap3A_396 = tpu.vector_load %arg16[%swap3A_394, %swap3A_395] {strides = array<i32>} : memref<80x128xf32, #tpu.memory_space<vmem>>, vector<16xf32>,
        tpu.vector_store %arg16[%swap3A_394, %swap3A_395], %mul3A_393 {strides = array<i32>} : memref<80x128xf32, #tpu.memory_space<vmem>>, vector<16xf32>,
        %get3A_397 = arith.index_cast %add3A_352 : i32 to index
        %get3A_398 = arith.constant 96 : index
        %get3A_399 = tpu.vector_load %arg16[%get3A_397, %get3A_398] {strides = array<i32>} : memref<80x128xf32, #tpu.memory_space<vmem>>, vector<16xf32>,
        %mul3A_400 = arith.mulf %get3A_399, %gather3A_354 : vector<16xf32>
        %swap3A_401 = arith.index_cast %add3A_352 : i32 to index
        %swap3A_402 = arith.constant 96 : index
        %swap3A_403 = tpu.vector_load %arg16[%swap3A_401, %swap3A_402] {strides = array<i32>} : memref<80x128xf32, #tpu.memory_space<vmem>>, vector<16xf32>,
        tpu.vector_store %arg16[%swap3A_401, %swap3A_402], %mul3A_400 {strides = array<i32>} : memref<80x128xf32, #tpu.memory_space<vmem>>, vector<16xf32>,
        %get3A_404 = arith.index_cast %add3A_352 : i32 to index
        %get3A_405 = arith.constant 112 : index
        %get3A_406 = tpu.vector_load %arg16[%get3A_404, %get3A_405] {strides = array<i32>} : memref<80x128xf32, #tpu.memory_space<vmem>>, vector<16xf32>,
        %mul3A_407 = arith.mulf %get3A_406, %gather3A_354 : vector<16xf32>
        %swap3A_408 = arith.index_cast %add3A_352 : i32 to index
        %swap3A_409 = arith.constant 112 : index
        %swap3A_410 = tpu.vector_load %arg16[%swap3A_408, %swap3A_409] {strides = array<i32>} : memref<80x128xf32, #tpu.memory_space<vmem>>, vector<16xf32>,
        tpu.vector_store %arg16[%swap3A_408, %swap3A_409], %mul3A_407 {strides = array<i32>} : memref<80x128xf32, #tpu.memory_space<vmem>>, vector<16xf32>,
        %mul3A_411 = arith.constant 8 : i32
        %mul3A_412 = arith.muli %scan3A_103, %mul3A_411 : i32
        %add3A_413 = arith.constant 5 : i32
        %add3A_414 = arith.addi %mul3A_412, %add3A_413 : i32
        %broadcast_in_dim3A_415 = vector.broadcast %add3A_414 : i32 to vector<16xi32>
        %gather3A_416 = tpu.vector_load_idx %arg14[%broadcast_in_dim3A_415] : memref<80xf32, #tpu.memory_space<vmem>>[vector<16xi32>], vector<16xf32>,
        %get3A_417 = arith.index_cast %add3A_414 : i32 to index
        %get3A_418 = arith.constant 0 : index
        %get3A_419 = tpu.vector_load %arg16[%get3A_417, %get3A_418] {strides = array<i32>} : memref<80x128xf32, #tpu.memory_space<vmem>>, vector<16xf32>,
        %mul3A_420 = arith.mulf %get3A_419, %gather3A_416 : vector<16xf32>
        %swap3A_421 = arith.index_cast %add3A_414 : i32 to index
        %swap3A_422 = arith.constant 0 : index
        %swap3A_423 = tpu.vector_load %arg16[%swap3A_421, %swap3A_422] {strides = array<i32>} : memref<80x128xf32, #tpu.memory_space<vmem>>, vector<16xf32>,
        tpu.vector_store %arg16[%swap3A_421, %swap3A_422], %mul3A_420 {strides = array<i32>} : memref<80x128xf32, #tpu.memory_space<vmem>>, vector<16xf32>,
        %get3A_424 = arith.index_cast %add3A_414 : i32 to index
        %get3A_425 = arith.constant 16 : index
        %get3A_426 = tpu.vector_load %arg16[%get3A_424, %get3A_425] {strides = array<i32>} : memref<80x128xf32, #tpu.memory_space<vmem>>, vector<16xf32>,
        %mul3A_427 = arith.mulf %get3A_426, %gather3A_416 : vector<16xf32>
        %swap3A_428 = arith.index_cast %add3A_414 : i32 to index
        %swap3A_429 = arith.constant 16 : index
        %swap3A_430 = tpu.vector_load %arg16[%swap3A_428, %swap3A_429] {strides = array<i32>} : memref<80x128xf32, #tpu.memory_space<vmem>>, vector<16xf32>,
        tpu.vector_store %arg16[%swap3A_428, %swap3A_429], %mul3A_427 {strides = array<i32>} : memref<80x128xf32, #tpu.memory_space<vmem>>, vector<16xf32>,
        %get3A_431 = arith.index_cast %add3A_414 : i32 to index
        %get3A_432 = arith.constant 32 : index
        %get3A_433 = tpu.vector_load %arg16[%get3A_431, %get3A_432] {strides = array<i32>} : memref<80x128xf32, #tpu.memory_space<vmem>>, vector<16xf32>,
        %mul3A_434 = arith.mulf %get3A_433, %gather3A_416 : vector<16xf32>
        %swap3A_435 = arith.index_cast %add3A_414 : i32 to index
        %swap3A_436 = arith.constant 32 : index
        %swap3A_437 = tpu.vector_load %arg16[%swap3A_435, %swap3A_436] {strides = array<i32>} : memref<80x128xf32, #tpu.memory_space<vmem>>, vector<16xf32>,
        tpu.vector_store %arg16[%swap3A_435, %swap3A_436], %mul3A_434 {strides = array<i32>} : memref<80x128xf32, #tpu.memory_space<vmem>>, vector<16xf32>,
        %get3A_438 = arith.index_cast %add3A_414 : i32 to index
        %get3A_439 = arith.constant 48 : index
        %get3A_440 = tpu.vector_load %arg16[%get3A_438, %get3A_439] {strides = array<i32>} : memref<80x128xf32, #tpu.memory_space<vmem>>, vector<16xf32>,
        %mul3A_441 = arith.mulf %get3A_440, %gather3A_416 : vector<16xf32>
        %swap3A_442 = arith.index_cast %add3A_414 : i32 to index
        %swap3A_443 = arith.constant 48 : index
        %swap3A_444 = tpu.vector_load %arg16[%swap3A_442, %swap3A_443] {strides = array<i32>} : memref<80x128xf32, #tpu.memory_space<vmem>>, vector<16xf32>,
        tpu.vector_store %arg16[%swap3A_442, %swap3A_443], %mul3A_441 {strides = array<i32>} : memref<80x128xf32, #tpu.memory_space<vmem>>, vector<16xf32>,
        %get3A_445 = arith.index_cast %add3A_414 : i32 to index
        %get3A_446 = arith.constant 64 : index
        %get3A_447 = tpu.vector_load %arg16[%get3A_445, %get3A_446] {strides = array<i32>} : memref<80x128xf32, #tpu.memory_space<vmem>>, vector<16xf32>,
        %mul3A_448 = arith.mulf %get3A_447, %gather3A_416 : vector<16xf32>
        %swap3A_449 = arith.index_cast %add3A_414 : i32 to index
        %swap3A_450 = arith.constant 64 : index
        %swap3A_451 = tpu.vector_load %arg16[%swap3A_449, %swap3A_450] {strides = array<i32>} : memref<80x128xf32, #tpu.memory_space<vmem>>, vector<16xf32>,
        tpu.vector_store %arg16[%swap3A_449, %swap3A_450], %mul3A_448 {strides = array<i32>} : memref<80x128xf32, #tpu.memory_space<vmem>>, vector<16xf32>,
        %get3A_452 = arith.index_cast %add3A_414 : i32 to index
        %get3A_453 = arith.constant 80 : index
        %get3A_454 = tpu.vector_load %arg16[%get3A_452, %get3A_453] {strides = array<i32>} : memref<80x128xf32, #tpu.memory_space<vmem>>, vector<16xf32>,
        %mul3A_455 = arith.mulf %get3A_454, %gather3A_416 : vector<16xf32>
        %swap3A_456 = arith.index_cast %add3A_414 : i32 to index
        %swap3A_457 = arith.constant 80 : index
        %swap3A_458 = tpu.vector_load %arg16[%swap3A_456, %swap3A_457] {strides = array<i32>} : memref<80x128xf32, #tpu.memory_space<vmem>>, vector<16xf32>,
        tpu.vector_store %arg16[%swap3A_456, %swap3A_457], %mul3A_455 {strides = array<i32>} : memref<80x128xf32, #tpu.memory_space<vmem>>, vector<16xf32>,
        %get3A_459 = arith.index_cast %add3A_414 : i32 to index
        %get3A_460 = arith.constant 96 : index
        %get3A_461 = tpu.vector_load %arg16[%get3A_459, %get3A_460] {strides = array<i32>} : memref<80x128xf32, #tpu.memory_space<vmem>>, vector<16xf32>,
        %mul3A_462 = arith.mulf %get3A_461, %gather3A_416 : vector<16xf32>
        %swap3A_463 = arith.index_cast %add3A_414 : i32 to index
        %swap3A_464 = arith.constant 96 : index
        %swap3A_465 = tpu.vector_load %arg16[%swap3A_463, %swap3A_464] {strides = array<i32>} : memref<80x128xf32, #tpu.memory_space<vmem>>, vector<16xf32>,
        tpu.vector_store %arg16[%swap3A_463, %swap3A_464], %mul3A_462 {strides = array<i32>} : memref<80x128xf32, #tpu.memory_space<vmem>>, vector<16xf32>,
        %get3A_466 = arith.index_cast %add3A_414 : i32 to index
        %get3A_467 = arith.constant 112 : index
        %get3A_468 = tpu.vector_load %arg16[%get3A_466, %get3A_467] {strides = array<i32>} : memref<80x128xf32, #tpu.memory_space<vmem>>, vector<16xf32>,
        %mul3A_469 = arith.mulf %get3A_468, %gather3A_416 : vector<16xf32>
        %swap3A_470 = arith.index_cast %add3A_414 : i32 to index
        %swap3A_471 = arith.constant 112 : index
        %swap3A_472 = tpu.vector_load %arg16[%swap3A_470, %swap3A_471] {strides = array<i32>} : memref<80x128xf32, #tpu.memory_space<vmem>>, vector<16xf32>,
        tpu.vector_store %arg16[%swap3A_470, %swap3A_471], %mul3A_469 {strides = array<i32>} : memref<80x128xf32, #tpu.memory_space<vmem>>, vector<16xf32>,
        %mul3A_473 = arith.constant 8 : i32
        %mul3A_474 = arith.muli %scan3A_103, %mul3A_473 : i32
        %add3A_475 = arith.constant 6 : i32
        %add3A_476 = arith.addi %mul3A_474, %add3A_475 : i32
        %broadcast_in_dim3A_477 = vector.broadcast %add3A_476 : i32 to vector<16xi32>
        %gather3A_478 = tpu.vector_load_idx %arg14[%broadcast_in_dim3A_477] : memref<80xf32, #tpu.memory_space<vmem>>[vector<16xi32>], vector<16xf32>,
        %get3A_479 = arith.index_cast %add3A_476 : i32 to index
        %get3A_480 = arith.constant 0 : index
        %get3A_481 = tpu.vector_load %arg16[%get3A_479, %get3A_480] {strides = array<i32>} : memref<80x128xf32, #tpu.memory_space<vmem>>, vector<16xf32>,
        %mul3A_482 = arith.mulf %get3A_481, %gather3A_478 : vector<16xf32>
        %swap3A_483 = arith.index_cast %add3A_476 : i32 to index
        %swap3A_484 = arith.constant 0 : index
        %swap3A_485 = tpu.vector_load %arg16[%swap3A_483, %swap3A_484] {strides = array<i32>} : memref<80x128xf32, #tpu.memory_space<vmem>>, vector<16xf32>,
        tpu.vector_store %arg16[%swap3A_483, %swap3A_484], %mul3A_482 {strides = array<i32>} : memref<80x128xf32, #tpu.memory_space<vmem>>, vector<16xf32>,
        %get3A_486 = arith.index_cast %add3A_476 : i32 to index
        %get3A_487 = arith.constant 16 : index
        %get3A_488 = tpu.vector_load %arg16[%get3A_486, %get3A_487] {strides = array<i32>} : memref<80x128xf32, #tpu.memory_space<vmem>>, vector<16xf32>,
        %mul3A_489 = arith.mulf %get3A_488, %gather3A_478 : vector<16xf32>
        %swap3A_490 = arith.index_cast %add3A_476 : i32 to index
        %swap3A_491 = arith.constant 16 : index
        %swap3A_492 = tpu.vector_load %arg16[%swap3A_490, %swap3A_491] {strides = array<i32>} : memref<80x128xf32, #tpu.memory_space<vmem>>, vector<16xf32>,
        tpu.vector_store %arg16[%swap3A_490, %swap3A_491], %mul3A_489 {strides = array<i32>} : memref<80x128xf32, #tpu.memory_space<vmem>>, vector<16xf32>,
        %get3A_493 = arith.index_cast %add3A_476 : i32 to index
        %get3A_494 = arith.constant 32 : index
        %get3A_495 = tpu.vector_load %arg16[%get3A_493, %get3A_494] {strides = array<i32>} : memref<80x128xf32, #tpu.memory_space<vmem>>, vector<16xf32>,
        %mul3A_496 = arith.mulf %get3A_495, %gather3A_478 : vector<16xf32>
        %swap3A_497 = arith.index_cast %add3A_476 : i32 to index
        %swap3A_498 = arith.constant 32 : index
        %swap3A_499 = tpu.vector_load %arg16[%swap3A_497, %swap3A_498] {strides = array<i32>} : memref<80x128xf32, #tpu.memory_space<vmem>>, vector<16xf32>,
        tpu.vector_store %arg16[%swap3A_497, %swap3A_498], %mul3A_496 {strides = array<i32>} : memref<80x128xf32, #tpu.memory_space<vmem>>, vector<16xf32>,
        %get3A_500 = arith.index_cast %add3A_476 : i32 to index
        %get3A_501 = arith.constant 48 : index
        %get3A_502 = tpu.vector_load %arg16[%get3A_500, %get3A_501] {strides = array<i32>} : memref<80x128xf32, #tpu.memory_space<vmem>>, vector<16xf32>,
        %mul3A_503 = arith.mulf %get3A_502, %gather3A_478 : vector<16xf32>
        %swap3A_504 = arith.index_cast %add3A_476 : i32 to index
        %swap3A_505 = arith.constant 48 : index
        %swap3A_506 = tpu.vector_load %arg16[%swap3A_504, %swap3A_505] {strides = array<i32>} : memref<80x128xf32, #tpu.memory_space<vmem>>, vector<16xf32>,
        tpu.vector_store %arg16[%swap3A_504, %swap3A_505], %mul3A_503 {strides = array<i32>} : memref<80x128xf32, #tpu.memory_space<vmem>>, vector<16xf32>,
        %get3A_507 = arith.index_cast %add3A_476 : i32 to index
        %get3A_508 = arith.constant 64 : index
        %get3A_509 = tpu.vector_load %arg16[%get3A_507, %get3A_508] {strides = array<i32>} : memref<80x128xf32, #tpu.memory_space<vmem>>, vector<16xf32>,
        %mul3A_510 = arith.mulf %get3A_509, %gather3A_478 : vector<16xf32>
        %swap3A_511 = arith.index_cast %add3A_476 : i32 to index
        %swap3A_512 = arith.constant 64 : index
        %swap3A_513 = tpu.vector_load %arg16[%swap3A_511, %swap3A_512] {strides = array<i32>} : memref<80x128xf32, #tpu.memory_space<vmem>>, vector<16xf32>,
        tpu.vector_store %arg16[%swap3A_511, %swap3A_512], %mul3A_510 {strides = array<i32>} : memref<80x128xf32, #tpu.memory_space<vmem>>, vector<16xf32>,
        %get3A_514 = arith.index_cast %add3A_476 : i32 to index
        %get3A_515 = arith.constant 80 : index
        %get3A_516 = tpu.vector_load %arg16[%get3A_514, %get3A_515] {strides = array<i32>} : memref<80x128xf32, #tpu.memory_space<vmem>>, vector<16xf32>,
        %mul3A_517 = arith.mulf %get3A_516, %gather3A_478 : vector<16xf32>
        %swap3A_518 = arith.index_cast %add3A_476 : i32 to index
        %swap3A_519 = arith.constant 80 : index
        %swap3A_520 = tpu.vector_load %arg16[%swap3A_518, %swap3A_519] {strides = array<i32>} : memref<80x128xf32, #tpu.memory_space<vmem>>, vector<16xf32>,
        tpu.vector_store %arg16[%swap3A_518, %swap3A_519], %mul3A_517 {strides = array<i32>} : memref<80x128xf32, #tpu.memory_space<vmem>>, vector<16xf32>,
        %get3A_521 = arith.index_cast %add3A_476 : i32 to index
        %get3A_522 = arith.constant 96 : index
        %get3A_523 = tpu.vector_load %arg16[%get3A_521, %get3A_522] {strides = array<i32>} : memref<80x128xf32, #tpu.memory_space<vmem>>, vector<16xf32>,
        %mul3A_524 = arith.mulf %get3A_523, %gather3A_478 : vector<16xf32>
        %swap3A_525 = arith.index_cast %add3A_476 : i32 to index
        %swap3A_526 = arith.constant 96 : index
        %swap3A_527 = tpu.vector_load %arg16[%swap3A_525, %swap3A_526] {strides = array<i32>} : memref<80x128xf32, #tpu.memory_space<vmem>>, vector<16xf32>,
        tpu.vector_store %arg16[%swap3A_525, %swap3A_526], %mul3A_524 {strides = array<i32>} : memref<80x128xf32, #tpu.memory_space<vmem>>, vector<16xf32>,
        %get3A_528 = arith.index_cast %add3A_476 : i32 to index
        %get3A_529 = arith.constant 112 : index
        %get3A_530 = tpu.vector_load %arg16[%get3A_528, %get3A_529] {strides = array<i32>} : memref<80x128xf32, #tpu.memory_space<vmem>>, vector<16xf32>,
        %mul3A_531 = arith.mulf %get3A_530, %gather3A_478 : vector<16xf32>
        %swap3A_532 = arith.index_cast %add3A_476 : i32 to index
        %swap3A_533 = arith.constant 112 : index
        %swap3A_534 = tpu.vector_load %arg16[%swap3A_532, %swap3A_533] {strides = array<i32>} : memref<80x128xf32, #tpu.memory_space<vmem>>, vector<16xf32>,
        tpu.vector_store %arg16[%swap3A_532, %swap3A_533], %mul3A_531 {strides = array<i32>} : memref<80x128xf32, #tpu.memory_space<vmem>>, vector<16xf32>,
        %mul3A_535 = arith.constant 8 : i32
        %mul3A_536 = arith.muli %scan3A_103, %mul3A_535 : i32
        %add3A_537 = arith.constant 7 : i32
        %add3A_538 = arith.addi %mul3A_536, %add3A_537 : i32
        %broadcast_in_dim3A_539 = vector.broadcast %add3A_538 : i32 to vector<16xi32>
        %gather3A_540 = tpu.vector_load_idx %arg14[%broadcast_in_dim3A_539] : memref<80xf32, #tpu.memory_space<vmem>>[vector<16xi32>], vector<16xf32>,
        %get3A_541 = arith.index_cast %add3A_538 : i32 to index
        %get3A_542 = arith.constant 0 : index
        %get3A_543 = tpu.vector_load %arg16[%get3A_541, %get3A_542] {strides = array<i32>} : memref<80x128xf32, #tpu.memory_space<vmem>>, vector<16xf32>,
        %mul3A_544 = arith.mulf %get3A_543, %gather3A_540 : vector<16xf32>
        %swap3A_545 = arith.index_cast %add3A_538 : i32 to index
        %swap3A_546 = arith.constant 0 : index
        %swap3A_547 = tpu.vector_load %arg16[%swap3A_545, %swap3A_546] {strides = array<i32>} : memref<80x128xf32, #tpu.memory_space<vmem>>, vector<16xf32>,
        tpu.vector_store %arg16[%swap3A_545, %swap3A_546], %mul3A_544 {strides = array<i32>} : memref<80x128xf32, #tpu.memory_space<vmem>>, vector<16xf32>,
        %get3A_548 = arith.index_cast %add3A_538 : i32 to index
        %get3A_549 = arith.constant 16 : index
        %get3A_550 = tpu.vector_load %arg16[%get3A_548, %get3A_549] {strides = array<i32>} : memref<80x128xf32, #tpu.memory_space<vmem>>, vector<16xf32>,
        %mul3A_551 = arith.mulf %get3A_550, %gather3A_540 : vector<16xf32>
        %swap3A_552 = arith.index_cast %add3A_538 : i32 to index
        %swap3A_553 = arith.constant 16 : index
        %swap3A_554 = tpu.vector_load %arg16[%swap3A_552, %swap3A_553] {strides = array<i32>} : memref<80x128xf32, #tpu.memory_space<vmem>>, vector<16xf32>,
        tpu.vector_store %arg16[%swap3A_552, %swap3A_553], %mul3A_551 {strides = array<i32>} : memref<80x128xf32, #tpu.memory_space<vmem>>, vector<16xf32>,
        %get3A_555 = arith.index_cast %add3A_538 : i32 to index
        %get3A_556 = arith.constant 32 : index
        %get3A_557 = tpu.vector_load %arg16[%get3A_555, %get3A_556] {strides = array<i32>} : memref<80x128xf32, #tpu.memory_space<vmem>>, vector<16xf32>,
        %mul3A_558 = arith.mulf %get3A_557, %gather3A_540 : vector<16xf32>
        %swap3A_559 = arith.index_cast %add3A_538 : i32 to index
        %swap3A_560 = arith.constant 32 : index
        %swap3A_561 = tpu.vector_load %arg16[%swap3A_559, %swap3A_560] {strides = array<i32>} : memref<80x128xf32, #tpu.memory_space<vmem>>, vector<16xf32>,
        tpu.vector_store %arg16[%swap3A_559, %swap3A_560], %mul3A_558 {strides = array<i32>} : memref<80x128xf32, #tpu.memory_space<vmem>>, vector<16xf32>,
        %get3A_562 = arith.index_cast %add3A_538 : i32 to index
        %get3A_563 = arith.constant 48 : index
        %get3A_564 = tpu.vector_load %arg16[%get3A_562, %get3A_563] {strides = array<i32>} : memref<80x128xf32, #tpu.memory_space<vmem>>, vector<16xf32>,
        %mul3A_565 = arith.mulf %get3A_564, %gather3A_540 : vector<16xf32>
        %swap3A_566 = arith.index_cast %add3A_538 : i32 to index
        %swap3A_567 = arith.constant 48 : index
        %swap3A_568 = tpu.vector_load %arg16[%swap3A_566, %swap3A_567] {strides = array<i32>} : memref<80x128xf32, #tpu.memory_space<vmem>>, vector<16xf32>,
        tpu.vector_store %arg16[%swap3A_566, %swap3A_567], %mul3A_565 {strides = array<i32>} : memref<80x128xf32, #tpu.memory_space<vmem>>, vector<16xf32>,
        %get3A_569 = arith.index_cast %add3A_538 : i32 to index
        %get3A_570 = arith.constant 64 : index
        %get3A_571 = tpu.vector_load %arg16[%get3A_569, %get3A_570] {strides = array<i32>} : memref<80x128xf32, #tpu.memory_space<vmem>>, vector<16xf32>,
        %mul3A_572 = arith.mulf %get3A_571, %gather3A_540 : vector<16xf32>
        %swap3A_573 = arith.index_cast %add3A_538 : i32 to index
        %swap3A_574 = arith.constant 64 : index
        %swap3A_575 = tpu.vector_load %arg16[%swap3A_573, %swap3A_574] {strides = array<i32>} : memref<80x128xf32, #tpu.memory_space<vmem>>, vector<16xf32>,
        tpu.vector_store %arg16[%swap3A_573, %swap3A_574], %mul3A_572 {strides = array<i32>} : memref<80x128xf32, #tpu.memory_space<vmem>>, vector<16xf32>,
        %get3A_576 = arith.index_cast %add3A_538 : i32 to index
        %get3A_577 = arith.constant 80 : index
        %get3A_578 = tpu.vector_load %arg16[%get3A_576, %get3A_577] {strides = array<i32>} : memref<80x128xf32, #tpu.memory_space<vmem>>, vector<16xf32>,
        %mul3A_579 = arith.mulf %get3A_578, %gather3A_540 : vector<16xf32>
        %swap3A_580 = arith.index_cast %add3A_538 : i32 to index
        %swap3A_581 = arith.constant 80 : index
        %swap3A_582 = tpu.vector_load %arg16[%swap3A_580, %swap3A_581] {strides = array<i32>} : memref<80x128xf32, #tpu.memory_space<vmem>>, vector<16xf32>,
        tpu.vector_store %arg16[%swap3A_580, %swap3A_581], %mul3A_579 {strides = array<i32>} : memref<80x128xf32, #tpu.memory_space<vmem>>, vector<16xf32>,
        %get3A_583 = arith.index_cast %add3A_538 : i32 to index
        %get3A_584 = arith.constant 96 : index
        %get3A_585 = tpu.vector_load %arg16[%get3A_583, %get3A_584] {strides = array<i32>} : memref<80x128xf32, #tpu.memory_space<vmem>>, vector<16xf32>,
        %mul3A_586 = arith.mulf %get3A_585, %gather3A_540 : vector<16xf32>
        %swap3A_587 = arith.index_cast %add3A_538 : i32 to index
        %swap3A_588 = arith.constant 96 : index
        %swap3A_589 = tpu.vector_load %arg16[%swap3A_587, %swap3A_588] {strides = array<i32>} : memref<80x128xf32, #tpu.memory_space<vmem>>, vector<16xf32>,
        tpu.vector_store %arg16[%swap3A_587, %swap3A_588], %mul3A_586 {strides = array<i32>} : memref<80x128xf32, #tpu.memory_space<vmem>>, vector<16xf32>,
        %get3A_590 = arith.index_cast %add3A_538 : i32 to index
        %get3A_591 = arith.constant 112 : index
        %get3A_592 = tpu.vector_load %arg16[%get3A_590, %get3A_591] {strides = array<i32>} : memref<80x128xf32, #tpu.memory_space<vmem>>, vector<16xf32>,
        %mul3A_593 = arith.mulf %get3A_592, %gather3A_540 : vector<16xf32>
        %swap3A_594 = arith.index_cast %add3A_538 : i32 to index
        %swap3A_595 = arith.constant 112 : index
        %swap3A_596 = tpu.vector_load %arg16[%swap3A_594, %swap3A_595] {strides = array<i32>} : memref<80x128xf32, #tpu.memory_space<vmem>>, vector<16xf32>,
        tpu.vector_store %arg16[%swap3A_594, %swap3A_595], %mul3A_593 {strides = array<i32>} : memref<80x128xf32, #tpu.memory_space<vmem>>, vector<16xf32>,
      }
      %scan3A_80 = arith.constant 10 : i32
      "tpu.region"() ({
        %run_scoped3A = tpu.sem_alloc : memref<!tpu.dma_semaphore, #tpu.memory_space<semaphore_mem>>
        %dma_start3A_103 = arith.constant 0 : i32
        %dma_start3A_104 = arith.constant 0 : i32
        %dma_start3A_105 = tpu.memref_slice %arg10[%dma_start3A_103, %dma_start3A_104] : memref<10000x128xf32, #tpu.memory_space<vmem_shared>> -> memref<10000x128xf32, #tpu.memory_space<vmem_shared>>
        tpu.enqueue_indirect_dma source(%arg16 : memref<80x128xf32, #tpu.memory_space<vmem>>) target(%dma_start3A_105 : memref<10000x128xf32, #tpu.memory_space<vmem_shared>>) offsets(%arg13 : memref<80xi32, #tpu.memory_space<vmem>>) semaphore(%run_scoped3A : memref<!tpu.dma_semaphore, #tpu.memory_space<semaphore_mem>>) {add = true}
        %dma_wait3A_106 = arith.constant 0 : i32
        %dma_wait3A_107 = arith.constant 0 : i32
        %dma_wait3A_108 = tpu.memref_slice %arg10[%dma_wait3A_106, %dma_wait3A_107] : memref<10000x128xf32, #tpu.memory_space<vmem_shared>> -> memref<10000x128xf32, #tpu.memory_space<vmem_shared>>
        tpu.wait_indirect_dma semaphore(%run_scoped3A : memref<!tpu.dma_semaphore, #tpu.memory_space<semaphore_mem>>) src(%arg16 : memref<80x128xf32, #tpu.memory_space<vmem>>) dst(%dma_wait3A_108 : memref<10000x128xf32, #tpu.memory_space<vmem_shared>>)
        tpu.yield
      }) : () -> ()
      %add3A_81 = arith.constant 2 : i32
      %add3A_82 = arith.addi %mul3A_60, %add3A_81 : i32
      %mul3A_83 = arith.constant 80 : i32
      %mul3A_84 = arith.muli %add3A_82, %mul3A_83 : i32
      %add3A_85 = arith.addi %mul3A_4, %mul3A_84 : i32
      "tpu.region"() ({
        %run_scoped3A = tpu.sem_alloc : memref<!tpu.dma_semaphore, #tpu.memory_space<semaphore_mem>>
        %dma_start3A_103 = tpu.memref_slice %arg3[%add3A_85] : memref<320000xi32, #tpu.memory_space<hbm>> -> memref<80xi32, #tpu.memory_space<hbm>>
        %dma_start3A_104 = tpu.memref_slice %arg3[%add3A_85] : memref<320000xi32, #tpu.memory_space<hbm>> -> memref<80xi32, #tpu.memory_space<hbm>>
        tpu.enqueue_dma source(%dma_start3A_104 : memref<80xi32, #tpu.memory_space<hbm>>) target(%arg11 : memref<80xi32, #tpu.memory_space<vmem>>) target_semaphore(%run_scoped3A : memref<!tpu.dma_semaphore, #tpu.memory_space<semaphore_mem>>)
        %dma_wait3A_105 = tpu.memref_slice %arg3[%add3A_85] : memref<320000xi32, #tpu.memory_space<hbm>> -> memref<80xi32, #tpu.memory_space<hbm>>
        %dma_wait3A_106 = tpu.memref_slice %arg3[%add3A_85] : memref<320000xi32, #tpu.memory_space<hbm>> -> memref<80xi32, #tpu.memory_space<hbm>>
        tpu.wait_dma2 semaphore(%run_scoped3A : memref<!tpu.dma_semaphore, #tpu.memory_space<semaphore_mem>>) src(%dma_wait3A_106 : memref<80xi32, #tpu.memory_space<hbm>>) dst(%arg11 : memref<80xi32, #tpu.memory_space<vmem>>)
        tpu.yield
      }) : () -> ()
      %dma_start3A_86 = arith.constant 0 : i32
      %dma_start3A_87 = arith.constant 0 : i32
      %dma_start3A_88 = tpu.memref_slice %arg6[%dma_start3A_86, %dma_start3A_87] : memref<10000x128xf32, #tpu.memory_space<hbm>> -> memref<10000x128xf32, #tpu.memory_space<hbm>>
      tpu.enqueue_indirect_dma source(%dma_start3A_88 : memref<10000x128xf32, #tpu.memory_space<hbm>>) target(%arg16 : memref<80x128xf32, #tpu.memory_space<vmem>>) offsets(%arg11 : memref<80xi32, #tpu.memory_space<vmem>>) semaphore(%arg19 : memref<!tpu.dma_semaphore, #tpu.memory_space<semaphore_mem>>)
      %dma_wait3A_89 = arith.constant 0 : i32
      %dma_wait3A_90 = arith.constant 0 : i32
      %dma_wait3A_91 = tpu.memref_slice %arg6[%dma_wait3A_89, %dma_wait3A_90] : memref<10000x128xf32, #tpu.memory_space<hbm>> -> memref<10000x128xf32, #tpu.memory_space<hbm>>
      tpu.wait_indirect_dma semaphore(%arg20 : memref<!tpu.dma_semaphore, #tpu.memory_space<semaphore_mem>>) src(%dma_wait3A_91 : memref<10000x128xf32, #tpu.memory_space<hbm>>) dst(%arg17 : memref<80x128xf32, #tpu.memory_space<vmem>>)
      %add3A_92 = arith.constant 1 : i32
      %add3A_93 = arith.addi %mul3A_60, %add3A_92 : i32
      %mul3A_94 = arith.constant 80 : i32
      %mul3A_95 = arith.muli %add3A_93, %mul3A_94 : i32
      %add3A_96 = arith.addi %mul3A_4, %mul3A_95 : i32
      "tpu.region"() ({
        %run_scoped3A = tpu.sem_alloc : memref<!tpu.dma_semaphore, #tpu.memory_space<semaphore_mem>>
        %dma_start3A_103 = tpu.memref_slice %arg2[%add3A_96] : memref<320000xi32, #tpu.memory_space<hbm>> -> memref<80xi32, #tpu.memory_space<hbm>>
        %dma_start3A_104 = tpu.memref_slice %arg2[%add3A_96] : memref<320000xi32, #tpu.memory_space<hbm>> -> memref<80xi32, #tpu.memory_space<hbm>>
        tpu.enqueue_dma source(%dma_start3A_104 : memref<80xi32, #tpu.memory_space<hbm>>) target(%arg13 : memref<80xi32, #tpu.memory_space<vmem>>) target_semaphore(%run_scoped3A : memref<!tpu.dma_semaphore, #tpu.memory_space<semaphore_mem>>)
        %dma_wait3A_105 = tpu.memref_slice %arg2[%add3A_96] : memref<320000xi32, #tpu.memory_space<hbm>> -> memref<80xi32, #tpu.memory_space<hbm>>
        %dma_wait3A_106 = tpu.memref_slice %arg2[%add3A_96] : memref<320000xi32, #tpu.memory_space<hbm>> -> memref<80xi32, #tpu.memory_space<hbm>>
        tpu.wait_dma2 semaphore(%run_scoped3A : memref<!tpu.dma_semaphore, #tpu.memory_space<semaphore_mem>>) src(%dma_wait3A_106 : memref<80xi32, #tpu.memory_space<hbm>>) dst(%arg13 : memref<80xi32, #tpu.memory_space<vmem>>)
        tpu.yield
      }) : () -> ()
      "tpu.region"() ({
        %run_scoped3A = tpu.sem_alloc : memref<!tpu.dma_semaphore, #tpu.memory_space<semaphore_mem>>
        %dma_start3A_103 = tpu.memref_slice %arg4[%add3A_96] : memref<320000xf32, #tpu.memory_space<hbm>> -> memref<80xf32, #tpu.memory_space<hbm>>
        %dma_start3A_104 = tpu.memref_slice %arg4[%add3A_96] : memref<320000xf32, #tpu.memory_space<hbm>> -> memref<80xf32, #tpu.memory_space<hbm>>
        tpu.enqueue_dma source(%dma_start3A_104 : memref<80xf32, #tpu.memory_space<hbm>>) target(%arg14 : memref<80xf32, #tpu.memory_space<vmem>>) target_semaphore(%run_scoped3A : memref<!tpu.dma_semaphore, #tpu.memory_space<semaphore_mem>>)
        %dma_wait3A_105 = tpu.memref_slice %arg4[%add3A_96] : memref<320000xf32, #tpu.memory_space<hbm>> -> memref<80xf32, #tpu.memory_space<hbm>>
        %dma_wait3A_106 = tpu.memref_slice %arg4[%add3A_96] : memref<320000xf32, #tpu.memory_space<hbm>> -> memref<80xf32, #tpu.memory_space<hbm>>
        tpu.wait_dma2 semaphore(%run_scoped3A : memref<!tpu.dma_semaphore, #tpu.memory_space<semaphore_mem>>) src(%dma_wait3A_106 : memref<80xf32, #tpu.memory_space<hbm>>) dst(%arg14 : memref<80xf32, #tpu.memory_space<vmem>>)
        tpu.yield
      }) : () -> ()
      %scan3A_97 = arith.constant 0 : i32
      %scan3A_98 = arith.constant 0 : i32
      %scan3A_99 = arith.constant 10 : i32
      %scan3A_100 = arith.addi %scan3A_98, %scan3A_99 : i32
      %scan3A_101 = arith.constant 1 : i32
      scf.for %scan3A_103 = %scan3A_98 to %scan3A_100 step %scan3A_101  : i32 {
        %mul3A_104 = arith.constant 8 : i32
        %mul3A_105 = arith.muli %scan3A_103, %mul3A_104 : i32
        %add3A_106 = arith.constant 0 : i32
        %add3A_107 = arith.addi %mul3A_105, %add3A_106 : i32
        %broadcast_in_dim3A_108 = vector.broadcast %add3A_107 : i32 to vector<16xi32>
        %gather3A = tpu.vector_load_idx %arg14[%broadcast_in_dim3A_108] : memref<80xf32, #tpu.memory_space<vmem>>[vector<16xi32>], vector<16xf32>,
        %get3A = arith.index_cast %add3A_107 : i32 to index
        %get3A_109 = arith.constant 0 : index
        %get3A_110 = tpu.vector_load %arg17[%get3A, %get3A_109] {strides = array<i32>} : memref<80x128xf32, #tpu.memory_space<vmem>>, vector<16xf32>,
        %mul3A_111 = arith.mulf %get3A_110, %gather3A : vector<16xf32>
        %swap3A = arith.index_cast %add3A_107 : i32 to index
        %swap3A_112 = arith.constant 0 : index
        %swap3A_113 = tpu.vector_load %arg17[%swap3A, %swap3A_112] {strides = array<i32>} : memref<80x128xf32, #tpu.memory_space<vmem>>, vector<16xf32>,
        tpu.vector_store %arg17[%swap3A, %swap3A_112], %mul3A_111 {strides = array<i32>} : memref<80x128xf32, #tpu.memory_space<vmem>>, vector<16xf32>,
        %get3A_114 = arith.index_cast %add3A_107 : i32 to index
        %get3A_115 = arith.constant 16 : index
        %get3A_116 = tpu.vector_load %arg17[%get3A_114, %get3A_115] {strides = array<i32>} : memref<80x128xf32, #tpu.memory_space<vmem>>, vector<16xf32>,
        %mul3A_117 = arith.mulf %get3A_116, %gather3A : vector<16xf32>
        %swap3A_118 = arith.index_cast %add3A_107 : i32 to index
        %swap3A_119 = arith.constant 16 : index
        %swap3A_120 = tpu.vector_load %arg17[%swap3A_118, %swap3A_119] {strides = array<i32>} : memref<80x128xf32, #tpu.memory_space<vmem>>, vector<16xf32>,
        tpu.vector_store %arg17[%swap3A_118, %swap3A_119], %mul3A_117 {strides = array<i32>} : memref<80x128xf32, #tpu.memory_space<vmem>>, vector<16xf32>,
        %get3A_121 = arith.index_cast %add3A_107 : i32 to index
        %get3A_122 = arith.constant 32 : index
        %get3A_123 = tpu.vector_load %arg17[%get3A_121, %get3A_122] {strides = array<i32>} : memref<80x128xf32, #tpu.memory_space<vmem>>, vector<16xf32>,
        %mul3A_124 = arith.mulf %get3A_123, %gather3A : vector<16xf32>
        %swap3A_125 = arith.index_cast %add3A_107 : i32 to index
        %swap3A_126 = arith.constant 32 : index
        %swap3A_127 = tpu.vector_load %arg17[%swap3A_125, %swap3A_126] {strides = array<i32>} : memref<80x128xf32, #tpu.memory_space<vmem>>, vector<16xf32>,
        tpu.vector_store %arg17[%swap3A_125, %swap3A_126], %mul3A_124 {strides = array<i32>} : memref<80x128xf32, #tpu.memory_space<vmem>>, vector<16xf32>,
        %get3A_128 = arith.index_cast %add3A_107 : i32 to index
        %get3A_129 = arith.constant 48 : index
        %get3A_130 = tpu.vector_load %arg17[%get3A_128, %get3A_129] {strides = array<i32>} : memref<80x128xf32, #tpu.memory_space<vmem>>, vector<16xf32>,
        %mul3A_131 = arith.mulf %get3A_130, %gather3A : vector<16xf32>
        %swap3A_132 = arith.index_cast %add3A_107 : i32 to index
        %swap3A_133 = arith.constant 48 : index
        %swap3A_134 = tpu.vector_load %arg17[%swap3A_132, %swap3A_133] {strides = array<i32>} : memref<80x128xf32, #tpu.memory_space<vmem>>, vector<16xf32>,
        tpu.vector_store %arg17[%swap3A_132, %swap3A_133], %mul3A_131 {strides = array<i32>} : memref<80x128xf32, #tpu.memory_space<vmem>>, vector<16xf32>,
        %get3A_135 = arith.index_cast %add3A_107 : i32 to index
        %get3A_136 = arith.constant 64 : index
        %get3A_137 = tpu.vector_load %arg17[%get3A_135, %get3A_136] {strides = array<i32>} : memref<80x128xf32, #tpu.memory_space<vmem>>, vector<16xf32>,
        %mul3A_138 = arith.mulf %get3A_137, %gather3A : vector<16xf32>
        %swap3A_139 = arith.index_cast %add3A_107 : i32 to index
        %swap3A_140 = arith.constant 64 : index
        %swap3A_141 = tpu.vector_load %arg17[%swap3A_139, %swap3A_140] {strides = array<i32>} : memref<80x128xf32, #tpu.memory_space<vmem>>, vector<16xf32>,
        tpu.vector_store %arg17[%swap3A_139, %swap3A_140], %mul3A_138 {strides = array<i32>} : memref<80x128xf32, #tpu.memory_space<vmem>>, vector<16xf32>,
        %get3A_142 = arith.index_cast %add3A_107 : i32 to index
        %get3A_143 = arith.constant 80 : index
        %get3A_144 = tpu.vector_load %arg17[%get3A_142, %get3A_143] {strides = array<i32>} : memref<80x128xf32, #tpu.memory_space<vmem>>, vector<16xf32>,
        %mul3A_145 = arith.mulf %get3A_144, %gather3A : vector<16xf32>
        %swap3A_146 = arith.index_cast %add3A_107 : i32 to index
        %swap3A_147 = arith.constant 80 : index
        %swap3A_148 = tpu.vector_load %arg17[%swap3A_146, %swap3A_147] {strides = array<i32>} : memref<80x128xf32, #tpu.memory_space<vmem>>, vector<16xf32>,
        tpu.vector_store %arg17[%swap3A_146, %swap3A_147], %mul3A_145 {strides = array<i32>} : memref<80x128xf32, #tpu.memory_space<vmem>>, vector<16xf32>,
        %get3A_149 = arith.index_cast %add3A_107 : i32 to index
        %get3A_150 = arith.constant 96 : index
        %get3A_151 = tpu.vector_load %arg17[%get3A_149, %get3A_150] {strides = array<i32>} : memref<80x128xf32, #tpu.memory_space<vmem>>, vector<16xf32>,
        %mul3A_152 = arith.mulf %get3A_151, %gather3A : vector<16xf32>
        %swap3A_153 = arith.index_cast %add3A_107 : i32 to index
        %swap3A_154 = arith.constant 96 : index
        %swap3A_155 = tpu.vector_load %arg17[%swap3A_153, %swap3A_154] {strides = array<i32>} : memref<80x128xf32, #tpu.memory_space<vmem>>, vector<16xf32>,
        tpu.vector_store %arg17[%swap3A_153, %swap3A_154], %mul3A_152 {strides = array<i32>} : memref<80x128xf32, #tpu.memory_space<vmem>>, vector<16xf32>,
        %get3A_156 = arith.index_cast %add3A_107 : i32 to index
        %get3A_157 = arith.constant 112 : index
        %get3A_158 = tpu.vector_load %arg17[%get3A_156, %get3A_157] {strides = array<i32>} : memref<80x128xf32, #tpu.memory_space<vmem>>, vector<16xf32>,
        %mul3A_159 = arith.mulf %get3A_158, %gather3A : vector<16xf32>
        %swap3A_160 = arith.index_cast %add3A_107 : i32 to index
        %swap3A_161 = arith.constant 112 : index
        %swap3A_162 = tpu.vector_load %arg17[%swap3A_160, %swap3A_161] {strides = array<i32>} : memref<80x128xf32, #tpu.memory_space<vmem>>, vector<16xf32>,
        tpu.vector_store %arg17[%swap3A_160, %swap3A_161], %mul3A_159 {strides = array<i32>} : memref<80x128xf32, #tpu.memory_space<vmem>>, vector<16xf32>,
        %mul3A_163 = arith.constant 8 : i32
        %mul3A_164 = arith.muli %scan3A_103, %mul3A_163 : i32
        %add3A_165 = arith.constant 1 : i32
        %add3A_166 = arith.addi %mul3A_164, %add3A_165 : i32
        %broadcast_in_dim3A_167 = vector.broadcast %add3A_166 : i32 to vector<16xi32>
        %gather3A_168 = tpu.vector_load_idx %arg14[%broadcast_in_dim3A_167] : memref<80xf32, #tpu.memory_space<vmem>>[vector<16xi32>], vector<16xf32>,
        %get3A_169 = arith.index_cast %add3A_166 : i32 to index
        %get3A_170 = arith.constant 0 : index
        %get3A_171 = tpu.vector_load %arg17[%get3A_169, %get3A_170] {strides = array<i32>} : memref<80x128xf32, #tpu.memory_space<vmem>>, vector<16xf32>,
        %mul3A_172 = arith.mulf %get3A_171, %gather3A_168 : vector<16xf32>
        %swap3A_173 = arith.index_cast %add3A_166 : i32 to index
        %swap3A_174 = arith.constant 0 : index
        %swap3A_175 = tpu.vector_load %arg17[%swap3A_173, %swap3A_174] {strides = array<i32>} : memref<80x128xf32, #tpu.memory_space<vmem>>, vector<16xf32>,
        tpu.vector_store %arg17[%swap3A_173, %swap3A_174], %mul3A_172 {strides = array<i32>} : memref<80x128xf32, #tpu.memory_space<vmem>>, vector<16xf32>,
        %get3A_176 = arith.index_cast %add3A_166 : i32 to index
        %get3A_177 = arith.constant 16 : index
        %get3A_178 = tpu.vector_load %arg17[%get3A_176, %get3A_177] {strides = array<i32>} : memref<80x128xf32, #tpu.memory_space<vmem>>, vector<16xf32>,
        %mul3A_179 = arith.mulf %get3A_178, %gather3A_168 : vector<16xf32>
        %swap3A_180 = arith.index_cast %add3A_166 : i32 to index
        %swap3A_181 = arith.constant 16 : index
        %swap3A_182 = tpu.vector_load %arg17[%swap3A_180, %swap3A_181] {strides = array<i32>} : memref<80x128xf32, #tpu.memory_space<vmem>>, vector<16xf32>,
        tpu.vector_store %arg17[%swap3A_180, %swap3A_181], %mul3A_179 {strides = array<i32>} : memref<80x128xf32, #tpu.memory_space<vmem>>, vector<16xf32>,
        %get3A_183 = arith.index_cast %add3A_166 : i32 to index
        %get3A_184 = arith.constant 32 : index
        %get3A_185 = tpu.vector_load %arg17[%get3A_183, %get3A_184] {strides = array<i32>} : memref<80x128xf32, #tpu.memory_space<vmem>>, vector<16xf32>,
        %mul3A_186 = arith.mulf %get3A_185, %gather3A_168 : vector<16xf32>
        %swap3A_187 = arith.index_cast %add3A_166 : i32 to index
        %swap3A_188 = arith.constant 32 : index
        %swap3A_189 = tpu.vector_load %arg17[%swap3A_187, %swap3A_188] {strides = array<i32>} : memref<80x128xf32, #tpu.memory_space<vmem>>, vector<16xf32>,
        tpu.vector_store %arg17[%swap3A_187, %swap3A_188], %mul3A_186 {strides = array<i32>} : memref<80x128xf32, #tpu.memory_space<vmem>>, vector<16xf32>,
        %get3A_190 = arith.index_cast %add3A_166 : i32 to index
        %get3A_191 = arith.constant 48 : index
        %get3A_192 = tpu.vector_load %arg17[%get3A_190, %get3A_191] {strides = array<i32>} : memref<80x128xf32, #tpu.memory_space<vmem>>, vector<16xf32>,
        %mul3A_193 = arith.mulf %get3A_192, %gather3A_168 : vector<16xf32>
        %swap3A_194 = arith.index_cast %add3A_166 : i32 to index
        %swap3A_195 = arith.constant 48 : index
        %swap3A_196 = tpu.vector_load %arg17[%swap3A_194, %swap3A_195] {strides = array<i32>} : memref<80x128xf32, #tpu.memory_space<vmem>>, vector<16xf32>,
        tpu.vector_store %arg17[%swap3A_194, %swap3A_195], %mul3A_193 {strides = array<i32>} : memref<80x128xf32, #tpu.memory_space<vmem>>, vector<16xf32>,
        %get3A_197 = arith.index_cast %add3A_166 : i32 to index
        %get3A_198 = arith.constant 64 : index
        %get3A_199 = tpu.vector_load %arg17[%get3A_197, %get3A_198] {strides = array<i32>} : memref<80x128xf32, #tpu.memory_space<vmem>>, vector<16xf32>,
        %mul3A_200 = arith.mulf %get3A_199, %gather3A_168 : vector<16xf32>
        %swap3A_201 = arith.index_cast %add3A_166 : i32 to index
        %swap3A_202 = arith.constant 64 : index
        %swap3A_203 = tpu.vector_load %arg17[%swap3A_201, %swap3A_202] {strides = array<i32>} : memref<80x128xf32, #tpu.memory_space<vmem>>, vector<16xf32>,
        tpu.vector_store %arg17[%swap3A_201, %swap3A_202], %mul3A_200 {strides = array<i32>} : memref<80x128xf32, #tpu.memory_space<vmem>>, vector<16xf32>,
        %get3A_204 = arith.index_cast %add3A_166 : i32 to index
        %get3A_205 = arith.constant 80 : index
        %get3A_206 = tpu.vector_load %arg17[%get3A_204, %get3A_205] {strides = array<i32>} : memref<80x128xf32, #tpu.memory_space<vmem>>, vector<16xf32>,
        %mul3A_207 = arith.mulf %get3A_206, %gather3A_168 : vector<16xf32>
        %swap3A_208 = arith.index_cast %add3A_166 : i32 to index
        %swap3A_209 = arith.constant 80 : index
        %swap3A_210 = tpu.vector_load %arg17[%swap3A_208, %swap3A_209] {strides = array<i32>} : memref<80x128xf32, #tpu.memory_space<vmem>>, vector<16xf32>,
        tpu.vector_store %arg17[%swap3A_208, %swap3A_209], %mul3A_207 {strides = array<i32>} : memref<80x128xf32, #tpu.memory_space<vmem>>, vector<16xf32>,
        %get3A_211 = arith.index_cast %add3A_166 : i32 to index
        %get3A_212 = arith.constant 96 : index
        %get3A_213 = tpu.vector_load %arg17[%get3A_211, %get3A_212] {strides = array<i32>} : memref<80x128xf32, #tpu.memory_space<vmem>>, vector<16xf32>,
        %mul3A_214 = arith.mulf %get3A_213, %gather3A_168 : vector<16xf32>
        %swap3A_215 = arith.index_cast %add3A_166 : i32 to index
        %swap3A_216 = arith.constant 96 : index
        %swap3A_217 = tpu.vector_load %arg17[%swap3A_215, %swap3A_216] {strides = array<i32>} : memref<80x128xf32, #tpu.memory_space<vmem>>, vector<16xf32>,
        tpu.vector_store %arg17[%swap3A_215, %swap3A_216], %mul3A_214 {strides = array<i32>} : memref<80x128xf32, #tpu.memory_space<vmem>>, vector<16xf32>,
        %get3A_218 = arith.index_cast %add3A_166 : i32 to index
        %get3A_219 = arith.constant 112 : index
        %get3A_220 = tpu.vector_load %arg17[%get3A_218, %get3A_219] {strides = array<i32>} : memref<80x128xf32, #tpu.memory_space<vmem>>, vector<16xf32>,
        %mul3A_221 = arith.mulf %get3A_220, %gather3A_168 : vector<16xf32>
        %swap3A_222 = arith.index_cast %add3A_166 : i32 to index
        %swap3A_223 = arith.constant 112 : index
        %swap3A_224 = tpu.vector_load %arg17[%swap3A_222, %swap3A_223] {strides = array<i32>} : memref<80x128xf32, #tpu.memory_space<vmem>>, vector<16xf32>,
        tpu.vector_store %arg17[%swap3A_222, %swap3A_223], %mul3A_221 {strides = array<i32>} : memref<80x128xf32, #tpu.memory_space<vmem>>, vector<16xf32>,
        %mul3A_225 = arith.constant 8 : i32
        %mul3A_226 = arith.muli %scan3A_103, %mul3A_225 : i32
        %add3A_227 = arith.constant 2 : i32
        %add3A_228 = arith.addi %mul3A_226, %add3A_227 : i32
        %broadcast_in_dim3A_229 = vector.broadcast %add3A_228 : i32 to vector<16xi32>
        %gather3A_230 = tpu.vector_load_idx %arg14[%broadcast_in_dim3A_229] : memref<80xf32, #tpu.memory_space<vmem>>[vector<16xi32>], vector<16xf32>,
        %get3A_231 = arith.index_cast %add3A_228 : i32 to index
        %get3A_232 = arith.constant 0 : index
        %get3A_233 = tpu.vector_load %arg17[%get3A_231, %get3A_232] {strides = array<i32>} : memref<80x128xf32, #tpu.memory_space<vmem>>, vector<16xf32>,
        %mul3A_234 = arith.mulf %get3A_233, %gather3A_230 : vector<16xf32>
        %swap3A_235 = arith.index_cast %add3A_228 : i32 to index
        %swap3A_236 = arith.constant 0 : index
        %swap3A_237 = tpu.vector_load %arg17[%swap3A_235, %swap3A_236] {strides = array<i32>} : memref<80x128xf32, #tpu.memory_space<vmem>>, vector<16xf32>,
        tpu.vector_store %arg17[%swap3A_235, %swap3A_236], %mul3A_234 {strides = array<i32>} : memref<80x128xf32, #tpu.memory_space<vmem>>, vector<16xf32>,
        %get3A_238 = arith.index_cast %add3A_228 : i32 to index
        %get3A_239 = arith.constant 16 : index
        %get3A_240 = tpu.vector_load %arg17[%get3A_238, %get3A_239] {strides = array<i32>} : memref<80x128xf32, #tpu.memory_space<vmem>>, vector<16xf32>,
        %mul3A_241 = arith.mulf %get3A_240, %gather3A_230 : vector<16xf32>
        %swap3A_242 = arith.index_cast %add3A_228 : i32 to index
        %swap3A_243 = arith.constant 16 : index
        %swap3A_244 = tpu.vector_load %arg17[%swap3A_242, %swap3A_243] {strides = array<i32>} : memref<80x128xf32, #tpu.memory_space<vmem>>, vector<16xf32>,
        tpu.vector_store %arg17[%swap3A_242, %swap3A_243], %mul3A_241 {strides = array<i32>} : memref<80x128xf32, #tpu.memory_space<vmem>>, vector<16xf32>,
        %get3A_245 = arith.index_cast %add3A_228 : i32 to index
        %get3A_246 = arith.constant 32 : index
        %get3A_247 = tpu.vector_load %arg17[%get3A_245, %get3A_246] {strides = array<i32>} : memref<80x128xf32, #tpu.memory_space<vmem>>, vector<16xf32>,
        %mul3A_248 = arith.mulf %get3A_247, %gather3A_230 : vector<16xf32>
        %swap3A_249 = arith.index_cast %add3A_228 : i32 to index
        %swap3A_250 = arith.constant 32 : index
        %swap3A_251 = tpu.vector_load %arg17[%swap3A_249, %swap3A_250] {strides = array<i32>} : memref<80x128xf32, #tpu.memory_space<vmem>>, vector<16xf32>,
        tpu.vector_store %arg17[%swap3A_249, %swap3A_250], %mul3A_248 {strides = array<i32>} : memref<80x128xf32, #tpu.memory_space<vmem>>, vector<16xf32>,
        %get3A_252 = arith.index_cast %add3A_228 : i32 to index
        %get3A_253 = arith.constant 48 : index
        %get3A_254 = tpu.vector_load %arg17[%get3A_252, %get3A_253] {strides = array<i32>} : memref<80x128xf32, #tpu.memory_space<vmem>>, vector<16xf32>,
        %mul3A_255 = arith.mulf %get3A_254, %gather3A_230 : vector<16xf32>
        %swap3A_256 = arith.index_cast %add3A_228 : i32 to index
        %swap3A_257 = arith.constant 48 : index
        %swap3A_258 = tpu.vector_load %arg17[%swap3A_256, %swap3A_257] {strides = array<i32>} : memref<80x128xf32, #tpu.memory_space<vmem>>, vector<16xf32>,
        tpu.vector_store %arg17[%swap3A_256, %swap3A_257], %mul3A_255 {strides = array<i32>} : memref<80x128xf32, #tpu.memory_space<vmem>>, vector<16xf32>,
        %get3A_259 = arith.index_cast %add3A_228 : i32 to index
        %get3A_260 = arith.constant 64 : index
        %get3A_261 = tpu.vector_load %arg17[%get3A_259, %get3A_260] {strides = array<i32>} : memref<80x128xf32, #tpu.memory_space<vmem>>, vector<16xf32>,
        %mul3A_262 = arith.mulf %get3A_261, %gather3A_230 : vector<16xf32>
        %swap3A_263 = arith.index_cast %add3A_228 : i32 to index
        %swap3A_264 = arith.constant 64 : index
        %swap3A_265 = tpu.vector_load %arg17[%swap3A_263, %swap3A_264] {strides = array<i32>} : memref<80x128xf32, #tpu.memory_space<vmem>>, vector<16xf32>,
        tpu.vector_store %arg17[%swap3A_263, %swap3A_264], %mul3A_262 {strides = array<i32>} : memref<80x128xf32, #tpu.memory_space<vmem>>, vector<16xf32>,
        %get3A_266 = arith.index_cast %add3A_228 : i32 to index
        %get3A_267 = arith.constant 80 : index
        %get3A_268 = tpu.vector_load %arg17[%get3A_266, %get3A_267] {strides = array<i32>} : memref<80x128xf32, #tpu.memory_space<vmem>>, vector<16xf32>,
        %mul3A_269 = arith.mulf %get3A_268, %gather3A_230 : vector<16xf32>
        %swap3A_270 = arith.index_cast %add3A_228 : i32 to index
        %swap3A_271 = arith.constant 80 : index
        %swap3A_272 = tpu.vector_load %arg17[%swap3A_270, %swap3A_271] {strides = array<i32>} : memref<80x128xf32, #tpu.memory_space<vmem>>, vector<16xf32>,
        tpu.vector_store %arg17[%swap3A_270, %swap3A_271], %mul3A_269 {strides = array<i32>} : memref<80x128xf32, #tpu.memory_space<vmem>>, vector<16xf32>,
        %get3A_273 = arith.index_cast %add3A_228 : i32 to index
        %get3A_274 = arith.constant 96 : index
        %get3A_275 = tpu.vector_load %arg17[%get3A_273, %get3A_274] {strides = array<i32>} : memref<80x128xf32, #tpu.memory_space<vmem>>, vector<16xf32>,
        %mul3A_276 = arith.mulf %get3A_275, %gather3A_230 : vector<16xf32>
        %swap3A_277 = arith.index_cast %add3A_228 : i32 to index
        %swap3A_278 = arith.constant 96 : index
        %swap3A_279 = tpu.vector_load %arg17[%swap3A_277, %swap3A_278] {strides = array<i32>} : memref<80x128xf32, #tpu.memory_space<vmem>>, vector<16xf32>,
        tpu.vector_store %arg17[%swap3A_277, %swap3A_278], %mul3A_276 {strides = array<i32>} : memref<80x128xf32, #tpu.memory_space<vmem>>, vector<16xf32>,
        %get3A_280 = arith.index_cast %add3A_228 : i32 to index
        %get3A_281 = arith.constant 112 : index
        %get3A_282 = tpu.vector_load %arg17[%get3A_280, %get3A_281] {strides = array<i32>} : memref<80x128xf32, #tpu.memory_space<vmem>>, vector<16xf32>,
        %mul3A_283 = arith.mulf %get3A_282, %gather3A_230 : vector<16xf32>
        %swap3A_284 = arith.index_cast %add3A_228 : i32 to index
        %swap3A_285 = arith.constant 112 : index
        %swap3A_286 = tpu.vector_load %arg17[%swap3A_284, %swap3A_285] {strides = array<i32>} : memref<80x128xf32, #tpu.memory_space<vmem>>, vector<16xf32>,
        tpu.vector_store %arg17[%swap3A_284, %swap3A_285], %mul3A_283 {strides = array<i32>} : memref<80x128xf32, #tpu.memory_space<vmem>>, vector<16xf32>,
        %mul3A_287 = arith.constant 8 : i32
        %mul3A_288 = arith.muli %scan3A_103, %mul3A_287 : i32
        %add3A_289 = arith.constant 3 : i32
        %add3A_290 = arith.addi %mul3A_288, %add3A_289 : i32
        %broadcast_in_dim3A_291 = vector.broadcast %add3A_290 : i32 to vector<16xi32>
        %gather3A_292 = tpu.vector_load_idx %arg14[%broadcast_in_dim3A_291] : memref<80xf32, #tpu.memory_space<vmem>>[vector<16xi32>], vector<16xf32>,
        %get3A_293 = arith.index_cast %add3A_290 : i32 to index
        %get3A_294 = arith.constant 0 : index
        %get3A_295 = tpu.vector_load %arg17[%get3A_293, %get3A_294] {strides = array<i32>} : memref<80x128xf32, #tpu.memory_space<vmem>>, vector<16xf32>,
        %mul3A_296 = arith.mulf %get3A_295, %gather3A_292 : vector<16xf32>
        %swap3A_297 = arith.index_cast %add3A_290 : i32 to index
        %swap3A_298 = arith.constant 0 : index
        %swap3A_299 = tpu.vector_load %arg17[%swap3A_297, %swap3A_298] {strides = array<i32>} : memref<80x128xf32, #tpu.memory_space<vmem>>, vector<16xf32>,
        tpu.vector_store %arg17[%swap3A_297, %swap3A_298], %mul3A_296 {strides = array<i32>} : memref<80x128xf32, #tpu.memory_space<vmem>>, vector<16xf32>,
        %get3A_300 = arith.index_cast %add3A_290 : i32 to index
        %get3A_301 = arith.constant 16 : index
        %get3A_302 = tpu.vector_load %arg17[%get3A_300, %get3A_301] {strides = array<i32>} : memref<80x128xf32, #tpu.memory_space<vmem>>, vector<16xf32>,
        %mul3A_303 = arith.mulf %get3A_302, %gather3A_292 : vector<16xf32>
        %swap3A_304 = arith.index_cast %add3A_290 : i32 to index
        %swap3A_305 = arith.constant 16 : index
        %swap3A_306 = tpu.vector_load %arg17[%swap3A_304, %swap3A_305] {strides = array<i32>} : memref<80x128xf32, #tpu.memory_space<vmem>>, vector<16xf32>,
        tpu.vector_store %arg17[%swap3A_304, %swap3A_305], %mul3A_303 {strides = array<i32>} : memref<80x128xf32, #tpu.memory_space<vmem>>, vector<16xf32>,
        %get3A_307 = arith.index_cast %add3A_290 : i32 to index
        %get3A_308 = arith.constant 32 : index
        %get3A_309 = tpu.vector_load %arg17[%get3A_307, %get3A_308] {strides = array<i32>} : memref<80x128xf32, #tpu.memory_space<vmem>>, vector<16xf32>,
        %mul3A_310 = arith.mulf %get3A_309, %gather3A_292 : vector<16xf32>
        %swap3A_311 = arith.index_cast %add3A_290 : i32 to index
        %swap3A_312 = arith.constant 32 : index
        %swap3A_313 = tpu.vector_load %arg17[%swap3A_311, %swap3A_312] {strides = array<i32>} : memref<80x128xf32, #tpu.memory_space<vmem>>, vector<16xf32>,
        tpu.vector_store %arg17[%swap3A_311, %swap3A_312], %mul3A_310 {strides = array<i32>} : memref<80x128xf32, #tpu.memory_space<vmem>>, vector<16xf32>,
        %get3A_314 = arith.index_cast %add3A_290 : i32 to index
        %get3A_315 = arith.constant 48 : index
        %get3A_316 = tpu.vector_load %arg17[%get3A_314, %get3A_315] {strides = array<i32>} : memref<80x128xf32, #tpu.memory_space<vmem>>, vector<16xf32>,
        %mul3A_317 = arith.mulf %get3A_316, %gather3A_292 : vector<16xf32>
        %swap3A_318 = arith.index_cast %add3A_290 : i32 to index
        %swap3A_319 = arith.constant 48 : index
        %swap3A_320 = tpu.vector_load %arg17[%swap3A_318, %swap3A_319] {strides = array<i32>} : memref<80x128xf32, #tpu.memory_space<vmem>>, vector<16xf32>,
        tpu.vector_store %arg17[%swap3A_318, %swap3A_319], %mul3A_317 {strides = array<i32>} : memref<80x128xf32, #tpu.memory_space<vmem>>, vector<16xf32>,
        %get3A_321 = arith.index_cast %add3A_290 : i32 to index
        %get3A_322 = arith.constant 64 : index
        %get3A_323 = tpu.vector_load %arg17[%get3A_321, %get3A_322] {strides = array<i32>} : memref<80x128xf32, #tpu.memory_space<vmem>>, vector<16xf32>,
        %mul3A_324 = arith.mulf %get3A_323, %gather3A_292 : vector<16xf32>
        %swap3A_325 = arith.index_cast %add3A_290 : i32 to index
        %swap3A_326 = arith.constant 64 : index
        %swap3A_327 = tpu.vector_load %arg17[%swap3A_325, %swap3A_326] {strides = array<i32>} : memref<80x128xf32, #tpu.memory_space<vmem>>, vector<16xf32>,
        tpu.vector_store %arg17[%swap3A_325, %swap3A_326], %mul3A_324 {strides = array<i32>} : memref<80x128xf32, #tpu.memory_space<vmem>>, vector<16xf32>,
        %get3A_328 = arith.index_cast %add3A_290 : i32 to index
        %get3A_329 = arith.constant 80 : index
        %get3A_330 = tpu.vector_load %arg17[%get3A_328, %get3A_329] {strides = array<i32>} : memref<80x128xf32, #tpu.memory_space<vmem>>, vector<16xf32>,
        %mul3A_331 = arith.mulf %get3A_330, %gather3A_292 : vector<16xf32>
        %swap3A_332 = arith.index_cast %add3A_290 : i32 to index
        %swap3A_333 = arith.constant 80 : index
        %swap3A_334 = tpu.vector_load %arg17[%swap3A_332, %swap3A_333] {strides = array<i32>} : memref<80x128xf32, #tpu.memory_space<vmem>>, vector<16xf32>,
        tpu.vector_store %arg17[%swap3A_332, %swap3A_333], %mul3A_331 {strides = array<i32>} : memref<80x128xf32, #tpu.memory_space<vmem>>, vector<16xf32>,
        %get3A_335 = arith.index_cast %add3A_290 : i32 to index
        %get3A_336 = arith.constant 96 : index
        %get3A_337 = tpu.vector_load %arg17[%get3A_335, %get3A_336] {strides = array<i32>} : memref<80x128xf32, #tpu.memory_space<vmem>>, vector<16xf32>,
        %mul3A_338 = arith.mulf %get3A_337, %gather3A_292 : vector<16xf32>
        %swap3A_339 = arith.index_cast %add3A_290 : i32 to index
        %swap3A_340 = arith.constant 96 : index
        %swap3A_341 = tpu.vector_load %arg17[%swap3A_339, %swap3A_340] {strides = array<i32>} : memref<80x128xf32, #tpu.memory_space<vmem>>, vector<16xf32>,
        tpu.vector_store %arg17[%swap3A_339, %swap3A_340], %mul3A_338 {strides = array<i32>} : memref<80x128xf32, #tpu.memory_space<vmem>>, vector<16xf32>,
        %get3A_342 = arith.index_cast %add3A_290 : i32 to index
        %get3A_343 = arith.constant 112 : index
        %get3A_344 = tpu.vector_load %arg17[%get3A_342, %get3A_343] {strides = array<i32>} : memref<80x128xf32, #tpu.memory_space<vmem>>, vector<16xf32>,
        %mul3A_345 = arith.mulf %get3A_344, %gather3A_292 : vector<16xf32>
        %swap3A_346 = arith.index_cast %add3A_290 : i32 to index
        %swap3A_347 = arith.constant 112 : index
        %swap3A_348 = tpu.vector_load %arg17[%swap3A_346, %swap3A_347] {strides = array<i32>} : memref<80x128xf32, #tpu.memory_space<vmem>>, vector<16xf32>,
        tpu.vector_store %arg17[%swap3A_346, %swap3A_347], %mul3A_345 {strides = array<i32>} : memref<80x128xf32, #tpu.memory_space<vmem>>, vector<16xf32>,
        %mul3A_349 = arith.constant 8 : i32
        %mul3A_350 = arith.muli %scan3A_103, %mul3A_349 : i32
        %add3A_351 = arith.constant 4 : i32
        %add3A_352 = arith.addi %mul3A_350, %add3A_351 : i32
        %broadcast_in_dim3A_353 = vector.broadcast %add3A_352 : i32 to vector<16xi32>
        %gather3A_354 = tpu.vector_load_idx %arg14[%broadcast_in_dim3A_353] : memref<80xf32, #tpu.memory_space<vmem>>[vector<16xi32>], vector<16xf32>,
        %get3A_355 = arith.index_cast %add3A_352 : i32 to index
        %get3A_356 = arith.constant 0 : index
        %get3A_357 = tpu.vector_load %arg17[%get3A_355, %get3A_356] {strides = array<i32>} : memref<80x128xf32, #tpu.memory_space<vmem>>, vector<16xf32>,
        %mul3A_358 = arith.mulf %get3A_357, %gather3A_354 : vector<16xf32>
        %swap3A_359 = arith.index_cast %add3A_352 : i32 to index
        %swap3A_360 = arith.constant 0 : index
        %swap3A_361 = tpu.vector_load %arg17[%swap3A_359, %swap3A_360] {strides = array<i32>} : memref<80x128xf32, #tpu.memory_space<vmem>>, vector<16xf32>,
        tpu.vector_store %arg17[%swap3A_359, %swap3A_360], %mul3A_358 {strides = array<i32>} : memref<80x128xf32, #tpu.memory_space<vmem>>, vector<16xf32>,
        %get3A_362 = arith.index_cast %add3A_352 : i32 to index
        %get3A_363 = arith.constant 16 : index
        %get3A_364 = tpu.vector_load %arg17[%get3A_362, %get3A_363] {strides = array<i32>} : memref<80x128xf32, #tpu.memory_space<vmem>>, vector<16xf32>,
        %mul3A_365 = arith.mulf %get3A_364, %gather3A_354 : vector<16xf32>
        %swap3A_366 = arith.index_cast %add3A_352 : i32 to index
        %swap3A_367 = arith.constant 16 : index
        %swap3A_368 = tpu.vector_load %arg17[%swap3A_366, %swap3A_367] {strides = array<i32>} : memref<80x128xf32, #tpu.memory_space<vmem>>, vector<16xf32>,
        tpu.vector_store %arg17[%swap3A_366, %swap3A_367], %mul3A_365 {strides = array<i32>} : memref<80x128xf32, #tpu.memory_space<vmem>>, vector<16xf32>,
        %get3A_369 = arith.index_cast %add3A_352 : i32 to index
        %get3A_370 = arith.constant 32 : index
        %get3A_371 = tpu.vector_load %arg17[%get3A_369, %get3A_370] {strides = array<i32>} : memref<80x128xf32, #tpu.memory_space<vmem>>, vector<16xf32>,
        %mul3A_372 = arith.mulf %get3A_371, %gather3A_354 : vector<16xf32>
        %swap3A_373 = arith.index_cast %add3A_352 : i32 to index
        %swap3A_374 = arith.constant 32 : index
        %swap3A_375 = tpu.vector_load %arg17[%swap3A_373, %swap3A_374] {strides = array<i32>} : memref<80x128xf32, #tpu.memory_space<vmem>>, vector<16xf32>,
        tpu.vector_store %arg17[%swap3A_373, %swap3A_374], %mul3A_372 {strides = array<i32>} : memref<80x128xf32, #tpu.memory_space<vmem>>, vector<16xf32>,
        %get3A_376 = arith.index_cast %add3A_352 : i32 to index
        %get3A_377 = arith.constant 48 : index
        %get3A_378 = tpu.vector_load %arg17[%get3A_376, %get3A_377] {strides = array<i32>} : memref<80x128xf32, #tpu.memory_space<vmem>>, vector<16xf32>,
        %mul3A_379 = arith.mulf %get3A_378, %gather3A_354 : vector<16xf32>
        %swap3A_380 = arith.index_cast %add3A_352 : i32 to index
        %swap3A_381 = arith.constant 48 : index
        %swap3A_382 = tpu.vector_load %arg17[%swap3A_380, %swap3A_381] {strides = array<i32>} : memref<80x128xf32, #tpu.memory_space<vmem>>, vector<16xf32>,
        tpu.vector_store %arg17[%swap3A_380, %swap3A_381], %mul3A_379 {strides = array<i32>} : memref<80x128xf32, #tpu.memory_space<vmem>>, vector<16xf32>,
        %get3A_383 = arith.index_cast %add3A_352 : i32 to index
        %get3A_384 = arith.constant 64 : index
        %get3A_385 = tpu.vector_load %arg17[%get3A_383, %get3A_384] {strides = array<i32>} : memref<80x128xf32, #tpu.memory_space<vmem>>, vector<16xf32>,
        %mul3A_386 = arith.mulf %get3A_385, %gather3A_354 : vector<16xf32>
        %swap3A_387 = arith.index_cast %add3A_352 : i32 to index
        %swap3A_388 = arith.constant 64 : index
        %swap3A_389 = tpu.vector_load %arg17[%swap3A_387, %swap3A_388] {strides = array<i32>} : memref<80x128xf32, #tpu.memory_space<vmem>>, vector<16xf32>,
        tpu.vector_store %arg17[%swap3A_387, %swap3A_388], %mul3A_386 {strides = array<i32>} : memref<80x128xf32, #tpu.memory_space<vmem>>, vector<16xf32>,
        %get3A_390 = arith.index_cast %add3A_352 : i32 to index
        %get3A_391 = arith.constant 80 : index
        %get3A_392 = tpu.vector_load %arg17[%get3A_390, %get3A_391] {strides = array<i32>} : memref<80x128xf32, #tpu.memory_space<vmem>>, vector<16xf32>,
        %mul3A_393 = arith.mulf %get3A_392, %gather3A_354 : vector<16xf32>
        %swap3A_394 = arith.index_cast %add3A_352 : i32 to index
        %swap3A_395 = arith.constant 80 : index
        %swap3A_396 = tpu.vector_load %arg17[%swap3A_394, %swap3A_395] {strides = array<i32>} : memref<80x128xf32, #tpu.memory_space<vmem>>, vector<16xf32>,
        tpu.vector_store %arg17[%swap3A_394, %swap3A_395], %mul3A_393 {strides = array<i32>} : memref<80x128xf32, #tpu.memory_space<vmem>>, vector<16xf32>,
        %get3A_397 = arith.index_cast %add3A_352 : i32 to index
        %get3A_398 = arith.constant 96 : index
        %get3A_399 = tpu.vector_load %arg17[%get3A_397, %get3A_398] {strides = array<i32>} : memref<80x128xf32, #tpu.memory_space<vmem>>, vector<16xf32>,
        %mul3A_400 = arith.mulf %get3A_399, %gather3A_354 : vector<16xf32>
        %swap3A_401 = arith.index_cast %add3A_352 : i32 to index
        %swap3A_402 = arith.constant 96 : index
        %swap3A_403 = tpu.vector_load %arg17[%swap3A_401, %swap3A_402] {strides = array<i32>} : memref<80x128xf32, #tpu.memory_space<vmem>>, vector<16xf32>,
        tpu.vector_store %arg17[%swap3A_401, %swap3A_402], %mul3A_400 {strides = array<i32>} : memref<80x128xf32, #tpu.memory_space<vmem>>, vector<16xf32>,
        %get3A_404 = arith.index_cast %add3A_352 : i32 to index
        %get3A_405 = arith.constant 112 : index
        %get3A_406 = tpu.vector_load %arg17[%get3A_404, %get3A_405] {strides = array<i32>} : memref<80x128xf32, #tpu.memory_space<vmem>>, vector<16xf32>,
        %mul3A_407 = arith.mulf %get3A_406, %gather3A_354 : vector<16xf32>
        %swap3A_408 = arith.index_cast %add3A_352 : i32 to index
        %swap3A_409 = arith.constant 112 : index
        %swap3A_410 = tpu.vector_load %arg17[%swap3A_408, %swap3A_409] {strides = array<i32>} : memref<80x128xf32, #tpu.memory_space<vmem>>, vector<16xf32>,
        tpu.vector_store %arg17[%swap3A_408, %swap3A_409], %mul3A_407 {strides = array<i32>} : memref<80x128xf32, #tpu.memory_space<vmem>>, vector<16xf32>,
        %mul3A_411 = arith.constant 8 : i32
        %mul3A_412 = arith.muli %scan3A_103, %mul3A_411 : i32
        %add3A_413 = arith.constant 5 : i32
        %add3A_414 = arith.addi %mul3A_412, %add3A_413 : i32
        %broadcast_in_dim3A_415 = vector.broadcast %add3A_414 : i32 to vector<16xi32>
        %gather3A_416 = tpu.vector_load_idx %arg14[%broadcast_in_dim3A_415] : memref<80xf32, #tpu.memory_space<vmem>>[vector<16xi32>], vector<16xf32>,
        %get3A_417 = arith.index_cast %add3A_414 : i32 to index
        %get3A_418 = arith.constant 0 : index
        %get3A_419 = tpu.vector_load %arg17[%get3A_417, %get3A_418] {strides = array<i32>} : memref<80x128xf32, #tpu.memory_space<vmem>>, vector<16xf32>,
        %mul3A_420 = arith.mulf %get3A_419, %gather3A_416 : vector<16xf32>
        %swap3A_421 = arith.index_cast %add3A_414 : i32 to index
        %swap3A_422 = arith.constant 0 : index
        %swap3A_423 = tpu.vector_load %arg17[%swap3A_421, %swap3A_422] {strides = array<i32>} : memref<80x128xf32, #tpu.memory_space<vmem>>, vector<16xf32>,
        tpu.vector_store %arg17[%swap3A_421, %swap3A_422], %mul3A_420 {strides = array<i32>} : memref<80x128xf32, #tpu.memory_space<vmem>>, vector<16xf32>,
        %get3A_424 = arith.index_cast %add3A_414 : i32 to index
        %get3A_425 = arith.constant 16 : index
        %get3A_426 = tpu.vector_load %arg17[%get3A_424, %get3A_425] {strides = array<i32>} : memref<80x128xf32, #tpu.memory_space<vmem>>, vector<16xf32>,
        %mul3A_427 = arith.mulf %get3A_426, %gather3A_416 : vector<16xf32>
        %swap3A_428 = arith.index_cast %add3A_414 : i32 to index
        %swap3A_429 = arith.constant 16 : index
        %swap3A_430 = tpu.vector_load %arg17[%swap3A_428, %swap3A_429] {strides = array<i32>} : memref<80x128xf32, #tpu.memory_space<vmem>>, vector<16xf32>,
        tpu.vector_store %arg17[%swap3A_428, %swap3A_429], %mul3A_427 {strides = array<i32>} : memref<80x128xf32, #tpu.memory_space<vmem>>, vector<16xf32>,
        %get3A_431 = arith.index_cast %add3A_414 : i32 to index
        %get3A_432 = arith.constant 32 : index
        %get3A_433 = tpu.vector_load %arg17[%get3A_431, %get3A_432] {strides = array<i32>} : memref<80x128xf32, #tpu.memory_space<vmem>>, vector<16xf32>,
        %mul3A_434 = arith.mulf %get3A_433, %gather3A_416 : vector<16xf32>
        %swap3A_435 = arith.index_cast %add3A_414 : i32 to index
        %swap3A_436 = arith.constant 32 : index
        %swap3A_437 = tpu.vector_load %arg17[%swap3A_435, %swap3A_436] {strides = array<i32>} : memref<80x128xf32, #tpu.memory_space<vmem>>, vector<16xf32>,
        tpu.vector_store %arg17[%swap3A_435, %swap3A_436], %mul3A_434 {strides = array<i32>} : memref<80x128xf32, #tpu.memory_space<vmem>>, vector<16xf32>,
        %get3A_438 = arith.index_cast %add3A_414 : i32 to index
        %get3A_439 = arith.constant 48 : index
        %get3A_440 = tpu.vector_load %arg17[%get3A_438, %get3A_439] {strides = array<i32>} : memref<80x128xf32, #tpu.memory_space<vmem>>, vector<16xf32>,
        %mul3A_441 = arith.mulf %get3A_440, %gather3A_416 : vector<16xf32>
        %swap3A_442 = arith.index_cast %add3A_414 : i32 to index
        %swap3A_443 = arith.constant 48 : index
        %swap3A_444 = tpu.vector_load %arg17[%swap3A_442, %swap3A_443] {strides = array<i32>} : memref<80x128xf32, #tpu.memory_space<vmem>>, vector<16xf32>,
        tpu.vector_store %arg17[%swap3A_442, %swap3A_443], %mul3A_441 {strides = array<i32>} : memref<80x128xf32, #tpu.memory_space<vmem>>, vector<16xf32>,
        %get3A_445 = arith.index_cast %add3A_414 : i32 to index
        %get3A_446 = arith.constant 64 : index
        %get3A_447 = tpu.vector_load %arg17[%get3A_445, %get3A_446] {strides = array<i32>} : memref<80x128xf32, #tpu.memory_space<vmem>>, vector<16xf32>,
        %mul3A_448 = arith.mulf %get3A_447, %gather3A_416 : vector<16xf32>
        %swap3A_449 = arith.index_cast %add3A_414 : i32 to index
        %swap3A_450 = arith.constant 64 : index
        %swap3A_451 = tpu.vector_load %arg17[%swap3A_449, %swap3A_450] {strides = array<i32>} : memref<80x128xf32, #tpu.memory_space<vmem>>, vector<16xf32>,
        tpu.vector_store %arg17[%swap3A_449, %swap3A_450], %mul3A_448 {strides = array<i32>} : memref<80x128xf32, #tpu.memory_space<vmem>>, vector<16xf32>,
        %get3A_452 = arith.index_cast %add3A_414 : i32 to index
        %get3A_453 = arith.constant 80 : index
        %get3A_454 = tpu.vector_load %arg17[%get3A_452, %get3A_453] {strides = array<i32>} : memref<80x128xf32, #tpu.memory_space<vmem>>, vector<16xf32>,
        %mul3A_455 = arith.mulf %get3A_454, %gather3A_416 : vector<16xf32>
        %swap3A_456 = arith.index_cast %add3A_414 : i32 to index
        %swap3A_457 = arith.constant 80 : index
        %swap3A_458 = tpu.vector_load %arg17[%swap3A_456, %swap3A_457] {strides = array<i32>} : memref<80x128xf32, #tpu.memory_space<vmem>>, vector<16xf32>,
        tpu.vector_store %arg17[%swap3A_456, %swap3A_457], %mul3A_455 {strides = array<i32>} : memref<80x128xf32, #tpu.memory_space<vmem>>, vector<16xf32>,
        %get3A_459 = arith.index_cast %add3A_414 : i32 to index
        %get3A_460 = arith.constant 96 : index
        %get3A_461 = tpu.vector_load %arg17[%get3A_459, %get3A_460] {strides = array<i32>} : memref<80x128xf32, #tpu.memory_space<vmem>>, vector<16xf32>,
        %mul3A_462 = arith.mulf %get3A_461, %gather3A_416 : vector<16xf32>
        %swap3A_463 = arith.index_cast %add3A_414 : i32 to index
        %swap3A_464 = arith.constant 96 : index
        %swap3A_465 = tpu.vector_load %arg17[%swap3A_463, %swap3A_464] {strides = array<i32>} : memref<80x128xf32, #tpu.memory_space<vmem>>, vector<16xf32>,
        tpu.vector_store %arg17[%swap3A_463, %swap3A_464], %mul3A_462 {strides = array<i32>} : memref<80x128xf32, #tpu.memory_space<vmem>>, vector<16xf32>,
        %get3A_466 = arith.index_cast %add3A_414 : i32 to index
        %get3A_467 = arith.constant 112 : index
        %get3A_468 = tpu.vector_load %arg17[%get3A_466, %get3A_467] {strides = array<i32>} : memref<80x128xf32, #tpu.memory_space<vmem>>, vector<16xf32>,
        %mul3A_469 = arith.mulf %get3A_468, %gather3A_416 : vector<16xf32>
        %swap3A_470 = arith.index_cast %add3A_414 : i32 to index
        %swap3A_471 = arith.constant 112 : index
        %swap3A_472 = tpu.vector_load %arg17[%swap3A_470, %swap3A_471] {strides = array<i32>} : memref<80x128xf32, #tpu.memory_space<vmem>>, vector<16xf32>,
        tpu.vector_store %arg17[%swap3A_470, %swap3A_471], %mul3A_469 {strides = array<i32>} : memref<80x128xf32, #tpu.memory_space<vmem>>, vector<16xf32>,
        %mul3A_473 = arith.constant 8 : i32
        %mul3A_474 = arith.muli %scan3A_103, %mul3A_473 : i32
        %add3A_475 = arith.constant 6 : i32
        %add3A_476 = arith.addi %mul3A_474, %add3A_475 : i32
        %broadcast_in_dim3A_477 = vector.broadcast %add3A_476 : i32 to vector<16xi32>
        %gather3A_478 = tpu.vector_load_idx %arg14[%broadcast_in_dim3A_477] : memref<80xf32, #tpu.memory_space<vmem>>[vector<16xi32>], vector<16xf32>,
        %get3A_479 = arith.index_cast %add3A_476 : i32 to index
        %get3A_480 = arith.constant 0 : index
        %get3A_481 = tpu.vector_load %arg17[%get3A_479, %get3A_480] {strides = array<i32>} : memref<80x128xf32, #tpu.memory_space<vmem>>, vector<16xf32>,
        %mul3A_482 = arith.mulf %get3A_481, %gather3A_478 : vector<16xf32>
        %swap3A_483 = arith.index_cast %add3A_476 : i32 to index
        %swap3A_484 = arith.constant 0 : index
        %swap3A_485 = tpu.vector_load %arg17[%swap3A_483, %swap3A_484] {strides = array<i32>} : memref<80x128xf32, #tpu.memory_space<vmem>>, vector<16xf32>,
        tpu.vector_store %arg17[%swap3A_483, %swap3A_484], %mul3A_482 {strides = array<i32>} : memref<80x128xf32, #tpu.memory_space<vmem>>, vector<16xf32>,
        %get3A_486 = arith.index_cast %add3A_476 : i32 to index
        %get3A_487 = arith.constant 16 : index
        %get3A_488 = tpu.vector_load %arg17[%get3A_486, %get3A_487] {strides = array<i32>} : memref<80x128xf32, #tpu.memory_space<vmem>>, vector<16xf32>,
        %mul3A_489 = arith.mulf %get3A_488, %gather3A_478 : vector<16xf32>
        %swap3A_490 = arith.index_cast %add3A_476 : i32 to index
        %swap3A_491 = arith.constant 16 : index
        %swap3A_492 = tpu.vector_load %arg17[%swap3A_490, %swap3A_491] {strides = array<i32>} : memref<80x128xf32, #tpu.memory_space<vmem>>, vector<16xf32>,
        tpu.vector_store %arg17[%swap3A_490, %swap3A_491], %mul3A_489 {strides = array<i32>} : memref<80x128xf32, #tpu.memory_space<vmem>>, vector<16xf32>,
        %get3A_493 = arith.index_cast %add3A_476 : i32 to index
        %get3A_494 = arith.constant 32 : index
        %get3A_495 = tpu.vector_load %arg17[%get3A_493, %get3A_494] {strides = array<i32>} : memref<80x128xf32, #tpu.memory_space<vmem>>, vector<16xf32>,
        %mul3A_496 = arith.mulf %get3A_495, %gather3A_478 : vector<16xf32>
        %swap3A_497 = arith.index_cast %add3A_476 : i32 to index
        %swap3A_498 = arith.constant 32 : index
        %swap3A_499 = tpu.vector_load %arg17[%swap3A_497, %swap3A_498] {strides = array<i32>} : memref<80x128xf32, #tpu.memory_space<vmem>>, vector<16xf32>,
        tpu.vector_store %arg17[%swap3A_497, %swap3A_498], %mul3A_496 {strides = array<i32>} : memref<80x128xf32, #tpu.memory_space<vmem>>, vector<16xf32>,
        %get3A_500 = arith.index_cast %add3A_476 : i32 to index
        %get3A_501 = arith.constant 48 : index
        %get3A_502 = tpu.vector_load %arg17[%get3A_500, %get3A_501] {strides = array<i32>} : memref<80x128xf32, #tpu.memory_space<vmem>>, vector<16xf32>,
        %mul3A_503 = arith.mulf %get3A_502, %gather3A_478 : vector<16xf32>
        %swap3A_504 = arith.index_cast %add3A_476 : i32 to index
        %swap3A_505 = arith.constant 48 : index
        %swap3A_506 = tpu.vector_load %arg17[%swap3A_504, %swap3A_505] {strides = array<i32>} : memref<80x128xf32, #tpu.memory_space<vmem>>, vector<16xf32>,
        tpu.vector_store %arg17[%swap3A_504, %swap3A_505], %mul3A_503 {strides = array<i32>} : memref<80x128xf32, #tpu.memory_space<vmem>>, vector<16xf32>,
        %get3A_507 = arith.index_cast %add3A_476 : i32 to index
        %get3A_508 = arith.constant 64 : index
        %get3A_509 = tpu.vector_load %arg17[%get3A_507, %get3A_508] {strides = array<i32>} : memref<80x128xf32, #tpu.memory_space<vmem>>, vector<16xf32>,
        %mul3A_510 = arith.mulf %get3A_509, %gather3A_478 : vector<16xf32>
        %swap3A_511 = arith.index_cast %add3A_476 : i32 to index
        %swap3A_512 = arith.constant 64 : index
        %swap3A_513 = tpu.vector_load %arg17[%swap3A_511, %swap3A_512] {strides = array<i32>} : memref<80x128xf32, #tpu.memory_space<vmem>>, vector<16xf32>,
        tpu.vector_store %arg17[%swap3A_511, %swap3A_512], %mul3A_510 {strides = array<i32>} : memref<80x128xf32, #tpu.memory_space<vmem>>, vector<16xf32>,
        %get3A_514 = arith.index_cast %add3A_476 : i32 to index
        %get3A_515 = arith.constant 80 : index
        %get3A_516 = tpu.vector_load %arg17[%get3A_514, %get3A_515] {strides = array<i32>} : memref<80x128xf32, #tpu.memory_space<vmem>>, vector<16xf32>,
        %mul3A_517 = arith.mulf %get3A_516, %gather3A_478 : vector<16xf32>
        %swap3A_518 = arith.index_cast %add3A_476 : i32 to index
        %swap3A_519 = arith.constant 80 : index
        %swap3A_520 = tpu.vector_load %arg17[%swap3A_518, %swap3A_519] {strides = array<i32>} : memref<80x128xf32, #tpu.memory_space<vmem>>, vector<16xf32>,
        tpu.vector_store %arg17[%swap3A_518, %swap3A_519], %mul3A_517 {strides = array<i32>} : memref<80x128xf32, #tpu.memory_space<vmem>>, vector<16xf32>,
        %get3A_521 = arith.index_cast %add3A_476 : i32 to index
        %get3A_522 = arith.constant 96 : index
        %get3A_523 = tpu.vector_load %arg17[%get3A_521, %get3A_522] {strides = array<i32>} : memref<80x128xf32, #tpu.memory_space<vmem>>, vector<16xf32>,
        %mul3A_524 = arith.mulf %get3A_523, %gather3A_478 : vector<16xf32>
        %swap3A_525 = arith.index_cast %add3A_476 : i32 to index
        %swap3A_526 = arith.constant 96 : index
        %swap3A_527 = tpu.vector_load %arg17[%swap3A_525, %swap3A_526] {strides = array<i32>} : memref<80x128xf32, #tpu.memory_space<vmem>>, vector<16xf32>,
        tpu.vector_store %arg17[%swap3A_525, %swap3A_526], %mul3A_524 {strides = array<i32>} : memref<80x128xf32, #tpu.memory_space<vmem>>, vector<16xf32>,
        %get3A_528 = arith.index_cast %add3A_476 : i32 to index
        %get3A_529 = arith.constant 112 : index
        %get3A_530 = tpu.vector_load %arg17[%get3A_528, %get3A_529] {strides = array<i32>} : memref<80x128xf32, #tpu.memory_space<vmem>>, vector<16xf32>,
        %mul3A_531 = arith.mulf %get3A_530, %gather3A_478 : vector<16xf32>
        %swap3A_532 = arith.index_cast %add3A_476 : i32 to index
        %swap3A_533 = arith.constant 112 : index
        %swap3A_534 = tpu.vector_load %arg17[%swap3A_532, %swap3A_533] {strides = array<i32>} : memref<80x128xf32, #tpu.memory_space<vmem>>, vector<16xf32>,
        tpu.vector_store %arg17[%swap3A_532, %swap3A_533], %mul3A_531 {strides = array<i32>} : memref<80x128xf32, #tpu.memory_space<vmem>>, vector<16xf32>,
        %mul3A_535 = arith.constant 8 : i32
        %mul3A_536 = arith.muli %scan3A_103, %mul3A_535 : i32
        %add3A_537 = arith.constant 7 : i32
        %add3A_538 = arith.addi %mul3A_536, %add3A_537 : i32
        %broadcast_in_dim3A_539 = vector.broadcast %add3A_538 : i32 to vector<16xi32>
        %gather3A_540 = tpu.vector_load_idx %arg14[%broadcast_in_dim3A_539] : memref<80xf32, #tpu.memory_space<vmem>>[vector<16xi32>], vector<16xf32>,
        %get3A_541 = arith.index_cast %add3A_538 : i32 to index
        %get3A_542 = arith.constant 0 : index
        %get3A_543 = tpu.vector_load %arg17[%get3A_541, %get3A_542] {strides = array<i32>} : memref<80x128xf32, #tpu.memory_space<vmem>>, vector<16xf32>,
        %mul3A_544 = arith.mulf %get3A_543, %gather3A_540 : vector<16xf32>
        %swap3A_545 = arith.index_cast %add3A_538 : i32 to index
        %swap3A_546 = arith.constant 0 : index
        %swap3A_547 = tpu.vector_load %arg17[%swap3A_545, %swap3A_546] {strides = array<i32>} : memref<80x128xf32, #tpu.memory_space<vmem>>, vector<16xf32>,
        tpu.vector_store %arg17[%swap3A_545, %swap3A_546], %mul3A_544 {strides = array<i32>} : memref<80x128xf32, #tpu.memory_space<vmem>>, vector<16xf32>,
        %get3A_548 = arith.index_cast %add3A_538 : i32 to index
        %get3A_549 = arith.constant 16 : index
        %get3A_550 = tpu.vector_load %arg17[%get3A_548, %get3A_549] {strides = array<i32>} : memref<80x128xf32, #tpu.memory_space<vmem>>, vector<16xf32>,
        %mul3A_551 = arith.mulf %get3A_550, %gather3A_540 : vector<16xf32>
        %swap3A_552 = arith.index_cast %add3A_538 : i32 to index
        %swap3A_553 = arith.constant 16 : index
        %swap3A_554 = tpu.vector_load %arg17[%swap3A_552, %swap3A_553] {strides = array<i32>} : memref<80x128xf32, #tpu.memory_space<vmem>>, vector<16xf32>,
        tpu.vector_store %arg17[%swap3A_552, %swap3A_553], %mul3A_551 {strides = array<i32>} : memref<80x128xf32, #tpu.memory_space<vmem>>, vector<16xf32>,
        %get3A_555 = arith.index_cast %add3A_538 : i32 to index
        %get3A_556 = arith.constant 32 : index
        %get3A_557 = tpu.vector_load %arg17[%get3A_555, %get3A_556] {strides = array<i32>} : memref<80x128xf32, #tpu.memory_space<vmem>>, vector<16xf32>,
        %mul3A_558 = arith.mulf %get3A_557, %gather3A_540 : vector<16xf32>
        %swap3A_559 = arith.index_cast %add3A_538 : i32 to index
        %swap3A_560 = arith.constant 32 : index
        %swap3A_561 = tpu.vector_load %arg17[%swap3A_559, %swap3A_560] {strides = array<i32>} : memref<80x128xf32, #tpu.memory_space<vmem>>, vector<16xf32>,
        tpu.vector_store %arg17[%swap3A_559, %swap3A_560], %mul3A_558 {strides = array<i32>} : memref<80x128xf32, #tpu.memory_space<vmem>>, vector<16xf32>,
        %get3A_562 = arith.index_cast %add3A_538 : i32 to index
        %get3A_563 = arith.constant 48 : index
        %get3A_564 = tpu.vector_load %arg17[%get3A_562, %get3A_563] {strides = array<i32>} : memref<80x128xf32, #tpu.memory_space<vmem>>, vector<16xf32>,
        %mul3A_565 = arith.mulf %get3A_564, %gather3A_540 : vector<16xf32>
        %swap3A_566 = arith.index_cast %add3A_538 : i32 to index
        %swap3A_567 = arith.constant 48 : index
        %swap3A_568 = tpu.vector_load %arg17[%swap3A_566, %swap3A_567] {strides = array<i32>} : memref<80x128xf32, #tpu.memory_space<vmem>>, vector<16xf32>,
        tpu.vector_store %arg17[%swap3A_566, %swap3A_567], %mul3A_565 {strides = array<i32>} : memref<80x128xf32, #tpu.memory_space<vmem>>, vector<16xf32>,
        %get3A_569 = arith.index_cast %add3A_538 : i32 to index
        %get3A_570 = arith.constant 64 : index
        %get3A_571 = tpu.vector_load %arg17[%get3A_569, %get3A_570] {strides = array<i32>} : memref<80x128xf32, #tpu.memory_space<vmem>>, vector<16xf32>,
        %mul3A_572 = arith.mulf %get3A_571, %gather3A_540 : vector<16xf32>
        %swap3A_573 = arith.index_cast %add3A_538 : i32 to index
        %swap3A_574 = arith.constant 64 : index
        %swap3A_575 = tpu.vector_load %arg17[%swap3A_573, %swap3A_574] {strides = array<i32>} : memref<80x128xf32, #tpu.memory_space<vmem>>, vector<16xf32>,
        tpu.vector_store %arg17[%swap3A_573, %swap3A_574], %mul3A_572 {strides = array<i32>} : memref<80x128xf32, #tpu.memory_space<vmem>>, vector<16xf32>,
        %get3A_576 = arith.index_cast %add3A_538 : i32 to index
        %get3A_577 = arith.constant 80 : index
        %get3A_578 = tpu.vector_load %arg17[%get3A_576, %get3A_577] {strides = array<i32>} : memref<80x128xf32, #tpu.memory_space<vmem>>, vector<16xf32>,
        %mul3A_579 = arith.mulf %get3A_578, %gather3A_540 : vector<16xf32>
        %swap3A_580 = arith.index_cast %add3A_538 : i32 to index
        %swap3A_581 = arith.constant 80 : index
        %swap3A_582 = tpu.vector_load %arg17[%swap3A_580, %swap3A_581] {strides = array<i32>} : memref<80x128xf32, #tpu.memory_space<vmem>>, vector<16xf32>,
        tpu.vector_store %arg17[%swap3A_580, %swap3A_581], %mul3A_579 {strides = array<i32>} : memref<80x128xf32, #tpu.memory_space<vmem>>, vector<16xf32>,
        %get3A_583 = arith.index_cast %add3A_538 : i32 to index
        %get3A_584 = arith.constant 96 : index
        %get3A_585 = tpu.vector_load %arg17[%get3A_583, %get3A_584] {strides = array<i32>} : memref<80x128xf32, #tpu.memory_space<vmem>>, vector<16xf32>,
        %mul3A_586 = arith.mulf %get3A_585, %gather3A_540 : vector<16xf32>
        %swap3A_587 = arith.index_cast %add3A_538 : i32 to index
        %swap3A_588 = arith.constant 96 : index
        %swap3A_589 = tpu.vector_load %arg17[%swap3A_587, %swap3A_588] {strides = array<i32>} : memref<80x128xf32, #tpu.memory_space<vmem>>, vector<16xf32>,
        tpu.vector_store %arg17[%swap3A_587, %swap3A_588], %mul3A_586 {strides = array<i32>} : memref<80x128xf32, #tpu.memory_space<vmem>>, vector<16xf32>,
        %get3A_590 = arith.index_cast %add3A_538 : i32 to index
        %get3A_591 = arith.constant 112 : index
        %get3A_592 = tpu.vector_load %arg17[%get3A_590, %get3A_591] {strides = array<i32>} : memref<80x128xf32, #tpu.memory_space<vmem>>, vector<16xf32>,
        %mul3A_593 = arith.mulf %get3A_592, %gather3A_540 : vector<16xf32>
        %swap3A_594 = arith.index_cast %add3A_538 : i32 to index
        %swap3A_595 = arith.constant 112 : index
        %swap3A_596 = tpu.vector_load %arg17[%swap3A_594, %swap3A_595] {strides = array<i32>} : memref<80x128xf32, #tpu.memory_space<vmem>>, vector<16xf32>,
        tpu.vector_store %arg17[%swap3A_594, %swap3A_595], %mul3A_593 {strides = array<i32>} : memref<80x128xf32, #tpu.memory_space<vmem>>, vector<16xf32>,
      }
      %scan3A_102 = arith.constant 10 : i32
      "tpu.region"() ({
        %run_scoped3A = tpu.sem_alloc : memref<!tpu.dma_semaphore, #tpu.memory_space<semaphore_mem>>
        %dma_start3A_103 = arith.constant 0 : i32
        %dma_start3A_104 = arith.constant 0 : i32
        %dma_start3A_105 = tpu.memref_slice %arg10[%dma_start3A_103, %dma_start3A_104] : memref<10000x128xf32, #tpu.memory_space<vmem_shared>> -> memref<10000x128xf32, #tpu.memory_space<vmem_shared>>
        tpu.enqueue_indirect_dma source(%arg17 : memref<80x128xf32, #tpu.memory_space<vmem>>) target(%dma_start3A_105 : memref<10000x128xf32, #tpu.memory_space<vmem_shared>>) offsets(%arg13 : memref<80xi32, #tpu.memory_space<vmem>>) semaphore(%run_scoped3A : memref<!tpu.dma_semaphore, #tpu.memory_space<semaphore_mem>>) {add = true}
        %dma_wait3A_106 = arith.constant 0 : i32
        %dma_wait3A_107 = arith.constant 0 : i32
        %dma_wait3A_108 = tpu.memref_slice %arg10[%dma_wait3A_106, %dma_wait3A_107] : memref<10000x128xf32, #tpu.memory_space<vmem_shared>> -> memref<10000x128xf32, #tpu.memory_space<vmem_shared>>
        tpu.wait_indirect_dma semaphore(%run_scoped3A : memref<!tpu.dma_semaphore, #tpu.memory_space<semaphore_mem>>) src(%arg17 : memref<80x128xf32, #tpu.memory_space<vmem>>) dst(%dma_wait3A_108 : memref<10000x128xf32, #tpu.memory_space<vmem_shared>>)
        tpu.yield
      }) : () -> ()
    }
    %scan3A_15 = arith.constant 62 : i32
    %dma_wait3A = arith.constant 0 : i32
    %dma_wait3A_16 = arith.constant 0 : i32
    %dma_wait3A_17 = tpu.memref_slice %arg6[%dma_wait3A, %dma_wait3A_16] : memref<10000x128xf32, #tpu.memory_space<hbm>> -> memref<10000x128xf32, #tpu.memory_space<hbm>>
    tpu.wait_indirect_dma semaphore(%arg19 : memref<!tpu.dma_semaphore, #tpu.memory_space<semaphore_mem>>) src(%dma_wait3A_17 : memref<10000x128xf32, #tpu.memory_space<hbm>>) dst(%arg16 : memref<80x128xf32, #tpu.memory_space<vmem>>)
    %add3A_18 = arith.constant 9920 : i32
    %add3A_19 = arith.addi %mul3A_4, %add3A_18 : i32
    "tpu.region"() ({
      %run_scoped3A = tpu.sem_alloc : memref<!tpu.dma_semaphore, #tpu.memory_space<semaphore_mem>>
      %dma_start3A_58 = tpu.memref_slice %arg2[%add3A_19] : memref<320000xi32, #tpu.memory_space<hbm>> -> memref<80xi32, #tpu.memory_space<hbm>>
      %dma_start3A_59 = tpu.memref_slice %arg2[%add3A_19] : memref<320000xi32, #tpu.memory_space<hbm>> -> memref<80xi32, #tpu.memory_space<hbm>>
      tpu.enqueue_dma source(%dma_start3A_59 : memref<80xi32, #tpu.memory_space<hbm>>) target(%arg13 : memref<80xi32, #tpu.memory_space<vmem>>) target_semaphore(%run_scoped3A : memref<!tpu.dma_semaphore, #tpu.memory_space<semaphore_mem>>)
      %dma_wait3A_60 = tpu.memref_slice %arg2[%add3A_19] : memref<320000xi32, #tpu.memory_space<hbm>> -> memref<80xi32, #tpu.memory_space<hbm>>
      %dma_wait3A_61 = tpu.memref_slice %arg2[%add3A_19] : memref<320000xi32, #tpu.memory_space<hbm>> -> memref<80xi32, #tpu.memory_space<hbm>>
      tpu.wait_dma2 semaphore(%run_scoped3A : memref<!tpu.dma_semaphore, #tpu.memory_space<semaphore_mem>>) src(%dma_wait3A_61 : memref<80xi32, #tpu.memory_space<hbm>>) dst(%arg13 : memref<80xi32, #tpu.memory_space<vmem>>)
      tpu.yield
    }) : () -> ()
    "tpu.region"() ({
      %run_scoped3A = tpu.sem_alloc : memref<!tpu.dma_semaphore, #tpu.memory_space<semaphore_mem>>
      %dma_start3A_58 = tpu.memref_slice %arg4[%add3A_19] : memref<320000xf32, #tpu.memory_space<hbm>> -> memref<80xf32, #tpu.memory_space<hbm>>
      %dma_start3A_59 = tpu.memref_slice %arg4[%add3A_19] : memref<320000xf32, #tpu.memory_space<hbm>> -> memref<80xf32, #tpu.memory_space<hbm>>
      tpu.enqueue_dma source(%dma_start3A_59 : memref<80xf32, #tpu.memory_space<hbm>>) target(%arg14 : memref<80xf32, #tpu.memory_space<vmem>>) target_semaphore(%run_scoped3A : memref<!tpu.dma_semaphore, #tpu.memory_space<semaphore_mem>>)
      %dma_wait3A_60 = tpu.memref_slice %arg4[%add3A_19] : memref<320000xf32, #tpu.memory_space<hbm>> -> memref<80xf32, #tpu.memory_space<hbm>>
      %dma_wait3A_61 = tpu.memref_slice %arg4[%add3A_19] : memref<320000xf32, #tpu.memory_space<hbm>> -> memref<80xf32, #tpu.memory_space<hbm>>
      tpu.wait_dma2 semaphore(%run_scoped3A : memref<!tpu.dma_semaphore, #tpu.memory_space<semaphore_mem>>) src(%dma_wait3A_61 : memref<80xf32, #tpu.memory_space<hbm>>) dst(%arg14 : memref<80xf32, #tpu.memory_space<vmem>>)
      tpu.yield
    }) : () -> ()
    %scan3A_20 = arith.constant 0 : i32
    %scan3A_21 = arith.constant 0 : i32
    %scan3A_22 = arith.constant 10 : i32
    %scan3A_23 = arith.addi %scan3A_21, %scan3A_22 : i32
    %scan3A_24 = arith.constant 1 : i32
    scf.for %scan3A_58 = %scan3A_21 to %scan3A_23 step %scan3A_24  : i32 {
      %mul3A_59 = arith.constant 8 : i32
      %mul3A_60 = arith.muli %scan3A_58, %mul3A_59 : i32
      %add3A_61 = arith.constant 0 : i32
      %add3A_62 = arith.addi %mul3A_60, %add3A_61 : i32
      %broadcast_in_dim3A_63 = vector.broadcast %add3A_62 : i32 to vector<16xi32>
      %gather3A = tpu.vector_load_idx %arg14[%broadcast_in_dim3A_63] : memref<80xf32, #tpu.memory_space<vmem>>[vector<16xi32>], vector<16xf32>,
      %get3A = arith.index_cast %add3A_62 : i32 to index
      %get3A_64 = arith.constant 0 : index
      %get3A_65 = tpu.vector_load %arg16[%get3A, %get3A_64] {strides = array<i32>} : memref<80x128xf32, #tpu.memory_space<vmem>>, vector<16xf32>,
      %mul3A_66 = arith.mulf %get3A_65, %gather3A : vector<16xf32>
      %swap3A = arith.index_cast %add3A_62 : i32 to index
      %swap3A_67 = arith.constant 0 : index
      %swap3A_68 = tpu.vector_load %arg16[%swap3A, %swap3A_67] {strides = array<i32>} : memref<80x128xf32, #tpu.memory_space<vmem>>, vector<16xf32>,
      tpu.vector_store %arg16[%swap3A, %swap3A_67], %mul3A_66 {strides = array<i32>} : memref<80x128xf32, #tpu.memory_space<vmem>>, vector<16xf32>,
      %get3A_69 = arith.index_cast %add3A_62 : i32 to index
      %get3A_70 = arith.constant 16 : index
      %get3A_71 = tpu.vector_load %arg16[%get3A_69, %get3A_70] {strides = array<i32>} : memref<80x128xf32, #tpu.memory_space<vmem>>, vector<16xf32>,
      %mul3A_72 = arith.mulf %get3A_71, %gather3A : vector<16xf32>
      %swap3A_73 = arith.index_cast %add3A_62 : i32 to index
      %swap3A_74 = arith.constant 16 : index
      %swap3A_75 = tpu.vector_load %arg16[%swap3A_73, %swap3A_74] {strides = array<i32>} : memref<80x128xf32, #tpu.memory_space<vmem>>, vector<16xf32>,
      tpu.vector_store %arg16[%swap3A_73, %swap3A_74], %mul3A_72 {strides = array<i32>} : memref<80x128xf32, #tpu.memory_space<vmem>>, vector<16xf32>,
      %get3A_76 = arith.index_cast %add3A_62 : i32 to index
      %get3A_77 = arith.constant 32 : index
      %get3A_78 = tpu.vector_load %arg16[%get3A_76, %get3A_77] {strides = array<i32>} : memref<80x128xf32, #tpu.memory_space<vmem>>, vector<16xf32>,
      %mul3A_79 = arith.mulf %get3A_78, %gather3A : vector<16xf32>
      %swap3A_80 = arith.index_cast %add3A_62 : i32 to index
      %swap3A_81 = arith.constant 32 : index
      %swap3A_82 = tpu.vector_load %arg16[%swap3A_80, %swap3A_81] {strides = array<i32>} : memref<80x128xf32, #tpu.memory_space<vmem>>, vector<16xf32>,
      tpu.vector_store %arg16[%swap3A_80, %swap3A_81], %mul3A_79 {strides = array<i32>} : memref<80x128xf32, #tpu.memory_space<vmem>>, vector<16xf32>,
      %get3A_83 = arith.index_cast %add3A_62 : i32 to index
      %get3A_84 = arith.constant 48 : index
      %get3A_85 = tpu.vector_load %arg16[%get3A_83, %get3A_84] {strides = array<i32>} : memref<80x128xf32, #tpu.memory_space<vmem>>, vector<16xf32>,
      %mul3A_86 = arith.mulf %get3A_85, %gather3A : vector<16xf32>
      %swap3A_87 = arith.index_cast %add3A_62 : i32 to index
      %swap3A_88 = arith.constant 48 : index
      %swap3A_89 = tpu.vector_load %arg16[%swap3A_87, %swap3A_88] {strides = array<i32>} : memref<80x128xf32, #tpu.memory_space<vmem>>, vector<16xf32>,
      tpu.vector_store %arg16[%swap3A_87, %swap3A_88], %mul3A_86 {strides = array<i32>} : memref<80x128xf32, #tpu.memory_space<vmem>>, vector<16xf32>,
      %get3A_90 = arith.index_cast %add3A_62 : i32 to index
      %get3A_91 = arith.constant 64 : index
      %get3A_92 = tpu.vector_load %arg16[%get3A_90, %get3A_91] {strides = array<i32>} : memref<80x128xf32, #tpu.memory_space<vmem>>, vector<16xf32>,
      %mul3A_93 = arith.mulf %get3A_92, %gather3A : vector<16xf32>
      %swap3A_94 = arith.index_cast %add3A_62 : i32 to index
      %swap3A_95 = arith.constant 64 : index
      %swap3A_96 = tpu.vector_load %arg16[%swap3A_94, %swap3A_95] {strides = array<i32>} : memref<80x128xf32, #tpu.memory_space<vmem>>, vector<16xf32>,
      tpu.vector_store %arg16[%swap3A_94, %swap3A_95], %mul3A_93 {strides = array<i32>} : memref<80x128xf32, #tpu.memory_space<vmem>>, vector<16xf32>,
      %get3A_97 = arith.index_cast %add3A_62 : i32 to index
      %get3A_98 = arith.constant 80 : index
      %get3A_99 = tpu.vector_load %arg16[%get3A_97, %get3A_98] {strides = array<i32>} : memref<80x128xf32, #tpu.memory_space<vmem>>, vector<16xf32>,
      %mul3A_100 = arith.mulf %get3A_99, %gather3A : vector<16xf32>
      %swap3A_101 = arith.index_cast %add3A_62 : i32 to index
      %swap3A_102 = arith.constant 80 : index
      %swap3A_103 = tpu.vector_load %arg16[%swap3A_101, %swap3A_102] {strides = array<i32>} : memref<80x128xf32, #tpu.memory_space<vmem>>, vector<16xf32>,
      tpu.vector_store %arg16[%swap3A_101, %swap3A_102], %mul3A_100 {strides = array<i32>} : memref<80x128xf32, #tpu.memory_space<vmem>>, vector<16xf32>,
      %get3A_104 = arith.index_cast %add3A_62 : i32 to index
      %get3A_105 = arith.constant 96 : index
      %get3A_106 = tpu.vector_load %arg16[%get3A_104, %get3A_105] {strides = array<i32>} : memref<80x128xf32, #tpu.memory_space<vmem>>, vector<16xf32>,
      %mul3A_107 = arith.mulf %get3A_106, %gather3A : vector<16xf32>
      %swap3A_108 = arith.index_cast %add3A_62 : i32 to index
      %swap3A_109 = arith.constant 96 : index
      %swap3A_110 = tpu.vector_load %arg16[%swap3A_108, %swap3A_109] {strides = array<i32>} : memref<80x128xf32, #tpu.memory_space<vmem>>, vector<16xf32>,
      tpu.vector_store %arg16[%swap3A_108, %swap3A_109], %mul3A_107 {strides = array<i32>} : memref<80x128xf32, #tpu.memory_space<vmem>>, vector<16xf32>,
      %get3A_111 = arith.index_cast %add3A_62 : i32 to index
      %get3A_112 = arith.constant 112 : index
      %get3A_113 = tpu.vector_load %arg16[%get3A_111, %get3A_112] {strides = array<i32>} : memref<80x128xf32, #tpu.memory_space<vmem>>, vector<16xf32>,
      %mul3A_114 = arith.mulf %get3A_113, %gather3A : vector<16xf32>
      %swap3A_115 = arith.index_cast %add3A_62 : i32 to index
      %swap3A_116 = arith.constant 112 : index
      %swap3A_117 = tpu.vector_load %arg16[%swap3A_115, %swap3A_116] {strides = array<i32>} : memref<80x128xf32, #tpu.memory_space<vmem>>, vector<16xf32>,
      tpu.vector_store %arg16[%swap3A_115, %swap3A_116], %mul3A_114 {strides = array<i32>} : memref<80x128xf32, #tpu.memory_space<vmem>>, vector<16xf32>,
      %mul3A_118 = arith.constant 8 : i32
      %mul3A_119 = arith.muli %scan3A_58, %mul3A_118 : i32
      %add3A_120 = arith.constant 1 : i32
      %add3A_121 = arith.addi %mul3A_119, %add3A_120 : i32
      %broadcast_in_dim3A_122 = vector.broadcast %add3A_121 : i32 to vector<16xi32>
      %gather3A_123 = tpu.vector_load_idx %arg14[%broadcast_in_dim3A_122] : memref<80xf32, #tpu.memory_space<vmem>>[vector<16xi32>], vector<16xf32>,
      %get3A_124 = arith.index_cast %add3A_121 : i32 to index
      %get3A_125 = arith.constant 0 : index
      %get3A_126 = tpu.vector_load %arg16[%get3A_124, %get3A_125] {strides = array<i32>} : memref<80x128xf32, #tpu.memory_space<vmem>>, vector<16xf32>,
      %mul3A_127 = arith.mulf %get3A_126, %gather3A_123 : vector<16xf32>
      %swap3A_128 = arith.index_cast %add3A_121 : i32 to index
      %swap3A_129 = arith.constant 0 : index
      %swap3A_130 = tpu.vector_load %arg16[%swap3A_128, %swap3A_129] {strides = array<i32>} : memref<80x128xf32, #tpu.memory_space<vmem>>, vector<16xf32>,
      tpu.vector_store %arg16[%swap3A_128, %swap3A_129], %mul3A_127 {strides = array<i32>} : memref<80x128xf32, #tpu.memory_space<vmem>>, vector<16xf32>,
      %get3A_131 = arith.index_cast %add3A_121 : i32 to index
      %get3A_132 = arith.constant 16 : index
      %get3A_133 = tpu.vector_load %arg16[%get3A_131, %get3A_132] {strides = array<i32>} : memref<80x128xf32, #tpu.memory_space<vmem>>, vector<16xf32>,
      %mul3A_134 = arith.mulf %get3A_133, %gather3A_123 : vector<16xf32>
      %swap3A_135 = arith.index_cast %add3A_121 : i32 to index
      %swap3A_136 = arith.constant 16 : index
      %swap3A_137 = tpu.vector_load %arg16[%swap3A_135, %swap3A_136] {strides = array<i32>} : memref<80x128xf32, #tpu.memory_space<vmem>>, vector<16xf32>,
      tpu.vector_store %arg16[%swap3A_135, %swap3A_136], %mul3A_134 {strides = array<i32>} : memref<80x128xf32, #tpu.memory_space<vmem>>, vector<16xf32>,
      %get3A_138 = arith.index_cast %add3A_121 : i32 to index
      %get3A_139 = arith.constant 32 : index
      %get3A_140 = tpu.vector_load %arg16[%get3A_138, %get3A_139] {strides = array<i32>} : memref<80x128xf32, #tpu.memory_space<vmem>>, vector<16xf32>,
      %mul3A_141 = arith.mulf %get3A_140, %gather3A_123 : vector<16xf32>
      %swap3A_142 = arith.index_cast %add3A_121 : i32 to index
      %swap3A_143 = arith.constant 32 : index
      %swap3A_144 = tpu.vector_load %arg16[%swap3A_142, %swap3A_143] {strides = array<i32>} : memref<80x128xf32, #tpu.memory_space<vmem>>, vector<16xf32>,
      tpu.vector_store %arg16[%swap3A_142, %swap3A_143], %mul3A_141 {strides = array<i32>} : memref<80x128xf32, #tpu.memory_space<vmem>>, vector<16xf32>,
      %get3A_145 = arith.index_cast %add3A_121 : i32 to index
      %get3A_146 = arith.constant 48 : index
      %get3A_147 = tpu.vector_load %arg16[%get3A_145, %get3A_146] {strides = array<i32>} : memref<80x128xf32, #tpu.memory_space<vmem>>, vector<16xf32>,
      %mul3A_148 = arith.mulf %get3A_147, %gather3A_123 : vector<16xf32>
      %swap3A_149 = arith.index_cast %add3A_121 : i32 to index
      %swap3A_150 = arith.constant 48 : index
      %swap3A_151 = tpu.vector_load %arg16[%swap3A_149, %swap3A_150] {strides = array<i32>} : memref<80x128xf32, #tpu.memory_space<vmem>>, vector<16xf32>,
      tpu.vector_store %arg16[%swap3A_149, %swap3A_150], %mul3A_148 {strides = array<i32>} : memref<80x128xf32, #tpu.memory_space<vmem>>, vector<16xf32>,
      %get3A_152 = arith.index_cast %add3A_121 : i32 to index
      %get3A_153 = arith.constant 64 : index
      %get3A_154 = tpu.vector_load %arg16[%get3A_152, %get3A_153] {strides = array<i32>} : memref<80x128xf32, #tpu.memory_space<vmem>>, vector<16xf32>,
      %mul3A_155 = arith.mulf %get3A_154, %gather3A_123 : vector<16xf32>
      %swap3A_156 = arith.index_cast %add3A_121 : i32 to index
      %swap3A_157 = arith.constant 64 : index
      %swap3A_158 = tpu.vector_load %arg16[%swap3A_156, %swap3A_157] {strides = array<i32>} : memref<80x128xf32, #tpu.memory_space<vmem>>, vector<16xf32>,
      tpu.vector_store %arg16[%swap3A_156, %swap3A_157], %mul3A_155 {strides = array<i32>} : memref<80x128xf32, #tpu.memory_space<vmem>>, vector<16xf32>,
      %get3A_159 = arith.index_cast %add3A_121 : i32 to index
      %get3A_160 = arith.constant 80 : index
      %get3A_161 = tpu.vector_load %arg16[%get3A_159, %get3A_160] {strides = array<i32>} : memref<80x128xf32, #tpu.memory_space<vmem>>, vector<16xf32>,
      %mul3A_162 = arith.mulf %get3A_161, %gather3A_123 : vector<16xf32>
      %swap3A_163 = arith.index_cast %add3A_121 : i32 to index
      %swap3A_164 = arith.constant 80 : index
      %swap3A_165 = tpu.vector_load %arg16[%swap3A_163, %swap3A_164] {strides = array<i32>} : memref<80x128xf32, #tpu.memory_space<vmem>>, vector<16xf32>,
      tpu.vector_store %arg16[%swap3A_163, %swap3A_164], %mul3A_162 {strides = array<i32>} : memref<80x128xf32, #tpu.memory_space<vmem>>, vector<16xf32>,
      %get3A_166 = arith.index_cast %add3A_121 : i32 to index
      %get3A_167 = arith.constant 96 : index
      %get3A_168 = tpu.vector_load %arg16[%get3A_166, %get3A_167] {strides = array<i32>} : memref<80x128xf32, #tpu.memory_space<vmem>>, vector<16xf32>,
      %mul3A_169 = arith.mulf %get3A_168, %gather3A_123 : vector<16xf32>
      %swap3A_170 = arith.index_cast %add3A_121 : i32 to index
      %swap3A_171 = arith.constant 96 : index
      %swap3A_172 = tpu.vector_load %arg16[%swap3A_170, %swap3A_171] {strides = array<i32>} : memref<80x128xf32, #tpu.memory_space<vmem>>, vector<16xf32>,
      tpu.vector_store %arg16[%swap3A_170, %swap3A_171], %mul3A_169 {strides = array<i32>} : memref<80x128xf32, #tpu.memory_space<vmem>>, vector<16xf32>,
      %get3A_173 = arith.index_cast %add3A_121 : i32 to index
      %get3A_174 = arith.constant 112 : index
      %get3A_175 = tpu.vector_load %arg16[%get3A_173, %get3A_174] {strides = array<i32>} : memref<80x128xf32, #tpu.memory_space<vmem>>, vector<16xf32>,
      %mul3A_176 = arith.mulf %get3A_175, %gather3A_123 : vector<16xf32>
      %swap3A_177 = arith.index_cast %add3A_121 : i32 to index
      %swap3A_178 = arith.constant 112 : index
      %swap3A_179 = tpu.vector_load %arg16[%swap3A_177, %swap3A_178] {strides = array<i32>} : memref<80x128xf32, #tpu.memory_space<vmem>>, vector<16xf32>,
      tpu.vector_store %arg16[%swap3A_177, %swap3A_178], %mul3A_176 {strides = array<i32>} : memref<80x128xf32, #tpu.memory_space<vmem>>, vector<16xf32>,
      %mul3A_180 = arith.constant 8 : i32
      %mul3A_181 = arith.muli %scan3A_58, %mul3A_180 : i32
      %add3A_182 = arith.constant 2 : i32
      %add3A_183 = arith.addi %mul3A_181, %add3A_182 : i32
      %broadcast_in_dim3A_184 = vector.broadcast %add3A_183 : i32 to vector<16xi32>
      %gather3A_185 = tpu.vector_load_idx %arg14[%broadcast_in_dim3A_184] : memref<80xf32, #tpu.memory_space<vmem>>[vector<16xi32>], vector<16xf32>,
      %get3A_186 = arith.index_cast %add3A_183 : i32 to index
      %get3A_187 = arith.constant 0 : index
      %get3A_188 = tpu.vector_load %arg16[%get3A_186, %get3A_187] {strides = array<i32>} : memref<80x128xf32, #tpu.memory_space<vmem>>, vector<16xf32>,
      %mul3A_189 = arith.mulf %get3A_188, %gather3A_185 : vector<16xf32>
      %swap3A_190 = arith.index_cast %add3A_183 : i32 to index
      %swap3A_191 = arith.constant 0 : index
      %swap3A_192 = tpu.vector_load %arg16[%swap3A_190, %swap3A_191] {strides = array<i32>} : memref<80x128xf32, #tpu.memory_space<vmem>>, vector<16xf32>,
      tpu.vector_store %arg16[%swap3A_190, %swap3A_191], %mul3A_189 {strides = array<i32>} : memref<80x128xf32, #tpu.memory_space<vmem>>, vector<16xf32>,
      %get3A_193 = arith.index_cast %add3A_183 : i32 to index
      %get3A_194 = arith.constant 16 : index
      %get3A_195 = tpu.vector_load %arg16[%get3A_193, %get3A_194] {strides = array<i32>} : memref<80x128xf32, #tpu.memory_space<vmem>>, vector<16xf32>,
      %mul3A_196 = arith.mulf %get3A_195, %gather3A_185 : vector<16xf32>
      %swap3A_197 = arith.index_cast %add3A_183 : i32 to index
      %swap3A_198 = arith.constant 16 : index
      %swap3A_199 = tpu.vector_load %arg16[%swap3A_197, %swap3A_198] {strides = array<i32>} : memref<80x128xf32, #tpu.memory_space<vmem>>, vector<16xf32>,
      tpu.vector_store %arg16[%swap3A_197, %swap3A_198], %mul3A_196 {strides = array<i32>} : memref<80x128xf32, #tpu.memory_space<vmem>>, vector<16xf32>,
      %get3A_200 = arith.index_cast %add3A_183 : i32 to index
      %get3A_201 = arith.constant 32 : index
      %get3A_202 = tpu.vector_load %arg16[%get3A_200, %get3A_201] {strides = array<i32>} : memref<80x128xf32, #tpu.memory_space<vmem>>, vector<16xf32>,
      %mul3A_203 = arith.mulf %get3A_202, %gather3A_185 : vector<16xf32>
      %swap3A_204 = arith.index_cast %add3A_183 : i32 to index
      %swap3A_205 = arith.constant 32 : index
      %swap3A_206 = tpu.vector_load %arg16[%swap3A_204, %swap3A_205] {strides = array<i32>} : memref<80x128xf32, #tpu.memory_space<vmem>>, vector<16xf32>,
      tpu.vector_store %arg16[%swap3A_204, %swap3A_205], %mul3A_203 {strides = array<i32>} : memref<80x128xf32, #tpu.memory_space<vmem>>, vector<16xf32>,
      %get3A_207 = arith.index_cast %add3A_183 : i32 to index
      %get3A_208 = arith.constant 48 : index
      %get3A_209 = tpu.vector_load %arg16[%get3A_207, %get3A_208] {strides = array<i32>} : memref<80x128xf32, #tpu.memory_space<vmem>>, vector<16xf32>,
      %mul3A_210 = arith.mulf %get3A_209, %gather3A_185 : vector<16xf32>
      %swap3A_211 = arith.index_cast %add3A_183 : i32 to index
      %swap3A_212 = arith.constant 48 : index
      %swap3A_213 = tpu.vector_load %arg16[%swap3A_211, %swap3A_212] {strides = array<i32>} : memref<80x128xf32, #tpu.memory_space<vmem>>, vector<16xf32>,
      tpu.vector_store %arg16[%swap3A_211, %swap3A_212], %mul3A_210 {strides = array<i32>} : memref<80x128xf32, #tpu.memory_space<vmem>>, vector<16xf32>,
      %get3A_214 = arith.index_cast %add3A_183 : i32 to index
      %get3A_215 = arith.constant 64 : index
      %get3A_216 = tpu.vector_load %arg16[%get3A_214, %get3A_215] {strides = array<i32>} : memref<80x128xf32, #tpu.memory_space<vmem>>, vector<16xf32>,
      %mul3A_217 = arith.mulf %get3A_216, %gather3A_185 : vector<16xf32>
      %swap3A_218 = arith.index_cast %add3A_183 : i32 to index
      %swap3A_219 = arith.constant 64 : index
      %swap3A_220 = tpu.vector_load %arg16[%swap3A_218, %swap3A_219] {strides = array<i32>} : memref<80x128xf32, #tpu.memory_space<vmem>>, vector<16xf32>,
      tpu.vector_store %arg16[%swap3A_218, %swap3A_219], %mul3A_217 {strides = array<i32>} : memref<80x128xf32, #tpu.memory_space<vmem>>, vector<16xf32>,
      %get3A_221 = arith.index_cast %add3A_183 : i32 to index
      %get3A_222 = arith.constant 80 : index
      %get3A_223 = tpu.vector_load %arg16[%get3A_221, %get3A_222] {strides = array<i32>} : memref<80x128xf32, #tpu.memory_space<vmem>>, vector<16xf32>,
      %mul3A_224 = arith.mulf %get3A_223, %gather3A_185 : vector<16xf32>
      %swap3A_225 = arith.index_cast %add3A_183 : i32 to index
      %swap3A_226 = arith.constant 80 : index
      %swap3A_227 = tpu.vector_load %arg16[%swap3A_225, %swap3A_226] {strides = array<i32>} : memref<80x128xf32, #tpu.memory_space<vmem>>, vector<16xf32>,
      tpu.vector_store %arg16[%swap3A_225, %swap3A_226], %mul3A_224 {strides = array<i32>} : memref<80x128xf32, #tpu.memory_space<vmem>>, vector<16xf32>,
      %get3A_228 = arith.index_cast %add3A_183 : i32 to index
      %get3A_229 = arith.constant 96 : index
      %get3A_230 = tpu.vector_load %arg16[%get3A_228, %get3A_229] {strides = array<i32>} : memref<80x128xf32, #tpu.memory_space<vmem>>, vector<16xf32>,
      %mul3A_231 = arith.mulf %get3A_230, %gather3A_185 : vector<16xf32>
      %swap3A_232 = arith.index_cast %add3A_183 : i32 to index
      %swap3A_233 = arith.constant 96 : index
      %swap3A_234 = tpu.vector_load %arg16[%swap3A_232, %swap3A_233] {strides = array<i32>} : memref<80x128xf32, #tpu.memory_space<vmem>>, vector<16xf32>,
      tpu.vector_store %arg16[%swap3A_232, %swap3A_233], %mul3A_231 {strides = array<i32>} : memref<80x128xf32, #tpu.memory_space<vmem>>, vector<16xf32>,
      %get3A_235 = arith.index_cast %add3A_183 : i32 to index
      %get3A_236 = arith.constant 112 : index
      %get3A_237 = tpu.vector_load %arg16[%get3A_235, %get3A_236] {strides = array<i32>} : memref<80x128xf32, #tpu.memory_space<vmem>>, vector<16xf32>,
      %mul3A_238 = arith.mulf %get3A_237, %gather3A_185 : vector<16xf32>
      %swap3A_239 = arith.index_cast %add3A_183 : i32 to index
      %swap3A_240 = arith.constant 112 : index
      %swap3A_241 = tpu.vector_load %arg16[%swap3A_239, %swap3A_240] {strides = array<i32>} : memref<80x128xf32, #tpu.memory_space<vmem>>, vector<16xf32>,
      tpu.vector_store %arg16[%swap3A_239, %swap3A_240], %mul3A_238 {strides = array<i32>} : memref<80x128xf32, #tpu.memory_space<vmem>>, vector<16xf32>,
      %mul3A_242 = arith.constant 8 : i32
      %mul3A_243 = arith.muli %scan3A_58, %mul3A_242 : i32
      %add3A_244 = arith.constant 3 : i32
      %add3A_245 = arith.addi %mul3A_243, %add3A_244 : i32
      %broadcast_in_dim3A_246 = vector.broadcast %add3A_245 : i32 to vector<16xi32>
      %gather3A_247 = tpu.vector_load_idx %arg14[%broadcast_in_dim3A_246] : memref<80xf32, #tpu.memory_space<vmem>>[vector<16xi32>], vector<16xf32>,
      %get3A_248 = arith.index_cast %add3A_245 : i32 to index
      %get3A_249 = arith.constant 0 : index
      %get3A_250 = tpu.vector_load %arg16[%get3A_248, %get3A_249] {strides = array<i32>} : memref<80x128xf32, #tpu.memory_space<vmem>>, vector<16xf32>,
      %mul3A_251 = arith.mulf %get3A_250, %gather3A_247 : vector<16xf32>
      %swap3A_252 = arith.index_cast %add3A_245 : i32 to index
      %swap3A_253 = arith.constant 0 : index
      %swap3A_254 = tpu.vector_load %arg16[%swap3A_252, %swap3A_253] {strides = array<i32>} : memref<80x128xf32, #tpu.memory_space<vmem>>, vector<16xf32>,
      tpu.vector_store %arg16[%swap3A_252, %swap3A_253], %mul3A_251 {strides = array<i32>} : memref<80x128xf32, #tpu.memory_space<vmem>>, vector<16xf32>,
      %get3A_255 = arith.index_cast %add3A_245 : i32 to index
      %get3A_256 = arith.constant 16 : index
      %get3A_257 = tpu.vector_load %arg16[%get3A_255, %get3A_256] {strides = array<i32>} : memref<80x128xf32, #tpu.memory_space<vmem>>, vector<16xf32>,
      %mul3A_258 = arith.mulf %get3A_257, %gather3A_247 : vector<16xf32>
      %swap3A_259 = arith.index_cast %add3A_245 : i32 to index
      %swap3A_260 = arith.constant 16 : index
      %swap3A_261 = tpu.vector_load %arg16[%swap3A_259, %swap3A_260] {strides = array<i32>} : memref<80x128xf32, #tpu.memory_space<vmem>>, vector<16xf32>,
      tpu.vector_store %arg16[%swap3A_259, %swap3A_260], %mul3A_258 {strides = array<i32>} : memref<80x128xf32, #tpu.memory_space<vmem>>, vector<16xf32>,
      %get3A_262 = arith.index_cast %add3A_245 : i32 to index
      %get3A_263 = arith.constant 32 : index
      %get3A_264 = tpu.vector_load %arg16[%get3A_262, %get3A_263] {strides = array<i32>} : memref<80x128xf32, #tpu.memory_space<vmem>>, vector<16xf32>,
      %mul3A_265 = arith.mulf %get3A_264, %gather3A_247 : vector<16xf32>
      %swap3A_266 = arith.index_cast %add3A_245 : i32 to index
      %swap3A_267 = arith.constant 32 : index
      %swap3A_268 = tpu.vector_load %arg16[%swap3A_266, %swap3A_267] {strides = array<i32>} : memref<80x128xf32, #tpu.memory_space<vmem>>, vector<16xf32>,
      tpu.vector_store %arg16[%swap3A_266, %swap3A_267], %mul3A_265 {strides = array<i32>} : memref<80x128xf32, #tpu.memory_space<vmem>>, vector<16xf32>,
      %get3A_269 = arith.index_cast %add3A_245 : i32 to index
      %get3A_270 = arith.constant 48 : index
      %get3A_271 = tpu.vector_load %arg16[%get3A_269, %get3A_270] {strides = array<i32>} : memref<80x128xf32, #tpu.memory_space<vmem>>, vector<16xf32>,
      %mul3A_272 = arith.mulf %get3A_271, %gather3A_247 : vector<16xf32>
      %swap3A_273 = arith.index_cast %add3A_245 : i32 to index
      %swap3A_274 = arith.constant 48 : index
      %swap3A_275 = tpu.vector_load %arg16[%swap3A_273, %swap3A_274] {strides = array<i32>} : memref<80x128xf32, #tpu.memory_space<vmem>>, vector<16xf32>,
      tpu.vector_store %arg16[%swap3A_273, %swap3A_274], %mul3A_272 {strides = array<i32>} : memref<80x128xf32, #tpu.memory_space<vmem>>, vector<16xf32>,
      %get3A_276 = arith.index_cast %add3A_245 : i32 to index
      %get3A_277 = arith.constant 64 : index
      %get3A_278 = tpu.vector_load %arg16[%get3A_276, %get3A_277] {strides = array<i32>} : memref<80x128xf32, #tpu.memory_space<vmem>>, vector<16xf32>,
      %mul3A_279 = arith.mulf %get3A_278, %gather3A_247 : vector<16xf32>
      %swap3A_280 = arith.index_cast %add3A_245 : i32 to index
      %swap3A_281 = arith.constant 64 : index
      %swap3A_282 = tpu.vector_load %arg16[%swap3A_280, %swap3A_281] {strides = array<i32>} : memref<80x128xf32, #tpu.memory_space<vmem>>, vector<16xf32>,
      tpu.vector_store %arg16[%swap3A_280, %swap3A_281], %mul3A_279 {strides = array<i32>} : memref<80x128xf32, #tpu.memory_space<vmem>>, vector<16xf32>,
      %get3A_283 = arith.index_cast %add3A_245 : i32 to index
      %get3A_284 = arith.constant 80 : index
      %get3A_285 = tpu.vector_load %arg16[%get3A_283, %get3A_284] {strides = array<i32>} : memref<80x128xf32, #tpu.memory_space<vmem>>, vector<16xf32>,
      %mul3A_286 = arith.mulf %get3A_285, %gather3A_247 : vector<16xf32>
      %swap3A_287 = arith.index_cast %add3A_245 : i32 to index
      %swap3A_288 = arith.constant 80 : index
      %swap3A_289 = tpu.vector_load %arg16[%swap3A_287, %swap3A_288] {strides = array<i32>} : memref<80x128xf32, #tpu.memory_space<vmem>>, vector<16xf32>,
      tpu.vector_store %arg16[%swap3A_287, %swap3A_288], %mul3A_286 {strides = array<i32>} : memref<80x128xf32, #tpu.memory_space<vmem>>, vector<16xf32>,
      %get3A_290 = arith.index_cast %add3A_245 : i32 to index
      %get3A_291 = arith.constant 96 : index
      %get3A_292 = tpu.vector_load %arg16[%get3A_290, %get3A_291] {strides = array<i32>} : memref<80x128xf32, #tpu.memory_space<vmem>>, vector<16xf32>,
      %mul3A_293 = arith.mulf %get3A_292, %gather3A_247 : vector<16xf32>
      %swap3A_294 = arith.index_cast %add3A_245 : i32 to index
      %swap3A_295 = arith.constant 96 : index
      %swap3A_296 = tpu.vector_load %arg16[%swap3A_294, %swap3A_295] {strides = array<i32>} : memref<80x128xf32, #tpu.memory_space<vmem>>, vector<16xf32>,
      tpu.vector_store %arg16[%swap3A_294, %swap3A_295], %mul3A_293 {strides = array<i32>} : memref<80x128xf32, #tpu.memory_space<vmem>>, vector<16xf32>,
      %get3A_297 = arith.index_cast %add3A_245 : i32 to index
      %get3A_298 = arith.constant 112 : index
      %get3A_299 = tpu.vector_load %arg16[%get3A_297, %get3A_298] {strides = array<i32>} : memref<80x128xf32, #tpu.memory_space<vmem>>, vector<16xf32>,
      %mul3A_300 = arith.mulf %get3A_299, %gather3A_247 : vector<16xf32>
      %swap3A_301 = arith.index_cast %add3A_245 : i32 to index
      %swap3A_302 = arith.constant 112 : index
      %swap3A_303 = tpu.vector_load %arg16[%swap3A_301, %swap3A_302] {strides = array<i32>} : memref<80x128xf32, #tpu.memory_space<vmem>>, vector<16xf32>,
      tpu.vector_store %arg16[%swap3A_301, %swap3A_302], %mul3A_300 {strides = array<i32>} : memref<80x128xf32, #tpu.memory_space<vmem>>, vector<16xf32>,
      %mul3A_304 = arith.constant 8 : i32
      %mul3A_305 = arith.muli %scan3A_58, %mul3A_304 : i32
      %add3A_306 = arith.constant 4 : i32
      %add3A_307 = arith.addi %mul3A_305, %add3A_306 : i32
      %broadcast_in_dim3A_308 = vector.broadcast %add3A_307 : i32 to vector<16xi32>
      %gather3A_309 = tpu.vector_load_idx %arg14[%broadcast_in_dim3A_308] : memref<80xf32, #tpu.memory_space<vmem>>[vector<16xi32>], vector<16xf32>,
      %get3A_310 = arith.index_cast %add3A_307 : i32 to index
      %get3A_311 = arith.constant 0 : index
      %get3A_312 = tpu.vector_load %arg16[%get3A_310, %get3A_311] {strides = array<i32>} : memref<80x128xf32, #tpu.memory_space<vmem>>, vector<16xf32>,
      %mul3A_313 = arith.mulf %get3A_312, %gather3A_309 : vector<16xf32>
      %swap3A_314 = arith.index_cast %add3A_307 : i32 to index
      %swap3A_315 = arith.constant 0 : index
      %swap3A_316 = tpu.vector_load %arg16[%swap3A_314, %swap3A_315] {strides = array<i32>} : memref<80x128xf32, #tpu.memory_space<vmem>>, vector<16xf32>,
      tpu.vector_store %arg16[%swap3A_314, %swap3A_315], %mul3A_313 {strides = array<i32>} : memref<80x128xf32, #tpu.memory_space<vmem>>, vector<16xf32>,
      %get3A_317 = arith.index_cast %add3A_307 : i32 to index
      %get3A_318 = arith.constant 16 : index
      %get3A_319 = tpu.vector_load %arg16[%get3A_317, %get3A_318] {strides = array<i32>} : memref<80x128xf32, #tpu.memory_space<vmem>>, vector<16xf32>,
      %mul3A_320 = arith.mulf %get3A_319, %gather3A_309 : vector<16xf32>
      %swap3A_321 = arith.index_cast %add3A_307 : i32 to index
      %swap3A_322 = arith.constant 16 : index
      %swap3A_323 = tpu.vector_load %arg16[%swap3A_321, %swap3A_322] {strides = array<i32>} : memref<80x128xf32, #tpu.memory_space<vmem>>, vector<16xf32>,
      tpu.vector_store %arg16[%swap3A_321, %swap3A_322], %mul3A_320 {strides = array<i32>} : memref<80x128xf32, #tpu.memory_space<vmem>>, vector<16xf32>,
      %get3A_324 = arith.index_cast %add3A_307 : i32 to index
      %get3A_325 = arith.constant 32 : index
      %get3A_326 = tpu.vector_load %arg16[%get3A_324, %get3A_325] {strides = array<i32>} : memref<80x128xf32, #tpu.memory_space<vmem>>, vector<16xf32>,
      %mul3A_327 = arith.mulf %get3A_326, %gather3A_309 : vector<16xf32>
      %swap3A_328 = arith.index_cast %add3A_307 : i32 to index
      %swap3A_329 = arith.constant 32 : index
      %swap3A_330 = tpu.vector_load %arg16[%swap3A_328, %swap3A_329] {strides = array<i32>} : memref<80x128xf32, #tpu.memory_space<vmem>>, vector<16xf32>,
      tpu.vector_store %arg16[%swap3A_328, %swap3A_329], %mul3A_327 {strides = array<i32>} : memref<80x128xf32, #tpu.memory_space<vmem>>, vector<16xf32>,
      %get3A_331 = arith.index_cast %add3A_307 : i32 to index
      %get3A_332 = arith.constant 48 : index
      %get3A_333 = tpu.vector_load %arg16[%get3A_331, %get3A_332] {strides = array<i32>} : memref<80x128xf32, #tpu.memory_space<vmem>>, vector<16xf32>,
      %mul3A_334 = arith.mulf %get3A_333, %gather3A_309 : vector<16xf32>
      %swap3A_335 = arith.index_cast %add3A_307 : i32 to index
      %swap3A_336 = arith.constant 48 : index
      %swap3A_337 = tpu.vector_load %arg16[%swap3A_335, %swap3A_336] {strides = array<i32>} : memref<80x128xf32, #tpu.memory_space<vmem>>, vector<16xf32>,
      tpu.vector_store %arg16[%swap3A_335, %swap3A_336], %mul3A_334 {strides = array<i32>} : memref<80x128xf32, #tpu.memory_space<vmem>>, vector<16xf32>,
      %get3A_338 = arith.index_cast %add3A_307 : i32 to index
      %get3A_339 = arith.constant 64 : index
      %get3A_340 = tpu.vector_load %arg16[%get3A_338, %get3A_339] {strides = array<i32>} : memref<80x128xf32, #tpu.memory_space<vmem>>, vector<16xf32>,
      %mul3A_341 = arith.mulf %get3A_340, %gather3A_309 : vector<16xf32>
      %swap3A_342 = arith.index_cast %add3A_307 : i32 to index
      %swap3A_343 = arith.constant 64 : index
      %swap3A_344 = tpu.vector_load %arg16[%swap3A_342, %swap3A_343] {strides = array<i32>} : memref<80x128xf32, #tpu.memory_space<vmem>>, vector<16xf32>,
      tpu.vector_store %arg16[%swap3A_342, %swap3A_343], %mul3A_341 {strides = array<i32>} : memref<80x128xf32, #tpu.memory_space<vmem>>, vector<16xf32>,
      %get3A_345 = arith.index_cast %add3A_307 : i32 to index
      %get3A_346 = arith.constant 80 : index
      %get3A_347 = tpu.vector_load %arg16[%get3A_345, %get3A_346] {strides = array<i32>} : memref<80x128xf32, #tpu.memory_space<vmem>>, vector<16xf32>,
      %mul3A_348 = arith.mulf %get3A_347, %gather3A_309 : vector<16xf32>
      %swap3A_349 = arith.index_cast %add3A_307 : i32 to index
      %swap3A_350 = arith.constant 80 : index
      %swap3A_351 = tpu.vector_load %arg16[%swap3A_349, %swap3A_350] {strides = array<i32>} : memref<80x128xf32, #tpu.memory_space<vmem>>, vector<16xf32>,
      tpu.vector_store %arg16[%swap3A_349, %swap3A_350], %mul3A_348 {strides = array<i32>} : memref<80x128xf32, #tpu.memory_space<vmem>>, vector<16xf32>,
      %get3A_352 = arith.index_cast %add3A_307 : i32 to index
      %get3A_353 = arith.constant 96 : index
      %get3A_354 = tpu.vector_load %arg16[%get3A_352, %get3A_353] {strides = array<i32>} : memref<80x128xf32, #tpu.memory_space<vmem>>, vector<16xf32>,
      %mul3A_355 = arith.mulf %get3A_354, %gather3A_309 : vector<16xf32>
      %swap3A_356 = arith.index_cast %add3A_307 : i32 to index
      %swap3A_357 = arith.constant 96 : index
      %swap3A_358 = tpu.vector_load %arg16[%swap3A_356, %swap3A_357] {strides = array<i32>} : memref<80x128xf32, #tpu.memory_space<vmem>>, vector<16xf32>,
      tpu.vector_store %arg16[%swap3A_356, %swap3A_357], %mul3A_355 {strides = array<i32>} : memref<80x128xf32, #tpu.memory_space<vmem>>, vector<16xf32>,
      %get3A_359 = arith.index_cast %add3A_307 : i32 to index
      %get3A_360 = arith.constant 112 : index
      %get3A_361 = tpu.vector_load %arg16[%get3A_359, %get3A_360] {strides = array<i32>} : memref<80x128xf32, #tpu.memory_space<vmem>>, vector<16xf32>,
      %mul3A_362 = arith.mulf %get3A_361, %gather3A_309 : vector<16xf32>
      %swap3A_363 = arith.index_cast %add3A_307 : i32 to index
      %swap3A_364 = arith.constant 112 : index
      %swap3A_365 = tpu.vector_load %arg16[%swap3A_363, %swap3A_364] {strides = array<i32>} : memref<80x128xf32, #tpu.memory_space<vmem>>, vector<16xf32>,
      tpu.vector_store %arg16[%swap3A_363, %swap3A_364], %mul3A_362 {strides = array<i32>} : memref<80x128xf32, #tpu.memory_space<vmem>>, vector<16xf32>,
      %mul3A_366 = arith.constant 8 : i32
      %mul3A_367 = arith.muli %scan3A_58, %mul3A_366 : i32
      %add3A_368 = arith.constant 5 : i32
      %add3A_369 = arith.addi %mul3A_367, %add3A_368 : i32
      %broadcast_in_dim3A_370 = vector.broadcast %add3A_369 : i32 to vector<16xi32>
      %gather3A_371 = tpu.vector_load_idx %arg14[%broadcast_in_dim3A_370] : memref<80xf32, #tpu.memory_space<vmem>>[vector<16xi32>], vector<16xf32>,
      %get3A_372 = arith.index_cast %add3A_369 : i32 to index
      %get3A_373 = arith.constant 0 : index
      %get3A_374 = tpu.vector_load %arg16[%get3A_372, %get3A_373] {strides = array<i32>} : memref<80x128xf32, #tpu.memory_space<vmem>>, vector<16xf32>,
      %mul3A_375 = arith.mulf %get3A_374, %gather3A_371 : vector<16xf32>
      %swap3A_376 = arith.index_cast %add3A_369 : i32 to index
      %swap3A_377 = arith.constant 0 : index
      %swap3A_378 = tpu.vector_load %arg16[%swap3A_376, %swap3A_377] {strides = array<i32>} : memref<80x128xf32, #tpu.memory_space<vmem>>, vector<16xf32>,
      tpu.vector_store %arg16[%swap3A_376, %swap3A_377], %mul3A_375 {strides = array<i32>} : memref<80x128xf32, #tpu.memory_space<vmem>>, vector<16xf32>,
      %get3A_379 = arith.index_cast %add3A_369 : i32 to index
      %get3A_380 = arith.constant 16 : index
      %get3A_381 = tpu.vector_load %arg16[%get3A_379, %get3A_380] {strides = array<i32>} : memref<80x128xf32, #tpu.memory_space<vmem>>, vector<16xf32>,
      %mul3A_382 = arith.mulf %get3A_381, %gather3A_371 : vector<16xf32>
      %swap3A_383 = arith.index_cast %add3A_369 : i32 to index
      %swap3A_384 = arith.constant 16 : index
      %swap3A_385 = tpu.vector_load %arg16[%swap3A_383, %swap3A_384] {strides = array<i32>} : memref<80x128xf32, #tpu.memory_space<vmem>>, vector<16xf32>,
      tpu.vector_store %arg16[%swap3A_383, %swap3A_384], %mul3A_382 {strides = array<i32>} : memref<80x128xf32, #tpu.memory_space<vmem>>, vector<16xf32>,
      %get3A_386 = arith.index_cast %add3A_369 : i32 to index
      %get3A_387 = arith.constant 32 : index
      %get3A_388 = tpu.vector_load %arg16[%get3A_386, %get3A_387] {strides = array<i32>} : memref<80x128xf32, #tpu.memory_space<vmem>>, vector<16xf32>,
      %mul3A_389 = arith.mulf %get3A_388, %gather3A_371 : vector<16xf32>
      %swap3A_390 = arith.index_cast %add3A_369 : i32 to index
      %swap3A_391 = arith.constant 32 : index
      %swap3A_392 = tpu.vector_load %arg16[%swap3A_390, %swap3A_391] {strides = array<i32>} : memref<80x128xf32, #tpu.memory_space<vmem>>, vector<16xf32>,
      tpu.vector_store %arg16[%swap3A_390, %swap3A_391], %mul3A_389 {strides = array<i32>} : memref<80x128xf32, #tpu.memory_space<vmem>>, vector<16xf32>,
      %get3A_393 = arith.index_cast %add3A_369 : i32 to index
      %get3A_394 = arith.constant 48 : index
      %get3A_395 = tpu.vector_load %arg16[%get3A_393, %get3A_394] {strides = array<i32>} : memref<80x128xf32, #tpu.memory_space<vmem>>, vector<16xf32>,
      %mul3A_396 = arith.mulf %get3A_395, %gather3A_371 : vector<16xf32>
      %swap3A_397 = arith.index_cast %add3A_369 : i32 to index
      %swap3A_398 = arith.constant 48 : index
      %swap3A_399 = tpu.vector_load %arg16[%swap3A_397, %swap3A_398] {strides = array<i32>} : memref<80x128xf32, #tpu.memory_space<vmem>>, vector<16xf32>,
      tpu.vector_store %arg16[%swap3A_397, %swap3A_398], %mul3A_396 {strides = array<i32>} : memref<80x128xf32, #tpu.memory_space<vmem>>, vector<16xf32>,
      %get3A_400 = arith.index_cast %add3A_369 : i32 to index
      %get3A_401 = arith.constant 64 : index
      %get3A_402 = tpu.vector_load %arg16[%get3A_400, %get3A_401] {strides = array<i32>} : memref<80x128xf32, #tpu.memory_space<vmem>>, vector<16xf32>,
      %mul3A_403 = arith.mulf %get3A_402, %gather3A_371 : vector<16xf32>
      %swap3A_404 = arith.index_cast %add3A_369 : i32 to index
      %swap3A_405 = arith.constant 64 : index
      %swap3A_406 = tpu.vector_load %arg16[%swap3A_404, %swap3A_405] {strides = array<i32>} : memref<80x128xf32, #tpu.memory_space<vmem>>, vector<16xf32>,
      tpu.vector_store %arg16[%swap3A_404, %swap3A_405], %mul3A_403 {strides = array<i32>} : memref<80x128xf32, #tpu.memory_space<vmem>>, vector<16xf32>,
      %get3A_407 = arith.index_cast %add3A_369 : i32 to index
      %get3A_408 = arith.constant 80 : index
      %get3A_409 = tpu.vector_load %arg16[%get3A_407, %get3A_408] {strides = array<i32>} : memref<80x128xf32, #tpu.memory_space<vmem>>, vector<16xf32>,
      %mul3A_410 = arith.mulf %get3A_409, %gather3A_371 : vector<16xf32>
      %swap3A_411 = arith.index_cast %add3A_369 : i32 to index
      %swap3A_412 = arith.constant 80 : index
      %swap3A_413 = tpu.vector_load %arg16[%swap3A_411, %swap3A_412] {strides = array<i32>} : memref<80x128xf32, #tpu.memory_space<vmem>>, vector<16xf32>,
      tpu.vector_store %arg16[%swap3A_411, %swap3A_412], %mul3A_410 {strides = array<i32>} : memref<80x128xf32, #tpu.memory_space<vmem>>, vector<16xf32>,
      %get3A_414 = arith.index_cast %add3A_369 : i32 to index
      %get3A_415 = arith.constant 96 : index
      %get3A_416 = tpu.vector_load %arg16[%get3A_414, %get3A_415] {strides = array<i32>} : memref<80x128xf32, #tpu.memory_space<vmem>>, vector<16xf32>,
      %mul3A_417 = arith.mulf %get3A_416, %gather3A_371 : vector<16xf32>
      %swap3A_418 = arith.index_cast %add3A_369 : i32 to index
      %swap3A_419 = arith.constant 96 : index
      %swap3A_420 = tpu.vector_load %arg16[%swap3A_418, %swap3A_419] {strides = array<i32>} : memref<80x128xf32, #tpu.memory_space<vmem>>, vector<16xf32>,
      tpu.vector_store %arg16[%swap3A_418, %swap3A_419], %mul3A_417 {strides = array<i32>} : memref<80x128xf32, #tpu.memory_space<vmem>>, vector<16xf32>,
      %get3A_421 = arith.index_cast %add3A_369 : i32 to index
      %get3A_422 = arith.constant 112 : index
      %get3A_423 = tpu.vector_load %arg16[%get3A_421, %get3A_422] {strides = array<i32>} : memref<80x128xf32, #tpu.memory_space<vmem>>, vector<16xf32>,
      %mul3A_424 = arith.mulf %get3A_423, %gather3A_371 : vector<16xf32>
      %swap3A_425 = arith.index_cast %add3A_369 : i32 to index
      %swap3A_426 = arith.constant 112 : index
      %swap3A_427 = tpu.vector_load %arg16[%swap3A_425, %swap3A_426] {strides = array<i32>} : memref<80x128xf32, #tpu.memory_space<vmem>>, vector<16xf32>,
      tpu.vector_store %arg16[%swap3A_425, %swap3A_426], %mul3A_424 {strides = array<i32>} : memref<80x128xf32, #tpu.memory_space<vmem>>, vector<16xf32>,
      %mul3A_428 = arith.constant 8 : i32
      %mul3A_429 = arith.muli %scan3A_58, %mul3A_428 : i32
      %add3A_430 = arith.constant 6 : i32
      %add3A_431 = arith.addi %mul3A_429, %add3A_430 : i32
      %broadcast_in_dim3A_432 = vector.broadcast %add3A_431 : i32 to vector<16xi32>
      %gather3A_433 = tpu.vector_load_idx %arg14[%broadcast_in_dim3A_432] : memref<80xf32, #tpu.memory_space<vmem>>[vector<16xi32>], vector<16xf32>,
      %get3A_434 = arith.index_cast %add3A_431 : i32 to index
      %get3A_435 = arith.constant 0 : index
      %get3A_436 = tpu.vector_load %arg16[%get3A_434, %get3A_435] {strides = array<i32>} : memref<80x128xf32, #tpu.memory_space<vmem>>, vector<16xf32>,
      %mul3A_437 = arith.mulf %get3A_436, %gather3A_433 : vector<16xf32>
      %swap3A_438 = arith.index_cast %add3A_431 : i32 to index
      %swap3A_439 = arith.constant 0 : index
      %swap3A_440 = tpu.vector_load %arg16[%swap3A_438, %swap3A_439] {strides = array<i32>} : memref<80x128xf32, #tpu.memory_space<vmem>>, vector<16xf32>,
      tpu.vector_store %arg16[%swap3A_438, %swap3A_439], %mul3A_437 {strides = array<i32>} : memref<80x128xf32, #tpu.memory_space<vmem>>, vector<16xf32>,
      %get3A_441 = arith.index_cast %add3A_431 : i32 to index
      %get3A_442 = arith.constant 16 : index
      %get3A_443 = tpu.vector_load %arg16[%get3A_441, %get3A_442] {strides = array<i32>} : memref<80x128xf32, #tpu.memory_space<vmem>>, vector<16xf32>,
      %mul3A_444 = arith.mulf %get3A_443, %gather3A_433 : vector<16xf32>
      %swap3A_445 = arith.index_cast %add3A_431 : i32 to index
      %swap3A_446 = arith.constant 16 : index
      %swap3A_447 = tpu.vector_load %arg16[%swap3A_445, %swap3A_446] {strides = array<i32>} : memref<80x128xf32, #tpu.memory_space<vmem>>, vector<16xf32>,
      tpu.vector_store %arg16[%swap3A_445, %swap3A_446], %mul3A_444 {strides = array<i32>} : memref<80x128xf32, #tpu.memory_space<vmem>>, vector<16xf32>,
      %get3A_448 = arith.index_cast %add3A_431 : i32 to index
      %get3A_449 = arith.constant 32 : index
      %get3A_450 = tpu.vector_load %arg16[%get3A_448, %get3A_449] {strides = array<i32>} : memref<80x128xf32, #tpu.memory_space<vmem>>, vector<16xf32>,
      %mul3A_451 = arith.mulf %get3A_450, %gather3A_433 : vector<16xf32>
      %swap3A_452 = arith.index_cast %add3A_431 : i32 to index
      %swap3A_453 = arith.constant 32 : index
      %swap3A_454 = tpu.vector_load %arg16[%swap3A_452, %swap3A_453] {strides = array<i32>} : memref<80x128xf32, #tpu.memory_space<vmem>>, vector<16xf32>,
      tpu.vector_store %arg16[%swap3A_452, %swap3A_453], %mul3A_451 {strides = array<i32>} : memref<80x128xf32, #tpu.memory_space<vmem>>, vector<16xf32>,
      %get3A_455 = arith.index_cast %add3A_431 : i32 to index
      %get3A_456 = arith.constant 48 : index
      %get3A_457 = tpu.vector_load %arg16[%get3A_455, %get3A_456] {strides = array<i32>} : memref<80x128xf32, #tpu.memory_space<vmem>>, vector<16xf32>,
      %mul3A_458 = arith.mulf %get3A_457, %gather3A_433 : vector<16xf32>
      %swap3A_459 = arith.index_cast %add3A_431 : i32 to index
      %swap3A_460 = arith.constant 48 : index
      %swap3A_461 = tpu.vector_load %arg16[%swap3A_459, %swap3A_460] {strides = array<i32>} : memref<80x128xf32, #tpu.memory_space<vmem>>, vector<16xf32>,
      tpu.vector_store %arg16[%swap3A_459, %swap3A_460], %mul3A_458 {strides = array<i32>} : memref<80x128xf32, #tpu.memory_space<vmem>>, vector<16xf32>,
      %get3A_462 = arith.index_cast %add3A_431 : i32 to index
      %get3A_463 = arith.constant 64 : index
      %get3A_464 = tpu.vector_load %arg16[%get3A_462, %get3A_463] {strides = array<i32>} : memref<80x128xf32, #tpu.memory_space<vmem>>, vector<16xf32>,
      %mul3A_465 = arith.mulf %get3A_464, %gather3A_433 : vector<16xf32>
      %swap3A_466 = arith.index_cast %add3A_431 : i32 to index
      %swap3A_467 = arith.constant 64 : index
      %swap3A_468 = tpu.vector_load %arg16[%swap3A_466, %swap3A_467] {strides = array<i32>} : memref<80x128xf32, #tpu.memory_space<vmem>>, vector<16xf32>,
      tpu.vector_store %arg16[%swap3A_466, %swap3A_467], %mul3A_465 {strides = array<i32>} : memref<80x128xf32, #tpu.memory_space<vmem>>, vector<16xf32>,
      %get3A_469 = arith.index_cast %add3A_431 : i32 to index
      %get3A_470 = arith.constant 80 : index
      %get3A_471 = tpu.vector_load %arg16[%get3A_469, %get3A_470] {strides = array<i32>} : memref<80x128xf32, #tpu.memory_space<vmem>>, vector<16xf32>,
      %mul3A_472 = arith.mulf %get3A_471, %gather3A_433 : vector<16xf32>
      %swap3A_473 = arith.index_cast %add3A_431 : i32 to index
      %swap3A_474 = arith.constant 80 : index
      %swap3A_475 = tpu.vector_load %arg16[%swap3A_473, %swap3A_474] {strides = array<i32>} : memref<80x128xf32, #tpu.memory_space<vmem>>, vector<16xf32>,
      tpu.vector_store %arg16[%swap3A_473, %swap3A_474], %mul3A_472 {strides = array<i32>} : memref<80x128xf32, #tpu.memory_space<vmem>>, vector<16xf32>,
      %get3A_476 = arith.index_cast %add3A_431 : i32 to index
      %get3A_477 = arith.constant 96 : index
      %get3A_478 = tpu.vector_load %arg16[%get3A_476, %get3A_477] {strides = array<i32>} : memref<80x128xf32, #tpu.memory_space<vmem>>, vector<16xf32>,
      %mul3A_479 = arith.mulf %get3A_478, %gather3A_433 : vector<16xf32>
      %swap3A_480 = arith.index_cast %add3A_431 : i32 to index
      %swap3A_481 = arith.constant 96 : index
      %swap3A_482 = tpu.vector_load %arg16[%swap3A_480, %swap3A_481] {strides = array<i32>} : memref<80x128xf32, #tpu.memory_space<vmem>>, vector<16xf32>,
      tpu.vector_store %arg16[%swap3A_480, %swap3A_481], %mul3A_479 {strides = array<i32>} : memref<80x128xf32, #tpu.memory_space<vmem>>, vector<16xf32>,
      %get3A_483 = arith.index_cast %add3A_431 : i32 to index
      %get3A_484 = arith.constant 112 : index
      %get3A_485 = tpu.vector_load %arg16[%get3A_483, %get3A_484] {strides = array<i32>} : memref<80x128xf32, #tpu.memory_space<vmem>>, vector<16xf32>,
      %mul3A_486 = arith.mulf %get3A_485, %gather3A_433 : vector<16xf32>
      %swap3A_487 = arith.index_cast %add3A_431 : i32 to index
      %swap3A_488 = arith.constant 112 : index
      %swap3A_489 = tpu.vector_load %arg16[%swap3A_487, %swap3A_488] {strides = array<i32>} : memref<80x128xf32, #tpu.memory_space<vmem>>, vector<16xf32>,
      tpu.vector_store %arg16[%swap3A_487, %swap3A_488], %mul3A_486 {strides = array<i32>} : memref<80x128xf32, #tpu.memory_space<vmem>>, vector<16xf32>,
      %mul3A_490 = arith.constant 8 : i32
      %mul3A_491 = arith.muli %scan3A_58, %mul3A_490 : i32
      %add3A_492 = arith.constant 7 : i32
      %add3A_493 = arith.addi %mul3A_491, %add3A_492 : i32
      %broadcast_in_dim3A_494 = vector.broadcast %add3A_493 : i32 to vector<16xi32>
      %gather3A_495 = tpu.vector_load_idx %arg14[%broadcast_in_dim3A_494] : memref<80xf32, #tpu.memory_space<vmem>>[vector<16xi32>], vector<16xf32>,
      %get3A_496 = arith.index_cast %add3A_493 : i32 to index
      %get3A_497 = arith.constant 0 : index
      %get3A_498 = tpu.vector_load %arg16[%get3A_496, %get3A_497] {strides = array<i32>} : memref<80x128xf32, #tpu.memory_space<vmem>>, vector<16xf32>,
      %mul3A_499 = arith.mulf %get3A_498, %gather3A_495 : vector<16xf32>
      %swap3A_500 = arith.index_cast %add3A_493 : i32 to index
      %swap3A_501 = arith.constant 0 : index
      %swap3A_502 = tpu.vector_load %arg16[%swap3A_500, %swap3A_501] {strides = array<i32>} : memref<80x128xf32, #tpu.memory_space<vmem>>, vector<16xf32>,
      tpu.vector_store %arg16[%swap3A_500, %swap3A_501], %mul3A_499 {strides = array<i32>} : memref<80x128xf32, #tpu.memory_space<vmem>>, vector<16xf32>,
      %get3A_503 = arith.index_cast %add3A_493 : i32 to index
      %get3A_504 = arith.constant 16 : index
      %get3A_505 = tpu.vector_load %arg16[%get3A_503, %get3A_504] {strides = array<i32>} : memref<80x128xf32, #tpu.memory_space<vmem>>, vector<16xf32>,
      %mul3A_506 = arith.mulf %get3A_505, %gather3A_495 : vector<16xf32>
      %swap3A_507 = arith.index_cast %add3A_493 : i32 to index
      %swap3A_508 = arith.constant 16 : index
      %swap3A_509 = tpu.vector_load %arg16[%swap3A_507, %swap3A_508] {strides = array<i32>} : memref<80x128xf32, #tpu.memory_space<vmem>>, vector<16xf32>,
      tpu.vector_store %arg16[%swap3A_507, %swap3A_508], %mul3A_506 {strides = array<i32>} : memref<80x128xf32, #tpu.memory_space<vmem>>, vector<16xf32>,
      %get3A_510 = arith.index_cast %add3A_493 : i32 to index
      %get3A_511 = arith.constant 32 : index
      %get3A_512 = tpu.vector_load %arg16[%get3A_510, %get3A_511] {strides = array<i32>} : memref<80x128xf32, #tpu.memory_space<vmem>>, vector<16xf32>,
      %mul3A_513 = arith.mulf %get3A_512, %gather3A_495 : vector<16xf32>
      %swap3A_514 = arith.index_cast %add3A_493 : i32 to index
      %swap3A_515 = arith.constant 32 : index
      %swap3A_516 = tpu.vector_load %arg16[%swap3A_514, %swap3A_515] {strides = array<i32>} : memref<80x128xf32, #tpu.memory_space<vmem>>, vector<16xf32>,
      tpu.vector_store %arg16[%swap3A_514, %swap3A_515], %mul3A_513 {strides = array<i32>} : memref<80x128xf32, #tpu.memory_space<vmem>>, vector<16xf32>,
      %get3A_517 = arith.index_cast %add3A_493 : i32 to index
      %get3A_518 = arith.constant 48 : index
      %get3A_519 = tpu.vector_load %arg16[%get3A_517, %get3A_518] {strides = array<i32>} : memref<80x128xf32, #tpu.memory_space<vmem>>, vector<16xf32>,
      %mul3A_520 = arith.mulf %get3A_519, %gather3A_495 : vector<16xf32>
      %swap3A_521 = arith.index_cast %add3A_493 : i32 to index
      %swap3A_522 = arith.constant 48 : index
      %swap3A_523 = tpu.vector_load %arg16[%swap3A_521, %swap3A_522] {strides = array<i32>} : memref<80x128xf32, #tpu.memory_space<vmem>>, vector<16xf32>,
      tpu.vector_store %arg16[%swap3A_521, %swap3A_522], %mul3A_520 {strides = array<i32>} : memref<80x128xf32, #tpu.memory_space<vmem>>, vector<16xf32>,
      %get3A_524 = arith.index_cast %add3A_493 : i32 to index
      %get3A_525 = arith.constant 64 : index
      %get3A_526 = tpu.vector_load %arg16[%get3A_524, %get3A_525] {strides = array<i32>} : memref<80x128xf32, #tpu.memory_space<vmem>>, vector<16xf32>,
      %mul3A_527 = arith.mulf %get3A_526, %gather3A_495 : vector<16xf32>
      %swap3A_528 = arith.index_cast %add3A_493 : i32 to index
      %swap3A_529 = arith.constant 64 : index
      %swap3A_530 = tpu.vector_load %arg16[%swap3A_528, %swap3A_529] {strides = array<i32>} : memref<80x128xf32, #tpu.memory_space<vmem>>, vector<16xf32>,
      tpu.vector_store %arg16[%swap3A_528, %swap3A_529], %mul3A_527 {strides = array<i32>} : memref<80x128xf32, #tpu.memory_space<vmem>>, vector<16xf32>,
      %get3A_531 = arith.index_cast %add3A_493 : i32 to index
      %get3A_532 = arith.constant 80 : index
      %get3A_533 = tpu.vector_load %arg16[%get3A_531, %get3A_532] {strides = array<i32>} : memref<80x128xf32, #tpu.memory_space<vmem>>, vector<16xf32>,
      %mul3A_534 = arith.mulf %get3A_533, %gather3A_495 : vector<16xf32>
      %swap3A_535 = arith.index_cast %add3A_493 : i32 to index
      %swap3A_536 = arith.constant 80 : index
      %swap3A_537 = tpu.vector_load %arg16[%swap3A_535, %swap3A_536] {strides = array<i32>} : memref<80x128xf32, #tpu.memory_space<vmem>>, vector<16xf32>,
      tpu.vector_store %arg16[%swap3A_535, %swap3A_536], %mul3A_534 {strides = array<i32>} : memref<80x128xf32, #tpu.memory_space<vmem>>, vector<16xf32>,
      %get3A_538 = arith.index_cast %add3A_493 : i32 to index
      %get3A_539 = arith.constant 96 : index
      %get3A_540 = tpu.vector_load %arg16[%get3A_538, %get3A_539] {strides = array<i32>} : memref<80x128xf32, #tpu.memory_space<vmem>>, vector<16xf32>,
      %mul3A_541 = arith.mulf %get3A_540, %gather3A_495 : vector<16xf32>
      %swap3A_542 = arith.index_cast %add3A_493 : i32 to index
      %swap3A_543 = arith.constant 96 : index
      %swap3A_544 = tpu.vector_load %arg16[%swap3A_542, %swap3A_543] {strides = array<i32>} : memref<80x128xf32, #tpu.memory_space<vmem>>, vector<16xf32>,
      tpu.vector_store %arg16[%swap3A_542, %swap3A_543], %mul3A_541 {strides = array<i32>} : memref<80x128xf32, #tpu.memory_space<vmem>>, vector<16xf32>,
      %get3A_545 = arith.index_cast %add3A_493 : i32 to index
      %get3A_546 = arith.constant 112 : index
      %get3A_547 = tpu.vector_load %arg16[%get3A_545, %get3A_546] {strides = array<i32>} : memref<80x128xf32, #tpu.memory_space<vmem>>, vector<16xf32>,
      %mul3A_548 = arith.mulf %get3A_547, %gather3A_495 : vector<16xf32>
      %swap3A_549 = arith.index_cast %add3A_493 : i32 to index
      %swap3A_550 = arith.constant 112 : index
      %swap3A_551 = tpu.vector_load %arg16[%swap3A_549, %swap3A_550] {strides = array<i32>} : memref<80x128xf32, #tpu.memory_space<vmem>>, vector<16xf32>,
      tpu.vector_store %arg16[%swap3A_549, %swap3A_550], %mul3A_548 {strides = array<i32>} : memref<80x128xf32, #tpu.memory_space<vmem>>, vector<16xf32>,
    }
    %scan3A_25 = arith.constant 10 : i32
    "tpu.region"() ({
      %run_scoped3A = tpu.sem_alloc : memref<!tpu.dma_semaphore, #tpu.memory_space<semaphore_mem>>
      %dma_start3A_58 = arith.constant 0 : i32
      %dma_start3A_59 = arith.constant 0 : i32
      %dma_start3A_60 = tpu.memref_slice %arg10[%dma_start3A_58, %dma_start3A_59] : memref<10000x128xf32, #tpu.memory_space<vmem_shared>> -> memref<10000x128xf32, #tpu.memory_space<vmem_shared>>
      tpu.enqueue_indirect_dma source(%arg16 : memref<80x128xf32, #tpu.memory_space<vmem>>) target(%dma_start3A_60 : memref<10000x128xf32, #tpu.memory_space<vmem_shared>>) offsets(%arg13 : memref<80xi32, #tpu.memory_space<vmem>>) semaphore(%run_scoped3A : memref<!tpu.dma_semaphore, #tpu.memory_space<semaphore_mem>>) {add = true}
      %dma_wait3A_61 = arith.constant 0 : i32
      %dma_wait3A_62 = arith.constant 0 : i32
      %dma_wait3A_63 = tpu.memref_slice %arg10[%dma_wait3A_61, %dma_wait3A_62] : memref<10000x128xf32, #tpu.memory_space<vmem_shared>> -> memref<10000x128xf32, #tpu.memory_space<vmem_shared>>
      tpu.wait_indirect_dma semaphore(%run_scoped3A : memref<!tpu.dma_semaphore, #tpu.memory_space<semaphore_mem>>) src(%arg16 : memref<80x128xf32, #tpu.memory_space<vmem>>) dst(%dma_wait3A_63 : memref<10000x128xf32, #tpu.memory_space<vmem_shared>>)
      tpu.yield
    }) : () -> ()
    %barrier3A_26 = arith.constant 0 : index
    tpu.barrier barrier_id(%barrier3A_26)
    "tpu.region"() ({
      %run_scoped3A = tpu.sem_alloc : memref<!tpu.dma_semaphore, #tpu.memory_space<semaphore_mem>>
      %dma_start3A_58 = arith.constant 0 : i32
      %dma_start3A_59 = tpu.memref_slice %arg8[%arg0, %mul3A_0, %dma_start3A_58] : memref<2x10000x128xf32, #tpu.memory_space<hbm>> -> memref<1x624x128xf32, #tpu.memory_space<hbm>>
      %dma_start3A_60 = tpu.memref_squeeze %dma_start3A_59 : memref<1x624x128xf32, #tpu.memory_space<hbm>> -> memref<624x128xf32, #tpu.memory_space<hbm>>
      %dma_start3A_61 = arith.constant 0 : i32
      %dma_start3A_62 = tpu.memref_slice %arg10[%mul3A_0, %dma_start3A_61] : memref<10000x128xf32, #tpu.memory_space<vmem_shared>> -> memref<624x128xf32, #tpu.memory_space<vmem_shared>>
      tpu.enqueue_dma source(%dma_start3A_62 : memref<624x128xf32, #tpu.memory_space<vmem_shared>>) target(%dma_start3A_60 : memref<624x128xf32, #tpu.memory_space<hbm>>) target_semaphore(%run_scoped3A : memref<!tpu.dma_semaphore, #tpu.memory_space<semaphore_mem>>)
      %dma_wait3A_63 = arith.constant 0 : i32
      %dma_wait3A_64 = tpu.memref_slice %arg8[%arg0, %mul3A_0, %dma_wait3A_63] : memref<2x10000x128xf32, #tpu.memory_space<hbm>> -> memref<1x624x128xf32, #tpu.memory_space<hbm>>
      %dma_wait3A_65 = tpu.memref_squeeze %dma_wait3A_64 : memref<1x624x128xf32, #tpu.memory_space<hbm>> -> memref<624x128xf32, #tpu.memory_space<hbm>>
      %dma_wait3A_66 = arith.constant 0 : i32
      %dma_wait3A_67 = tpu.memref_slice %arg10[%mul3A_0, %dma_wait3A_66] : memref<10000x128xf32, #tpu.memory_space<vmem_shared>> -> memref<624x128xf32, #tpu.memory_space<vmem_shared>>
      tpu.wait_dma2 semaphore(%run_scoped3A : memref<!tpu.dma_semaphore, #tpu.memory_space<semaphore_mem>>) src(%dma_wait3A_67 : memref<624x128xf32, #tpu.memory_space<vmem_shared>>) dst(%dma_wait3A_65 : memref<624x128xf32, #tpu.memory_space<hbm>>)
      tpu.yield
    }) : () -> ()
    %eq3A_27 = arith.constant 0 : i32
    %eq3A_28 = arith.cmpi eq, %arg1, %eq3A_27 : i32
    %convert_element_type3A_29 = arith.extui %eq3A_28 : i1 to i32
    %cond3A_30 = arith.constant 0 : i32
    %cond3A_31 = arith.cmpi ne, %convert_element_type3A_29, %cond3A_30 : i32
    scf.if %cond3A_31 {
      "tpu.region"() ({
        %run_scoped3A = tpu.sem_alloc : memref<!tpu.dma_semaphore, #tpu.memory_space<semaphore_mem>>
        %dma_start3A_58 = arith.constant 9984 : i32
        %dma_start3A_59 = arith.constant 0 : i32
        %dma_start3A_60 = tpu.memref_slice %arg8[%arg0, %dma_start3A_58, %dma_start3A_59] : memref<2x10000x128xf32, #tpu.memory_space<hbm>> -> memref<1x16x128xf32, #tpu.memory_space<hbm>>
        %dma_start3A_61 = tpu.memref_squeeze %dma_start3A_60 : memref<1x16x128xf32, #tpu.memory_space<hbm>> -> memref<16x128xf32, #tpu.memory_space<hbm>>
        %dma_start3A_62 = arith.constant 9984 : i32
        %dma_start3A_63 = arith.constant 0 : i32
        %dma_start3A_64 = tpu.memref_slice %arg10[%dma_start3A_62, %dma_start3A_63] : memref<10000x128xf32, #tpu.memory_space<vmem_shared>> -> memref<16x128xf32, #tpu.memory_space<vmem_shared>>
        tpu.enqueue_dma source(%dma_start3A_64 : memref<16x128xf32, #tpu.memory_space<vmem_shared>>) target(%dma_start3A_61 : memref<16x128xf32, #tpu.memory_space<hbm>>) target_semaphore(%run_scoped3A : memref<!tpu.dma_semaphore, #tpu.memory_space<semaphore_mem>>)
        %dma_wait3A_65 = arith.constant 9984 : i32
        %dma_wait3A_66 = arith.constant 0 : i32
        %dma_wait3A_67 = tpu.memref_slice %arg8[%arg0, %dma_wait3A_65, %dma_wait3A_66] : memref<2x10000x128xf32, #tpu.memory_space<hbm>> -> memref<1x16x128xf32, #tpu.memory_space<hbm>>
        %dma_wait3A_68 = tpu.memref_squeeze %dma_wait3A_67 : memref<1x16x128xf32, #tpu.memory_space<hbm>> -> memref<16x128xf32, #tpu.memory_space<hbm>>
        %dma_wait3A_69 = arith.constant 9984 : i32
        %dma_wait3A_70 = arith.constant 0 : i32
        %dma_wait3A_71 = tpu.memref_slice %arg10[%dma_wait3A_69, %dma_wait3A_70] : memref<10000x128xf32, #tpu.memory_space<vmem_shared>> -> memref<16x128xf32, #tpu.memory_space<vmem_shared>>
        tpu.wait_dma2 semaphore(%run_scoped3A : memref<!tpu.dma_semaphore, #tpu.memory_space<semaphore_mem>>) src(%dma_wait3A_71 : memref<16x128xf32, #tpu.memory_space<vmem_shared>>) dst(%dma_wait3A_68 : memref<16x128xf32, #tpu.memory_space<hbm>>)
        tpu.yield
      }) : () -> ()
    } else {
    }
    %barrier3A_32 = arith.constant 0 : index
    tpu.barrier barrier_id(%barrier3A_32)
    "tpu.region"() ({
      %run_scoped3A = tpu.sem_alloc : memref<!tpu.dma_semaphore, #tpu.memory_space<semaphore_mem>>
      %dma_start3A_58 = arith.constant 0 : i32
      %dma_start3A_59 = tpu.memref_slice %arg10[%mul3A_0, %dma_start3A_58] : memref<10000x128xf32, #tpu.memory_space<vmem_shared>> -> memref<624x128xf32, #tpu.memory_space<vmem_shared>>
      %dma_start3A_60 = arith.constant 0 : i32
      %dma_start3A_61 = tpu.memref_slice %arg7[%mul3A_0, %dma_start3A_60] : memref<10000x128xf32, #tpu.memory_space<hbm>> -> memref<624x128xf32, #tpu.memory_space<hbm>>
      tpu.enqueue_dma source(%dma_start3A_61 : memref<624x128xf32, #tpu.memory_space<hbm>>) target(%dma_start3A_59 : memref<624x128xf32, #tpu.memory_space<vmem_shared>>) target_semaphore(%run_scoped3A : memref<!tpu.dma_semaphore, #tpu.memory_space<semaphore_mem>>)
      %dma_wait3A_62 = arith.constant 0 : i32
      %dma_wait3A_63 = tpu.memref_slice %arg10[%mul3A_0, %dma_wait3A_62] : memref<10000x128xf32, #tpu.memory_space<vmem_shared>> -> memref<624x128xf32, #tpu.memory_space<vmem_shared>>
      %dma_wait3A_64 = arith.constant 0 : i32
      %dma_wait3A_65 = tpu.memref_slice %arg7[%mul3A_0, %dma_wait3A_64] : memref<10000x128xf32, #tpu.memory_space<hbm>> -> memref<624x128xf32, #tpu.memory_space<hbm>>
      tpu.wait_dma2 semaphore(%run_scoped3A : memref<!tpu.dma_semaphore, #tpu.memory_space<semaphore_mem>>) src(%dma_wait3A_65 : memref<624x128xf32, #tpu.memory_space<hbm>>) dst(%dma_wait3A_63 : memref<624x128xf32, #tpu.memory_space<vmem_shared>>)
      tpu.yield
    }) : () -> ()
    %eq3A_33 = arith.constant 0 : i32
    %eq3A_34 = arith.cmpi eq, %arg1, %eq3A_33 : i32
    %convert_element_type3A_35 = arith.extui %eq3A_34 : i1 to i32
    %cond3A_36 = arith.constant 0 : i32
    %cond3A_37 = arith.cmpi ne, %convert_element_type3A_35, %cond3A_36 : i32
    scf.if %cond3A_37 {
      "tpu.region"() ({
        %run_scoped3A = tpu.sem_alloc : memref<!tpu.dma_semaphore, #tpu.memory_space<semaphore_mem>>
        %dma_start3A_58 = arith.constant 9984 : i32
        %dma_start3A_59 = arith.constant 0 : i32
        %dma_start3A_60 = tpu.memref_slice %arg10[%dma_start3A_58, %dma_start3A_59] : memref<10000x128xf32, #tpu.memory_space<vmem_shared>> -> memref<16x128xf32, #tpu.memory_space<vmem_shared>>
        %dma_start3A_61 = arith.constant 9984 : i32
        %dma_start3A_62 = arith.constant 0 : i32
        %dma_start3A_63 = tpu.memref_slice %arg7[%dma_start3A_61, %dma_start3A_62] : memref<10000x128xf32, #tpu.memory_space<hbm>> -> memref<16x128xf32, #tpu.memory_space<hbm>>
        tpu.enqueue_dma source(%dma_start3A_63 : memref<16x128xf32, #tpu.memory_space<hbm>>) target(%dma_start3A_60 : memref<16x128xf32, #tpu.memory_space<vmem_shared>>) target_semaphore(%run_scoped3A : memref<!tpu.dma_semaphore, #tpu.memory_space<semaphore_mem>>)
        %dma_wait3A_64 = arith.constant 9984 : i32
        %dma_wait3A_65 = arith.constant 0 : i32
        %dma_wait3A_66 = tpu.memref_slice %arg10[%dma_wait3A_64, %dma_wait3A_65] : memref<10000x128xf32, #tpu.memory_space<vmem_shared>> -> memref<16x128xf32, #tpu.memory_space<vmem_shared>>
        %dma_wait3A_67 = arith.constant 9984 : i32
        %dma_wait3A_68 = arith.constant 0 : i32
        %dma_wait3A_69 = tpu.memref_slice %arg7[%dma_wait3A_67, %dma_wait3A_68] : memref<10000x128xf32, #tpu.memory_space<hbm>> -> memref<16x128xf32, #tpu.memory_space<hbm>>
        tpu.wait_dma2 semaphore(%run_scoped3A : memref<!tpu.dma_semaphore, #tpu.memory_space<semaphore_mem>>) src(%dma_wait3A_69 : memref<16x128xf32, #tpu.memory_space<hbm>>) dst(%dma_wait3A_66 : memref<16x128xf32, #tpu.memory_space<vmem_shared>>)
        tpu.yield
      }) : () -> ()
    } else {
    }
    %broadcast_in_dim3A = arith.constant 0.000000e+00 : f32
    %broadcast_in_dim3A_38 = vector.broadcast %broadcast_in_dim3A : f32 to vector<16xf32>
    %scan3A_39 = arith.constant 0 : i32
    %scan3A_40 = arith.constant 0 : i32
    %scan3A_41 = arith.constant 80 : i32
    %scan3A_42 = arith.addi %scan3A_40, %scan3A_41 : i32
    %scan3A_43 = arith.constant 1 : i32
    scf.for %scan3A_58 = %scan3A_40 to %scan3A_42 step %scan3A_43  : i32 {
      %swap3A = arith.index_cast %scan3A_58 : i32 to index
      %swap3A_59 = arith.constant 32 : index
      %swap3A_60 = tpu.vector_load %arg18[%swap3A, %swap3A_59] {strides = array<i32>} : memref<80x128xf32, #tpu.memory_space<vmem>>, vector<16xf32>,
      tpu.vector_store %arg18[%swap3A, %swap3A_59], %broadcast_in_dim3A_38 {strides = array<i32>} : memref<80x128xf32, #tpu.memory_space<vmem>>, vector<16xf32>,
      %swap3A_61 = arith.index_cast %scan3A_58 : i32 to index
      %swap3A_62 = arith.constant 48 : index
      %swap3A_63 = tpu.vector_load %arg18[%swap3A_61, %swap3A_62] {strides = array<i32>} : memref<80x128xf32, #tpu.memory_space<vmem>>, vector<16xf32>,
      tpu.vector_store %arg18[%swap3A_61, %swap3A_62], %broadcast_in_dim3A_38 {strides = array<i32>} : memref<80x128xf32, #tpu.memory_space<vmem>>, vector<16xf32>,
      %swap3A_64 = arith.index_cast %scan3A_58 : i32 to index
      %swap3A_65 = arith.constant 64 : index
      %swap3A_66 = tpu.vector_load %arg18[%swap3A_64, %swap3A_65] {strides = array<i32>} : memref<80x128xf32, #tpu.memory_space<vmem>>, vector<16xf32>,
      tpu.vector_store %arg18[%swap3A_64, %swap3A_65], %broadcast_in_dim3A_38 {strides = array<i32>} : memref<80x128xf32, #tpu.memory_space<vmem>>, vector<16xf32>,
      %swap3A_67 = arith.index_cast %scan3A_58 : i32 to index
      %swap3A_68 = arith.constant 80 : index
      %swap3A_69 = tpu.vector_load %arg18[%swap3A_67, %swap3A_68] {strides = array<i32>} : memref<80x128xf32, #tpu.memory_space<vmem>>, vector<16xf32>,
      tpu.vector_store %arg18[%swap3A_67, %swap3A_68], %broadcast_in_dim3A_38 {strides = array<i32>} : memref<80x128xf32, #tpu.memory_space<vmem>>, vector<16xf32>,
      %swap3A_70 = arith.index_cast %scan3A_58 : i32 to index
      %swap3A_71 = arith.constant 96 : index
      %swap3A_72 = tpu.vector_load %arg18[%swap3A_70, %swap3A_71] {strides = array<i32>} : memref<80x128xf32, #tpu.memory_space<vmem>>, vector<16xf32>,
      tpu.vector_store %arg18[%swap3A_70, %swap3A_71], %broadcast_in_dim3A_38 {strides = array<i32>} : memref<80x128xf32, #tpu.memory_space<vmem>>, vector<16xf32>,
      %swap3A_73 = arith.index_cast %scan3A_58 : i32 to index
      %swap3A_74 = arith.constant 112 : index
      %swap3A_75 = tpu.vector_load %arg18[%swap3A_73, %swap3A_74] {strides = array<i32>} : memref<80x128xf32, #tpu.memory_space<vmem>>, vector<16xf32>,
      tpu.vector_store %arg18[%swap3A_73, %swap3A_74], %broadcast_in_dim3A_38 {strides = array<i32>} : memref<80x128xf32, #tpu.memory_space<vmem>>, vector<16xf32>,
    }
    %scan3A_44 = arith.constant 80 : i32
    %barrier3A_45 = arith.constant 0 : index
    tpu.barrier barrier_id(%barrier3A_45)
    %scan3A_46 = arith.constant 0 : i32
    %scan3A_47 = arith.constant 0 : i32
    %scan3A_48 = arith.constant 125 : i32
    %scan3A_49 = arith.addi %scan3A_47, %scan3A_48 : i32
    %scan3A_50 = arith.constant 1 : i32
    scf.for %scan3A_58 = %scan3A_47 to %scan3A_49 step %scan3A_50  : i32 {
      %mul3A_59 = arith.constant 80 : i32
      %mul3A_60 = arith.muli %scan3A_58, %mul3A_59 : i32
      %add3A_61 = arith.addi %mul3A_4, %mul3A_60 : i32
      "tpu.region"() ({
        %run_scoped3A = tpu.sem_alloc : memref<!tpu.dma_semaphore, #tpu.memory_space<semaphore_mem>>
        %dma_start3A_68 = tpu.memref_slice %arg2[%add3A_61] : memref<320000xi32, #tpu.memory_space<hbm>> -> memref<80xi32, #tpu.memory_space<hbm>>
        %dma_start3A_69 = tpu.memref_slice %arg2[%add3A_61] : memref<320000xi32, #tpu.memory_space<hbm>> -> memref<80xi32, #tpu.memory_space<hbm>>
        tpu.enqueue_dma source(%dma_start3A_69 : memref<80xi32, #tpu.memory_space<hbm>>) target(%arg13 : memref<80xi32, #tpu.memory_space<vmem>>) target_semaphore(%run_scoped3A : memref<!tpu.dma_semaphore, #tpu.memory_space<semaphore_mem>>)
        %dma_wait3A_70 = tpu.memref_slice %arg2[%add3A_61] : memref<320000xi32, #tpu.memory_space<hbm>> -> memref<80xi32, #tpu.memory_space<hbm>>
        %dma_wait3A_71 = tpu.memref_slice %arg2[%add3A_61] : memref<320000xi32, #tpu.memory_space<hbm>> -> memref<80xi32, #tpu.memory_space<hbm>>
        tpu.wait_dma2 semaphore(%run_scoped3A : memref<!tpu.dma_semaphore, #tpu.memory_space<semaphore_mem>>) src(%dma_wait3A_71 : memref<80xi32, #tpu.memory_space<hbm>>) dst(%arg13 : memref<80xi32, #tpu.memory_space<vmem>>)
        tpu.yield
      }) : () -> ()
      "tpu.region"() ({
        %run_scoped3A = tpu.sem_alloc : memref<!tpu.dma_semaphore, #tpu.memory_space<semaphore_mem>>
        %dma_start3A_68 = tpu.memref_slice %arg4[%add3A_61] : memref<320000xf32, #tpu.memory_space<hbm>> -> memref<80xf32, #tpu.memory_space<hbm>>
        %dma_start3A_69 = tpu.memref_slice %arg4[%add3A_61] : memref<320000xf32, #tpu.memory_space<hbm>> -> memref<80xf32, #tpu.memory_space<hbm>>
        tpu.enqueue_dma source(%dma_start3A_69 : memref<80xf32, #tpu.memory_space<hbm>>) target(%arg14 : memref<80xf32, #tpu.memory_space<vmem>>) target_semaphore(%run_scoped3A : memref<!tpu.dma_semaphore, #tpu.memory_space<semaphore_mem>>)
        %dma_wait3A_70 = tpu.memref_slice %arg4[%add3A_61] : memref<320000xf32, #tpu.memory_space<hbm>> -> memref<80xf32, #tpu.memory_space<hbm>>
        %dma_wait3A_71 = tpu.memref_slice %arg4[%add3A_61] : memref<320000xf32, #tpu.memory_space<hbm>> -> memref<80xf32, #tpu.memory_space<hbm>>
        tpu.wait_dma2 semaphore(%run_scoped3A : memref<!tpu.dma_semaphore, #tpu.memory_space<semaphore_mem>>) src(%dma_wait3A_71 : memref<80xf32, #tpu.memory_space<hbm>>) dst(%arg14 : memref<80xf32, #tpu.memory_space<vmem>>)
        tpu.yield
      }) : () -> ()
      "tpu.region"() ({
        %run_scoped3A = tpu.sem_alloc : memref<!tpu.dma_semaphore, #tpu.memory_space<semaphore_mem>>
        %dma_start3A_68 = arith.constant 0 : i32
        %dma_start3A_69 = tpu.memref_slice %arg5[%add3A_61, %dma_start3A_68] : memref<320000x16xf32, #tpu.memory_space<hbm>> -> memref<80x16xf32, #tpu.memory_space<hbm>>
        %dma_start3A_70 = arith.constant 0 : i32
        %dma_start3A_71 = tpu.memref_slice %arg5[%add3A_61, %dma_start3A_70] : memref<320000x16xf32, #tpu.memory_space<hbm>> -> memref<80x16xf32, #tpu.memory_space<hbm>>
        tpu.enqueue_dma source(%dma_start3A_71 : memref<80x16xf32, #tpu.memory_space<hbm>>) target(%arg15 : memref<80x16xf32, #tpu.memory_space<vmem>>) target_semaphore(%run_scoped3A : memref<!tpu.dma_semaphore, #tpu.memory_space<semaphore_mem>>)
        %dma_wait3A_72 = arith.constant 0 : i32
        %dma_wait3A_73 = tpu.memref_slice %arg5[%add3A_61, %dma_wait3A_72] : memref<320000x16xf32, #tpu.memory_space<hbm>> -> memref<80x16xf32, #tpu.memory_space<hbm>>
        %dma_wait3A_74 = arith.constant 0 : i32
        %dma_wait3A_75 = tpu.memref_slice %arg5[%add3A_61, %dma_wait3A_74] : memref<320000x16xf32, #tpu.memory_space<hbm>> -> memref<80x16xf32, #tpu.memory_space<hbm>>
        tpu.wait_dma2 semaphore(%run_scoped3A : memref<!tpu.dma_semaphore, #tpu.memory_space<semaphore_mem>>) src(%dma_wait3A_75 : memref<80x16xf32, #tpu.memory_space<hbm>>) dst(%arg15 : memref<80x16xf32, #tpu.memory_space<vmem>>)
        tpu.yield
      }) : () -> ()
      %scan3A_62 = arith.constant 0 : i32
      %scan3A_63 = arith.constant 0 : i32
      %scan3A_64 = arith.constant 10 : i32
      %scan3A_65 = arith.addi %scan3A_63, %scan3A_64 : i32
      %scan3A_66 = arith.constant 1 : i32
      scf.for %scan3A_68 = %scan3A_63 to %scan3A_65 step %scan3A_66  : i32 {
        %mul3A_69 = arith.constant 8 : i32
        %mul3A_70 = arith.muli %scan3A_68, %mul3A_69 : i32
        %add3A_71 = arith.constant 0 : i32
        %add3A_72 = arith.addi %mul3A_70, %add3A_71 : i32
        %broadcast_in_dim3A_73 = vector.broadcast %add3A_72 : i32 to vector<16xi32>
        %gather3A = tpu.vector_load_idx %arg14[%broadcast_in_dim3A_73] : memref<80xf32, #tpu.memory_space<vmem>>[vector<16xi32>], vector<16xf32>,
        %get3A = arith.index_cast %add3A_72 : i32 to index
        %get3A_74 = arith.constant 0 : index
        %get3A_75 = tpu.vector_load %arg15[%get3A, %get3A_74] {strides = array<i32>} : memref<80x16xf32, #tpu.memory_space<vmem>>, vector<16xf32>,
        %mul3A_76 = arith.mulf %get3A_75, %gather3A : vector<16xf32>
        %swap3A = arith.index_cast %add3A_72 : i32 to index
        %swap3A_77 = arith.constant 0 : index
        %swap3A_78 = tpu.vector_load %arg18[%swap3A, %swap3A_77] {strides = array<i32>} : memref<80x128xf32, #tpu.memory_space<vmem>>, vector<16xf32>,
        tpu.vector_store %arg18[%swap3A, %swap3A_77], %mul3A_76 {strides = array<i32>} : memref<80x128xf32, #tpu.memory_space<vmem>>, vector<16xf32>,
        %eq3A_79 = arith.constant 0 : i32
        %eq3A_80 = vector.broadcast %eq3A_79 : i32 to vector<16xi32>
        %eq3A_81 = arith.cmpi eq, %iota3A, %eq3A_80 : vector<16xi32>
        %jit3A = arith.constant 0.000000e+00 : f32
        %broadcast_in_dim3A_82 = vector.broadcast %jit3A : f32 to vector<16xf32>
        %select_n3A = arith.select %eq3A_81, %gather3A, %broadcast_in_dim3A_82 : vector<16xi1>, vector<16xf32>
        %swap3A_83 = arith.index_cast %add3A_72 : i32 to index
        %swap3A_84 = arith.constant 16 : index
        %swap3A_85 = tpu.vector_load %arg18[%swap3A_83, %swap3A_84] {strides = array<i32>} : memref<80x128xf32, #tpu.memory_space<vmem>>, vector<16xf32>,
        tpu.vector_store %arg18[%swap3A_83, %swap3A_84], %select_n3A {strides = array<i32>} : memref<80x128xf32, #tpu.memory_space<vmem>>, vector<16xf32>,
        %mul3A_86 = arith.constant 8 : i32
        %mul3A_87 = arith.muli %scan3A_68, %mul3A_86 : i32
        %add3A_88 = arith.constant 1 : i32
        %add3A_89 = arith.addi %mul3A_87, %add3A_88 : i32
        %broadcast_in_dim3A_90 = vector.broadcast %add3A_89 : i32 to vector<16xi32>
        %gather3A_91 = tpu.vector_load_idx %arg14[%broadcast_in_dim3A_90] : memref<80xf32, #tpu.memory_space<vmem>>[vector<16xi32>], vector<16xf32>,
        %get3A_92 = arith.index_cast %add3A_89 : i32 to index
        %get3A_93 = arith.constant 0 : index
        %get3A_94 = tpu.vector_load %arg15[%get3A_92, %get3A_93] {strides = array<i32>} : memref<80x16xf32, #tpu.memory_space<vmem>>, vector<16xf32>,
        %mul3A_95 = arith.mulf %get3A_94, %gather3A_91 : vector<16xf32>
        %swap3A_96 = arith.index_cast %add3A_89 : i32 to index
        %swap3A_97 = arith.constant 0 : index
        %swap3A_98 = tpu.vector_load %arg18[%swap3A_96, %swap3A_97] {strides = array<i32>} : memref<80x128xf32, #tpu.memory_space<vmem>>, vector<16xf32>,
        tpu.vector_store %arg18[%swap3A_96, %swap3A_97], %mul3A_95 {strides = array<i32>} : memref<80x128xf32, #tpu.memory_space<vmem>>, vector<16xf32>,
        %eq3A_99 = arith.constant 0 : i32
        %eq3A_100 = vector.broadcast %eq3A_99 : i32 to vector<16xi32>
        %eq3A_101 = arith.cmpi eq, %iota3A, %eq3A_100 : vector<16xi32>
        %jit3A_102 = arith.constant 0.000000e+00 : f32
        %broadcast_in_dim3A_103 = vector.broadcast %jit3A_102 : f32 to vector<16xf32>
        %select_n3A_104 = arith.select %eq3A_101, %gather3A_91, %broadcast_in_dim3A_103 : vector<16xi1>, vector<16xf32>
        %swap3A_105 = arith.index_cast %add3A_89 : i32 to index
        %swap3A_106 = arith.constant 16 : index
        %swap3A_107 = tpu.vector_load %arg18[%swap3A_105, %swap3A_106] {strides = array<i32>} : memref<80x128xf32, #tpu.memory_space<vmem>>, vector<16xf32>,
        tpu.vector_store %arg18[%swap3A_105, %swap3A_106], %select_n3A_104 {strides = array<i32>} : memref<80x128xf32, #tpu.memory_space<vmem>>, vector<16xf32>,
        %mul3A_108 = arith.constant 8 : i32
        %mul3A_109 = arith.muli %scan3A_68, %mul3A_108 : i32
        %add3A_110 = arith.constant 2 : i32
        %add3A_111 = arith.addi %mul3A_109, %add3A_110 : i32
        %broadcast_in_dim3A_112 = vector.broadcast %add3A_111 : i32 to vector<16xi32>
        %gather3A_113 = tpu.vector_load_idx %arg14[%broadcast_in_dim3A_112] : memref<80xf32, #tpu.memory_space<vmem>>[vector<16xi32>], vector<16xf32>,
        %get3A_114 = arith.index_cast %add3A_111 : i32 to index
        %get3A_115 = arith.constant 0 : index
        %get3A_116 = tpu.vector_load %arg15[%get3A_114, %get3A_115] {strides = array<i32>} : memref<80x16xf32, #tpu.memory_space<vmem>>, vector<16xf32>,
        %mul3A_117 = arith.mulf %get3A_116, %gather3A_113 : vector<16xf32>
        %swap3A_118 = arith.index_cast %add3A_111 : i32 to index
        %swap3A_119 = arith.constant 0 : index
        %swap3A_120 = tpu.vector_load %arg18[%swap3A_118, %swap3A_119] {strides = array<i32>} : memref<80x128xf32, #tpu.memory_space<vmem>>, vector<16xf32>,
        tpu.vector_store %arg18[%swap3A_118, %swap3A_119], %mul3A_117 {strides = array<i32>} : memref<80x128xf32, #tpu.memory_space<vmem>>, vector<16xf32>,
        %eq3A_121 = arith.constant 0 : i32
        %eq3A_122 = vector.broadcast %eq3A_121 : i32 to vector<16xi32>
        %eq3A_123 = arith.cmpi eq, %iota3A, %eq3A_122 : vector<16xi32>
        %jit3A_124 = arith.constant 0.000000e+00 : f32
        %broadcast_in_dim3A_125 = vector.broadcast %jit3A_124 : f32 to vector<16xf32>
        %select_n3A_126 = arith.select %eq3A_123, %gather3A_113, %broadcast_in_dim3A_125 : vector<16xi1>, vector<16xf32>
        %swap3A_127 = arith.index_cast %add3A_111 : i32 to index
        %swap3A_128 = arith.constant 16 : index
        %swap3A_129 = tpu.vector_load %arg18[%swap3A_127, %swap3A_128] {strides = array<i32>} : memref<80x128xf32, #tpu.memory_space<vmem>>, vector<16xf32>,
        tpu.vector_store %arg18[%swap3A_127, %swap3A_128], %select_n3A_126 {strides = array<i32>} : memref<80x128xf32, #tpu.memory_space<vmem>>, vector<16xf32>,
        %mul3A_130 = arith.constant 8 : i32
        %mul3A_131 = arith.muli %scan3A_68, %mul3A_130 : i32
        %add3A_132 = arith.constant 3 : i32
        %add3A_133 = arith.addi %mul3A_131, %add3A_132 : i32
        %broadcast_in_dim3A_134 = vector.broadcast %add3A_133 : i32 to vector<16xi32>
        %gather3A_135 = tpu.vector_load_idx %arg14[%broadcast_in_dim3A_134] : memref<80xf32, #tpu.memory_space<vmem>>[vector<16xi32>], vector<16xf32>,
        %get3A_136 = arith.index_cast %add3A_133 : i32 to index
        %get3A_137 = arith.constant 0 : index
        %get3A_138 = tpu.vector_load %arg15[%get3A_136, %get3A_137] {strides = array<i32>} : memref<80x16xf32, #tpu.memory_space<vmem>>, vector<16xf32>,
        %mul3A_139 = arith.mulf %get3A_138, %gather3A_135 : vector<16xf32>
        %swap3A_140 = arith.index_cast %add3A_133 : i32 to index
        %swap3A_141 = arith.constant 0 : index
        %swap3A_142 = tpu.vector_load %arg18[%swap3A_140, %swap3A_141] {strides = array<i32>} : memref<80x128xf32, #tpu.memory_space<vmem>>, vector<16xf32>,
        tpu.vector_store %arg18[%swap3A_140, %swap3A_141], %mul3A_139 {strides = array<i32>} : memref<80x128xf32, #tpu.memory_space<vmem>>, vector<16xf32>,
        %eq3A_143 = arith.constant 0 : i32
        %eq3A_144 = vector.broadcast %eq3A_143 : i32 to vector<16xi32>
        %eq3A_145 = arith.cmpi eq, %iota3A, %eq3A_144 : vector<16xi32>
        %jit3A_146 = arith.constant 0.000000e+00 : f32
        %broadcast_in_dim3A_147 = vector.broadcast %jit3A_146 : f32 to vector<16xf32>
        %select_n3A_148 = arith.select %eq3A_145, %gather3A_135, %broadcast_in_dim3A_147 : vector<16xi1>, vector<16xf32>
        %swap3A_149 = arith.index_cast %add3A_133 : i32 to index
        %swap3A_150 = arith.constant 16 : index
        %swap3A_151 = tpu.vector_load %arg18[%swap3A_149, %swap3A_150] {strides = array<i32>} : memref<80x128xf32, #tpu.memory_space<vmem>>, vector<16xf32>,
        tpu.vector_store %arg18[%swap3A_149, %swap3A_150], %select_n3A_148 {strides = array<i32>} : memref<80x128xf32, #tpu.memory_space<vmem>>, vector<16xf32>,
        %mul3A_152 = arith.constant 8 : i32
        %mul3A_153 = arith.muli %scan3A_68, %mul3A_152 : i32
        %add3A_154 = arith.constant 4 : i32
        %add3A_155 = arith.addi %mul3A_153, %add3A_154 : i32
        %broadcast_in_dim3A_156 = vector.broadcast %add3A_155 : i32 to vector<16xi32>
        %gather3A_157 = tpu.vector_load_idx %arg14[%broadcast_in_dim3A_156] : memref<80xf32, #tpu.memory_space<vmem>>[vector<16xi32>], vector<16xf32>,
        %get3A_158 = arith.index_cast %add3A_155 : i32 to index
        %get3A_159 = arith.constant 0 : index
        %get3A_160 = tpu.vector_load %arg15[%get3A_158, %get3A_159] {strides = array<i32>} : memref<80x16xf32, #tpu.memory_space<vmem>>, vector<16xf32>,
        %mul3A_161 = arith.mulf %get3A_160, %gather3A_157 : vector<16xf32>
        %swap3A_162 = arith.index_cast %add3A_155 : i32 to index
        %swap3A_163 = arith.constant 0 : index
        %swap3A_164 = tpu.vector_load %arg18[%swap3A_162, %swap3A_163] {strides = array<i32>} : memref<80x128xf32, #tpu.memory_space<vmem>>, vector<16xf32>,
        tpu.vector_store %arg18[%swap3A_162, %swap3A_163], %mul3A_161 {strides = array<i32>} : memref<80x128xf32, #tpu.memory_space<vmem>>, vector<16xf32>,
        %eq3A_165 = arith.constant 0 : i32
        %eq3A_166 = vector.broadcast %eq3A_165 : i32 to vector<16xi32>
        %eq3A_167 = arith.cmpi eq, %iota3A, %eq3A_166 : vector<16xi32>
        %jit3A_168 = arith.constant 0.000000e+00 : f32
        %broadcast_in_dim3A_169 = vector.broadcast %jit3A_168 : f32 to vector<16xf32>
        %select_n3A_170 = arith.select %eq3A_167, %gather3A_157, %broadcast_in_dim3A_169 : vector<16xi1>, vector<16xf32>
        %swap3A_171 = arith.index_cast %add3A_155 : i32 to index
        %swap3A_172 = arith.constant 16 : index
        %swap3A_173 = tpu.vector_load %arg18[%swap3A_171, %swap3A_172] {strides = array<i32>} : memref<80x128xf32, #tpu.memory_space<vmem>>, vector<16xf32>,
        tpu.vector_store %arg18[%swap3A_171, %swap3A_172], %select_n3A_170 {strides = array<i32>} : memref<80x128xf32, #tpu.memory_space<vmem>>, vector<16xf32>,
        %mul3A_174 = arith.constant 8 : i32
        %mul3A_175 = arith.muli %scan3A_68, %mul3A_174 : i32
        %add3A_176 = arith.constant 5 : i32
        %add3A_177 = arith.addi %mul3A_175, %add3A_176 : i32
        %broadcast_in_dim3A_178 = vector.broadcast %add3A_177 : i32 to vector<16xi32>
        %gather3A_179 = tpu.vector_load_idx %arg14[%broadcast_in_dim3A_178] : memref<80xf32, #tpu.memory_space<vmem>>[vector<16xi32>], vector<16xf32>,
        %get3A_180 = arith.index_cast %add3A_177 : i32 to index
        %get3A_181 = arith.constant 0 : index
        %get3A_182 = tpu.vector_load %arg15[%get3A_180, %get3A_181] {strides = array<i32>} : memref<80x16xf32, #tpu.memory_space<vmem>>, vector<16xf32>,
        %mul3A_183 = arith.mulf %get3A_182, %gather3A_179 : vector<16xf32>
        %swap3A_184 = arith.index_cast %add3A_177 : i32 to index
        %swap3A_185 = arith.constant 0 : index
        %swap3A_186 = tpu.vector_load %arg18[%swap3A_184, %swap3A_185] {strides = array<i32>} : memref<80x128xf32, #tpu.memory_space<vmem>>, vector<16xf32>,
        tpu.vector_store %arg18[%swap3A_184, %swap3A_185], %mul3A_183 {strides = array<i32>} : memref<80x128xf32, #tpu.memory_space<vmem>>, vector<16xf32>,
        %eq3A_187 = arith.constant 0 : i32
        %eq3A_188 = vector.broadcast %eq3A_187 : i32 to vector<16xi32>
        %eq3A_189 = arith.cmpi eq, %iota3A, %eq3A_188 : vector<16xi32>
        %jit3A_190 = arith.constant 0.000000e+00 : f32
        %broadcast_in_dim3A_191 = vector.broadcast %jit3A_190 : f32 to vector<16xf32>
        %select_n3A_192 = arith.select %eq3A_189, %gather3A_179, %broadcast_in_dim3A_191 : vector<16xi1>, vector<16xf32>
        %swap3A_193 = arith.index_cast %add3A_177 : i32 to index
        %swap3A_194 = arith.constant 16 : index
        %swap3A_195 = tpu.vector_load %arg18[%swap3A_193, %swap3A_194] {strides = array<i32>} : memref<80x128xf32, #tpu.memory_space<vmem>>, vector<16xf32>,
        tpu.vector_store %arg18[%swap3A_193, %swap3A_194], %select_n3A_192 {strides = array<i32>} : memref<80x128xf32, #tpu.memory_space<vmem>>, vector<16xf32>,
        %mul3A_196 = arith.constant 8 : i32
        %mul3A_197 = arith.muli %scan3A_68, %mul3A_196 : i32
        %add3A_198 = arith.constant 6 : i32
        %add3A_199 = arith.addi %mul3A_197, %add3A_198 : i32
        %broadcast_in_dim3A_200 = vector.broadcast %add3A_199 : i32 to vector<16xi32>
        %gather3A_201 = tpu.vector_load_idx %arg14[%broadcast_in_dim3A_200] : memref<80xf32, #tpu.memory_space<vmem>>[vector<16xi32>], vector<16xf32>,
        %get3A_202 = arith.index_cast %add3A_199 : i32 to index
        %get3A_203 = arith.constant 0 : index
        %get3A_204 = tpu.vector_load %arg15[%get3A_202, %get3A_203] {strides = array<i32>} : memref<80x16xf32, #tpu.memory_space<vmem>>, vector<16xf32>,
        %mul3A_205 = arith.mulf %get3A_204, %gather3A_201 : vector<16xf32>
        %swap3A_206 = arith.index_cast %add3A_199 : i32 to index
        %swap3A_207 = arith.constant 0 : index
        %swap3A_208 = tpu.vector_load %arg18[%swap3A_206, %swap3A_207] {strides = array<i32>} : memref<80x128xf32, #tpu.memory_space<vmem>>, vector<16xf32>,
        tpu.vector_store %arg18[%swap3A_206, %swap3A_207], %mul3A_205 {strides = array<i32>} : memref<80x128xf32, #tpu.memory_space<vmem>>, vector<16xf32>,
        %eq3A_209 = arith.constant 0 : i32
        %eq3A_210 = vector.broadcast %eq3A_209 : i32 to vector<16xi32>
        %eq3A_211 = arith.cmpi eq, %iota3A, %eq3A_210 : vector<16xi32>
        %jit3A_212 = arith.constant 0.000000e+00 : f32
        %broadcast_in_dim3A_213 = vector.broadcast %jit3A_212 : f32 to vector<16xf32>
        %select_n3A_214 = arith.select %eq3A_211, %gather3A_201, %broadcast_in_dim3A_213 : vector<16xi1>, vector<16xf32>
        %swap3A_215 = arith.index_cast %add3A_199 : i32 to index
        %swap3A_216 = arith.constant 16 : index
        %swap3A_217 = tpu.vector_load %arg18[%swap3A_215, %swap3A_216] {strides = array<i32>} : memref<80x128xf32, #tpu.memory_space<vmem>>, vector<16xf32>,
        tpu.vector_store %arg18[%swap3A_215, %swap3A_216], %select_n3A_214 {strides = array<i32>} : memref<80x128xf32, #tpu.memory_space<vmem>>, vector<16xf32>,
        %mul3A_218 = arith.constant 8 : i32
        %mul3A_219 = arith.muli %scan3A_68, %mul3A_218 : i32
        %add3A_220 = arith.constant 7 : i32
        %add3A_221 = arith.addi %mul3A_219, %add3A_220 : i32
        %broadcast_in_dim3A_222 = vector.broadcast %add3A_221 : i32 to vector<16xi32>
        %gather3A_223 = tpu.vector_load_idx %arg14[%broadcast_in_dim3A_222] : memref<80xf32, #tpu.memory_space<vmem>>[vector<16xi32>], vector<16xf32>,
        %get3A_224 = arith.index_cast %add3A_221 : i32 to index
        %get3A_225 = arith.constant 0 : index
        %get3A_226 = tpu.vector_load %arg15[%get3A_224, %get3A_225] {strides = array<i32>} : memref<80x16xf32, #tpu.memory_space<vmem>>, vector<16xf32>,
        %mul3A_227 = arith.mulf %get3A_226, %gather3A_223 : vector<16xf32>
        %swap3A_228 = arith.index_cast %add3A_221 : i32 to index
        %swap3A_229 = arith.constant 0 : index
        %swap3A_230 = tpu.vector_load %arg18[%swap3A_228, %swap3A_229] {strides = array<i32>} : memref<80x128xf32, #tpu.memory_space<vmem>>, vector<16xf32>,
        tpu.vector_store %arg18[%swap3A_228, %swap3A_229], %mul3A_227 {strides = array<i32>} : memref<80x128xf32, #tpu.memory_space<vmem>>, vector<16xf32>,
        %eq3A_231 = arith.constant 0 : i32
        %eq3A_232 = vector.broadcast %eq3A_231 : i32 to vector<16xi32>
        %eq3A_233 = arith.cmpi eq, %iota3A, %eq3A_232 : vector<16xi32>
        %jit3A_234 = arith.constant 0.000000e+00 : f32
        %broadcast_in_dim3A_235 = vector.broadcast %jit3A_234 : f32 to vector<16xf32>
        %select_n3A_236 = arith.select %eq3A_233, %gather3A_223, %broadcast_in_dim3A_235 : vector<16xi1>, vector<16xf32>
        %swap3A_237 = arith.index_cast %add3A_221 : i32 to index
        %swap3A_238 = arith.constant 16 : index
        %swap3A_239 = tpu.vector_load %arg18[%swap3A_237, %swap3A_238] {strides = array<i32>} : memref<80x128xf32, #tpu.memory_space<vmem>>, vector<16xf32>,
        tpu.vector_store %arg18[%swap3A_237, %swap3A_238], %select_n3A_236 {strides = array<i32>} : memref<80x128xf32, #tpu.memory_space<vmem>>, vector<16xf32>,
      }
      %scan3A_67 = arith.constant 10 : i32
      "tpu.region"() ({
        %run_scoped3A = tpu.sem_alloc : memref<!tpu.dma_semaphore, #tpu.memory_space<semaphore_mem>>
        %dma_start3A_68 = arith.constant 0 : i32
        %dma_start3A_69 = arith.constant 0 : i32
        %dma_start3A_70 = tpu.memref_slice %arg10[%dma_start3A_68, %dma_start3A_69] : memref<10000x128xf32, #tpu.memory_space<vmem_shared>> -> memref<10000x128xf32, #tpu.memory_space<vmem_shared>>
        tpu.enqueue_indirect_dma source(%arg18 : memref<80x128xf32, #tpu.memory_space<vmem>>) target(%dma_start3A_70 : memref<10000x128xf32, #tpu.memory_space<vmem_shared>>) offsets(%arg13 : memref<80xi32, #tpu.memory_space<vmem>>) semaphore(%run_scoped3A : memref<!tpu.dma_semaphore, #tpu.memory_space<semaphore_mem>>) {add = true}
        %dma_wait3A_71 = arith.constant 0 : i32
        %dma_wait3A_72 = arith.constant 0 : i32
        %dma_wait3A_73 = tpu.memref_slice %arg10[%dma_wait3A_71, %dma_wait3A_72] : memref<10000x128xf32, #tpu.memory_space<vmem_shared>> -> memref<10000x128xf32, #tpu.memory_space<vmem_shared>>
        tpu.wait_indirect_dma semaphore(%run_scoped3A : memref<!tpu.dma_semaphore, #tpu.memory_space<semaphore_mem>>) src(%arg18 : memref<80x128xf32, #tpu.memory_space<vmem>>) dst(%dma_wait3A_73 : memref<10000x128xf32, #tpu.memory_space<vmem_shared>>)
        tpu.yield
      }) : () -> ()
    }
    %scan3A_51 = arith.constant 125 : i32
    %barrier3A_52 = arith.constant 0 : index
    tpu.barrier barrier_id(%barrier3A_52)
    "tpu.region"() ({
      %run_scoped3A = tpu.sem_alloc : memref<!tpu.dma_semaphore, #tpu.memory_space<semaphore_mem>>
      %dma_start3A_58 = arith.constant 0 : i32
      %dma_start3A_59 = tpu.memref_slice %arg9[%arg0, %mul3A_0, %dma_start3A_58] : memref<2x10000x128xf32, #tpu.memory_space<hbm>> -> memref<1x624x128xf32, #tpu.memory_space<hbm>>
      %dma_start3A_60 = tpu.memref_squeeze %dma_start3A_59 : memref<1x624x128xf32, #tpu.memory_space<hbm>> -> memref<624x128xf32, #tpu.memory_space<hbm>>
      %dma_start3A_61 = arith.constant 0 : i32
      %dma_start3A_62 = tpu.memref_slice %arg10[%mul3A_0, %dma_start3A_61] : memref<10000x128xf32, #tpu.memory_space<vmem_shared>> -> memref<624x128xf32, #tpu.memory_space<vmem_shared>>
      tpu.enqueue_dma source(%dma_start3A_62 : memref<624x128xf32, #tpu.memory_space<vmem_shared>>) target(%dma_start3A_60 : memref<624x128xf32, #tpu.memory_space<hbm>>) target_semaphore(%run_scoped3A : memref<!tpu.dma_semaphore, #tpu.memory_space<semaphore_mem>>)
      %dma_wait3A_63 = arith.constant 0 : i32
      %dma_wait3A_64 = tpu.memref_slice %arg9[%arg0, %mul3A_0, %dma_wait3A_63] : memref<2x10000x128xf32, #tpu.memory_space<hbm>> -> memref<1x624x128xf32, #tpu.memory_space<hbm>>
      %dma_wait3A_65 = tpu.memref_squeeze %dma_wait3A_64 : memref<1x624x128xf32, #tpu.memory_space<hbm>> -> memref<624x128xf32, #tpu.memory_space<hbm>>
      %dma_wait3A_66 = arith.constant 0 : i32
      %dma_wait3A_67 = tpu.memref_slice %arg10[%mul3A_0, %dma_wait3A_66] : memref<10000x128xf32, #tpu.memory_space<vmem_shared>> -> memref<624x128xf32, #tpu.memory_space<vmem_shared>>
      tpu.wait_dma2 semaphore(%run_scoped3A : memref<!tpu.dma_semaphore, #tpu.memory_space<semaphore_mem>>) src(%dma_wait3A_67 : memref<624x128xf32, #tpu.memory_space<vmem_shared>>) dst(%dma_wait3A_65 : memref<624x128xf32, #tpu.memory_space<hbm>>)
      tpu.yield
    }) : () -> ()
    %eq3A_53 = arith.constant 0 : i32
    %eq3A_54 = arith.cmpi eq, %arg1, %eq3A_53 : i32
    %convert_element_type3A_55 = arith.extui %eq3A_54 : i1 to i32
    %cond3A_56 = arith.constant 0 : i32
    %cond3A_57 = arith.cmpi ne, %convert_element_type3A_55, %cond3A_56 : i32
    scf.if %cond3A_57 {
      "tpu.region"() ({
        %run_scoped3A = tpu.sem_alloc : memref<!tpu.dma_semaphore, #tpu.memory_space<semaphore_mem>>
        %dma_start3A_58 = arith.constant 9984 : i32
        %dma_start3A_59 = arith.constant 0 : i32
        %dma_start3A_60 = tpu.memref_slice %arg9[%arg0, %dma_start3A_58, %dma_start3A_59] : memref<2x10000x128xf32, #tpu.memory_space<hbm>> -> memref<1x16x128xf32, #tpu.memory_space<hbm>>
        %dma_start3A_61 = tpu.memref_squeeze %dma_start3A_60 : memref<1x16x128xf32, #tpu.memory_space<hbm>> -> memref<16x128xf32, #tpu.memory_space<hbm>>
        %dma_start3A_62 = arith.constant 9984 : i32
        %dma_start3A_63 = arith.constant 0 : i32
        %dma_start3A_64 = tpu.memref_slice %arg10[%dma_start3A_62, %dma_start3A_63] : memref<10000x128xf32, #tpu.memory_space<vmem_shared>> -> memref<16x128xf32, #tpu.memory_space<vmem_shared>>
        tpu.enqueue_dma source(%dma_start3A_64 : memref<16x128xf32, #tpu.memory_space<vmem_shared>>) target(%dma_start3A_61 : memref<16x128xf32, #tpu.memory_space<hbm>>) target_semaphore(%run_scoped3A : memref<!tpu.dma_semaphore, #tpu.memory_space<semaphore_mem>>)
        %dma_wait3A_65 = arith.constant 9984 : i32
        %dma_wait3A_66 = arith.constant 0 : i32
        %dma_wait3A_67 = tpu.memref_slice %arg9[%arg0, %dma_wait3A_65, %dma_wait3A_66] : memref<2x10000x128xf32, #tpu.memory_space<hbm>> -> memref<1x16x128xf32, #tpu.memory_space<hbm>>
        %dma_wait3A_68 = tpu.memref_squeeze %dma_wait3A_67 : memref<1x16x128xf32, #tpu.memory_space<hbm>> -> memref<16x128xf32, #tpu.memory_space<hbm>>
        %dma_wait3A_69 = arith.constant 9984 : i32
        %dma_wait3A_70 = arith.constant 0 : i32
        %dma_wait3A_71 = tpu.memref_slice %arg10[%dma_wait3A_69, %dma_wait3A_70] : memref<10000x128xf32, #tpu.memory_space<vmem_shared>> -> memref<16x128xf32, #tpu.memory_space<vmem_shared>>
        tpu.wait_dma2 semaphore(%run_scoped3A : memref<!tpu.dma_semaphore, #tpu.memory_space<semaphore_mem>>) src(%dma_wait3A_71 : memref<16x128xf32, #tpu.memory_space<vmem_shared>>) dst(%dma_wait3A_68 : memref<16x128xf32, #tpu.memory_space<hbm>>)
        tpu.yield
      }) : () -> ()
    } else {
    }
    return
  }
}

module attributes {stable_mosaic.version = 14 : i64} {
  func.func @_mlp_body(%arg0: memref<10000x128xf32, #tpu.memory_space<vmem>>, %arg1: memref<2x10000x128xf32, #tpu.memory_space<vmem>>, %arg2: memref<2x10000x128xf32, #tpu.memory_space<vmem>>, %arg3: memref<128x128xf32, #tpu.memory_space<vmem>>, %arg4: memref<128x128xf32, #tpu.memory_space<vmem>>, %arg5: memref<16x128xf32, #tpu.memory_space<vmem>>, %arg6: memref<1x128xf32, #tpu.memory_space<vmem>>, %arg7: memref<1x128xf32, #tpu.memory_space<vmem>>, %arg8: memref<1x128xf32, #tpu.memory_space<vmem>>, %arg9: memref<128x128xf32, #tpu.memory_space<vmem>>, %arg10: memref<1x128xf32, #tpu.memory_space<vmem>>, %arg11: memref<10000x128xf32, #tpu.memory_space<vmem>>) attributes {dimension_semantics = [], scalar_prefetch = 0 : i64, scratch_operands = 0 : i64, tpu.core_type = #tpu.core_type<tc>} {
    %get3A = arith.constant 0 : index
    %get3A_0 = arith.constant 0 : index
    %get3A_1 = arith.constant 0 : index
    %get3A_2 = vector.load %arg1[%get3A, %get3A_0, %get3A_1] : memref<2x10000x128xf32, #tpu.memory_space<vmem>>, vector<1x10000x128xf32>
    %get3A_3 = vector.shape_cast %get3A_2 : vector<1x10000x128xf32> to vector<10000x128xf32>
    %get3A_4 = arith.constant 1 : index
    %get3A_5 = arith.constant 0 : index
    %get3A_6 = arith.constant 0 : index
    %get3A_7 = vector.load %arg1[%get3A_4, %get3A_5, %get3A_6] : memref<2x10000x128xf32, #tpu.memory_space<vmem>>, vector<1x10000x128xf32>
    %get3A_8 = vector.shape_cast %get3A_7 : vector<1x10000x128xf32> to vector<10000x128xf32>
    %add3A = arith.addf %get3A_3, %get3A_8 : vector<10000x128xf32>
    %get3A_9 = arith.constant 0 : index
    %get3A_10 = arith.constant 0 : index
    %get3A_11 = arith.constant 0 : index
    %get3A_12 = vector.load %arg2[%get3A_9, %get3A_10, %get3A_11] : memref<2x10000x128xf32, #tpu.memory_space<vmem>>, vector<1x10000x128xf32>
    %get3A_13 = vector.shape_cast %get3A_12 : vector<1x10000x128xf32> to vector<10000x128xf32>
    %get3A_14 = arith.constant 1 : index
    %get3A_15 = arith.constant 0 : index
    %get3A_16 = arith.constant 0 : index
    %get3A_17 = vector.load %arg2[%get3A_14, %get3A_15, %get3A_16] : memref<2x10000x128xf32, #tpu.memory_space<vmem>>, vector<1x10000x128xf32>
    %get3A_18 = vector.shape_cast %get3A_17 : vector<1x10000x128xf32> to vector<10000x128xf32>
    %add3A_19 = arith.addf %get3A_13, %get3A_18 : vector<10000x128xf32>
    %slice3A = vector.extract_strided_slice %add3A_19 {offsets = [0, 0], sizes = [10000, 16], strides = [1, 1]} : vector<10000x128xf32> to vector<10000x16xf32>
    %slice3A_20 = vector.extract_strided_slice %add3A_19 {offsets = [0, 16], sizes = [10000, 1], strides = [1, 1]} : vector<10000x128xf32> to vector<10000x1xf32>
    %get3A_21 = arith.constant 0 : index
    %get3A_22 = arith.constant 0 : index
    %get3A_23 = vector.load %arg0[%get3A_21, %get3A_22] : memref<10000x128xf32, #tpu.memory_space<vmem>>, vector<10000x128xf32>
    %mul3A = vector.broadcast %slice3A_20 : vector<10000x1xf32> to vector<10000x128xf32>
    %mul3A_24 = arith.mulf %mul3A, %get3A_23 : vector<10000x128xf32>
    %get3A_25 = arith.constant 0 : index
    %get3A_26 = arith.constant 0 : index
    %get3A_27 = vector.load %arg3[%get3A_25, %get3A_26] : memref<128x128xf32, #tpu.memory_space<vmem>>, vector<128x128xf32>
    %dot_general3A = arith.constant dense<0.000000e+00> : vector<10000x128xf32>
    %dot_general3A_28 = tpu.matmul %mul3A_24, %get3A_27, %dot_general3A {dimension_numbers = #tpu.dot_dimension_numbers<[1], [0], [0], [1], [0, 0, 1, 1], [], []>, transpose_lhs_hint = false} : vector<10000x128xf32>, vector<128x128xf32>, vector<10000x128xf32> -> vector<10000x128xf32>
    %get3A_29 = arith.constant 0 : index
    %get3A_30 = arith.constant 0 : index
    %get3A_31 = vector.load %arg4[%get3A_29, %get3A_30] : memref<128x128xf32, #tpu.memory_space<vmem>>, vector<128x128xf32>
    %dot_general3A_32 = arith.constant dense<0.000000e+00> : vector<10000x128xf32>
    %dot_general3A_33 = tpu.matmul %add3A, %get3A_31, %dot_general3A_32 {dimension_numbers = #tpu.dot_dimension_numbers<[1], [0], [0], [1], [0, 0, 1, 1], [], []>, transpose_lhs_hint = false} : vector<10000x128xf32>, vector<128x128xf32>, vector<10000x128xf32> -> vector<10000x128xf32>
    %add3A_34 = arith.addf %dot_general3A_28, %dot_general3A_33 : vector<10000x128xf32>
    %get3A_35 = arith.constant 0 : index
    %get3A_36 = arith.constant 0 : index
    %get3A_37 = vector.load %arg5[%get3A_35, %get3A_36] : memref<16x128xf32, #tpu.memory_space<vmem>>, vector<16x128xf32>
    %dot_general3A_38 = arith.constant dense<0.000000e+00> : vector<10000x128xf32>
    %dot_general3A_39 = tpu.matmul %slice3A, %get3A_37, %dot_general3A_38 {dimension_numbers = #tpu.dot_dimension_numbers<[1], [0], [0], [1], [0, 0, 1, 1], [], []>, transpose_lhs_hint = false} : vector<10000x16xf32>, vector<16x128xf32>, vector<10000x128xf32> -> vector<10000x128xf32>
    %add3A_40 = arith.addf %add3A_34, %dot_general3A_39 : vector<10000x128xf32>
    %get3A_41 = arith.constant 0 : index
    %get3A_42 = arith.constant 0 : index
    %get3A_43 = vector.load %arg6[%get3A_41, %get3A_42] : memref<1x128xf32, #tpu.memory_space<vmem>>, vector<1x128xf32>
    %add3A_44 = vector.broadcast %get3A_43 : vector<1x128xf32> to vector<10000x128xf32>
    %add3A_45 = arith.addf %add3A_40, %add3A_44 : vector<10000x128xf32>
    %max3A = arith.constant 0.000000e+00 : f32
    %max3A_46 = vector.broadcast %max3A : f32 to vector<10000x128xf32>
    %max3A_47 = arith.maximumf %add3A_45, %max3A_46 : vector<10000x128xf32>
    %reduce_sum3A = arith.constant dense<0.000000e+00> : vector<128xf32>
    %reduce_sum3A_48 = vector.multi_reduction <add>, %max3A_47, %reduce_sum3A [0] : vector<10000x128xf32> to vector<128xf32>
    %broadcast_in_dim3A = vector.shape_cast %reduce_sum3A_48 : vector<128xf32> to vector<1x128xf32>
    %div3A = arith.constant 1.000000e+04 : f32
    %div3A_49 = vector.broadcast %div3A : f32 to vector<1x128xf32>
    %div3A_50 = arith.divf %broadcast_in_dim3A, %div3A_49 : vector<1x128xf32>
    %sub3A = vector.broadcast %div3A_50 : vector<1x128xf32> to vector<10000x128xf32>
    %sub3A_51 = arith.subf %max3A_47, %sub3A : vector<10000x128xf32>
    %mul3A_52 = arith.mulf %sub3A_51, %sub3A_51 : vector<10000x128xf32>
    %reduce_sum3A_53 = arith.constant dense<0.000000e+00> : vector<128xf32>
    %reduce_sum3A_54 = vector.multi_reduction <add>, %mul3A_52, %reduce_sum3A_53 [0] : vector<10000x128xf32> to vector<128xf32>
    %broadcast_in_dim3A_55 = vector.shape_cast %reduce_sum3A_54 : vector<128xf32> to vector<1x128xf32>
    %div3A_56 = arith.constant 1.000000e+04 : f32
    %div3A_57 = vector.broadcast %div3A_56 : f32 to vector<1x128xf32>
    %div3A_58 = arith.divf %broadcast_in_dim3A_55, %div3A_57 : vector<1x128xf32>
    %add3A_59 = arith.constant 9.99999974E-6 : f32
    %add3A_60 = vector.broadcast %add3A_59 : f32 to vector<1x128xf32>
    %add3A_61 = arith.addf %div3A_58, %add3A_60 : vector<1x128xf32>
    %rsqrt3A = math.rsqrt %add3A_61 : vector<1x128xf32>
    %mul3A_62 = vector.broadcast %rsqrt3A : vector<1x128xf32> to vector<10000x128xf32>
    %mul3A_63 = arith.mulf %sub3A_51, %mul3A_62 : vector<10000x128xf32>
    %get3A_64 = arith.constant 0 : index
    %get3A_65 = arith.constant 0 : index
    %get3A_66 = vector.load %arg7[%get3A_64, %get3A_65] : memref<1x128xf32, #tpu.memory_space<vmem>>, vector<1x128xf32>
    %mul3A_67 = vector.broadcast %get3A_66 : vector<1x128xf32> to vector<10000x128xf32>
    %mul3A_68 = arith.mulf %mul3A_63, %mul3A_67 : vector<10000x128xf32>
    %get3A_69 = arith.constant 0 : index
    %get3A_70 = arith.constant 0 : index
    %get3A_71 = vector.load %arg8[%get3A_69, %get3A_70] : memref<1x128xf32, #tpu.memory_space<vmem>>, vector<1x128xf32>
    %add3A_72 = vector.broadcast %get3A_71 : vector<1x128xf32> to vector<10000x128xf32>
    %add3A_73 = arith.addf %mul3A_68, %add3A_72 : vector<10000x128xf32>
    %get3A_74 = arith.constant 0 : index
    %get3A_75 = arith.constant 0 : index
    %get3A_76 = vector.load %arg9[%get3A_74, %get3A_75] : memref<128x128xf32, #tpu.memory_space<vmem>>, vector<128x128xf32>
    %dot_general3A_77 = arith.constant dense<0.000000e+00> : vector<10000x128xf32>
    %dot_general3A_78 = tpu.matmul %add3A_73, %get3A_76, %dot_general3A_77 {dimension_numbers = #tpu.dot_dimension_numbers<[1], [0], [0], [1], [0, 0, 1, 1], [], []>, transpose_lhs_hint = false} : vector<10000x128xf32>, vector<128x128xf32>, vector<10000x128xf32> -> vector<10000x128xf32>
    %get3A_79 = arith.constant 0 : index
    %get3A_80 = arith.constant 0 : index
    %get3A_81 = vector.load %arg10[%get3A_79, %get3A_80] : memref<1x128xf32, #tpu.memory_space<vmem>>, vector<1x128xf32>
    %add3A_82 = vector.broadcast %get3A_81 : vector<1x128xf32> to vector<10000x128xf32>
    %add3A_83 = arith.addf %dot_general3A_78, %add3A_82 : vector<10000x128xf32>
    %swap3A = arith.constant 0 : index
    %swap3A_84 = arith.constant 0 : index
    %swap3A_85 = vector.load %arg11[%swap3A, %swap3A_84] : memref<10000x128xf32, #tpu.memory_space<vmem>>, vector<10000x128xf32>
    tpu.vector_store %arg11[%swap3A, %swap3A_84], %add3A_83 {strides = array<i32>} : memref<10000x128xf32, #tpu.memory_space<vmem>>, vector<10000x128xf32>,
    return
  }
}

</mosaic_0001>

<sc_bundles>
// kernel: kernel.4.cloned.1.call-start
scs
__scs_entry_jumppad:
0x0: {  	(pc) =	sbr.rel $0x88, $3  }
0x1: {  	(tag) =	ssettag $0x0;
	lr =	simm.s32 $0x1  }
0x2: {  	[smem:$0x3F97] =	sst lr;
	_ =	strace $0xD0000000  }
0x3: {  	_ = 	snop  }
0x4: {  	_ = 	snop  }
0x5: {  	_ = 	snop  }
0x6: {  	_ = 	snop  }
0x7: {  	_ = 	snop  }
__scs_overlays_trampoline_lowered:
0x8: {  	[smem:$0x3FA6] =	sst s0  }
0x9: {  	[smem:$0x3FA7] =	sst s1  }
0xa: {  	[smem:$0x3FA8] =	sst s2  }
0xb: {  	[smem:$0x3FA9] =	sst s3  }
0xc: {  	[smem:$0x3FAA] =	sst s4  }
0xd: {  	[smem:$0x3FAB] =	sst s5  }
0xe: {  	[smem:$0x3FAC] =	sst s6  }
0xf: {  	[smem:$0x3FAD] =	sst s7  }
0x10: {  	[smem:$0x3FAE] =	sst s8  }
0x11: {  	[smem:$0x3FAF] =	sst s9;
	s0 =	simm.s32 @!p0 $0x0  }
0x12: {  	s1 =	sld [smem:$0x3F95];
	s0 =	simm.s32 @p0 $0x1  }
0x13: {  	[smem:$0x3FB0] =	sst s0;
	s0 =	simm.s32 @!p1 $0x0  }
0x14: {  	s2 =	sld [smem:$0x3F94];
	s0 =	simm.s32 @p1 $0x1  }
0x15: {  	[smem:$0x3FB1] =	sst s0;
	s0 =	simm.s32 @!p2 $0x0  }
0x16: {  	s3 =	sld [smem:$0x3FDB];
	s0 =	simm.s32 @p2 $0x1  }
0x17: {  	s4 =	simm.s32 $0x1BF5;
	[smem:$0x3FB3] =	sst s0  }
0x18: {  	s0 =	sld [smem:$0x3F96];
	_ =	swait.ge [sflag:s4], $0x0  }
0x19: {  	s7 =	sld [smem:$0x3F97]  }
0x1a: {  	s8 =	sadd.s32 $0xFFFFE003, lr  }
0x1b: {  	s9 =	sadd.s32 $0xFFFFFEF7, lr;
	s5 =	simm.s32 $0xFFFFFFFF;
	p2 =	slt.u32 s8, $0xFFFFF086  }
0x1c: {  	p1 =	slt.u32 s9, $0xF7A;
	s5 =	simm.s32 @!p2 $0x0  }
0x1d: {  	s5 =	simm.s32 @p1 $0x1;
	p0 =	seq.s32 s7, s2  }
0x1e: {  	s7 =	smul.u32 @!p0 $0xF7A, s2;
	p2 =	seq.s32 @!p0 s5, $0x0  }
0x1f: {  	s9 =	smul.u32 $0xF7A, s1;
	s8 =	simm.s32 @!p0 $0x1BF5;
	p2 =	por !p2, p0  }
0x20: {  	[sflag:s8] =	ssyncset.s32 @!p0 $0xFFFFF086;
	s6 =	sadd.s32 @!p0 s3, s7;
	s7 =	simm.s32 @!p0 $0x108  }
0x21: {  	s3 =	sadd.s32 s3, s9;
	s6 =	sadd.s32 @!p0 $0x88, s6;
	s7 =	simm.s32 @p2 $0x1082  }
0x22: {  	[simem:s7], [sflag:s8] =	dma.local @!p0 [hbm:s6], $0xF7A  }
0x23: {  	s9 =	sor.u32 $0xD0000000, s2;
	s6 =	simm.s32 $0x108;
	_ =	swait.ge @!p0 [sflag:s8], $0x0  }
0x24: {  	s3 =	sadd.s32 $0x88, s3;
	s6 =	simm.s32 @!p1 $0x1082;
	[sflag:s4] =	ssyncset.s32 $0xFFFFF086  }
0x25: {  	[simem:s6], [sflag:s4] =	dma.local [hbm:s3], $0xF7A  }
0x26: {  	[smem:$0x3F97] =	sst s1;
	(tag) =	ssettag s2;
	_ =	strace s9  }
0x27: {  	s1 =	sld [smem:$0x3FA7]  }
0x28: {  	s2 =	sld [smem:$0x3FA8]  }
0x29: {  	s4 =	sld [smem:$0x3FAA]  }
0x2a: {  	p0 =	seq.s32 s5, $0x0;
	s5 =	sld [smem:$0x3FAB]  }
0x2b: {  	s6 =	sld [smem:$0x3FAC]  }
0x2c: {  	s7 =	sld [smem:$0x3FAD]  }
0x2d: {  	s3 =	simm.s32 $0x108;
	s8 =	sld [smem:$0x3FAE]  }
0x2e: {  	s3 =	simm.s32 @!p0 $0x1082;
	s9 =	sld [smem:$0x3FAF]  }
0x2f: {  	lr =	sadd.s32 s0, s3;
	s0 =	sld [smem:$0x3FA6]  }
0x30: {  	s3 =	sld [smem:$0x3FA9]  }
0x31: {  	[smem:$0x3FB2] =	sst s10  }
0x32: {  	s10 =	sld [smem:$0x3FB0];
	_ =	sdelay $0x3  }
0x33: {  	p0 =	seq.s32 s10, $0x1;
	s10 =	sld [smem:$0x3FB2];
	_ =	sdelay $0x3  }
0x34: {  	[smem:$0x3FB2] =	sst s10  }
0x35: {  	s10 =	sld [smem:$0x3FB1];
	_ =	sdelay $0x3  }
0x36: {  	p1 =	seq.s32 s10, $0x1;
	s10 =	sld [smem:$0x3FB2];
	_ =	sdelay $0x3  }
0x37: {  	[smem:$0x3FB2] =	sst s10  }
0x38: {  	s10 =	sld [smem:$0x3FB3]  }
0x39: {  	_ = 	snop;
	(pc) =	sbr.ind lr, $3  }
0x3a: {  	_ = 	snop  }
0x3b: {  	_ = 	snop  }
0x3c: {  	p2 =	seq.s32 s10, $0x1;
	s10 =	sld [smem:$0x3FB2]  }
0x3d: {  	_ =	shalt  }
0x3e: {  	_ =	shalt  }
0x3f: {  	_ =	shalt  }
0x40: {  	_ =	shalt  }
0x41: {  	_ =	shalt  }
0x42: {  	_ =	shalt  }
0x43: {  	_ =	shalt  }
0x44: {  	_ =	shalt  }
0x45: {  	_ =	shalt  }
0x46: {  	_ =	shalt  }
0x47: {  	_ =	shalt  }
0x48: {  	_ =	shalt  }
0x49: {  	_ =	shalt  }
0x4a: {  	_ =	shalt  }
0x4b: {  	_ =	shalt  }
0x4c: {  	_ =	shalt  }
0x4d: {  	_ =	shalt  }
0x4e: {  	_ =	shalt  }
0x4f: {  	_ =	shalt  }
0x50: {  	_ =	shalt  }
0x51: {  	_ =	shalt  }
0x52: {  	_ =	shalt  }
0x53: {  	_ =	shalt  }
0x54: {  	_ =	shalt  }
0x55: {  	_ =	shalt  }
0x56: {  	_ =	shalt  }
0x57: {  	_ =	shalt  }
0x58: {  	_ =	shalt  }
0x59: {  	_ =	shalt  }
0x5a: {  	_ =	shalt  }
0x5b: {  	_ =	shalt  }
0x5c: {  	_ =	shalt  }
0x5d: {  	_ =	shalt  }
0x5e: {  	_ =	shalt  }
0x5f: {  	_ =	shalt  }
0x60: {  	_ =	shalt  }
0x61: {  	_ =	shalt  }
0x62: {  	_ =	shalt  }
0x63: {  	_ =	shalt  }
0x64: {  	_ =	shalt  }
0x65: {  	_ =	shalt  }
0x66: {  	_ =	shalt  }
0x67: {  	_ =	shalt  }
0x68: {  	_ =	shalt  }
0x69: {  	_ =	shalt  }
0x6a: {  	_ =	shalt  }
0x6b: {  	_ =	shalt  }
0x6c: {  	_ =	shalt  }
0x6d: {  	_ =	shalt  }
0x6e: {  	_ =	shalt  }
0x6f: {  	_ =	shalt  }
0x70: {  	_ =	shalt  }
0x71: {  	_ =	shalt  }
0x72: {  	_ =	shalt  }
0x73: {  	_ =	shalt  }
0x74: {  	_ =	shalt  }
0x75: {  	_ =	shalt  }
0x76: {  	_ =	shalt  }
0x77: {  	_ =	shalt  }
0x78: {  	_ =	shalt  }
0x79: {  	_ =	shalt  }
0x7a: {  	_ =	shalt  }
0x7b: {  	_ =	shalt  }
0x7c: {  	_ =	shalt  }
0x7d: {  	_ =	shalt  }
0x7e: {  	_ =	shalt  }
0x7f: {  	_ =	shalt  }
0x80: {  	_ =	shalt  }
0x81: {  	_ =	shalt  }
0x82: {  	_ =	shalt  }
0x83: {  	_ =	shalt  }
0x84: {  	_ =	shalt  }
0x85: {  	_ =	shalt  }
0x86: {  	_ =	shalt  }
0x87: {  	_ =	shalt  }
.Lfunc_end0:
.L_simem_size_0:
called_computation_lowered:
.L_overlay_start_0:
0x88: {  	s2 =	sld [smem:$0x3FD9]  }
0x89: {  	s3 =	sld [smem:$0x3FFE];
	_ =	sdelay $0x1  }
0x8a: {  	s1 =	srdreg.scid  }
0x8b: {  	s0 =	sand.u32 $0x1, s1  }
0x8c: {  	s17 =	sshll.u32 s0, $0xA;
	s2 =	sadd.s32 s3, s2  }
0x8d: {  	s2 =	sadd.s32 s2, s17  }
0x8e: {  	[smem:$0x3FBE] =	sst s2  }
0x8f: {  	_ = 	snop  }
0x90: {  	s2 =	sld [smem:$0x3FC9]  }
0x91: {  	s18 =	sld [smem:$0x3FC7]  }
0x92: {  	s4 =	sld [smem:$0x3FD0];
	(tm) =	ssettm $0x1  }
0x93: {  	s5 =	sld [smem:$0x3FFB];
	_ =	sdelay $0x3  }
0x94: {  	_ =	strace s5  }
0x95: {  	s5 =	sld [smem:$0x3FFC];
	_ =	sdelay $0x3  }
0x96: {  	_ =	strace s5  }
0x97: {  	s5 =	sld [smem:$0x3FFD];
	_ =	sdelay $0x3  }
0x98: {  	_ =	strace s5  }
0x99: {  	_ =	strace $0x8FFFFFFF  }
0x9a: {  	s19 =	sld [smem:$0x3FDB];
	_ =	sdelay $0x1  }
0x9b: {  	s6 =	simm.s32 $_scs_section_size  }
0x9c: {  	s7 =	simm.s32 $_size__tile_overlayer_lowered;
	s8 =	simm.s32 $_tile_overlayer_lowered  }
0x9d: {  	s22 =	simm.s32 $0x1BFF;
	s21 =	sshll.u32 s8, $0x1;
	s5 =	sadd.s32 s6, s19  }
0x9e: {  	s9 =	simm.s32 $0x0;
	s20 =	sshll.u32 s7, $0x1;
	s7 =	sadd.s32 s21, s5  }
0x9f: {  	[timem:s9], [sflag:s22] =	dma.local [hbm:s7], s20  }
0xa0: {  	_ =	swait.ge [sflag:s22], s20  }
0xa1: {  	s6 =	ssub.s32 $0x0, s20;
	[sflag:s22] =	ssyncset.done $0x0  }
0xa2: {  	[sflag:s22] =	ssyncadd.s32 s6;
	_ =	sdelay $0x1  }
0xa3: {  	s23 =	simm.s32 $0x1B8B  }
0xa4: {  	_ =	swait.ge [sflag:s23], $0x1  }
0xa5: {  	[sflag:s23] =	ssyncset.done $0x0  }
0xa6: {  	s25 =	simm.s32 $0x1B8E;
	s24 =	sld [smem:$0x3FFE];
	[sflag:s23] =	ssyncadd.s32 $0xFFFFFFFF  }
0xa7: {  	s26 =	simm.s32 $execute0_lowered;
	[smem:$0x3FD2] =	sst s25  }
0xa8: {  	s7 =	sshll.u32 s26, $0x1;
	_ =	strace $0x80000046;
	[dreg:$0x1] =	wrdreg $0xFFFFFFFF  }
0xa9: {  	s28 =	simm.s32 $_size_execute0_lowered;
	s5 =	sadd.s32 s5, s7;
	[dreg:$0x0] =	wrdreg $0x0  }
0xaa: {  	s7 =	sshll.u32 s28, $0x1;
	[dreg:$0x2] =	wrdreg s5  }
0xab: {  	[dreg:$0x3] =	wrdreg s7  }
0xac: {  	[dreg:$0x4] =	wrdreg $0xC0  }
0xad: {  	_ =	task [dreg:s9], $0x5FFFF  }
0xae: {  	[dreg:$0x1] =	wrdreg $0xFFFFFFFF  }
0xaf: {  	[dreg:$0x0] =	wrdreg $0x60  }
0xb0: {  	[dreg:$0x2] =	wrdreg s24  }
0xb1: {  	[dreg:$0x3] =	wrdreg s18  }
0xb2: {  	[dreg:$0x4] =	wrdreg s2  }
0xb3: {  	[dreg:$0x5] =	wrdreg s4  }
0xb4: {  	[dreg:$0x6] =	wrdreg $0x0  }
0xb5: {  	[dreg:$0x7] =	wrdreg $0x9  }
0xb6: {  	_ =	task.clear_ibuf [dreg:s9], $0x8FFFF;
	_ =	strace $0x90000046  }
0xb7: {  	s29 =	simm.s32 $0x9;
	_ =	strace $0x80000048  }
0xb8: {  	_ =	swait.ge [sflag:s29], $0x1  }
0xb9: {  	[sflag:s29] =	ssyncadd.s32 $0xFFFFFFFF  }
0xba: {  	_ =	strace $0x90000048  }
0xbb: {  	_ =	sfence  }
0xbc: {  	s30 =	sld [smem:$0x0];
	_ =	sdelay $0x2  }
0xbd: {  	s31 =	sshll.u32 s1, $0xD;
	s1 =	sshrl.u32 s1, $0x2  }
0xbe: {  	s3 =	sand.u32 $0x4000, s31;
	s1 =	sadd.s32 s1, s30  }
0xbf: {  	s0 =	sor.u32 s3, s0;
	s1 =	sshll.u32 s1, $0x11  }
0xc0: {  	s0 =	sor.u32 s1, s0  }
0xc1: {  	s0 =	sadd.s32 $0x8F2B, s0  }
0xc2: {  	[sflag:s0] =	ssyncadd.remote.s32 $0x1  }
0xc3: {  	_ =	sfence.sel $0xFFFF  }
0xc4: {  	[dreg:$0x0] =	wrdreg $0xFFFFFFFF;
	(pc) =	sbr.abs _section_cstart, $3  }
0xc5: {  	[dreg:$0x1] =	wrdreg $0xFFFFFFFF  }
0xc6: {  	_ =	task.clear_ibuf [dreg:s9], $0x2FFFF;
	_ =	strace $0x9FFFFFFF  }
0xc7: {  	(tm) =	ssettm $0x7FFFFFFF  }
tec
execute0_lowered:
.L_overlay_start_1:
0x0: {  	(tag) =	ssettag $0x1  }
0x1: {  	s0 =	rddreg [dreg:$0x0]  }
0x2: {  	s1 =	rddreg [dreg:$0x1]  }
0x3: {  	s2 =	rddreg [dreg:$0x2]  }
0x4: {  	s9 =	rddreg [dreg:$0x3]  }
0x5: {  	s3 =	rddreg [dreg:$0x4];
	s4 =	simm.s32 $0x0;
	s8 =	srdreg.scid  }
0x6: {  	s12 =	stileid.u32;
	s28 =	simm.s32 $0x16280;
	s29 =	simm.s32 $0x13900  }
0x7: {  	s30 =	simm.s32 $0x18A80;
	s31 =	simm.s32 $0x1;
	[smem:$0x7FF] =	sst s4  }
0x8: {  	s5 =	sadd.s32 $0xB600, s0;
	s6 =	sadd.s32 $0x1800, s0;
	s7 =	sadd.s32 $0x15400, s0  }
0x9: {  	s10 =	sadd.s32 $0x4F7400, s0;
	s13 =	sand.u32 $0x1, s8;
	s14 =	smul.u32 $0x4E000, s12  }
0xa: {  	s17 =	smul.u32 $0x13800, s12;
	s0 =	sadd.s32 $0x545600, s0;
	s22 =	sshll.u32 s12, $0x6  }
0xb: {  	s25 =	sadd.s32 $0x138000, s3;
	p0 =	sne.s32 s12, $0x0;
	_ =	strace $0x80000047  }
0xc: {  	s8 =	ssub.s32 $0x2, s13;
	s11 =	sshll.u32 s13, $0x4;
	[dreg:$0x9] =	wrdreg s25  }
0xd: {  	s13 =	smul.u32 $0x138800, s13;
	s15 =	sshrl.u32 s8, $0x1;
	s11 =	sor.u32 s12, s11  }
0xe: {  	s20 =	sshrl.u32 s14, $0x2;
	s21 =	sshrl.u32 s17, $0x3;
	s12 =	simm.s32 $0x13A00  }
0xf: {  	s18 =	ssub.s32 s8, s15;
	s8 =	smul.u32 $0x2710, s11;
	s23 =	sadd.s32 s20, s3  }
0x10: {  	s24 =	sadd.s32 s9, s21;
	s11 =	sor.u32 $0x1C03, s22;
	s9 =	sadd.s32 $0x27000, s9  }
0x11: {  	s20 =	sadd.s32 s17, s13;
	s13 =	sshrl.u32 s13, $0x3;
	[dreg:$0x7] =	wrdreg s24  }
0x12: {  	s17 =	simm.s32 $0x13A80;
	[dreg:$0xa] =	wrdreg s9;
	s14 =	sshrl.u32 s20, $0x3  }
0x13: {  	s24 =	sadd.s32 $0x27000, s13;
	s13 =	simm.s32 $0x0;
	[dreg:$0x6] =	wrdreg s23  }
0x14: {  	[dreg:$0x8] =	wrdreg s11;
	s26 =	sshrl.u32 s8, $0x3;
	s22 =	sadd.s32 s10, s14  }
0x15: {  	s15 =	sadd.s32 $0x50, s8;
	s10 =	sadd.s32 s10, s24;
	[dreg:$0xe] =	wrdreg s22  }
0x16: {  	s25 =	sadd.s32 s0, s14;
	s0 =	sadd.s32 s0, s24;
	[dreg:$0xf] =	wrdreg s10  }
0x17: {  	s24 =	simm.s32 $0x3;
	s14 =	simm.s32 $0x2;
	[dreg:$0x10] =	wrdreg s25  }
0x18: {  	s16 =	sadd.s32 s6, s26;
	s19 =	sadd.s32 $0x4D8, s26;
	[dreg:$0x11] =	wrdreg s0  }
0x19: {  	s26 =	smax.u32 s18, $0x1;
	s25 =	simm.s32 $0x13880;
	[dreg:$0xb] =	wrdreg s16  }
0x1a: {  	s0 =	simm.s32 $0x13980;
	s21 =	sadd.s32 s5, s19;
	[dreg:$0x12] =	wrdreg s26  }
0x1b: {  	s18 =	simm.s32 $0x1B280;
	s9 =	sadd.s32 s1, s19;
	[dreg:$0xc] =	wrdreg s21  }
0x1c: {  	v0 =	vimm.f32 $0.0e+00;
	vm0 =	vmmov $0x1;
	s16 =	sadd.s32 $0xA0, s8;
	s26 =	simm.s32 $0x50;
	[dreg:$0xd] =	wrdreg s9  }
.LBB2_1:
0x1d: {  	[dreg:$0x13] =	wrdreg s13  }
0x1e: {  	s10 =	sshrl.u32 s23, $0x3;
	s9 =	rddreg [dreg:$0x7]  }
0x1f: {  	[dreg:$0x14] =	wrdreg s10  }
0x20: {  	[spmem:s10], [sflag:s11] =	dma.local [hbm:s9], $0x2700  }
0x21: {  	_ =	swait.ge [sflag:s24], $0x2700  }
0x22: {  	s9 =	rddreg [dreg:$0x9]  }
0x23: {  	[sflag:s24] =	ssyncset.done $0x0;
	s10 =	sshrl.u32 @!p0 s9, $0x3;
	s9 =	rddreg [dreg:$0xa]  }
0x24: {  	[sflag:s24] =	ssyncadd.s32 $0xFFFFD900;
	[dreg:$0x15] =	wrdreg s10  }
0x25: {  	[spmem:s10], [sflag:s11] =	dma.local @!p0 [hbm:s9], $0x100  }
0x26: {  	s9 =	simm.s32 @!p0 $0x3  }
0x27: {  	_ =	swait.ge @!p0 [sflag:s9], $0x100  }
0x28: {  	[sflag:s9] =	ssyncset.done @!p0 $0x0  }
0x29: {  	[sflag:s9] =	ssyncadd.s32 @!p0 $0xFFFFFF00  }
0x2a: {  	[bflag:$0x0] =	sbarrier.arrive $0xFFFF  }
0x2b: {  	s23 =	rddreg [dreg:$0xb]  }
0x2c: {  	[tilespmem:s25], [sflag:$0x3] =	stream.linear.gather [hbm4b:s23+s4], $0x50, $0x38;
	[tilespmem:$0x1DA80] =	vst v63  }
0x2d: {  	_ =	swait.ge [sflag:s24], $0x50  }
0x2e: {  	[sflag:s24] =	ssyncset.done $0x0  }
0x2f: {  	s22 =	simm.s32 $0x0;
	[sflag:s24] =	ssyncadd.s32 $0xFFFFFFB0  }
0x30: {  	[tilespmem:s28], [sflag:$0x1] =	stream.indirect.gather [hbm4b:s2+s26], $0x80, s25, s26, $0xb8;
	[tilespmem:$0x1DA80] =	vst v63  }
.LBB2_2:
0x31: {  	s13 =	smul.u32 $0xA0, s22;
	_ =	sdelay $0x1  }
0x32: {  	s9 =	sadd.s32 s13, s15  }
0x33: {  	s23 =	sshrl.u32 s9, $0x3  }
0x34: {  	s9 =	sadd.s32 s6, s23  }
0x35: {  	[tilespmem:s29], [sflag:$0x3] =	stream.linear.gather [hbm4b:s9+s4], $0x50, $0x38;
	[tilespmem:$0x1DA80] =	vst v63  }
0x36: {  	_ =	swait.ge [sflag:s24], $0x50  }
0x37: {  	[sflag:s24] =	ssyncset.done $0x0  }
0x38: {  	[sflag:s24] =	ssyncadd.s32 $0xFFFFFFB0  }
0x39: {  	[tilespmem:s30], [sflag:$0x2] =	stream.indirect.gather [hbm4b:s2+s26], $0x80, s29, s26, $0xb8;
	[tilespmem:$0x1DA80] =	vst v63  }
0x3a: {  	s20 =	sadd.s32 s8, s13;
	_ =	swait.ge [sflag:s31], $0x2800  }
0x3b: {  	s9 =	sshrl.u32 s20, $0x3;
	[sflag:s31] =	ssyncset.done $0x0  }
0x3c: {  	s21 =	simm.s32 $0x0;
	s10 =	sadd.s32 s5, s9;
	[sflag:s31] =	ssyncadd.s32 $0xFFFFD800  }
0x3d: {  	[tilespmem:s0], [sflag:$0x3] =	stream.linear.gather [hbm4b:s10+s4], $0x50, $0x38;
	[tilespmem:$0x1DA80] =	vst v63  }
0x3e: {  	v1 =	vmov s21;
	_ =	swait.ge [sflag:s24], $0x50  }
0x3f: {  	v1 =	vand.u32 $0xFFFFFFF8, v1;
	[sflag:s24] =	ssyncset.done $0x0  }
0x40: {  	v1 =	vbroadcast v1, $0x0;
	s9 =	sadd.s32 s1, s9;
	[sflag:s24] =	ssyncadd.s32 $0xFFFFFFB0  }
0x41: {  	[tilespmem:s12], [sflag:$0x3] =	stream.linear.gather [hbm4b:s9+s4], $0x50, $0x38;
	[tilespmem:$0x1DA80] =	vst v63  }
0x42: {  	_ =	swait.ge [sflag:s24], $0x50  }
0x43: {  	[sflag:s24] =	ssyncset.done $0x0  }
0x44: {  	s9 =	simm.s32 $0x16480;
	[sflag:s24] =	ssyncadd.s32 $0xFFFFFFB0  }
0x45: {  	v3 =	vld [tilespmem:s9+$0xFFFFFE70]  }
0x46: {  	v1 =	vld.idx.msk [tilespmem:v1+s12+$0x0], $0xffff  }
0x47: {  	v4 =	vld [tilespmem:s9+$0xFFFFFE00]  }
0x48: {  	v5 =	vld [tilespmem:s9+$0xFFFFFE20]  }
0x49: {  	v6 =	vld [tilespmem:s9+$0xFFFFFE30]  }
0x4a: {  	v2 =	vld [tilespmem:s9+$0xFFFFFE50]  }
0x4b: {  	v8 =	vld [tilespmem:s9+$0xFFFFFE10];
	v3 =	vmul.f32 v3, v1  }
0x4c: {  	s11 =	simm.s32 $0x1;
	v7 =	vld [tilespmem:s9+$0xFFFFFE60];
	v4 =	vmul.f32 v4, v1  }
0x4d: {  	v9 =	vld [tilespmem:s9+$0xFFFFFE40];
	v5 =	vmul.f32 v5, v1;
	[tilespmem:s9+$0xFFFFFE70] =	vst v3;
	v3 =	vmov s11  }
0x4e: {  	v6 =	vmul.f32 v6, v1;
	[tilespmem:s9+$0xFFFFFE00] =	vst v4;
	v3 =	vand.u32 $0xFFFFFFF9, v3  }
0x4f: {  	v2 =	vmul.f32 v2, v1;
	[tilespmem:s9+$0xFFFFFE20] =	vst v5;
	v3 =	vbroadcast v3, $0x0  }
0x50: {  	v4 =	vmul.f32 v8, v1;
	[tilespmem:s9+$0xFFFFFE30] =	vst v6  }
0x51: {  	v5 =	vmul.f32 v7, v1;
	[tilespmem:s9+$0xFFFFFE50] =	vst v2  }
0x52: {  	v1 =	vmul.f32 v9, v1;
	[tilespmem:s9+$0xFFFFFE10] =	vst v4  }
0x53: {  	[tilespmem:s9+$0xFFFFFE60] =	vst v5  }
0x54: {  	[tilespmem:s9+$0xFFFFFE40] =	vst v1  }
0x55: {  	v1 =	vld.idx.msk [tilespmem:v3+s12+$0x0], $0xffff  }
0x56: {  	v3 =	vld [tilespmem:s9+$0xFFFFFE90]  }
0x57: {  	v4 =	vld [tilespmem:s9+$0xFFFFFEC0]  }
0x58: {  	v5 =	vld [tilespmem:s9+$0xFFFFFE80]  }
0x59: {  	v6 =	vld [tilespmem:s9+$0xFFFFFED0]  }
0x5a: {  	v2 =	vld [tilespmem:s9+$0xFFFFFEF0]  }
0x5b: {  	v7 =	vld [tilespmem:s9+$0xFFFFFEE0];
	v3 =	vmul.f32 v3, v1  }
0x5c: {  	s19 =	simm.s32 $0x2;
	v8 =	vld [tilespmem:s9+$0xFFFFFEB0];
	v4 =	vmul.f32 v4, v1  }
0x5d: {  	v9 =	vld [tilespmem:s9+$0xFFFFFEA0];
	v5 =	vmul.f32 v5, v1;
	[tilespmem:s9+$0xFFFFFE90] =	vst v3;
	v3 =	vmov s19  }
0x5e: {  	v6 =	vmul.f32 v6, v1;
	[tilespmem:s9+$0xFFFFFEC0] =	vst v4;
	v3 =	vand.u32 $0xFFFFFFFA, v3  }
0x5f: {  	v2 =	vmul.f32 v2, v1;
	[tilespmem:s9+$0xFFFFFE80] =	vst v5;
	v3 =	vbroadcast v3, $0x0  }
0x60: {  	v4 =	vmul.f32 v7, v1;
	[tilespmem:s9+$0xFFFFFED0] =	vst v6  }
0x61: {  	v5 =	vmul.f32 v8, v1;
	[tilespmem:s9+$0xFFFFFEF0] =	vst v2  }
0x62: {  	v1 =	vmul.f32 v9, v1;
	[tilespmem:s9+$0xFFFFFEE0] =	vst v4  }
0x63: {  	[tilespmem:s9+$0xFFFFFEB0] =	vst v5  }
0x64: {  	v2 =	vld [tilespmem:s9+$0xFFFFFF00];
	[tilespmem:s9+$0xFFFFFEA0] =	vst v1  }
0x65: {  	v1 =	vld.idx.msk [tilespmem:v3+s12+$0x0], $0xffff  }
0x66: {  	v3 =	vld [tilespmem:s9+$0xFFFFFF60]  }
0x67: {  	v4 =	vld [tilespmem:s9+$0xFFFFFF10]  }
0x68: {  	v5 =	vld [tilespmem:s9+$0xFFFFFF50]  }
0x69: {  	v6 =	vld [tilespmem:s9+$0xFFFFFF70]  }
0x6a: {  	v7 =	vld [tilespmem:s9+$0xFFFFFF20];
	v2 =	vmul.f32 v2, v1  }
0x6b: {  	s20 =	simm.s32 $0x3;
	v8 =	vld [tilespmem:s9+$0xFFFFFF30];
	v3 =	vmul.f32 v3, v1  }
0x6c: {  	v9 =	vld [tilespmem:s9+$0xFFFFFF40];
	v4 =	vmul.f32 v4, v1;
	[tilespmem:s9+$0xFFFFFF00] =	vst v2;
	v2 =	vmov s20  }
0x6d: {  	v5 =	vmul.f32 v5, v1;
	[tilespmem:s9+$0xFFFFFF60] =	vst v3;
	v2 =	vand.u32 $0xFFFFFFFB, v2  }
0x6e: {  	v3 =	vmul.f32 v6, v1;
	[tilespmem:s9+$0xFFFFFF10] =	vst v4;
	v2 =	vbroadcast v2, $0x0  }
0x6f: {  	v4 =	vmul.f32 v7, v1;
	[tilespmem:s9+$0xFFFFFF50] =	vst v5  }
0x70: {  	v5 =	vmul.f32 v8, v1;
	[tilespmem:s9+$0xFFFFFF70] =	vst v3  }
0x71: {  	v1 =	vmul.f32 v9, v1;
	[tilespmem:s9+$0xFFFFFF20] =	vst v4  }
0x72: {  	[tilespmem:s9+$0xFFFFFF30] =	vst v5  }
0x73: {  	[tilespmem:s9+$0xFFFFFF40] =	vst v1  }
0x74: {  	v1 =	vld.idx.msk [tilespmem:v2+s12+$0x0], $0xffff  }
0x75: {  	v2 =	vld [tilespmem:s9+$0xFFFFFFB0]  }
0x76: {  	v4 =	vld [tilespmem:s9+$0xFFFFFFE0]  }
0x77: {  	v5 =	vld [tilespmem:s9+$0xFFFFFF80]  }
0x78: {  	v6 =	vld [tilespmem:s9+$0xFFFFFFD0]  }
0x79: {  	v3 =	vld [tilespmem:s9+$0xFFFFFFF0]  }
0x7a: {  	v8 =	vld [tilespmem:s9+$0xFFFFFFA0];
	v2 =	vmul.f32 v2, v1  }
0x7b: {  	s21 =	simm.s32 $0x4;
	v7 =	vld [tilespmem:s9+$0xFFFFFF90];
	v4 =	vmul.f32 v4, v1  }
0x7c: {  	v9 =	vld [tilespmem:s9+$0xFFFFFFC0];
	v5 =	vmul.f32 v5, v1;
	[tilespmem:s9+$0xFFFFFFB0] =	vst v2;
	v2 =	vmov s21  }
0x7d: {  	v6 =	vmul.f32 v6, v1;
	[tilespmem:s9+$0xFFFFFFE0] =	vst v4;
	v2 =	vand.u32 $0xFFFFFFFC, v2  }
0x7e: {  	v3 =	vmul.f32 v3, v1;
	[tilespmem:s9+$0xFFFFFF80] =	vst v5;
	v2 =	vbroadcast v2, $0x0  }
0x7f: {  	v10 =	vld [tilespmem:s9+$0x40];
	v4 =	vmul.f32 v8, v1;
	[tilespmem:s9+$0xFFFFFFD0] =	vst v6  }
0x80: {  	v5 =	vmul.f32 v7, v1;
	[tilespmem:s9+$0xFFFFFFF0] =	vst v3;
	v8 =	vld [tilespmem:s9+$0x0]  }
0x81: {  	v3 =	vmul.f32 v9, v1;
	v1 =	vld [tilespmem:s9+$0x70];
	[tilespmem:s9+$0xFFFFFFA0] =	vst v4  }
0x82: {  	v7 =	vld [tilespmem:s9+$0x20];
	[tilespmem:s9+$0xFFFFFF90] =	vst v5  }
0x83: {  	v6 =	vld [tilespmem:s9+$0x30];
	[tilespmem:s9+$0xFFFFFFC0] =	vst v3  }
0x84: {  	v2 =	vld.idx.msk [tilespmem:v2+s12+$0x0], $0xffff  }
0x85: {  	v3 =	vld [tilespmem:s9+$0x50]  }
0x86: {  	v4 =	vld [tilespmem:s9+$0x10]  }
0x87: {  	v5 =	vld [tilespmem:s9+$0x60];
	_ =	sdelay $0x1  }
0x88: {  	s10 =	simm.s32 $0x16480;
	s20 =	simm.s32 $0x7;
	s21 =	simm.s32 $0xF;
	v9 =	vmul.f32 v8, v2;
	v8 =	vmul.f32 v10, v2  }
.LBB2_3:
0x89: {  	p1 =	sne.s32 s21, $0x4F;
	v7 =	vmul.f32 v7, v2;
	v6 =	vmul.f32 v6, v2;
	s19 =	sadd.s32 $0xFFFFFFFE, s20;
	s9 =	sadd.s32 $0x400, s9  }
0x8a: {  	v3 =	vmul.f32 v3, v2;
	[tilespmem:s10+$0x0] =	vst v9;
	v4 =	vmul.f32 v4, v2;
	v9 =	vmov s19;
	s19 =	smov.u32 s21;
	s21 =	sadd.s32 $0x8, s21  }
0x8b: {  	v1 =	vmul.f32 v1, v2;
	[tilespmem:s10+$0x40] =	vst v8;
	v5 =	vmul.f32 v5, v2;
	v2 =	vand.u32 $0xFFFFFFFD, v9  }
0x8c: {  	[tilespmem:s10+$0x20] =	vst v7;
	v2 =	vbroadcast v2, $0x0  }
0x8d: {  	[tilespmem:s10+$0x50] =	vst v3  }
0x8e: {  	[tilespmem:s10+$0x70] =	vst v1;
	v1 =	vld [tilespmem:s10+$0xA0]  }
0x8f: {  	[tilespmem:s10+$0x30] =	vst v6;
	v3 =	vld [tilespmem:s10+$0x80]  }
0x90: {  	[tilespmem:s10+$0x60] =	vst v5;
	v5 =	vld [tilespmem:s10+$0xD0]  }
0x91: {  	[tilespmem:s10+$0x10] =	vst v4;
	v4 =	vld [tilespmem:s10+$0xF0]  }
0x92: {  	v2 =	vld.idx.msk [tilespmem:v2+s12+$0x0], $0xffff  }
0x93: {  	v6 =	vld [tilespmem:s10+$0xC0]  }
0x94: {  	v7 =	vld [tilespmem:s10+$0xB0]  }
0x95: {  	v8 =	vld [tilespmem:s10+$0x90]  }
0x96: {  	v9 =	vld [tilespmem:s10+$0xE0];
	_ =	sdelay $0x1  }
0x97: {  	v3 =	vmul.f32 v3, v2;
	v6 =	vmul.f32 v6, v2  }
0x98: {  	s11 =	sadd.s32 $0xFFFFFFFF, s20;
	v1 =	vmul.f32 v1, v2;
	v7 =	vmul.f32 v7, v2  }
0x99: {  	v5 =	vmul.f32 v5, v2;
	[tilespmem:s10+$0x80] =	vst v3;
	v3 =	vmul.f32 v8, v2;
	v8 =	vmov s11  }
0x9a: {  	[tilespmem:s10+$0xA0] =	vst v1;
	v1 =	vmul.f32 v9, v2;
	v2 =	vmul.f32 v4, v2;
	v4 =	vand.u32 $0xFFFFFFFE, v8  }
0x9b: {  	[tilespmem:s10+$0xD0] =	vst v5;
	v4 =	vbroadcast v4, $0x0  }
0x9c: {  	[tilespmem:s10+$0xC0] =	vst v6  }
0x9d: {  	[tilespmem:s10+$0xF0] =	vst v2;
	v2 =	vld [tilespmem:s10+$0x120]  }
0x9e: {  	[tilespmem:s10+$0xB0] =	vst v7;
	v5 =	vld [tilespmem:s10+$0x100]  }
0x9f: {  	[tilespmem:s10+$0x90] =	vst v3;
	v3 =	vld [tilespmem:s10+$0x140]  }
0xa0: {  	[tilespmem:s10+$0xE0] =	vst v1;
	v1 =	vld [tilespmem:s10+$0x130]  }
0xa1: {  	v4 =	vld.idx.msk [tilespmem:v4+s12+$0x0], $0xffff  }
0xa2: {  	v6 =	vld [tilespmem:s10+$0x110]  }
0xa3: {  	v7 =	vld [tilespmem:s10+$0x160]  }
0xa4: {  	v8 =	vld [tilespmem:s10+$0x150]  }
0xa5: {  	v9 =	vld [tilespmem:s10+$0x170];
	_ =	sdelay $0x1  }
0xa6: {  	v5 =	vmul.f32 v5, v4;
	v6 =	vmul.f32 v6, v4  }
0xa7: {  	v2 =	vmul.f32 v2, v4;
	v1 =	vmul.f32 v1, v4  }
0xa8: {  	v3 =	vmul.f32 v3, v4;
	[tilespmem:s10+$0x100] =	vst v5;
	v5 =	vmul.f32 v8, v4  }
0xa9: {  	[tilespmem:s10+$0x120] =	vst v2;
	v2 =	vmul.f32 v7, v4;
	v4 =	vmul.f32 v9, v4  }
0xaa: {  	[tilespmem:s10+$0x130] =	vst v1  }
0xab: {  	v1 =	vmov s20;
	s20 =	smov.u32 s19;
	[tilespmem:s10+$0x140] =	vst v3  }
0xac: {  	[tilespmem:s10+$0x160] =	vst v2;
	v2 =	vld [tilespmem:s10+$0x180]  }
0xad: {  	[tilespmem:s10+$0x110] =	vst v6;
	v3 =	vld [tilespmem:s10+$0x1A0]  }
0xae: {  	[tilespmem:s10+$0x150] =	vst v5;
	v5 =	vld [tilespmem:s10+$0x1F0]  }
0xaf: {  	[tilespmem:s10+$0x170] =	vst v4;
	v4 =	vld [tilespmem:s10+$0x1D0]  }
0xb0: {  	v1 =	vld.idx.msk [tilespmem:v1+s12+$0x0], $0xffff  }
0xb1: {  	v6 =	vld [tilespmem:s10+$0x190]  }
0xb2: {  	v7 =	vld [tilespmem:s10+$0x1B0]  }
0xb3: {  	v8 =	vld [tilespmem:s10+$0x1C0]  }
0xb4: {  	v9 =	vld [tilespmem:s10+$0x1E0];
	_ =	sdelay $0x1  }
0xb5: {  	v2 =	vmul.f32 v2, v1;
	v6 =	vmul.f32 v6, v1  }
0xb6: {  	s11 =	sadd.s32 $0xFFFFFFF9, s20;
	v3 =	vmul.f32 v3, v1;
	v7 =	vmul.f32 v7, v1  }
0xb7: {  	v10 =	vmov s11;
	v4 =	vmul.f32 v4, v1;
	[tilespmem:s10+$0x180] =	vst v2;
	v2 =	vmul.f32 v8, v1  }
0xb8: {  	v8 =	vand.u32 $0xFFFFFFF8, v10;
	[tilespmem:s10+$0x190] =	vst v6;
	v6 =	vmul.f32 v9, v1;
	v1 =	vmul.f32 v5, v1  }
0xb9: {  	v5 =	vbroadcast v8, $0x0;
	[tilespmem:s10+$0x1A0] =	vst v3  }
0xba: {  	[tilespmem:s10+$0x1F0] =	vst v1  }
0xbb: {  	v1 =	vld [tilespmem:s9+$0xFFFFFE50];
	[tilespmem:s10+$0x1D0] =	vst v4  }
0xbc: {  	v3 =	vld [tilespmem:s9+$0xFFFFFE30];
	[tilespmem:s10+$0x1B0] =	vst v7  }
0xbd: {  	v4 =	vld [tilespmem:s9+$0xFFFFFE60];
	[tilespmem:s10+$0x1E0] =	vst v6  }
0xbe: {  	v6 =	vld [tilespmem:s9+$0xFFFFFE70];
	[tilespmem:s10+$0x1C0] =	vst v2;
	s10 =	smov.u32 s9  }
0xbf: {  	v2 =	vld.idx.msk [tilespmem:v5+s12+$0x0], $0xffff  }
0xc0: {  	v5 =	vld [tilespmem:s9+$0xFFFFFE00]  }
0xc1: {  	v7 =	vld [tilespmem:s9+$0xFFFFFE20]  }
0xc2: {  	v8 =	vld [tilespmem:s9+$0xFFFFFE10]  }
0xc3: {  	v9 =	vld [tilespmem:s9+$0xFFFFFE40];
	_ =	sdelay $0x1  }
0xc4: {  	v6 =	vmul.f32 v6, v2;
	v5 =	vmul.f32 v5, v2  }
0xc5: {  	s11 =	sadd.s32 $0xFFFFFFFA, s20;
	v4 =	vmul.f32 v4, v2;
	v7 =	vmul.f32 v7, v2  }
0xc6: {  	v3 =	vmul.f32 v3, v2;
	v8 =	vmul.f32 v8, v2;
	[tilespmem:s9+$0xFFFFFE70] =	vst v6;
	v6 =	vmov s11  }
0xc7: {  	v1 =	vmul.f32 v1, v2;
	[tilespmem:s9+$0xFFFFFE00] =	vst v5;
	v5 =	vmul.f32 v9, v2;
	v2 =	vand.u32 $0xFFFFFFF9, v6  }
0xc8: {  	[tilespmem:s9+$0xFFFFFE20] =	vst v7;
	v2 =	vbroadcast v2, $0x0  }
0xc9: {  	[tilespmem:s9+$0xFFFFFE30] =	vst v3  }
0xca: {  	[tilespmem:s9+$0xFFFFFE50] =	vst v1;
	v1 =	vld [tilespmem:s9+$0xFFFFFEF0]  }
0xcb: {  	[tilespmem:s9+$0xFFFFFE10] =	vst v8;
	v3 =	vld [tilespmem:s9+$0xFFFFFED0]  }
0xcc: {  	[tilespmem:s9+$0xFFFFFE60] =	vst v4;
	v4 =	vld [tilespmem:s9+$0xFFFFFEB0]  }
0xcd: {  	[tilespmem:s9+$0xFFFFFE40] =	vst v5;
	v5 =	vld [tilespmem:s9+$0xFFFFFEC0]  }
0xce: {  	v2 =	vld.idx.msk [tilespmem:v2+s12+$0x0], $0xffff  }
0xcf: {  	v6 =	vld [tilespmem:s9+$0xFFFFFE90]  }
0xd0: {  	v7 =	vld [tilespmem:s9+$0xFFFFFE80]  }
0xd1: {  	v8 =	vld [tilespmem:s9+$0xFFFFFEA0]  }
0xd2: {  	v9 =	vld [tilespmem:s9+$0xFFFFFEE0];
	_ =	sdelay $0x1  }
0xd3: {  	v5 =	vmul.f32 v5, v2;
	v6 =	vmul.f32 v6, v2  }
0xd4: {  	s11 =	sadd.s32 $0xFFFFFFFB, s20;
	v4 =	vmul.f32 v4, v2;
	v7 =	vmul.f32 v7, v2  }
0xd5: {  	v3 =	vmul.f32 v3, v2;
	[tilespmem:s9+$0xFFFFFE90] =	vst v6;
	v6 =	vmul.f32 v8, v2;
	v8 =	vmov s11  }
0xd6: {  	v1 =	vmul.f32 v1, v2;
	[tilespmem:s9+$0xFFFFFEC0] =	vst v5;
	v5 =	vmul.f32 v9, v2;
	v2 =	vand.u32 $0xFFFFFFFA, v8  }
0xd7: {  	[tilespmem:s9+$0xFFFFFE80] =	vst v7;
	v2 =	vbroadcast v2, $0x0  }
0xd8: {  	[tilespmem:s9+$0xFFFFFED0] =	vst v3  }
0xd9: {  	[tilespmem:s9+$0xFFFFFEE0] =	vst v5;
	v3 =	vld [tilespmem:s9+$0xFFFFFF70]  }
0xda: {  	[tilespmem:s9+$0xFFFFFEB0] =	vst v4;
	v4 =	vld [tilespmem:s9+$0xFFFFFF50]  }
0xdb: {  	[tilespmem:s9+$0xFFFFFEF0] =	vst v1;
	v1 =	vld [tilespmem:s9+$0xFFFFFF20]  }
0xdc: {  	[tilespmem:s9+$0xFFFFFEA0] =	vst v6;
	v5 =	vld [tilespmem:s9+$0xFFFFFF60]  }
0xdd: {  	v2 =	vld.idx.msk [tilespmem:v2+s12+$0x0], $0xffff  }
0xde: {  	v6 =	vld [tilespmem:s9+$0xFFFFFF00]  }
0xdf: {  	v7 =	vld [tilespmem:s9+$0xFFFFFF10]  }
0xe0: {  	v8 =	vld [tilespmem:s9+$0xFFFFFF40]  }
0xe1: {  	v9 =	vld [tilespmem:s9+$0xFFFFFF30];
	_ =	sdelay $0x1  }
0xe2: {  	v5 =	vmul.f32 v5, v2;
	v6 =	vmul.f32 v6, v2  }
0xe3: {  	s11 =	sadd.s32 $0xFFFFFFFC, s20;
	v1 =	vmul.f32 v1, v2;
	v7 =	vmul.f32 v7, v2  }
0xe4: {  	v4 =	vmul.f32 v4, v2;
	[tilespmem:s9+$0xFFFFFF00] =	vst v6;
	v6 =	vmul.f32 v8, v2;
	v8 =	vmov s11  }
0xe5: {  	v9 =	vmul.f32 v9, v2;
	[tilespmem:s9+$0xFFFFFF60] =	vst v5;
	v2 =	vmul.f32 v3, v2;
	v3 =	vand.u32 $0xFFFFFFFB, v8  }
0xe6: {  	[tilespmem:s9+$0xFFFFFF10] =	vst v7;
	v3 =	vbroadcast v3, $0x0  }
0xe7: {  	[tilespmem:s9+$0xFFFFFF50] =	vst v4  }
0xe8: {  	[tilespmem:s9+$0xFFFFFF70] =	vst v2;
	v2 =	vld [tilespmem:s9+$0xFFFFFFF0]  }
0xe9: {  	[tilespmem:s9+$0xFFFFFF20] =	vst v1;
	v1 =	vld [tilespmem:s9+$0xFFFFFFD0]  }
0xea: {  	[tilespmem:s9+$0xFFFFFF30] =	vst v9;
	v4 =	vld [tilespmem:s9+$0xFFFFFF90]  }
0xeb: {  	[tilespmem:s9+$0xFFFFFF40] =	vst v6;
	v5 =	vld [tilespmem:s9+$0xFFFFFFE0]  }
0xec: {  	v3 =	vld.idx.msk [tilespmem:v3+s12+$0x0], $0xffff  }
0xed: {  	v6 =	vld [tilespmem:s9+$0xFFFFFFB0]  }
0xee: {  	v7 =	vld [tilespmem:s9+$0xFFFFFF80]  }
0xef: {  	v8 =	vld [tilespmem:s9+$0xFFFFFFC0]  }
0xf0: {  	v9 =	vld [tilespmem:s9+$0xFFFFFFA0];
	_ =	sdelay $0x1  }
0xf1: {  	v5 =	vmul.f32 v5, v3;
	v6 =	vmul.f32 v6, v3  }
0xf2: {  	s11 =	sadd.s32 $0xFFFFFFFD, s20;
	v4 =	vmul.f32 v4, v3;
	v7 =	vmul.f32 v7, v3  }
0xf3: {  	v1 =	vmul.f32 v1, v3;
	[tilespmem:s9+$0xFFFFFFB0] =	vst v6;
	v6 =	vmul.f32 v8, v3;
	v8 =	vmov s11  }
0xf4: {  	v2 =	vmul.f32 v2, v3;
	v9 =	vmul.f32 v9, v3;
	[tilespmem:s9+$0xFFFFFFE0] =	vst v5;
	v3 =	vand.u32 $0xFFFFFFFC, v8  }
0xf5: {  	[tilespmem:s9+$0xFFFFFF80] =	vst v7;
	v5 =	vbroadcast v3, $0x0  }
0xf6: {  	[tilespmem:s9+$0xFFFFFFD0] =	vst v1  }
0xf7: {  	[tilespmem:s9+$0xFFFFFFF0] =	vst v2;
	v8 =	vld [tilespmem:s9+$0x0]  }
0xf8: {  	[tilespmem:s9+$0xFFFFFFA0] =	vst v9;
	v1 =	vld [tilespmem:s9+$0x70]  }
0xf9: {  	[tilespmem:s9+$0xFFFFFF90] =	vst v4;
	v3 =	vld [tilespmem:s9+$0x50]  }
0xfa: {  	[tilespmem:s9+$0xFFFFFFC0] =	vst v6;
	v7 =	vld [tilespmem:s9+$0x20]  }
0xfb: {  	v2 =	vld.idx.msk [tilespmem:v5+s12+$0x0], $0xffff  }
0xfc: {  	v10 =	vld [tilespmem:s9+$0x40]  }
.Ltmp0:
0xfd: {  	v6 =	vld [tilespmem:s9+$0x30];
	(pc) =	sbr.rel @p1 .LBB2_3-.Ltmp0, $3  }
0xfe: {  	v4 =	vld [tilespmem:s9+$0x10]  }
0xff: {  	v5 =	vld [tilespmem:s9+$0x60];
	_ =	sdelay $0x1  }
0x100: {  	v9 =	vmul.f32 v8, v2;
	v8 =	vmul.f32 v10, v2  }
0x101: {  	s9 =	sadd.s32 $0xFFFFFFFE, s20  }
0x102: {  	v7 =	vmul.f32 v7, v2;
	[tilespmem:s10+$0x0] =	vst v9;
	v9 =	vmov s9  }
0x103: {  	v3 =	vmul.f32 v3, v2;
	[tilespmem:s10+$0x40] =	vst v8;
	v8 =	vand.u32 $0xFFFFFFFD, v9  }
0x104: {  	v1 =	vmul.f32 v1, v2;
	[tilespmem:s10+$0x20] =	vst v7;
	v7 =	vbroadcast v8, $0x0  }
0x105: {  	v6 =	vmul.f32 v6, v2;
	[tilespmem:s10+$0x50] =	vst v3  }
0x106: {  	v3 =	vmul.f32 v5, v2;
	[tilespmem:s10+$0x70] =	vst v1  }
0x107: {  	v1 =	vmul.f32 v4, v2;
	[tilespmem:s10+$0x30] =	vst v6  }
0x108: {  	[tilespmem:s10+$0x60] =	vst v3  }
0x109: {  	v2 =	vld [tilespmem:s10+$0x80];
	[tilespmem:s10+$0x10] =	vst v1  }
0x10a: {  	v1 =	vld.idx.msk [tilespmem:v7+s12+$0x0], $0xffff  }
0x10b: {  	v3 =	vld [tilespmem:s10+$0xA0]  }
0x10c: {  	v5 =	vld [tilespmem:s10+$0xC0]  }
0x10d: {  	v4 =	vld [tilespmem:s10+$0xD0];
	_ =	sdelay $0x1  }
0x10e: {  	v8 =	vld [tilespmem:s10+$0x90];
	v2 =	vmul.f32 v2, v1  }
0x10f: {  	v6 =	vld [tilespmem:s10+$0xF0];
	v3 =	vmul.f32 v3, v1  }
0x110: {  	s19 =	sadd.s32 $0xFFFFFFFF, s20;
	v7 =	vld [tilespmem:s10+$0xB0];
	v5 =	vmul.f32 v5, v1;
	[tilespmem:s10+$0x80] =	vst v2  }
0x111: {  	v9 =	vld [tilespmem:s10+$0xE0];
	v2 =	vmul.f32 v4, v1;
	v4 =	vmov s19;
	[tilespmem:s10+$0xA0] =	vst v3  }
0x112: {  	[tilespmem:s10+$0xC0] =	vst v5;
	v3 =	vand.u32 $0xFFFFFFFE, v4  }
0x113: {  	v5 =	vmul.f32 v8, v1;
	[tilespmem:s10+$0xD0] =	vst v2;
	v2 =	vbroadcast v3, $0x0  }
0x114: {  	v4 =	vmul.f32 v6, v1  }
0x115: {  	v3 =	vmul.f32 v7, v1;
	[tilespmem:s10+$0x90] =	vst v5  }
0x116: {  	v1 =	vmul.f32 v9, v1;
	[tilespmem:s10+$0xF0] =	vst v4  }
0x117: {  	[tilespmem:s10+$0xB0] =	vst v3  }
0x118: {  	v3 =	vld [tilespmem:s10+$0x100];
	[tilespmem:s10+$0xE0] =	vst v1  }
0x119: {  	v1 =	vld.idx.msk [tilespmem:v2+s12+$0x0], $0xffff  }
0x11a: {  	v2 =	vld [tilespmem:s10+$0x120]  }
0x11b: {  	v4 =	vld [tilespmem:s10+$0x130]  }
0x11c: {  	v5 =	vld [tilespmem:s10+$0x140]  }
0x11d: {  	v6 =	vld [tilespmem:s10+$0x160]  }
0x11e: {  	v7 =	vld [tilespmem:s10+$0x110];
	v3 =	vmul.f32 v3, v1  }
0x11f: {  	v8 =	vld [tilespmem:s10+$0x150];
	v2 =	vmul.f32 v2, v1  }
0x120: {  	v9 =	vld [tilespmem:s10+$0x170];
	v4 =	vmul.f32 v4, v1;
	[tilespmem:s10+$0x100] =	vst v3  }
0x121: {  	v3 =	vmul.f32 v5, v1;
	[tilespmem:s10+$0x120] =	vst v2  }
0x122: {  	v2 =	vmul.f32 v6, v1;
	[tilespmem:s10+$0x130] =	vst v4  }
0x123: {  	v4 =	vmul.f32 v7, v1;
	[tilespmem:s10+$0x140] =	vst v3;
	v3 =	vmov s20  }
0x124: {  	v5 =	vmul.f32 v8, v1;
	[tilespmem:s10+$0x160] =	vst v2  }
0x125: {  	v1 =	vmul.f32 v9, v1;
	[tilespmem:s10+$0x110] =	vst v4  }
0x126: {  	[tilespmem:s10+$0x150] =	vst v5  }
0x127: {  	v2 =	vld [tilespmem:s10+$0x180];
	[tilespmem:s10+$0x170] =	vst v1  }
0x128: {  	v1 =	vld.idx.msk [tilespmem:v3+s12+$0x0], $0xffff  }
0x129: {  	v3 =	vld [tilespmem:s10+$0x190]  }
0x12a: {  	v4 =	vld [tilespmem:s10+$0x1A0]  }
0x12b: {  	v5 =	vld [tilespmem:s10+$0x1F0]  }
0x12c: {  	v6 =	vld [tilespmem:s10+$0x1D0]  }
0x12d: {  	v7 =	vld [tilespmem:s10+$0x1B0];
	v2 =	vmul.f32 v2, v1  }
0x12e: {  	v8 =	vld [tilespmem:s10+$0x1E0];
	v3 =	vmul.f32 v3, v1  }
0x12f: {  	v9 =	vld [tilespmem:s10+$0x1C0];
	v4 =	vmul.f32 v4, v1;
	[tilespmem:s10+$0x180] =	vst v2  }
0x130: {  	[tilespmem:s10+$0x190] =	vst v3;
	v2 =	vmul.f32 v5, v1  }
0x131: {  	v3 =	vmul.f32 v6, v1;
	[tilespmem:s10+$0x1A0] =	vst v4  }
0x132: {  	v4 =	vmul.f32 v7, v1;
	[tilespmem:s10+$0x1F0] =	vst v2  }
0x133: {  	v2 =	vmul.f32 v8, v1;
	[tilespmem:s10+$0x1D0] =	vst v3  }
0x134: {  	v1 =	vmul.f32 v9, v1;
	[tilespmem:s10+$0x1B0] =	vst v4  }
0x135: {  	[tilespmem:s10+$0x1E0] =	vst v2  }
0x136: {  	[tilespmem:s10+$0x1C0] =	vst v1  }
0x137: {  	[spmem:s3] =	stream.indirect.scatter.add.f32 [tilespmem:s28], [sflag:$0x3], $0x80, s0, s26, $0xb8;
	[tilespmem:$0x1DA80] =	vst v63  }
0x138: {  	s21 =	sadd.s32 s13, s16;
	_ =	swait.ge [sflag:s24], $0x2800  }
0x139: {  	s9 =	sshrl.u32 s21, $0x3;
	[sflag:s24] =	ssyncset.done $0x0  }
0x13a: {  	s9 =	sadd.s32 s6, s9;
	[sflag:s24] =	ssyncadd.s32 $0xFFFFD800  }
0x13b: {  	[tilespmem:s25], [sflag:$0x3] =	stream.linear.gather [hbm4b:s9+s4], $0x50, $0x38;
	[tilespmem:$0x1DA80] =	vst v63  }
0x13c: {  	_ =	swait.ge [sflag:s24], $0x50  }
0x13d: {  	[sflag:s24] =	ssyncset.done $0x0  }
0x13e: {  	[sflag:s24] =	ssyncadd.s32 $0xFFFFFFB0  }
0x13f: {  	[tilespmem:s28], [sflag:$0x1] =	stream.indirect.gather [hbm4b:s2+s26], $0x80, s25, s26, $0xb8;
	[tilespmem:$0x1DA80] =	vst v63  }
0x140: {  	_ =	swait.ge [sflag:s14], $0x2800  }
0x141: {  	[sflag:s14] =	ssyncset.done $0x0  }
0x142: {  	s11 =	simm.s32 $0x0;
	s10 =	sadd.s32 s5, s23;
	[sflag:s14] =	ssyncadd.s32 $0xFFFFD800  }
0x143: {  	[tilespmem:s0], [sflag:$0x3] =	stream.linear.gather [hbm4b:s10+s4], $0x50, $0x38;
	[tilespmem:$0x1DA80] =	vst v63  }
0x144: {  	v1 =	vmov s11;
	_ =	swait.ge [sflag:s24], $0x50  }
0x145: {  	v1 =	vand.u32 $0xFFFFFFF8, v1;
	[sflag:s24] =	ssyncset.done $0x0  }
0x146: {  	s13 =	sadd.s32 s1, s23;
	v1 =	vbroadcast v1, $0x0;
	[sflag:s24] =	ssyncadd.s32 $0xFFFFFFB0  }
0x147: {  	[tilespmem:s12], [sflag:$0x3] =	stream.linear.gather [hbm4b:s13+s4], $0x50, $0x38;
	[tilespmem:$0x1DA80] =	vst v63  }
0x148: {  	_ =	swait.ge [sflag:s24], $0x50  }
0x149: {  	[sflag:s24] =	ssyncset.done $0x0  }
0x14a: {  	s9 =	simm.s32 $0x18C80;
	[sflag:s24] =	ssyncadd.s32 $0xFFFFFFB0  }
0x14b: {  	v3 =	vld [tilespmem:s9+$0xFFFFFE70]  }
0x14c: {  	v1 =	vld.idx.msk [tilespmem:v1+s12+$0x0], $0xffff  }
0x14d: {  	v4 =	vld [tilespmem:s9+$0xFFFFFE00]  }
0x14e: {  	v5 =	vld [tilespmem:s9+$0xFFFFFE20]  }
0x14f: {  	v6 =	vld [tilespmem:s9+$0xFFFFFE30]  }
0x150: {  	v2 =	vld [tilespmem:s9+$0xFFFFFE50]  }
0x151: {  	v8 =	vld [tilespmem:s9+$0xFFFFFE10];
	v3 =	vmul.f32 v3, v1  }
0x152: {  	s19 =	simm.s32 $0x1;
	v7 =	vld [tilespmem:s9+$0xFFFFFE60];
	v4 =	vmul.f32 v4, v1  }
0x153: {  	v9 =	vld [tilespmem:s9+$0xFFFFFE40];
	v5 =	vmul.f32 v5, v1;
	[tilespmem:s9+$0xFFFFFE70] =	vst v3;
	v3 =	vmov s19  }
0x154: {  	v6 =	vmul.f32 v6, v1;
	[tilespmem:s9+$0xFFFFFE00] =	vst v4;
	v3 =	vand.u32 $0xFFFFFFF9, v3  }
0x155: {  	v2 =	vmul.f32 v2, v1;
	[tilespmem:s9+$0xFFFFFE20] =	vst v5;
	v3 =	vbroadcast v3, $0x0  }
0x156: {  	v4 =	vmul.f32 v8, v1;
	[tilespmem:s9+$0xFFFFFE30] =	vst v6  }
0x157: {  	v5 =	vmul.f32 v7, v1;
	[tilespmem:s9+$0xFFFFFE50] =	vst v2  }
0x158: {  	v1 =	vmul.f32 v9, v1;
	[tilespmem:s9+$0xFFFFFE10] =	vst v4  }
0x159: {  	[tilespmem:s9+$0xFFFFFE60] =	vst v5  }
0x15a: {  	[tilespmem:s9+$0xFFFFFE40] =	vst v1  }
0x15b: {  	v1 =	vld.idx.msk [tilespmem:v3+s12+$0x0], $0xffff  }
0x15c: {  	v3 =	vld [tilespmem:s9+$0xFFFFFE90]  }
0x15d: {  	v4 =	vld [tilespmem:s9+$0xFFFFFEC0]  }
0x15e: {  	v5 =	vld [tilespmem:s9+$0xFFFFFE80]  }
0x15f: {  	v6 =	vld [tilespmem:s9+$0xFFFFFED0]  }
0x160: {  	v2 =	vld [tilespmem:s9+$0xFFFFFEF0]  }
0x161: {  	v7 =	vld [tilespmem:s9+$0xFFFFFEE0];
	v3 =	vmul.f32 v3, v1  }
0x162: {  	s20 =	simm.s32 $0x2;
	v8 =	vld [tilespmem:s9+$0xFFFFFEB0];
	v4 =	vmul.f32 v4, v1  }
0x163: {  	v9 =	vld [tilespmem:s9+$0xFFFFFEA0];
	v5 =	vmul.f32 v5, v1;
	[tilespmem:s9+$0xFFFFFE90] =	vst v3;
	v3 =	vmov s20  }
0x164: {  	v6 =	vmul.f32 v6, v1;
	[tilespmem:s9+$0xFFFFFEC0] =	vst v4;
	v3 =	vand.u32 $0xFFFFFFFA, v3  }
0x165: {  	v2 =	vmul.f32 v2, v1;
	[tilespmem:s9+$0xFFFFFE80] =	vst v5;
	v3 =	vbroadcast v3, $0x0  }
0x166: {  	v4 =	vmul.f32 v7, v1;
	[tilespmem:s9+$0xFFFFFED0] =	vst v6  }
0x167: {  	v5 =	vmul.f32 v8, v1;
	[tilespmem:s9+$0xFFFFFEF0] =	vst v2  }
0x168: {  	v1 =	vmul.f32 v9, v1;
	[tilespmem:s9+$0xFFFFFEE0] =	vst v4  }
0x169: {  	[tilespmem:s9+$0xFFFFFEB0] =	vst v5  }
0x16a: {  	v2 =	vld [tilespmem:s9+$0xFFFFFF00];
	[tilespmem:s9+$0xFFFFFEA0] =	vst v1  }
0x16b: {  	v1 =	vld.idx.msk [tilespmem:v3+s12+$0x0], $0xffff  }
0x16c: {  	v3 =	vld [tilespmem:s9+$0xFFFFFF60]  }
0x16d: {  	v4 =	vld [tilespmem:s9+$0xFFFFFF10]  }
0x16e: {  	v5 =	vld [tilespmem:s9+$0xFFFFFF50]  }
0x16f: {  	v6 =	vld [tilespmem:s9+$0xFFFFFF70]  }
0x170: {  	v7 =	vld [tilespmem:s9+$0xFFFFFF20];
	v2 =	vmul.f32 v2, v1  }
0x171: {  	s21 =	simm.s32 $0x3;
	v8 =	vld [tilespmem:s9+$0xFFFFFF30];
	v3 =	vmul.f32 v3, v1  }
0x172: {  	v9 =	vld [tilespmem:s9+$0xFFFFFF40];
	v4 =	vmul.f32 v4, v1;
	[tilespmem:s9+$0xFFFFFF00] =	vst v2;
	v2 =	vmov s21  }
0x173: {  	v5 =	vmul.f32 v5, v1;
	[tilespmem:s9+$0xFFFFFF60] =	vst v3;
	v2 =	vand.u32 $0xFFFFFFFB, v2  }
0x174: {  	v3 =	vmul.f32 v6, v1;
	[tilespmem:s9+$0xFFFFFF10] =	vst v4;
	v2 =	vbroadcast v2, $0x0  }
0x175: {  	v4 =	vmul.f32 v7, v1;
	[tilespmem:s9+$0xFFFFFF50] =	vst v5  }
0x176: {  	v5 =	vmul.f32 v8, v1;
	[tilespmem:s9+$0xFFFFFF70] =	vst v3  }
0x177: {  	v1 =	vmul.f32 v9, v1;
	[tilespmem:s9+$0xFFFFFF20] =	vst v4  }
0x178: {  	[tilespmem:s9+$0xFFFFFF30] =	vst v5  }
0x179: {  	[tilespmem:s9+$0xFFFFFF40] =	vst v1  }
0x17a: {  	v1 =	vld.idx.msk [tilespmem:v2+s12+$0x0], $0xffff  }
0x17b: {  	v2 =	vld [tilespmem:s9+$0xFFFFFFB0]  }
0x17c: {  	v4 =	vld [tilespmem:s9+$0xFFFFFFE0]  }
0x17d: {  	v5 =	vld [tilespmem:s9+$0xFFFFFF80]  }
0x17e: {  	v6 =	vld [tilespmem:s9+$0xFFFFFFD0]  }
0x17f: {  	v3 =	vld [tilespmem:s9+$0xFFFFFFF0]  }
0x180: {  	v8 =	vld [tilespmem:s9+$0xFFFFFFA0];
	v2 =	vmul.f32 v2, v1  }
0x181: {  	s23 =	simm.s32 $0x4;
	v7 =	vld [tilespmem:s9+$0xFFFFFF90];
	v4 =	vmul.f32 v4, v1  }
0x182: {  	v9 =	vld [tilespmem:s9+$0xFFFFFFC0];
	v5 =	vmul.f32 v5, v1;
	[tilespmem:s9+$0xFFFFFFB0] =	vst v2;
	v2 =	vmov s23  }
0x183: {  	v6 =	vmul.f32 v6, v1;
	[tilespmem:s9+$0xFFFFFFE0] =	vst v4;
	v2 =	vand.u32 $0xFFFFFFFC, v2  }
0x184: {  	v3 =	vmul.f32 v3, v1;
	[tilespmem:s9+$0xFFFFFF80] =	vst v5;
	v2 =	vbroadcast v2, $0x0  }
0x185: {  	v10 =	vld [tilespmem:s9+$0x40];
	v4 =	vmul.f32 v8, v1;
	[tilespmem:s9+$0xFFFFFFD0] =	vst v6  }
0x186: {  	v5 =	vmul.f32 v7, v1;
	[tilespmem:s9+$0xFFFFFFF0] =	vst v3;
	v8 =	vld [tilespmem:s9+$0x0]  }
0x187: {  	v3 =	vmul.f32 v9, v1;
	v1 =	vld [tilespmem:s9+$0x70];
	[tilespmem:s9+$0xFFFFFFA0] =	vst v4  }
0x188: {  	v7 =	vld [tilespmem:s9+$0x20];
	[tilespmem:s9+$0xFFFFFF90] =	vst v5  }
0x189: {  	v6 =	vld [tilespmem:s9+$0x30];
	[tilespmem:s9+$0xFFFFFFC0] =	vst v3  }
0x18a: {  	v2 =	vld.idx.msk [tilespmem:v2+s12+$0x0], $0xffff  }
0x18b: {  	v3 =	vld [tilespmem:s9+$0x50]  }
0x18c: {  	v4 =	vld [tilespmem:s9+$0x10]  }
0x18d: {  	v5 =	vld [tilespmem:s9+$0x60];
	_ =	sdelay $0x1  }
0x18e: {  	s10 =	simm.s32 $0x18C80;
	s13 =	simm.s32 $0x7;
	s20 =	simm.s32 $0xF;
	v9 =	vmul.f32 v8, v2;
	v8 =	vmul.f32 v10, v2  }
.LBB2_5:
0x18f: {  	p1 =	sne.s32 s20, $0x4F;
	v7 =	vmul.f32 v7, v2;
	v6 =	vmul.f32 v6, v2;
	s11 =	sadd.s32 $0xFFFFFFFE, s13;
	s9 =	sadd.s32 $0x400, s9  }
0x190: {  	v3 =	vmul.f32 v3, v2;
	s19 =	smov.u32 s20;
	s20 =	sadd.s32 $0x8, s20;
	[tilespmem:s10+$0x0] =	vst v9;
	v4 =	vmul.f32 v4, v2;
	v9 =	vmov s11  }
0x191: {  	v1 =	vmul.f32 v1, v2;
	[tilespmem:s10+$0x40] =	vst v8;
	v5 =	vmul.f32 v5, v2;
	v2 =	vand.u32 $0xFFFFFFFD, v9  }
0x192: {  	[tilespmem:s10+$0x20] =	vst v7;
	v2 =	vbroadcast v2, $0x0  }
0x193: {  	[tilespmem:s10+$0x50] =	vst v3  }
0x194: {  	[tilespmem:s10+$0x70] =	vst v1;
	v1 =	vld [tilespmem:s10+$0xA0]  }
0x195: {  	[tilespmem:s10+$0x30] =	vst v6;
	v3 =	vld [tilespmem:s10+$0x80]  }
0x196: {  	[tilespmem:s10+$0x60] =	vst v5;
	v5 =	vld [tilespmem:s10+$0xD0]  }
0x197: {  	[tilespmem:s10+$0x10] =	vst v4;
	v4 =	vld [tilespmem:s10+$0xF0]  }
0x198: {  	v2 =	vld.idx.msk [tilespmem:v2+s12+$0x0], $0xffff  }
0x199: {  	v6 =	vld [tilespmem:s10+$0xC0]  }
0x19a: {  	v7 =	vld [tilespmem:s10+$0xB0]  }
0x19b: {  	v8 =	vld [tilespmem:s10+$0x90]  }
0x19c: {  	v9 =	vld [tilespmem:s10+$0xE0];
	_ =	sdelay $0x1  }
0x19d: {  	v3 =	vmul.f32 v3, v2;
	v6 =	vmul.f32 v6, v2  }
0x19e: {  	s11 =	sadd.s32 $0xFFFFFFFF, s13;
	v1 =	vmul.f32 v1, v2;
	v7 =	vmul.f32 v7, v2  }
0x19f: {  	v5 =	vmul.f32 v5, v2;
	[tilespmem:s10+$0x80] =	vst v3;
	v3 =	vmul.f32 v8, v2;
	v8 =	vmov s11  }
0x1a0: {  	[tilespmem:s10+$0xA0] =	vst v1;
	v1 =	vmul.f32 v9, v2;
	v2 =	vmul.f32 v4, v2;
	v4 =	vand.u32 $0xFFFFFFFE, v8  }
0x1a1: {  	[tilespmem:s10+$0xD0] =	vst v5;
	v4 =	vbroadcast v4, $0x0  }
0x1a2: {  	[tilespmem:s10+$0xC0] =	vst v6  }
0x1a3: {  	[tilespmem:s10+$0xF0] =	vst v2;
	v2 =	vld [tilespmem:s10+$0x120]  }
0x1a4: {  	[tilespmem:s10+$0xB0] =	vst v7;
	v5 =	vld [tilespmem:s10+$0x100]  }
0x1a5: {  	[tilespmem:s10+$0x90] =	vst v3;
	v3 =	vld [tilespmem:s10+$0x140]  }
0x1a6: {  	[tilespmem:s10+$0xE0] =	vst v1;
	v1 =	vld [tilespmem:s10+$0x130]  }
0x1a7: {  	v4 =	vld.idx.msk [tilespmem:v4+s12+$0x0], $0xffff  }
0x1a8: {  	v6 =	vld [tilespmem:s10+$0x110]  }
0x1a9: {  	v7 =	vld [tilespmem:s10+$0x160]  }
0x1aa: {  	v8 =	vld [tilespmem:s10+$0x150]  }
0x1ab: {  	v9 =	vld [tilespmem:s10+$0x170];
	_ =	sdelay $0x1  }
0x1ac: {  	v5 =	vmul.f32 v5, v4;
	v6 =	vmul.f32 v6, v4  }
0x1ad: {  	v2 =	vmul.f32 v2, v4;
	v1 =	vmul.f32 v1, v4  }
0x1ae: {  	v3 =	vmul.f32 v3, v4;
	[tilespmem:s10+$0x100] =	vst v5;
	v5 =	vmul.f32 v8, v4  }
0x1af: {  	[tilespmem:s10+$0x120] =	vst v2;
	v2 =	vmul.f32 v7, v4;
	v4 =	vmul.f32 v9, v4  }
0x1b0: {  	[tilespmem:s10+$0x130] =	vst v1  }
0x1b1: {  	v1 =	vmov s13;
	s13 =	smov.u32 s19;
	[tilespmem:s10+$0x140] =	vst v3  }
0x1b2: {  	[tilespmem:s10+$0x160] =	vst v2;
	v2 =	vld [tilespmem:s10+$0x180]  }
0x1b3: {  	[tilespmem:s10+$0x110] =	vst v6;
	v3 =	vld [tilespmem:s10+$0x1A0]  }
0x1b4: {  	[tilespmem:s10+$0x150] =	vst v5;
	v5 =	vld [tilespmem:s10+$0x1F0]  }
0x1b5: {  	[tilespmem:s10+$0x170] =	vst v4;
	v4 =	vld [tilespmem:s10+$0x1D0]  }
0x1b6: {  	v1 =	vld.idx.msk [tilespmem:v1+s12+$0x0], $0xffff  }
0x1b7: {  	v6 =	vld [tilespmem:s10+$0x190]  }
0x1b8: {  	v7 =	vld [tilespmem:s10+$0x1B0]  }
0x1b9: {  	v8 =	vld [tilespmem:s10+$0x1C0]  }
0x1ba: {  	v9 =	vld [tilespmem:s10+$0x1E0];
	_ =	sdelay $0x1  }
0x1bb: {  	v2 =	vmul.f32 v2, v1;
	v6 =	vmul.f32 v6, v1  }
0x1bc: {  	s11 =	sadd.s32 $0xFFFFFFF9, s13;
	v3 =	vmul.f32 v3, v1;
	v7 =	vmul.f32 v7, v1  }
0x1bd: {  	v10 =	vmov s11;
	v4 =	vmul.f32 v4, v1;
	[tilespmem:s10+$0x180] =	vst v2;
	v2 =	vmul.f32 v8, v1  }
0x1be: {  	v8 =	vand.u32 $0xFFFFFFF8, v10;
	[tilespmem:s10+$0x190] =	vst v6;
	v6 =	vmul.f32 v9, v1;
	v1 =	vmul.f32 v5, v1  }
0x1bf: {  	v5 =	vbroadcast v8, $0x0;
	[tilespmem:s10+$0x1A0] =	vst v3  }
0x1c0: {  	[tilespmem:s10+$0x1F0] =	vst v1  }
0x1c1: {  	v1 =	vld [tilespmem:s9+$0xFFFFFE50];
	[tilespmem:s10+$0x1D0] =	vst v4  }
0x1c2: {  	v3 =	vld [tilespmem:s9+$0xFFFFFE30];
	[tilespmem:s10+$0x1B0] =	vst v7  }
0x1c3: {  	v4 =	vld [tilespmem:s9+$0xFFFFFE60];
	[tilespmem:s10+$0x1E0] =	vst v6  }
0x1c4: {  	v6 =	vld [tilespmem:s9+$0xFFFFFE70];
	[tilespmem:s10+$0x1C0] =	vst v2;
	s10 =	smov.u32 s9  }
0x1c5: {  	v2 =	vld.idx.msk [tilespmem:v5+s12+$0x0], $0xffff  }
0x1c6: {  	v5 =	vld [tilespmem:s9+$0xFFFFFE00]  }
0x1c7: {  	v7 =	vld [tilespmem:s9+$0xFFFFFE20]  }
0x1c8: {  	v8 =	vld [tilespmem:s9+$0xFFFFFE10]  }
0x1c9: {  	v9 =	vld [tilespmem:s9+$0xFFFFFE40];
	_ =	sdelay $0x1  }
0x1ca: {  	v6 =	vmul.f32 v6, v2;
	v5 =	vmul.f32 v5, v2  }
0x1cb: {  	s11 =	sadd.s32 $0xFFFFFFFA, s13;
	v4 =	vmul.f32 v4, v2;
	v7 =	vmul.f32 v7, v2  }
0x1cc: {  	v3 =	vmul.f32 v3, v2;
	v8 =	vmul.f32 v8, v2;
	[tilespmem:s9+$0xFFFFFE70] =	vst v6;
	v6 =	vmov s11  }
0x1cd: {  	v1 =	vmul.f32 v1, v2;
	[tilespmem:s9+$0xFFFFFE00] =	vst v5;
	v5 =	vmul.f32 v9, v2;
	v2 =	vand.u32 $0xFFFFFFF9, v6  }
0x1ce: {  	[tilespmem:s9+$0xFFFFFE20] =	vst v7;
	v2 =	vbroadcast v2, $0x0  }
0x1cf: {  	[tilespmem:s9+$0xFFFFFE30] =	vst v3  }
0x1d0: {  	[tilespmem:s9+$0xFFFFFE50] =	vst v1;
	v1 =	vld [tilespmem:s9+$0xFFFFFEF0]  }
0x1d1: {  	[tilespmem:s9+$0xFFFFFE10] =	vst v8;
	v3 =	vld [tilespmem:s9+$0xFFFFFED0]  }
0x1d2: {  	[tilespmem:s9+$0xFFFFFE60] =	vst v4;
	v4 =	vld [tilespmem:s9+$0xFFFFFEB0]  }
0x1d3: {  	[tilespmem:s9+$0xFFFFFE40] =	vst v5;
	v5 =	vld [tilespmem:s9+$0xFFFFFEC0]  }
0x1d4: {  	v2 =	vld.idx.msk [tilespmem:v2+s12+$0x0], $0xffff  }
0x1d5: {  	v6 =	vld [tilespmem:s9+$0xFFFFFE90]  }
0x1d6: {  	v7 =	vld [tilespmem:s9+$0xFFFFFE80]  }
0x1d7: {  	v8 =	vld [tilespmem:s9+$0xFFFFFEA0]  }
0x1d8: {  	v9 =	vld [tilespmem:s9+$0xFFFFFEE0];
	_ =	sdelay $0x1  }
0x1d9: {  	v5 =	vmul.f32 v5, v2;
	v6 =	vmul.f32 v6, v2  }
0x1da: {  	s11 =	sadd.s32 $0xFFFFFFFB, s13;
	v4 =	vmul.f32 v4, v2;
	v7 =	vmul.f32 v7, v2  }
0x1db: {  	v3 =	vmul.f32 v3, v2;
	[tilespmem:s9+$0xFFFFFE90] =	vst v6;
	v6 =	vmul.f32 v8, v2;
	v8 =	vmov s11  }
0x1dc: {  	v1 =	vmul.f32 v1, v2;
	[tilespmem:s9+$0xFFFFFEC0] =	vst v5;
	v5 =	vmul.f32 v9, v2;
	v2 =	vand.u32 $0xFFFFFFFA, v8  }
0x1dd: {  	[tilespmem:s9+$0xFFFFFE80] =	vst v7;
	v2 =	vbroadcast v2, $0x0  }
0x1de: {  	[tilespmem:s9+$0xFFFFFED0] =	vst v3  }
0x1df: {  	[tilespmem:s9+$0xFFFFFEE0] =	vst v5;
	v3 =	vld [tilespmem:s9+$0xFFFFFF70]  }
0x1e0: {  	[tilespmem:s9+$0xFFFFFEB0] =	vst v4;
	v4 =	vld [tilespmem:s9+$0xFFFFFF50]  }
0x1e1: {  	[tilespmem:s9+$0xFFFFFEF0] =	vst v1;
	v1 =	vld [tilespmem:s9+$0xFFFFFF20]  }
0x1e2: {  	[tilespmem:s9+$0xFFFFFEA0] =	vst v6;
	v5 =	vld [tilespmem:s9+$0xFFFFFF60]  }
0x1e3: {  	v2 =	vld.idx.msk [tilespmem:v2+s12+$0x0], $0xffff  }
0x1e4: {  	v6 =	vld [tilespmem:s9+$0xFFFFFF00]  }
0x1e5: {  	v7 =	vld [tilespmem:s9+$0xFFFFFF10]  }
0x1e6: {  	v8 =	vld [tilespmem:s9+$0xFFFFFF40]  }
0x1e7: {  	v9 =	vld [tilespmem:s9+$0xFFFFFF30];
	_ =	sdelay $0x1  }
0x1e8: {  	v5 =	vmul.f32 v5, v2;
	v6 =	vmul.f32 v6, v2  }
0x1e9: {  	s11 =	sadd.s32 $0xFFFFFFFC, s13;
	v1 =	vmul.f32 v1, v2;
	v7 =	vmul.f32 v7, v2  }
0x1ea: {  	v4 =	vmul.f32 v4, v2;
	[tilespmem:s9+$0xFFFFFF00] =	vst v6;
	v6 =	vmul.f32 v8, v2;
	v8 =	vmov s11  }
0x1eb: {  	v9 =	vmul.f32 v9, v2;
	[tilespmem:s9+$0xFFFFFF60] =	vst v5;
	v2 =	vmul.f32 v3, v2;
	v3 =	vand.u32 $0xFFFFFFFB, v8  }
0x1ec: {  	[tilespmem:s9+$0xFFFFFF10] =	vst v7;
	v3 =	vbroadcast v3, $0x0  }
0x1ed: {  	[tilespmem:s9+$0xFFFFFF50] =	vst v4  }
0x1ee: {  	[tilespmem:s9+$0xFFFFFF70] =	vst v2;
	v2 =	vld [tilespmem:s9+$0xFFFFFFF0]  }
0x1ef: {  	[tilespmem:s9+$0xFFFFFF20] =	vst v1;
	v1 =	vld [tilespmem:s9+$0xFFFFFFD0]  }
0x1f0: {  	[tilespmem:s9+$0xFFFFFF30] =	vst v9;
	v4 =	vld [tilespmem:s9+$0xFFFFFF90]  }
0x1f1: {  	[tilespmem:s9+$0xFFFFFF40] =	vst v6;
	v5 =	vld [tilespmem:s9+$0xFFFFFFE0]  }
0x1f2: {  	v3 =	vld.idx.msk [tilespmem:v3+s12+$0x0], $0xffff  }
0x1f3: {  	v6 =	vld [tilespmem:s9+$0xFFFFFFB0]  }
0x1f4: {  	v7 =	vld [tilespmem:s9+$0xFFFFFF80]  }
0x1f5: {  	v8 =	vld [tilespmem:s9+$0xFFFFFFC0]  }
0x1f6: {  	v9 =	vld [tilespmem:s9+$0xFFFFFFA0];
	_ =	sdelay $0x1  }
0x1f7: {  	v5 =	vmul.f32 v5, v3;
	v6 =	vmul.f32 v6, v3  }
0x1f8: {  	s11 =	sadd.s32 $0xFFFFFFFD, s13;
	v4 =	vmul.f32 v4, v3;
	v7 =	vmul.f32 v7, v3  }
0x1f9: {  	v1 =	vmul.f32 v1, v3;
	[tilespmem:s9+$0xFFFFFFB0] =	vst v6;
	v6 =	vmul.f32 v8, v3;
	v8 =	vmov s11  }
0x1fa: {  	v2 =	vmul.f32 v2, v3;
	v9 =	vmul.f32 v9, v3;
	[tilespmem:s9+$0xFFFFFFE0] =	vst v5;
	v3 =	vand.u32 $0xFFFFFFFC, v8  }
0x1fb: {  	[tilespmem:s9+$0xFFFFFF80] =	vst v7;
	v5 =	vbroadcast v3, $0x0  }
0x1fc: {  	[tilespmem:s9+$0xFFFFFFD0] =	vst v1  }
0x1fd: {  	[tilespmem:s9+$0xFFFFFFF0] =	vst v2;
	v8 =	vld [tilespmem:s9+$0x0]  }
0x1fe: {  	[tilespmem:s9+$0xFFFFFFA0] =	vst v9;
	v1 =	vld [tilespmem:s9+$0x70]  }
0x1ff: {  	[tilespmem:s9+$0xFFFFFF90] =	vst v4;
	v3 =	vld [tilespmem:s9+$0x50]  }
0x200: {  	[tilespmem:s9+$0xFFFFFFC0] =	vst v6;
	v7 =	vld [tilespmem:s9+$0x20]  }
0x201: {  	v2 =	vld.idx.msk [tilespmem:v5+s12+$0x0], $0xffff  }
0x202: {  	v10 =	vld [tilespmem:s9+$0x40]  }
.Ltmp1:
0x203: {  	v6 =	vld [tilespmem:s9+$0x30];
	(pc) =	sbr.rel @p1 .LBB2_5-.Ltmp1, $3  }
0x204: {  	v4 =	vld [tilespmem:s9+$0x10]  }
0x205: {  	v5 =	vld [tilespmem:s9+$0x60];
	_ =	sdelay $0x1  }
0x206: {  	v9 =	vmul.f32 v8, v2;
	v8 =	vmul.f32 v10, v2  }
0x207: {  	s9 =	sadd.s32 $0xFFFFFFFE, s13  }
0x208: {  	v7 =	vmul.f32 v7, v2;
	[tilespmem:s10+$0x0] =	vst v9;
	v37 =	vmov s9  }
0x209: {  	v3 =	vmul.f32 v3, v2;
	[tilespmem:s10+$0x40] =	vst v8;
	v38 =	vand.u32 $0xFFFFFFFD, v37  }
0x20a: {  	v1 =	vmul.f32 v1, v2;
	[tilespmem:s10+$0x20] =	vst v7;
	v39 =	vbroadcast v38, $0x0  }
0x20b: {  	v6 =	vmul.f32 v6, v2;
	[tilespmem:s10+$0x50] =	vst v3  }
0x20c: {  	v3 =	vmul.f32 v5, v2;
	[tilespmem:s10+$0x70] =	vst v1  }
0x20d: {  	v1 =	vmul.f32 v4, v2;
	[tilespmem:s10+$0x30] =	vst v6  }
0x20e: {  	[tilespmem:s10+$0x60] =	vst v3  }
0x20f: {  	v2 =	vld [tilespmem:s10+$0x80];
	[tilespmem:s10+$0x10] =	vst v1  }
0x210: {  	v1 =	vld.idx.msk [tilespmem:v39+s12+$0x0], $0xffff  }
0x211: {  	v3 =	vld [tilespmem:s10+$0xA0]  }
0x212: {  	v40 =	vld [tilespmem:s10+$0xD0]  }
0x213: {  	v41 =	vld [tilespmem:s10+$0xC0]  }
0x214: {  	v42 =	vld [tilespmem:s10+$0xF0]  }
0x215: {  	v44 =	vld [tilespmem:s10+$0x90];
	v2 =	vmul.f32 v2, v1  }
0x216: {  	v43 =	vld [tilespmem:s10+$0xB0];
	s23 =	sadd.s32 $0xFFFFFFFF, s13;
	v3 =	vmul.f32 v3, v1  }
0x217: {  	v45 =	vld [tilespmem:s10+$0xE0];
	v46 =	vmov s23;
	[tilespmem:s10+$0x80] =	vst v2;
	v2 =	vmul.f32 v40, v1  }
0x218: {  	v5 =	vmul.f32 v41, v1;
	[tilespmem:s10+$0xA0] =	vst v3;
	v3 =	vand.u32 $0xFFFFFFFE, v46  }
0x219: {  	v47 =	vmul.f32 v42, v1;
	[tilespmem:s10+$0xD0] =	vst v2;
	v2 =	vbroadcast v3, $0x0  }
0x21a: {  	v48 =	vmul.f32 v44, v1;
	[tilespmem:s10+$0xC0] =	vst v5  }
0x21b: {  	[tilespmem:s10+$0xF0] =	vst v47;
	v3 =	vmul.f32 v43, v1  }
0x21c: {  	[tilespmem:s10+$0x90] =	vst v48;
	v1 =	vmul.f32 v45, v1  }
0x21d: {  	[tilespmem:s10+$0xB0] =	vst v3  }
0x21e: {  	v3 =	vld [tilespmem:s10+$0x100];
	[tilespmem:s10+$0xE0] =	vst v1  }
0x21f: {  	v1 =	vld.idx.msk [tilespmem:v2+s12+$0x0], $0xffff  }
0x220: {  	v2 =	vld [tilespmem:s10+$0x120]  }
0x221: {  	v49 =	vld [tilespmem:s10+$0x130]  }
0x222: {  	v50 =	vld [tilespmem:s10+$0x140]  }
0x223: {  	v52 =	vld [tilespmem:s10+$0x110]  }
0x224: {  	v53 =	vld [tilespmem:s10+$0x150];
	v3 =	vmul.f32 v3, v1  }
0x225: {  	v51 =	vld [tilespmem:s10+$0x160];
	v2 =	vmul.f32 v2, v1  }
0x226: {  	v54 =	vld [tilespmem:s10+$0x170];
	v4 =	vmul.f32 v49, v1;
	[tilespmem:s10+$0x100] =	vst v3  }
0x227: {  	v3 =	vmul.f32 v50, v1;
	[tilespmem:s10+$0x120] =	vst v2  }
0x228: {  	v55 =	vmul.f32 v52, v1;
	[tilespmem:s10+$0x130] =	vst v4  }
0x229: {  	v56 =	vmul.f32 v53, v1;
	[tilespmem:s10+$0x140] =	vst v3;
	v3 =	vmov s13  }
0x22a: {  	v2 =	vmul.f32 v51, v1;
	[tilespmem:s10+$0x110] =	vst v55  }
0x22b: {  	v1 =	vmul.f32 v54, v1;
	[tilespmem:s10+$0x150] =	vst v56  }
0x22c: {  	[tilespmem:s10+$0x160] =	vst v2  }
0x22d: {  	v2 =	vld [tilespmem:s10+$0x180];
	[tilespmem:s10+$0x170] =	vst v1  }
0x22e: {  	v1 =	vld.idx.msk [tilespmem:v3+s12+$0x0], $0xffff  }
0x22f: {  	v3 =	vld [tilespmem:s10+$0x190]  }
0x230: {  	v57 =	vld [tilespmem:s10+$0x1A0]  }
0x231: {  	v60 =	vld [tilespmem:s10+$0x1B0]  }
0x232: {  	v58 =	vld [tilespmem:s10+$0x1F0]  }
0x233: {  	v59 =	vld [tilespmem:s10+$0x1D0];
	v2 =	vmul.f32 v2, v1  }
0x234: {  	v61 =	vld [tilespmem:s10+$0x1E0];
	v3 =	vmul.f32 v3, v1  }
0x235: {  	v62 =	vld [tilespmem:s10+$0x1C0];
	v4 =	vmul.f32 v57, v1;
	[tilespmem:s10+$0x180] =	vst v2  }
0x236: {  	v63 =	vmul.f32 v60, v1;
	[tilespmem:s10+$0x190] =	vst v3  }
0x237: {  	v2 =	vmul.f32 v58, v1;
	[tilespmem:s10+$0x1A0] =	vst v4  }
0x238: {  	v3 =	vmul.f32 v59, v1;
	[tilespmem:s10+$0x1B0] =	vst v63  }
0x239: {  	[tilespmem:s10+$0x1F0] =	vst v2;
	v2 =	vmul.f32 v61, v1  }
0x23a: {  	s22 =	sadd.s32 $0x1, s22;
	[tilespmem:s10+$0x1D0] =	vst v3;
	v1 =	vmul.f32 v62, v1  }
0x23b: {  	p1 =	sne.s32 s22, $0x3E;
	[tilespmem:s10+$0x1E0] =	vst v2  }
.Ltmp2:
0x23c: {  	[tilespmem:s10+$0x1C0] =	vst v1;
	(pc) =	sbr.rel @p1 .LBB2_2-.Ltmp2, $4  }
0x23d: {  	[spmem:s3] =	stream.indirect.scatter.add.f32 [tilespmem:s30], [sflag:$0x3], $0x80, s0, s26, $0xb8;
	[tilespmem:$0x1DA80] =	vst v63  }
0x23e: {  	_ =	swait.ge [sflag:s24], $0x2800  }
0x23f: {  	[sflag:s24] =	ssyncset.done $0x0  }
0x240: {  	[sflag:s24] =	ssyncadd.s32 $0xFFFFD800  }
0x241: {  	_ =	swait.ge [sflag:s31], $0x2800  }
0x242: {  	[sflag:s31] =	ssyncset.done $0x0  }
0x243: {  	s19 =	simm.s32 $0x0;
	s9 =	rddreg [dreg:$0xc];
	[sflag:s31] =	ssyncadd.s32 $0xFFFFD800  }
0x244: {  	[tilespmem:s0], [sflag:$0x3] =	stream.linear.gather [hbm4b:s9+s4], $0x50, $0x38;
	[tilespmem:$0x1DA80] =	vst v63  }
0x245: {  	v1 =	vmov s19;
	_ =	swait.ge [sflag:s24], $0x50  }
0x246: {  	v1 =	vand.u32 $0xFFFFFFF8, v1;
	[sflag:s24] =	ssyncset.done $0x0  }
0x247: {  	v1 =	vbroadcast v1, $0x0;
	s20 =	rddreg [dreg:$0xd];
	[sflag:s24] =	ssyncadd.s32 $0xFFFFFFB0  }
0x248: {  	[tilespmem:s12], [sflag:$0x3] =	stream.linear.gather [hbm4b:s20+s4], $0x50, $0x38;
	[tilespmem:$0x1DA80] =	vst v63  }
0x249: {  	_ =	swait.ge [sflag:s24], $0x50  }
0x24a: {  	[sflag:s24] =	ssyncset.done $0x0  }
0x24b: {  	s9 =	simm.s32 $0x16480;
	[sflag:s24] =	ssyncadd.s32 $0xFFFFFFB0  }
0x24c: {  	v3 =	vld [tilespmem:s9+$0xFFFFFE70]  }
0x24d: {  	v1 =	vld.idx.msk [tilespmem:v1+s12+$0x0], $0xffff  }
0x24e: {  	v4 =	vld [tilespmem:s9+$0xFFFFFE00]  }
0x24f: {  	v5 =	vld [tilespmem:s9+$0xFFFFFE20]  }
0x250: {  	v6 =	vld [tilespmem:s9+$0xFFFFFE30]  }
0x251: {  	v2 =	vld [tilespmem:s9+$0xFFFFFE50]  }
0x252: {  	v8 =	vld [tilespmem:s9+$0xFFFFFE10];
	v3 =	vmul.f32 v3, v1  }
0x253: {  	s10 =	simm.s32 $0x1;
	v7 =	vld [tilespmem:s9+$0xFFFFFE60];
	v4 =	vmul.f32 v4, v1  }
0x254: {  	v9 =	vld [tilespmem:s9+$0xFFFFFE40];
	v5 =	vmul.f32 v5, v1;
	[tilespmem:s9+$0xFFFFFE70] =	vst v3;
	v3 =	vmov s10  }
0x255: {  	v6 =	vmul.f32 v6, v1;
	[tilespmem:s9+$0xFFFFFE00] =	vst v4;
	v3 =	vand.u32 $0xFFFFFFF9, v3  }
0x256: {  	v2 =	vmul.f32 v2, v1;
	[tilespmem:s9+$0xFFFFFE20] =	vst v5;
	v3 =	vbroadcast v3, $0x0  }
0x257: {  	v4 =	vmul.f32 v8, v1;
	[tilespmem:s9+$0xFFFFFE30] =	vst v6  }
0x258: {  	v5 =	vmul.f32 v7, v1;
	[tilespmem:s9+$0xFFFFFE50] =	vst v2  }
0x259: {  	v1 =	vmul.f32 v9, v1;
	[tilespmem:s9+$0xFFFFFE10] =	vst v4  }
0x25a: {  	[tilespmem:s9+$0xFFFFFE60] =	vst v5  }
0x25b: {  	[tilespmem:s9+$0xFFFFFE40] =	vst v1  }
0x25c: {  	v1 =	vld.idx.msk [tilespmem:v3+s12+$0x0], $0xffff  }
0x25d: {  	v3 =	vld [tilespmem:s9+$0xFFFFFE90]  }
0x25e: {  	v4 =	vld [tilespmem:s9+$0xFFFFFEC0]  }
0x25f: {  	v5 =	vld [tilespmem:s9+$0xFFFFFE80]  }
0x260: {  	v6 =	vld [tilespmem:s9+$0xFFFFFED0]  }
0x261: {  	v2 =	vld [tilespmem:s9+$0xFFFFFEF0]  }
0x262: {  	v7 =	vld [tilespmem:s9+$0xFFFFFEE0];
	v3 =	vmul.f32 v3, v1  }
0x263: {  	s21 =	simm.s32 $0x2;
	v8 =	vld [tilespmem:s9+$0xFFFFFEB0];
	v4 =	vmul.f32 v4, v1  }
0x264: {  	v9 =	vld [tilespmem:s9+$0xFFFFFEA0];
	v5 =	vmul.f32 v5, v1;
	[tilespmem:s9+$0xFFFFFE90] =	vst v3;
	v3 =	vmov s21  }
0x265: {  	v6 =	vmul.f32 v6, v1;
	[tilespmem:s9+$0xFFFFFEC0] =	vst v4;
	v3 =	vand.u32 $0xFFFFFFFA, v3  }
0x266: {  	v2 =	vmul.f32 v2, v1;
	[tilespmem:s9+$0xFFFFFE80] =	vst v5;
	v3 =	vbroadcast v3, $0x0  }
0x267: {  	v4 =	vmul.f32 v7, v1;
	[tilespmem:s9+$0xFFFFFED0] =	vst v6  }
0x268: {  	v5 =	vmul.f32 v8, v1;
	[tilespmem:s9+$0xFFFFFEF0] =	vst v2  }
0x269: {  	v1 =	vmul.f32 v9, v1;
	[tilespmem:s9+$0xFFFFFEE0] =	vst v4  }
0x26a: {  	[tilespmem:s9+$0xFFFFFEB0] =	vst v5  }
0x26b: {  	v2 =	vld [tilespmem:s9+$0xFFFFFF00];
	[tilespmem:s9+$0xFFFFFEA0] =	vst v1  }
0x26c: {  	v1 =	vld.idx.msk [tilespmem:v3+s12+$0x0], $0xffff  }
0x26d: {  	v3 =	vld [tilespmem:s9+$0xFFFFFF60]  }
0x26e: {  	v4 =	vld [tilespmem:s9+$0xFFFFFF10]  }
0x26f: {  	v5 =	vld [tilespmem:s9+$0xFFFFFF50]  }
0x270: {  	v6 =	vld [tilespmem:s9+$0xFFFFFF70]  }
0x271: {  	v7 =	vld [tilespmem:s9+$0xFFFFFF20];
	v2 =	vmul.f32 v2, v1  }
0x272: {  	s22 =	simm.s32 $0x3;
	v8 =	vld [tilespmem:s9+$0xFFFFFF30];
	v3 =	vmul.f32 v3, v1  }
0x273: {  	v9 =	vld [tilespmem:s9+$0xFFFFFF40];
	v4 =	vmul.f32 v4, v1;
	[tilespmem:s9+$0xFFFFFF00] =	vst v2;
	v2 =	vmov s22  }
0x274: {  	v5 =	vmul.f32 v5, v1;
	[tilespmem:s9+$0xFFFFFF60] =	vst v3;
	v2 =	vand.u32 $0xFFFFFFFB, v2  }
0x275: {  	v3 =	vmul.f32 v6, v1;
	[tilespmem:s9+$0xFFFFFF10] =	vst v4;
	v2 =	vbroadcast v2, $0x0  }
0x276: {  	v4 =	vmul.f32 v7, v1;
	[tilespmem:s9+$0xFFFFFF50] =	vst v5  }
0x277: {  	v5 =	vmul.f32 v8, v1;
	[tilespmem:s9+$0xFFFFFF70] =	vst v3  }
0x278: {  	v1 =	vmul.f32 v9, v1;
	[tilespmem:s9+$0xFFFFFF20] =	vst v4  }
0x279: {  	[tilespmem:s9+$0xFFFFFF30] =	vst v5  }
0x27a: {  	[tilespmem:s9+$0xFFFFFF40] =	vst v1  }
0x27b: {  	v1 =	vld.idx.msk [tilespmem:v2+s12+$0x0], $0xffff  }
0x27c: {  	v2 =	vld [tilespmem:s9+$0xFFFFFFB0]  }
0x27d: {  	v4 =	vld [tilespmem:s9+$0xFFFFFFE0]  }
0x27e: {  	v5 =	vld [tilespmem:s9+$0xFFFFFF80]  }
0x27f: {  	v6 =	vld [tilespmem:s9+$0xFFFFFFD0]  }
0x280: {  	v3 =	vld [tilespmem:s9+$0xFFFFFFF0]  }
0x281: {  	v8 =	vld [tilespmem:s9+$0xFFFFFFA0];
	v2 =	vmul.f32 v2, v1  }
0x282: {  	s23 =	simm.s32 $0x4;
	v7 =	vld [tilespmem:s9+$0xFFFFFF90];
	v4 =	vmul.f32 v4, v1  }
0x283: {  	v9 =	vld [tilespmem:s9+$0xFFFFFFC0];
	v5 =	vmul.f32 v5, v1;
	[tilespmem:s9+$0xFFFFFFB0] =	vst v2;
	v2 =	vmov s23  }
0x284: {  	v6 =	vmul.f32 v6, v1;
	[tilespmem:s9+$0xFFFFFFE0] =	vst v4;
	v2 =	vand.u32 $0xFFFFFFFC, v2  }
0x285: {  	v3 =	vmul.f32 v3, v1;
	[tilespmem:s9+$0xFFFFFF80] =	vst v5;
	v2 =	vbroadcast v2, $0x0  }
0x286: {  	v10 =	vld [tilespmem:s9+$0x40];
	v4 =	vmul.f32 v8, v1;
	[tilespmem:s9+$0xFFFFFFD0] =	vst v6  }
0x287: {  	v5 =	vmul.f32 v7, v1;
	[tilespmem:s9+$0xFFFFFFF0] =	vst v3;
	v8 =	vld [tilespmem:s9+$0x0]  }
0x288: {  	v3 =	vmul.f32 v9, v1;
	v1 =	vld [tilespmem:s9+$0x70];
	[tilespmem:s9+$0xFFFFFFA0] =	vst v4  }
0x289: {  	v7 =	vld [tilespmem:s9+$0x20];
	[tilespmem:s9+$0xFFFFFF90] =	vst v5  }
0x28a: {  	v6 =	vld [tilespmem:s9+$0x30];
	[tilespmem:s9+$0xFFFFFFC0] =	vst v3  }
0x28b: {  	v2 =	vld.idx.msk [tilespmem:v2+s12+$0x0], $0xffff  }
0x28c: {  	v3 =	vld [tilespmem:s9+$0x50]  }
0x28d: {  	v4 =	vld [tilespmem:s9+$0x10]  }
0x28e: {  	v5 =	vld [tilespmem:s9+$0x60];
	_ =	sdelay $0x1  }
0x28f: {  	s13 =	simm.s32 $0x7;
	s20 =	simm.s32 $0xF;
	s10 =	simm.s32 $0x16480;
	v9 =	vmul.f32 v8, v2;
	v8 =	vmul.f32 v10, v2  }
.LBB2_8:
0x290: {  	p1 =	sne.s32 s20, $0x4F;
	v7 =	vmul.f32 v7, v2;
	v6 =	vmul.f32 v6, v2;
	s11 =	sadd.s32 $0xFFFFFFFE, s13;
	s9 =	sadd.s32 $0x400, s9  }
0x291: {  	v3 =	vmul.f32 v3, v2;
	s19 =	smov.u32 s20;
	s20 =	sadd.s32 $0x8, s20;
	[tilespmem:s10+$0x0] =	vst v9;
	v4 =	vmul.f32 v4, v2;
	v9 =	vmov s11  }
0x292: {  	v1 =	vmul.f32 v1, v2;
	[tilespmem:s10+$0x40] =	vst v8;
	v5 =	vmul.f32 v5, v2;
	v2 =	vand.u32 $0xFFFFFFFD, v9  }
0x293: {  	[tilespmem:s10+$0x20] =	vst v7;
	v2 =	vbroadcast v2, $0x0  }
0x294: {  	[tilespmem:s10+$0x50] =	vst v3  }
0x295: {  	[tilespmem:s10+$0x70] =	vst v1;
	v1 =	vld [tilespmem:s10+$0xA0]  }
0x296: {  	[tilespmem:s10+$0x30] =	vst v6;
	v3 =	vld [tilespmem:s10+$0x80]  }
0x297: {  	[tilespmem:s10+$0x60] =	vst v5;
	v5 =	vld [tilespmem:s10+$0xD0]  }
0x298: {  	[tilespmem:s10+$0x10] =	vst v4;
	v4 =	vld [tilespmem:s10+$0xF0]  }
0x299: {  	v2 =	vld.idx.msk [tilespmem:v2+s12+$0x0], $0xffff  }
0x29a: {  	v6 =	vld [tilespmem:s10+$0xC0]  }
0x29b: {  	v7 =	vld [tilespmem:s10+$0xB0]  }
0x29c: {  	v8 =	vld [tilespmem:s10+$0x90]  }
0x29d: {  	v9 =	vld [tilespmem:s10+$0xE0];
	_ =	sdelay $0x1  }
0x29e: {  	v3 =	vmul.f32 v3, v2;
	v6 =	vmul.f32 v6, v2  }
0x29f: {  	s11 =	sadd.s32 $0xFFFFFFFF, s13;
	v1 =	vmul.f32 v1, v2;
	v7 =	vmul.f32 v7, v2  }
0x2a0: {  	v5 =	vmul.f32 v5, v2;
	[tilespmem:s10+$0x80] =	vst v3;
	v3 =	vmul.f32 v8, v2;
	v8 =	vmov s11  }
0x2a1: {  	[tilespmem:s10+$0xA0] =	vst v1;
	v1 =	vmul.f32 v9, v2;
	v2 =	vmul.f32 v4, v2;
	v4 =	vand.u32 $0xFFFFFFFE, v8  }
0x2a2: {  	[tilespmem:s10+$0xD0] =	vst v5;
	v4 =	vbroadcast v4, $0x0  }
0x2a3: {  	[tilespmem:s10+$0xC0] =	vst v6  }
0x2a4: {  	[tilespmem:s10+$0xF0] =	vst v2;
	v2 =	vld [tilespmem:s10+$0x120]  }
0x2a5: {  	[tilespmem:s10+$0xB0] =	vst v7;
	v5 =	vld [tilespmem:s10+$0x100]  }
0x2a6: {  	[tilespmem:s10+$0x90] =	vst v3;
	v3 =	vld [tilespmem:s10+$0x140]  }
0x2a7: {  	[tilespmem:s10+$0xE0] =	vst v1;
	v1 =	vld [tilespmem:s10+$0x130]  }
0x2a8: {  	v4 =	vld.idx.msk [tilespmem:v4+s12+$0x0], $0xffff  }
0x2a9: {  	v6 =	vld [tilespmem:s10+$0x110]  }
0x2aa: {  	v7 =	vld [tilespmem:s10+$0x160]  }
0x2ab: {  	v8 =	vld [tilespmem:s10+$0x150]  }
0x2ac: {  	v9 =	vld [tilespmem:s10+$0x170];
	_ =	sdelay $0x1  }
0x2ad: {  	v5 =	vmul.f32 v5, v4;
	v6 =	vmul.f32 v6, v4  }
0x2ae: {  	v2 =	vmul.f32 v2, v4;
	v1 =	vmul.f32 v1, v4  }
0x2af: {  	v3 =	vmul.f32 v3, v4;
	[tilespmem:s10+$0x100] =	vst v5;
	v5 =	vmul.f32 v8, v4  }
0x2b0: {  	[tilespmem:s10+$0x120] =	vst v2;
	v2 =	vmul.f32 v7, v4;
	v4 =	vmul.f32 v9, v4  }
0x2b1: {  	[tilespmem:s10+$0x130] =	vst v1  }
0x2b2: {  	v1 =	vmov s13;
	s13 =	smov.u32 s19;
	[tilespmem:s10+$0x140] =	vst v3  }
0x2b3: {  	[tilespmem:s10+$0x160] =	vst v2;
	v2 =	vld [tilespmem:s10+$0x180]  }
0x2b4: {  	[tilespmem:s10+$0x110] =	vst v6;
	v3 =	vld [tilespmem:s10+$0x1A0]  }
0x2b5: {  	[tilespmem:s10+$0x150] =	vst v5;
	v5 =	vld [tilespmem:s10+$0x1F0]  }
0x2b6: {  	[tilespmem:s10+$0x170] =	vst v4;
	v4 =	vld [tilespmem:s10+$0x1D0]  }
0x2b7: {  	v1 =	vld.idx.msk [tilespmem:v1+s12+$0x0], $0xffff  }
0x2b8: {  	v6 =	vld [tilespmem:s10+$0x190]  }
0x2b9: {  	v7 =	vld [tilespmem:s10+$0x1B0]  }
0x2ba: {  	v8 =	vld [tilespmem:s10+$0x1C0]  }
0x2bb: {  	v9 =	vld [tilespmem:s10+$0x1E0];
	_ =	sdelay $0x1  }
0x2bc: {  	v2 =	vmul.f32 v2, v1;
	v6 =	vmul.f32 v6, v1  }
0x2bd: {  	s11 =	sadd.s32 $0xFFFFFFF9, s13;
	v3 =	vmul.f32 v3, v1;
	v7 =	vmul.f32 v7, v1  }
0x2be: {  	v10 =	vmov s11;
	v4 =	vmul.f32 v4, v1;
	[tilespmem:s10+$0x180] =	vst v2;
	v2 =	vmul.f32 v8, v1  }
0x2bf: {  	v8 =	vand.u32 $0xFFFFFFF8, v10;
	[tilespmem:s10+$0x190] =	vst v6;
	v6 =	vmul.f32 v9, v1;
	v1 =	vmul.f32 v5, v1  }
0x2c0: {  	v5 =	vbroadcast v8, $0x0;
	[tilespmem:s10+$0x1A0] =	vst v3  }
0x2c1: {  	[tilespmem:s10+$0x1F0] =	vst v1  }
0x2c2: {  	v1 =	vld [tilespmem:s9+$0xFFFFFE50];
	[tilespmem:s10+$0x1D0] =	vst v4  }
0x2c3: {  	v3 =	vld [tilespmem:s9+$0xFFFFFE30];
	[tilespmem:s10+$0x1B0] =	vst v7  }
0x2c4: {  	v4 =	vld [tilespmem:s9+$0xFFFFFE60];
	[tilespmem:s10+$0x1E0] =	vst v6  }
0x2c5: {  	v6 =	vld [tilespmem:s9+$0xFFFFFE70];
	[tilespmem:s10+$0x1C0] =	vst v2;
	s10 =	smov.u32 s9  }
0x2c6: {  	v2 =	vld.idx.msk [tilespmem:v5+s12+$0x0], $0xffff  }
0x2c7: {  	v5 =	vld [tilespmem:s9+$0xFFFFFE00]  }
0x2c8: {  	v7 =	vld [tilespmem:s9+$0xFFFFFE20]  }
0x2c9: {  	v8 =	vld [tilespmem:s9+$0xFFFFFE10]  }
0x2ca: {  	v9 =	vld [tilespmem:s9+$0xFFFFFE40];
	_ =	sdelay $0x1  }
0x2cb: {  	v6 =	vmul.f32 v6, v2;
	v5 =	vmul.f32 v5, v2  }
0x2cc: {  	s11 =	sadd.s32 $0xFFFFFFFA, s13;
	v4 =	vmul.f32 v4, v2;
	v7 =	vmul.f32 v7, v2  }
0x2cd: {  	v3 =	vmul.f32 v3, v2;
	v8 =	vmul.f32 v8, v2;
	[tilespmem:s9+$0xFFFFFE70] =	vst v6;
	v6 =	vmov s11  }
0x2ce: {  	v1 =	vmul.f32 v1, v2;
	[tilespmem:s9+$0xFFFFFE00] =	vst v5;
	v5 =	vmul.f32 v9, v2;
	v2 =	vand.u32 $0xFFFFFFF9, v6  }
0x2cf: {  	[tilespmem:s9+$0xFFFFFE20] =	vst v7;
	v2 =	vbroadcast v2, $0x0  }
0x2d0: {  	[tilespmem:s9+$0xFFFFFE30] =	vst v3  }
0x2d1: {  	[tilespmem:s9+$0xFFFFFE50] =	vst v1;
	v1 =	vld [tilespmem:s9+$0xFFFFFEF0]  }
0x2d2: {  	[tilespmem:s9+$0xFFFFFE10] =	vst v8;
	v3 =	vld [tilespmem:s9+$0xFFFFFED0]  }
0x2d3: {  	[tilespmem:s9+$0xFFFFFE60] =	vst v4;
	v4 =	vld [tilespmem:s9+$0xFFFFFEB0]  }
0x2d4: {  	[tilespmem:s9+$0xFFFFFE40] =	vst v5;
	v5 =	vld [tilespmem:s9+$0xFFFFFEC0]  }
0x2d5: {  	v2 =	vld.idx.msk [tilespmem:v2+s12+$0x0], $0xffff  }
0x2d6: {  	v6 =	vld [tilespmem:s9+$0xFFFFFE90]  }
0x2d7: {  	v7 =	vld [tilespmem:s9+$0xFFFFFE80]  }
0x2d8: {  	v8 =	vld [tilespmem:s9+$0xFFFFFEA0]  }
0x2d9: {  	v9 =	vld [tilespmem:s9+$0xFFFFFEE0];
	_ =	sdelay $0x1  }
0x2da: {  	v5 =	vmul.f32 v5, v2;
	v6 =	vmul.f32 v6, v2  }
0x2db: {  	s11 =	sadd.s32 $0xFFFFFFFB, s13;
	v4 =	vmul.f32 v4, v2;
	v7 =	vmul.f32 v7, v2  }
0x2dc: {  	v3 =	vmul.f32 v3, v2;
	[tilespmem:s9+$0xFFFFFE90] =	vst v6;
	v6 =	vmul.f32 v8, v2;
	v8 =	vmov s11  }
0x2dd: {  	v1 =	vmul.f32 v1, v2;
	[tilespmem:s9+$0xFFFFFEC0] =	vst v5;
	v5 =	vmul.f32 v9, v2;
	v2 =	vand.u32 $0xFFFFFFFA, v8  }
0x2de: {  	[tilespmem:s9+$0xFFFFFE80] =	vst v7;
	v2 =	vbroadcast v2, $0x0  }
0x2df: {  	[tilespmem:s9+$0xFFFFFED0] =	vst v3  }
0x2e0: {  	[tilespmem:s9+$0xFFFFFEE0] =	vst v5;
	v3 =	vld [tilespmem:s9+$0xFFFFFF70]  }
0x2e1: {  	[tilespmem:s9+$0xFFFFFEB0] =	vst v4;
	v4 =	vld [tilespmem:s9+$0xFFFFFF50]  }
0x2e2: {  	[tilespmem:s9+$0xFFFFFEF0] =	vst v1;
	v1 =	vld [tilespmem:s9+$0xFFFFFF20]  }
0x2e3: {  	[tilespmem:s9+$0xFFFFFEA0] =	vst v6;
	v5 =	vld [tilespmem:s9+$0xFFFFFF60]  }
0x2e4: {  	v2 =	vld.idx.msk [tilespmem:v2+s12+$0x0], $0xffff  }
0x2e5: {  	v6 =	vld [tilespmem:s9+$0xFFFFFF00]  }
0x2e6: {  	v7 =	vld [tilespmem:s9+$0xFFFFFF10]  }
0x2e7: {  	v8 =	vld [tilespmem:s9+$0xFFFFFF40]  }
0x2e8: {  	v9 =	vld [tilespmem:s9+$0xFFFFFF30];
	_ =	sdelay $0x1  }
0x2e9: {  	v5 =	vmul.f32 v5, v2;
	v6 =	vmul.f32 v6, v2  }
0x2ea: {  	s11 =	sadd.s32 $0xFFFFFFFC, s13;
	v1 =	vmul.f32 v1, v2;
	v7 =	vmul.f32 v7, v2  }
0x2eb: {  	v4 =	vmul.f32 v4, v2;
	[tilespmem:s9+$0xFFFFFF00] =	vst v6;
	v6 =	vmul.f32 v8, v2;
	v8 =	vmov s11  }
0x2ec: {  	v9 =	vmul.f32 v9, v2;
	[tilespmem:s9+$0xFFFFFF60] =	vst v5;
	v2 =	vmul.f32 v3, v2;
	v3 =	vand.u32 $0xFFFFFFFB, v8  }
0x2ed: {  	[tilespmem:s9+$0xFFFFFF10] =	vst v7;
	v3 =	vbroadcast v3, $0x0  }
0x2ee: {  	[tilespmem:s9+$0xFFFFFF50] =	vst v4  }
0x2ef: {  	[tilespmem:s9+$0xFFFFFF70] =	vst v2;
	v2 =	vld [tilespmem:s9+$0xFFFFFFF0]  }
0x2f0: {  	[tilespmem:s9+$0xFFFFFF20] =	vst v1;
	v1 =	vld [tilespmem:s9+$0xFFFFFFD0]  }
0x2f1: {  	[tilespmem:s9+$0xFFFFFF30] =	vst v9;
	v4 =	vld [tilespmem:s9+$0xFFFFFF90]  }
0x2f2: {  	[tilespmem:s9+$0xFFFFFF40] =	vst v6;
	v5 =	vld [tilespmem:s9+$0xFFFFFFE0]  }
0x2f3: {  	v3 =	vld.idx.msk [tilespmem:v3+s12+$0x0], $0xffff  }
0x2f4: {  	v6 =	vld [tilespmem:s9+$0xFFFFFFB0]  }
0x2f5: {  	v7 =	vld [tilespmem:s9+$0xFFFFFF80]  }
0x2f6: {  	v8 =	vld [tilespmem:s9+$0xFFFFFFC0]  }
0x2f7: {  	v9 =	vld [tilespmem:s9+$0xFFFFFFA0];
	_ =	sdelay $0x1  }
0x2f8: {  	v5 =	vmul.f32 v5, v3;
	v6 =	vmul.f32 v6, v3  }
0x2f9: {  	s11 =	sadd.s32 $0xFFFFFFFD, s13;
	v4 =	vmul.f32 v4, v3;
	v7 =	vmul.f32 v7, v3  }
0x2fa: {  	v1 =	vmul.f32 v1, v3;
	[tilespmem:s9+$0xFFFFFFB0] =	vst v6;
	v6 =	vmul.f32 v8, v3;
	v8 =	vmov s11  }
0x2fb: {  	v2 =	vmul.f32 v2, v3;
	v9 =	vmul.f32 v9, v3;
	[tilespmem:s9+$0xFFFFFFE0] =	vst v5;
	v3 =	vand.u32 $0xFFFFFFFC, v8  }
0x2fc: {  	[tilespmem:s9+$0xFFFFFF80] =	vst v7;
	v5 =	vbroadcast v3, $0x0  }
0x2fd: {  	[tilespmem:s9+$0xFFFFFFD0] =	vst v1  }
0x2fe: {  	[tilespmem:s9+$0xFFFFFFF0] =	vst v2;
	v8 =	vld [tilespmem:s9+$0x0]  }
0x2ff: {  	[tilespmem:s9+$0xFFFFFFA0] =	vst v9;
	v1 =	vld [tilespmem:s9+$0x70]  }
0x300: {  	[tilespmem:s9+$0xFFFFFF90] =	vst v4;
	v3 =	vld [tilespmem:s9+$0x50]  }
0x301: {  	[tilespmem:s9+$0xFFFFFFC0] =	vst v6;
	v7 =	vld [tilespmem:s9+$0x20]  }
0x302: {  	v2 =	vld.idx.msk [tilespmem:v5+s12+$0x0], $0xffff  }
0x303: {  	v10 =	vld [tilespmem:s9+$0x40]  }
.Ltmp3:
0x304: {  	v6 =	vld [tilespmem:s9+$0x30];
	(pc) =	sbr.rel @p1 .LBB2_8-.Ltmp3, $3  }
0x305: {  	v4 =	vld [tilespmem:s9+$0x10]  }
0x306: {  	v5 =	vld [tilespmem:s9+$0x60];
	_ =	sdelay $0x1  }
0x307: {  	v9 =	vmul.f32 v8, v2;
	v8 =	vmul.f32 v10, v2  }
0x308: {  	s9 =	sadd.s32 $0xFFFFFFFE, s13  }
0x309: {  	v7 =	vmul.f32 v7, v2;
	[tilespmem:s10+$0x0] =	vst v9;
	v37 =	vmov s9  }
0x30a: {  	v3 =	vmul.f32 v3, v2;
	[tilespmem:s10+$0x40] =	vst v8;
	v38 =	vand.u32 $0xFFFFFFFD, v37  }
0x30b: {  	v1 =	vmul.f32 v1, v2;
	[tilespmem:s10+$0x20] =	vst v7;
	v39 =	vbroadcast v38, $0x0  }
0x30c: {  	v6 =	vmul.f32 v6, v2;
	[tilespmem:s10+$0x50] =	vst v3  }
0x30d: {  	v3 =	vmul.f32 v5, v2;
	[tilespmem:s10+$0x70] =	vst v1  }
0x30e: {  	v1 =	vmul.f32 v4, v2;
	[tilespmem:s10+$0x30] =	vst v6  }
0x30f: {  	[tilespmem:s10+$0x60] =	vst v3  }
0x310: {  	v2 =	vld [tilespmem:s10+$0x80];
	[tilespmem:s10+$0x10] =	vst v1  }
0x311: {  	v1 =	vld.idx.msk [tilespmem:v39+s12+$0x0], $0xffff  }
0x312: {  	v3 =	vld [tilespmem:s10+$0xA0]  }
0x313: {  	v40 =	vld [tilespmem:s10+$0xD0]  }
0x314: {  	v41 =	vld [tilespmem:s10+$0xC0]  }
0x315: {  	v42 =	vld [tilespmem:s10+$0xF0]  }
0x316: {  	v44 =	vld [tilespmem:s10+$0x90];
	v2 =	vmul.f32 v2, v1  }
0x317: {  	v43 =	vld [tilespmem:s10+$0xB0];
	s21 =	sadd.s32 $0xFFFFFFFF, s13;
	v3 =	vmul.f32 v3, v1  }
0x318: {  	v45 =	vld [tilespmem:s10+$0xE0];
	v46 =	vmov s21;
	[tilespmem:s10+$0x80] =	vst v2;
	v2 =	vmul.f32 v40, v1  }
0x319: {  	v5 =	vmul.f32 v41, v1;
	[tilespmem:s10+$0xA0] =	vst v3;
	v3 =	vand.u32 $0xFFFFFFFE, v46  }
0x31a: {  	v47 =	vmul.f32 v42, v1;
	[tilespmem:s10+$0xD0] =	vst v2;
	v2 =	vbroadcast v3, $0x0  }
0x31b: {  	v48 =	vmul.f32 v44, v1;
	[tilespmem:s10+$0xC0] =	vst v5  }
0x31c: {  	[tilespmem:s10+$0xF0] =	vst v47;
	v3 =	vmul.f32 v43, v1  }
0x31d: {  	[tilespmem:s10+$0x90] =	vst v48;
	v1 =	vmul.f32 v45, v1  }
0x31e: {  	[tilespmem:s10+$0xB0] =	vst v3  }
0x31f: {  	v3 =	vld [tilespmem:s10+$0x100];
	[tilespmem:s10+$0xE0] =	vst v1  }
0x320: {  	v1 =	vld.idx.msk [tilespmem:v2+s12+$0x0], $0xffff  }
0x321: {  	v2 =	vld [tilespmem:s10+$0x120]  }
0x322: {  	v49 =	vld [tilespmem:s10+$0x130]  }
0x323: {  	v50 =	vld [tilespmem:s10+$0x140]  }
0x324: {  	v52 =	vld [tilespmem:s10+$0x110]  }
0x325: {  	v53 =	vld [tilespmem:s10+$0x150];
	v3 =	vmul.f32 v3, v1  }
0x326: {  	v51 =	vld [tilespmem:s10+$0x160];
	v2 =	vmul.f32 v2, v1  }
0x327: {  	v54 =	vld [tilespmem:s10+$0x170];
	v4 =	vmul.f32 v49, v1;
	[tilespmem:s10+$0x100] =	vst v3  }
0x328: {  	v3 =	vmul.f32 v50, v1;
	[tilespmem:s10+$0x120] =	vst v2  }
0x329: {  	v55 =	vmul.f32 v52, v1;
	[tilespmem:s10+$0x130] =	vst v4  }
0x32a: {  	v56 =	vmul.f32 v53, v1;
	[tilespmem:s10+$0x140] =	vst v3;
	v3 =	vmov s13  }
0x32b: {  	v2 =	vmul.f32 v51, v1;
	[tilespmem:s10+$0x110] =	vst v55  }
0x32c: {  	v1 =	vmul.f32 v54, v1;
	[tilespmem:s10+$0x150] =	vst v56  }
0x32d: {  	[tilespmem:s10+$0x160] =	vst v2  }
0x32e: {  	v2 =	vld [tilespmem:s10+$0x180];
	[tilespmem:s10+$0x170] =	vst v1  }
0x32f: {  	v1 =	vld.idx.msk [tilespmem:v3+s12+$0x0], $0xffff  }
0x330: {  	v3 =	vld [tilespmem:s10+$0x190]  }
0x331: {  	v57 =	vld [tilespmem:s10+$0x1A0]  }
0x332: {  	v60 =	vld [tilespmem:s10+$0x1B0]  }
0x333: {  	v58 =	vld [tilespmem:s10+$0x1F0]  }
0x334: {  	v59 =	vld [tilespmem:s10+$0x1D0];
	v2 =	vmul.f32 v2, v1  }
0x335: {  	v61 =	vld [tilespmem:s10+$0x1E0];
	v3 =	vmul.f32 v3, v1  }
0x336: {  	v62 =	vld [tilespmem:s10+$0x1C0];
	v4 =	vmul.f32 v57, v1;
	[tilespmem:s10+$0x180] =	vst v2  }
0x337: {  	v63 =	vmul.f32 v60, v1;
	[tilespmem:s10+$0x190] =	vst v3  }
0x338: {  	v2 =	vmul.f32 v58, v1;
	[tilespmem:s10+$0x1A0] =	vst v4  }
0x339: {  	v3 =	vmul.f32 v59, v1;
	[tilespmem:s10+$0x1B0] =	vst v63  }
0x33a: {  	[tilespmem:s10+$0x1F0] =	vst v2;
	v2 =	vmul.f32 v61, v1  }
0x33b: {  	[tilespmem:s10+$0x1D0] =	vst v3;
	v1 =	vmul.f32 v62, v1  }
0x33c: {  	[tilespmem:s10+$0x1E0] =	vst v2  }
0x33d: {  	[tilespmem:s10+$0x1C0] =	vst v1  }
0x33e: {  	[spmem:s3] =	stream.indirect.scatter.add.f32 [tilespmem:s28], [sflag:$0x3], $0x80, s0, s26, $0xb8;
	[tilespmem:$0x1DA80] =	vst v63  }
0x33f: {  	_ =	swait.ge [sflag:s24], $0x2800  }
0x340: {  	[sflag:s24] =	ssyncset.done $0x0  }
0x341: {  	[sflag:s24] =	ssyncadd.s32 $0xFFFFD800  }
0x342: {  	[bflag:$0x0] =	sbarrier.arrive $0xFFFF  }
0x343: {  	s13 =	rddreg [dreg:$0x8]  }
0x344: {  	s22 =	rddreg [dreg:$0xe]  }
0x345: {  	s23 =	rddreg [dreg:$0x14]  }
0x346: {  	[hbm:s22], [sflag:s13] =	dma.local [spmem:s23], $0x2700  }
0x347: {  	_ =	swait.ge [sflag:s24], $0x2700  }
0x348: {  	[sflag:s24] =	ssyncset.done $0x0  }
0x349: {  	[sflag:s24] =	ssyncadd.s32 $0xFFFFD900  }
0x34a: {  	[bflag:$0x0] =	sbarrier.arrive @p0 $0xFFFF  }
0x34b: {  	s23 =	rddreg [dreg:$0x6]  }
0x34c: {  	s11 =	rddreg [dreg:$0x7];
	s9 =	sshrl.u32 @p0 s23, $0x3  }
0x34d: {  	[spmem:s9], [sflag:s13] =	dma.local @p0 [hbm:s11], $0x2700  }
0x34e: {  	s9 =	simm.s32 @p0 $0x3  }
0x34f: {  	_ =	swait.ge @p0 [sflag:s9], $0x2700  }
0x350: {  	[sflag:s9] =	ssyncset.done @p0 $0x0;
	s19 =	rddreg [dreg:$0x15]  }
0x351: {  	[sflag:s9] =	ssyncadd.s32 @p0 $0xFFFFD900;
	s9 =	rddreg [dreg:$0xf]  }
0x352: {  	[hbm:s9], [sflag:s13] =	dma.local @!p0 [spmem:s19], $0x100  }
0x353: {  	s9 =	simm.s32 @!p0 $0x3  }
0x354: {  	_ =	swait.ge @!p0 [sflag:s9], $0x100  }
0x355: {  	[sflag:s9] =	ssyncset.done @!p0 $0x0  }
0x356: {  	[sflag:s9] =	ssyncadd.s32 @!p0 $0xFFFFFF00  }
0x357: {  	s10 =	sshrl.u32 @!p0 s23, $0x3;
	[bflag:$0x0] =	sbarrier.arrive @!p0 $0xFFFF  }
0x358: {  	[spmem:s10], [sflag:s13] =	dma.local @!p0 [hbm:s11], $0x2700  }
0x359: {  	_ =	swait.ge @!p0 [sflag:s9], $0x2700  }
0x35a: {  	[sflag:s9] =	ssyncset.done @!p0 $0x0  }
0x35b: {  	s10 =	rddreg [dreg:$0xa];
	[sflag:s9] =	ssyncadd.s32 @!p0 $0xFFFFD900  }
0x35c: {  	[spmem:s19], [sflag:s13] =	dma.local @!p0 [hbm:s10], $0x100  }
0x35d: {  	_ =	swait.ge @!p0 [sflag:s9], $0x100  }
0x35e: {  	[sflag:s9] =	ssyncset.done @!p0 $0x0  }
0x35f: {  	[sflag:s9] =	ssyncadd.s32 @!p0 $0xFFFFFF00;
	s9 =	simm.s32 $0x0  }
0x360: {  	[tilespmem:s9+$0x1B2F0] =	vst v0  }
0x361: {  	[tilespmem:s9+$0x1B2A0] =	vst v0  }
0x362: {  	[tilespmem:s9+$0x1B2B0] =	vst v0  }
0x363: {  	[tilespmem:s9+$0x1B2C0] =	vst v0  }
0x364: {  	s10 =	simm.s32 $0x200;
	[tilespmem:s9+$0x1B2D0] =	vst v0  }
.LBB2_10:
0x365: {  	p1 =	sne.s32 s10, $0x9E00;
	[tilespmem:s9+$0x1B2E0] =	vst v0;
	s9 =	sshra.s32 s10, $0x2;
	s10 =	sadd.s32 $0x200, s10  }
.Ltmp4:
0x366: {  	[tilespmem:s9+$0x1B2F0] =	vst v0;
	(pc) =	sbr.rel @p1 .LBB2_10-.Ltmp4, $4  }
0x367: {  	[tilespmem:s9+$0x1B2A0] =	vst v0  }
0x368: {  	[tilespmem:s9+$0x1B2B0] =	vst v0  }
0x369: {  	[tilespmem:s9+$0x1B2C0] =	vst v0  }
0x36a: {  	[tilespmem:s9+$0x1B2D0] =	vst v0  }
0x36b: {  	[tilespmem:s9+$0x1B2E0] =	vst v0  }
0x36c: {  	s9 =	simm.s32 $0x0;
	[bflag:$0x0] =	sbarrier.arrive $0xFFFF  }
.LBB2_12:
0x36d: {  	s10 =	smul.u32 $0x50, s9;
	_ =	sdelay $0x1  }
0x36e: {  	s10 =	sadd.s32 s8, s10  }
0x36f: {  	s11 =	sshrl.u32 s10, $0x3  }
0x370: {  	s13 =	sadd.s32 s5, s11  }
0x371: {  	[tilespmem:s0], [sflag:$0x3] =	stream.linear.gather [hbm4b:s13+s4], $0x50, $0x38;
	[tilespmem:$0x1DA80] =	vst v63  }
0x372: {  	_ =	swait.ge [sflag:s24], $0x50  }
0x373: {  	[sflag:s24] =	ssyncset.done $0x0  }
0x374: {  	s22 =	simm.s32 $0x0;
	s11 =	sadd.s32 s1, s11;
	[sflag:s24] =	ssyncadd.s32 $0xFFFFFFB0  }
0x375: {  	v1 =	vmov s22;
	[tilespmem:s12], [sflag:$0x3] =	stream.linear.gather [hbm4b:s11+s4], $0x50, $0x38;
	[tilespmem:$0x1DA80] =	vst v63  }
0x376: {  	v1 =	vand.u32 $0xFFFFFFF8, v1;
	_ =	swait.ge [sflag:s24], $0x50  }
0x377: {  	s10 =	sshll.u32 s10, $0x4;
	v1 =	vbroadcast v1, $0x0;
	[sflag:s24] =	ssyncset.done $0x0  }
0x378: {  	s10 =	sadd.s32 s7, s10;
	[sflag:s24] =	ssyncadd.s32 $0xFFFFFFB0  }
0x379: {  	[tilespmem:s17], [sflag:$0x3] =	stream.linear.gather [hbm4b:s10+s4], $0x2800, $0x38;
	[tilespmem:$0x1DA80] =	vst v63  }
0x37a: {  	_ =	swait.ge [sflag:s24], $0x2800  }
0x37b: {  	[sflag:s24] =	ssyncset.done $0x0  }
0x37c: {  	[sflag:s24] =	ssyncadd.s32 $0xFFFFD800  }
0x37d: {  	s19 =	simm.s32 $0x1;
	s13 =	simm.s32 $0x13C80;
	v1 =	vld.idx.msk [tilespmem:v1+s12+$0x0], $0xffff  }
0x37e: {  	v3 =	vmov s19;
	v2 =	vld [tilespmem:s13+$0xFFFFFE00]  }
0x37f: {  	v3 =	vand.u32 $0xFFFFFFF9, v3  }
0x380: {  	v3 =	vbroadcast v3, $0x0;
	_ =	sdelay $0x2  }
0x381: {  	s10 =	simm.s32 $0x1B480;
	v2 =	vmul.f32 v2, v1;
	v1 =	vnsel vm0, $0x0, v1  }
0x382: {  	[tilespmem:s10+$0xFFFFFE10] =	vst v1  }
0x383: {  	[tilespmem:s10+$0xFFFFFE00] =	vst v2  }
0x384: {  	s20 =	simm.s32 $0x2;
	v1 =	vld.idx.msk [tilespmem:v3+s12+$0x0], $0xffff  }
0x385: {  	v2 =	vld [tilespmem:s13+$0xFFFFFE80];
	v3 =	vmov s20  }
0x386: {  	v3 =	vand.u32 $0xFFFFFFFA, v3  }
0x387: {  	v3 =	vbroadcast v3, $0x0;
	_ =	sdelay $0x2  }
0x388: {  	v2 =	vmul.f32 v2, v1;
	v1 =	vnsel vm0, $0x0, v1  }
0x389: {  	[tilespmem:s10+$0xFFFFFE90] =	vst v1  }
0x38a: {  	[tilespmem:s10+$0xFFFFFE80] =	vst v2  }
0x38b: {  	s21 =	simm.s32 $0x3;
	v1 =	vld.idx.msk [tilespmem:v3+s12+$0x0], $0xffff  }
0x38c: {  	v2 =	vld [tilespmem:s13+$0xFFFFFF00];
	v3 =	vmov s21  }
0x38d: {  	v3 =	vand.u32 $0xFFFFFFFB, v3  }
0x38e: {  	v3 =	vbroadcast v3, $0x0;
	_ =	sdelay $0x2  }
0x38f: {  	v2 =	vmul.f32 v2, v1;
	v1 =	vnsel vm0, $0x0, v1  }
0x390: {  	[tilespmem:s10+$0xFFFFFF10] =	vst v1  }
0x391: {  	[tilespmem:s10+$0xFFFFFF00] =	vst v2  }
0x392: {  	s22 =	simm.s32 $0x4;
	v1 =	vld.idx.msk [tilespmem:v3+s12+$0x0], $0xffff  }
0x393: {  	v2 =	vld [tilespmem:s13+$0xFFFFFF80];
	v3 =	vmov s22  }
0x394: {  	v3 =	vand.u32 $0xFFFFFFFC, v3  }
0x395: {  	v3 =	vbroadcast v3, $0x0;
	_ =	sdelay $0x2  }
0x396: {  	v2 =	vmul.f32 v2, v1;
	v1 =	vnsel vm0, $0x0, v1  }
0x397: {  	[tilespmem:s10+$0xFFFFFF90] =	vst v1  }
0x398: {  	[tilespmem:s10+$0xFFFFFF80] =	vst v2  }
0x399: {  	s19 =	simm.s32 $0x5;
	v1 =	vld.idx.msk [tilespmem:v3+s12+$0x0], $0xffff  }
0x39a: {  	v2 =	vld [tilespmem:s13+$0x0];
	v3 =	vmov s19  }
0x39b: {  	v3 =	vand.u32 $0xFFFFFFFD, v3  }
0x39c: {  	v3 =	vbroadcast v3, $0x0;
	_ =	sdelay $0x2  }
0x39d: {  	v2 =	vmul.f32 v2, v1;
	v1 =	vnsel vm0, $0x0, v1  }
0x39e: {  	[tilespmem:s10+$0x10] =	vst v1  }
0x39f: {  	[tilespmem:s10+$0x0] =	vst v2  }
0x3a0: {  	s20 =	simm.s32 $0x6;
	v1 =	vld.idx.msk [tilespmem:v3+s12+$0x0], $0xffff  }
0x3a1: {  	v2 =	vld [tilespmem:s13+$0x80];
	v3 =	vmov s20  }
0x3a2: {  	v3 =	vand.u32 $0xFFFFFFFE, v3  }
0x3a3: {  	v3 =	vbroadcast v3, $0x0;
	_ =	sdelay $0x2  }
0x3a4: {  	v2 =	vmul.f32 v2, v1;
	v1 =	vnsel vm0, $0x0, v1  }
0x3a5: {  	[tilespmem:s10+$0x90] =	vst v1  }
0x3a6: {  	[tilespmem:s10+$0x80] =	vst v2  }
0x3a7: {  	v1 =	vld.idx.msk [tilespmem:v3+s12+$0x0], $0xffff  }
0x3a8: {  	v2 =	vld [tilespmem:s13+$0x100];
	_ =	sdelay $0x1  }
0x3a9: {  	s21 =	simm.s32 $0x7  }
0x3aa: {  	v3 =	vmov s21;
	_ =	sdelay $0x1  }
0x3ab: {  	v2 =	vmul.f32 v2, v1;
	v1 =	vnsel vm0, $0x0, v1  }
0x3ac: {  	[tilespmem:s10+$0x110] =	vst v1  }
0x3ad: {  	[tilespmem:s10+$0x100] =	vst v2  }
0x3ae: {  	v1 =	vld.idx.msk [tilespmem:v3+s12+$0x0], $0xffff  }
0x3af: {  	v2 =	vld [tilespmem:s13+$0x180];
	_ =	sdelay $0x1  }
0x3b0: {  	s22 =	simm.s32 $0x8  }
0x3b1: {  	v3 =	vmov s22  }
0x3b2: {  	v3 =	vand.u32 $0xFFFFFFF8, v3  }
0x3b3: {  	v4 =	vnsel vm0, $0x0, v1;
	v2 =	vmul.f32 v2, v1;
	v1 =	vbroadcast v3, $0x0;
	_ =	sdelay $0x2  }
0x3b4: {  	s19 =	simm.s32 $0x17;
	s20 =	simm.s32 $0xF;
	[tilespmem:s10+$0x190] =	vst v4  }
.LBB2_13:
0x3b5: {  	[tilespmem:s10+$0x180] =	vst v2;
	s10 =	sadd.s32 $0x400, s10  }
0x3b6: {  	s13 =	sadd.s32 $0x400, s13;
	s22 =	smov.u32 s19;
	s21 =	sadd.s32 $0x8, s19  }
0x3b7: {  	p1 =	sne.s32 s19, $0x4F;
	s11 =	sadd.s32 $0xFFFFFFFA, s20;
	v1 =	vld.idx.msk [tilespmem:v1+s12+$0x0], $0xffff  }
0x3b8: {  	v3 =	vmov s11;
	v2 =	vld [tilespmem:s13+$0xFFFFFE00]  }
0x3b9: {  	v3 =	vand.u32 $0xFFFFFFF9, v3  }
0x3ba: {  	v3 =	vbroadcast v3, $0x0;
	_ =	sdelay $0x2  }
0x3bb: {  	v2 =	vmul.f32 v2, v1;
	v1 =	vnsel vm0, $0x0, v1  }
0x3bc: {  	[tilespmem:s10+$0xFFFFFE10] =	vst v1  }
0x3bd: {  	[tilespmem:s10+$0xFFFFFE00] =	vst v2  }
0x3be: {  	s11 =	sadd.s32 $0xFFFFFFFB, s20;
	v1 =	vld.idx.msk [tilespmem:v3+s12+$0x0], $0xffff  }
0x3bf: {  	v3 =	vmov s11;
	v2 =	vld [tilespmem:s13+$0xFFFFFE80]  }
0x3c0: {  	v3 =	vand.u32 $0xFFFFFFFA, v3  }
0x3c1: {  	v3 =	vbroadcast v3, $0x0;
	_ =	sdelay $0x2  }
0x3c2: {  	v2 =	vmul.f32 v2, v1;
	v1 =	vnsel vm0, $0x0, v1  }
0x3c3: {  	[tilespmem:s10+$0xFFFFFE90] =	vst v1  }
0x3c4: {  	[tilespmem:s10+$0xFFFFFE80] =	vst v2  }
0x3c5: {  	s11 =	sadd.s32 $0xFFFFFFFC, s20;
	v1 =	vld.idx.msk [tilespmem:v3+s12+$0x0], $0xffff  }
0x3c6: {  	v3 =	vmov s11;
	v2 =	vld [tilespmem:s13+$0xFFFFFF00]  }
0x3c7: {  	v3 =	vand.u32 $0xFFFFFFFB, v3  }
0x3c8: {  	v3 =	vbroadcast v3, $0x0;
	_ =	sdelay $0x2  }
0x3c9: {  	v2 =	vmul.f32 v2, v1;
	v1 =	vnsel vm0, $0x0, v1  }
0x3ca: {  	[tilespmem:s10+$0xFFFFFF10] =	vst v1  }
0x3cb: {  	[tilespmem:s10+$0xFFFFFF00] =	vst v2  }
0x3cc: {  	s11 =	sadd.s32 $0xFFFFFFFD, s20;
	v1 =	vld.idx.msk [tilespmem:v3+s12+$0x0], $0xffff  }
0x3cd: {  	v3 =	vmov s11;
	v2 =	vld [tilespmem:s13+$0xFFFFFF80]  }
0x3ce: {  	v3 =	vand.u32 $0xFFFFFFFC, v3  }
0x3cf: {  	v3 =	vbroadcast v3, $0x0;
	_ =	sdelay $0x2  }
0x3d0: {  	v2 =	vmul.f32 v2, v1;
	v1 =	vnsel vm0, $0x0, v1  }
0x3d1: {  	[tilespmem:s10+$0xFFFFFF90] =	vst v1  }
0x3d2: {  	[tilespmem:s10+$0xFFFFFF80] =	vst v2  }
0x3d3: {  	s11 =	sadd.s32 $0xFFFFFFFE, s20;
	v1 =	vld.idx.msk [tilespmem:v3+s12+$0x0], $0xffff  }
0x3d4: {  	v3 =	vmov s11;
	v2 =	vld [tilespmem:s13+$0x0]  }
0x3d5: {  	v3 =	vand.u32 $0xFFFFFFFD, v3  }
0x3d6: {  	v3 =	vbroadcast v3, $0x0;
	_ =	sdelay $0x2  }
0x3d7: {  	v2 =	vmul.f32 v2, v1;
	v1 =	vnsel vm0, $0x0, v1  }
0x3d8: {  	[tilespmem:s10+$0x10] =	vst v1  }
0x3d9: {  	[tilespmem:s10+$0x0] =	vst v2  }
0x3da: {  	s11 =	sadd.s32 $0xFFFFFFFF, s20;
	v1 =	vld.idx.msk [tilespmem:v3+s12+$0x0], $0xffff  }
0x3db: {  	v3 =	vmov s11;
	v2 =	vld [tilespmem:s13+$0x80]  }
0x3dc: {  	v3 =	vand.u32 $0xFFFFFFFE, v3  }
0x3dd: {  	v3 =	vbroadcast v3, $0x0;
	_ =	sdelay $0x2  }
0x3de: {  	v2 =	vmul.f32 v2, v1;
	v1 =	vnsel vm0, $0x0, v1  }
0x3df: {  	[tilespmem:s10+$0x90] =	vst v1  }
0x3e0: {  	[tilespmem:s10+$0x80] =	vst v2  }
0x3e1: {  	v1 =	vld.idx.msk [tilespmem:v3+s12+$0x0], $0xffff  }
0x3e2: {  	v2 =	vld [tilespmem:s13+$0x100];
	_ =	sdelay $0x2  }
0x3e3: {  	v3 =	vmov s20;
	s20 =	smov.u32 s22;
	_ =	sdelay $0x1  }
0x3e4: {  	v2 =	vmul.f32 v2, v1;
	v1 =	vnsel vm0, $0x0, v1  }
0x3e5: {  	[tilespmem:s10+$0x110] =	vst v1  }
0x3e6: {  	[tilespmem:s10+$0x100] =	vst v2  }
0x3e7: {  	s11 =	sadd.s32 $0xFFFFFFF9, s20;
	v3 =	vld.idx.msk [tilespmem:v3+s12+$0x0], $0xffff  }
0x3e8: {  	v1 =	vmov s11;
	v2 =	vld [tilespmem:s13+$0x180]  }
0x3e9: {  	v1 =	vand.u32 $0xFFFFFFF8, v1  }
.Ltmp5:
0x3ea: {  	v1 =	vbroadcast v1, $0x0;
	(pc) =	sbr.rel @p1 .LBB2_13-.Ltmp5, $3  }
0x3eb: {  	_ =	sdelay $0x1  }
0x3ec: {  	v2 =	vmul.f32 v2, v3;
	v3 =	vnsel vm0, $0x0, v3  }
0x3ed: {  	s19 =	smov.u32 s21;
	[tilespmem:s10+$0x190] =	vst v3  }
0x3ee: {  	_ =	sdelay $0x2  }
0x3ef: {  	[tilespmem:s10+$0x180] =	vst v2  }
0x3f0: {  	s13 =	sadd.s32 $0x400, s13;
	s11 =	sadd.s32 $0xFFFFFFFA, s20;
	v1 =	vld.idx.msk [tilespmem:v1+s12+$0x0], $0xffff  }
0x3f1: {  	v2 =	vld [tilespmem:s13+$0xFFFFFE00];
	v3 =	vmov s11  }
0x3f2: {  	v3 =	vand.u32 $0xFFFFFFF9, v3  }
0x3f3: {  	v3 =	vbroadcast v3, $0x0;
	_ =	sdelay $0x2  }
0x3f4: {  	s10 =	sadd.s32 $0x400, s10;
	v2 =	vmul.f32 v2, v1;
	v1 =	vnsel vm0, $0x0, v1  }
0x3f5: {  	[tilespmem:s10+$0xFFFFFE10] =	vst v1  }
0x3f6: {  	[tilespmem:s10+$0xFFFFFE00] =	vst v2  }
0x3f7: {  	s21 =	sadd.s32 $0xFFFFFFFB, s20;
	v1 =	vld.idx.msk [tilespmem:v3+s12+$0x0], $0xffff  }
0x3f8: {  	v2 =	vld [tilespmem:s13+$0xFFFFFE80];
	v3 =	vmov s21  }
0x3f9: {  	v3 =	vand.u32 $0xFFFFFFFA, v3  }
0x3fa: {  	v3 =	vbroadcast v3, $0x0;
	_ =	sdelay $0x2  }
0x3fb: {  	v2 =	vmul.f32 v2, v1;
	v1 =	vnsel vm0, $0x0, v1  }
0x3fc: {  	[tilespmem:s10+$0xFFFFFE90] =	vst v1  }
0x3fd: {  	[tilespmem:s10+$0xFFFFFE80] =	vst v2  }
0x3fe: {  	s22 =	sadd.s32 $0xFFFFFFFC, s20;
	v1 =	vld.idx.msk [tilespmem:v3+s12+$0x0], $0xffff  }
0x3ff: {  	v2 =	vld [tilespmem:s13+$0xFFFFFF00];
	v3 =	vmov s22  }
0x400: {  	v3 =	vand.u32 $0xFFFFFFFB, v3  }
0x401: {  	v3 =	vbroadcast v3, $0x0;
	_ =	sdelay $0x2  }
0x402: {  	v2 =	vmul.f32 v2, v1;
	v1 =	vnsel vm0, $0x0, v1  }
0x403: {  	[tilespmem:s10+$0xFFFFFF10] =	vst v1  }
0x404: {  	[tilespmem:s10+$0xFFFFFF00] =	vst v2  }
0x405: {  	s19 =	sadd.s32 $0xFFFFFFFD, s20;
	v1 =	vld.idx.msk [tilespmem:v3+s12+$0x0], $0xffff  }
0x406: {  	v2 =	vld [tilespmem:s13+$0xFFFFFF80];
	v3 =	vmov s19  }
0x407: {  	v3 =	vand.u32 $0xFFFFFFFC, v3  }
0x408: {  	v3 =	vbroadcast v3, $0x0;
	_ =	sdelay $0x2  }
0x409: {  	v2 =	vmul.f32 v2, v1;
	v1 =	vnsel vm0, $0x0, v1  }
0x40a: {  	[tilespmem:s10+$0xFFFFFF90] =	vst v1  }
0x40b: {  	[tilespmem:s10+$0xFFFFFF80] =	vst v2  }
0x40c: {  	s21 =	sadd.s32 $0xFFFFFFFE, s20;
	v1 =	vld.idx.msk [tilespmem:v3+s12+$0x0], $0xffff  }
0x40d: {  	v2 =	vld [tilespmem:s13+$0x0];
	v3 =	vmov s21  }
0x40e: {  	v3 =	vand.u32 $0xFFFFFFFD, v3  }
0x40f: {  	v3 =	vbroadcast v3, $0x0;
	_ =	sdelay $0x2  }
0x410: {  	v2 =	vmul.f32 v2, v1;
	v1 =	vnsel vm0, $0x0, v1  }
0x411: {  	[tilespmem:s10+$0x10] =	vst v1  }
0x412: {  	[tilespmem:s10+$0x0] =	vst v2  }
0x413: {  	s22 =	sadd.s32 $0xFFFFFFFF, s20;
	v1 =	vld.idx.msk [tilespmem:v3+s12+$0x0], $0xffff  }
0x414: {  	v2 =	vld [tilespmem:s13+$0x80];
	v3 =	vmov s22  }
0x415: {  	v3 =	vand.u32 $0xFFFFFFFE, v3  }
0x416: {  	v3 =	vbroadcast v3, $0x0;
	_ =	sdelay $0x2  }
0x417: {  	v2 =	vmul.f32 v2, v1;
	v1 =	vnsel vm0, $0x0, v1  }
0x418: {  	[tilespmem:s10+$0x90] =	vst v1  }
0x419: {  	[tilespmem:s10+$0x80] =	vst v2  }
0x41a: {  	v1 =	vld.idx.msk [tilespmem:v3+s12+$0x0], $0xffff  }
0x41b: {  	v2 =	vld [tilespmem:s13+$0x100];
	_ =	sdelay $0x2  }
0x41c: {  	v3 =	vmov s20;
	_ =	sdelay $0x1  }
0x41d: {  	v2 =	vmul.f32 v2, v1;
	v1 =	vnsel vm0, $0x0, v1  }
0x41e: {  	[tilespmem:s10+$0x110] =	vst v1  }
0x41f: {  	[tilespmem:s10+$0x100] =	vst v2  }
0x420: {  	v1 =	vld.idx.msk [tilespmem:v3+s12+$0x0], $0xffff  }
0x421: {  	v2 =	vld [tilespmem:s13+$0x180];
	_ =	sdelay $0x4  }
0x422: {  	s9 =	sadd.s32 $0x1, s9;
	v2 =	vmul.f32 v2, v1;
	v1 =	vnsel vm0, $0x0, v1  }
0x423: {  	p1 =	sne.s32 s9, $0x7D;
	[tilespmem:s10+$0x190] =	vst v1  }
.Ltmp6:
0x424: {  	[tilespmem:s10+$0x180] =	vst v2;
	(pc) =	sbr.rel @p1 .LBB2_12-.Ltmp6, $4  }
0x425: {  	[spmem:s3] =	stream.indirect.scatter.add.f32 [tilespmem:s18], [sflag:$0x3], $0x80, s0, s26, $0xb8;
	[tilespmem:$0x1DA80] =	vst v63  }
0x426: {  	_ =	swait.ge [sflag:s24], $0x2800  }
0x427: {  	[sflag:s24] =	ssyncset.done $0x0  }
0x428: {  	[sflag:s24] =	ssyncadd.s32 $0xFFFFD800  }
0x429: {  	[bflag:$0x0] =	sbarrier.arrive $0xFFFF  }
0x42a: {  	s11 =	rddreg [dreg:$0x8]  }
0x42b: {  	s9 =	rddreg [dreg:$0x10]  }
0x42c: {  	s10 =	rddreg [dreg:$0x14]  }
0x42d: {  	[hbm:s9], [sflag:s11] =	dma.local [spmem:s10], $0x2700  }
0x42e: {  	_ =	swait.ge [sflag:s24], $0x2700  }
0x42f: {  	[sflag:s24] =	ssyncset.done $0x0;
	s9 =	rddreg [dreg:$0x11]  }
0x430: {  	s10 =	rddreg [dreg:$0x15];
	[sflag:s24] =	ssyncadd.s32 $0xFFFFD900  }
0x431: {  	[hbm:s9], [sflag:s11] =	dma.local @!p0 [spmem:s10], $0x100  }
0x432: {  	s9 =	simm.s32 @!p0 $0x3  }
0x433: {  	_ =	swait.ge @!p0 [sflag:s9], $0x100  }
0x434: {  	s13 =	rddreg [dreg:$0x13]  }
0x435: {  	s22 =	rddreg [dreg:$0x12];
	s13 =	sadd.s32 $0x1, s13  }
0x436: {  	p1 =	sne.s32 s13, s22  }
.Ltmp7:
0x437: {  	_ = 	snop;
	(pc) =	sbr.rel @p1 .LBB2_1-.Ltmp7, $3  }
0x438: {  	_ =	sdelay $0x1  }
0x439: {  	[sflag:s9] =	ssyncset.done @!p0 $0x0  }
0x43a: {  	[sflag:s9] =	ssyncadd.s32 @!p0 $0xFFFFFF00  }
0x43b: {  	_ =	sfence.sel $0x180000  }
0x43c: {  	[bflag:$0x0] =	sbarrier.arrive $0xFFFF  }
0x43d: {  	_ =	strace $0x90000047  }
0x43e: {  	[bflag:$0x2] =	sbarrier.arrive $0xFFFF  }
0x43f: {  	s0 =	rddreg [dreg:$0x5]  }
0x440: {  	s0 =	sadd.s32 @!p0 $0x100000, s0  }
0x441: {  	[sflag:s0] =	ssyncadd.tile.s32 @!p0 $0x1;
	_ =	shalt  }
.Lfunc_end2:
_tile_overlayer_lowered:
.L_overlay_start_2:
0x442: {  	(tag) =	ssettag $0x2  }
0x443: {  	s0 =	rddreg [dreg:$0x0];
	s2 =	stileid.u32  }
0x444: {  	s1 =	rddreg [dreg:$0x1];
	p0 =	sne.s32 s2, $0x0  }
0x445: {  	s3 =	rddreg [dreg:$0x2];
	[bflag:$0x3] =	sbarrier.arrive $0xFFFF;
	s2 =	simm.s32 @!p0 $0x1C03  }
0x446: {  	[timem:s3], [sflag:s2] =	dma.local @!p0 [hbm:s0], s1  }
0x447: {  	s0 =	simm.s32 @!p0 $0x3  }
0x448: {  	_ =	swait.ge @!p0 [sflag:s0], s1  }
0x449: {  	s1 =	ssub.s32 @!p0 $0x0, s1;
	[sflag:s0] =	ssyncset.done @!p0 $0x0  }
0x44a: {  	[sflag:s0] =	ssyncadd.s32 @!p0 s1  }
0x44b: {  	[bflag:$0x3] =	sbarrier.arrive $0xFFFF  }
0x44c: {  	_ =	shalt  }

</sc_bundles>
